<compile_context>
chip_gen: v7x
topology: tpu7x:2x2x1
jax: 0.10.2.dev20260603
libtpu: 0.0.44.dev20260713+nightly
codegen_flags: <defaults>
</compile_context>

<pallas_src>
import functools

import jax
import jax.numpy as jnp
from jax import lax
from jax.experimental import pallas as pl
from jax.experimental.pallas import tpu as pltpu
from jax.experimental.pallas import tpu_sc as plsc

_N = 10000
_E = 160000
_A = 64
_D = 256
_ITERS = 4

_NS = 16
_N2 = 10240
_ROWS = _N2 // _NS
_K = 128
_NB = 4
_NCH = 80
_NCHD = 40
_PAD_NODE = _N


def _mesh():
    return plsc.VectorSubcoreMesh(core_axis_name="c", subcore_axis_name="s")


@functools.partial(
    pl.kernel,
    out_type=jax.ShapeDtypeStruct((2 * _N2, 128), jnp.float32),
    mesh=_mesh(),
    scratch_types=[
        pltpu.VMEM_SHARED((_N2, 128), jnp.float32),
        [pltpu.VMEM((_K,), jnp.int32)] * _NB,
        pltpu.VMEM((_K, 128), jnp.float32),
        [pltpu.SemaphoreType.DMA] * _NB,
        [pltpu.SemaphoreType.DMA] * _NB,
    ],
)
def _sc_deg(dst2_hbm, zeros_hbm, ones_hbm, deg_hbm,
            sp_deg, dbufs, ones_v, dsems, ssems):
    c = lax.axis_index("c")
    s = lax.axis_index("s")
    pltpu.sync_copy(zeros_hbm.at[pl.ds(s * _ROWS, _ROWS)],
                    sp_deg.at[pl.ds(s * _ROWS, _ROWS)])
    pltpu.sync_copy(ones_hbm, ones_v)
    plsc.subcore_barrier()

    row0 = (c * _NS + s) * _NCHD

    def load_dst(j, b):
        pltpu.async_copy(dst2_hbm.at[row0 + j], dbufs[b], dsems[b])

    def wait_dst(j, b):
        pltpu.make_async_copy(dst2_hbm.at[row0 + j], dbufs[b], dsems[b]).wait()

    def issue_s(b):
        pltpu.async_copy(ones_v, sp_deg.at[dbufs[b]], ssems[b], add=True)

    def wait_s(b):
        pltpu.make_async_copy(ones_v, sp_deg.at[dbufs[b]], ssems[b]).wait()

    load_dst(0, 0)
    load_dst(1, 1)

    def body(jj, carry):
        for u in range(_NB):
            j = _NB * jj + u
            wait_dst(j, u)
            issue_s(u)

            @pl.when(j + 2 < _NCHD)
            def _():
                load_dst(j + 2, (u + 2) % _NB)

            @pl.when(j >= 1)
            def _():
                wait_s((u + 3) % _NB)
        return carry

    lax.fori_loop(0, _NCHD // _NB, body, 0)
    wait_s((_NCHD - 1) % _NB)
    plsc.subcore_barrier()
    pltpu.sync_copy(sp_deg.at[pl.ds(s * _ROWS, _ROWS)],
                    deg_hbm.at[pl.ds(c * _N2 + s * _ROWS, _ROWS)])


def _make_sc_agg(ncht, core_split):
    nsl = ncht * _K

    @functools.partial(
        pl.kernel,
        out_type=jax.ShapeDtypeStruct((2 * _N2, 128), jnp.float32),
        mesh=_mesh(),
        scratch_types=[
            pltpu.VMEM_SHARED((_N2, 128), jnp.float32),
            pltpu.VMEM((nsl,), jnp.int32),
            [pltpu.VMEM((_K,), jnp.int32)] * _NB,
            [pltpu.VMEM((_K, 128), jnp.float32)] * 2,
            [pltpu.SemaphoreType.DMA] * 2,
            [pltpu.SemaphoreType.DMA] * 2,
            [pltpu.SemaphoreType.DMA] * _NB,
        ],
    )
    def agg(zp_hbm, init_hbm, srca_hbm, srcb_hbm, dst2_hbm, out_hbm,
            sp_agg, srcbuf, dbufs, rbufs, gsems, ssems, dsems):
        c = lax.axis_index("c")
        s = lax.axis_index("s")

        pltpu.sync_copy(init_hbm.at[pl.ds(c * _N2 + s * _ROWS, _ROWS)],
                        sp_agg.at[pl.ds(s * _ROWS, _ROWS)])
        tile = c * _NS + s if core_split else s

        @pl.when(c == 0)
        def _():
            pltpu.sync_copy(srca_hbm.at[pl.ds(tile * nsl, nsl)], srcbuf)

        @pl.when(c == 1)
        def _():
            pltpu.sync_copy(srcb_hbm.at[pl.ds(tile * nsl, nsl)], srcbuf)

        plsc.subcore_barrier()

        row0 = (c * _NS + s) * ncht

        def load_dst(j, b):
            pltpu.async_copy(dst2_hbm.at[row0 + j], dbufs[b], dsems[b])

        def wait_dst(j, b):
            pltpu.make_async_copy(
                dst2_hbm.at[row0 + j], dbufs[b], dsems[b]).wait()

        def issue_g(j, b):
            pltpu.async_copy(zp_hbm.at[srcbuf.at[pl.ds(j * _K, _K)]],
                             rbufs[b], gsems[b])

        def wait_g(j, b):
            pltpu.make_async_copy(zp_hbm.at[srcbuf.at[pl.ds(j * _K, _K)]],
                                  rbufs[b], gsems[b]).wait()

        def issue_s(r, u):
            pltpu.async_copy(rbufs[r], sp_agg.at[dbufs[u]], ssems[r], add=True)

        def wait_s(r, u):
            pltpu.make_async_copy(rbufs[r], sp_agg.at[dbufs[u]], ssems[r]).wait()

        load_dst(0, 0)
        load_dst(1, 1)
        issue_g(0, 0)
        issue_g(1, 1)

        def body(jj, carry):
            for u in range(_NB):
                j = _NB * jj + u
                r = u % 2
                wait_g(j, r)
                wait_dst(j, u)
                issue_s(r, u)

                @pl.when(j + 2 < ncht)
                def _():
                    load_dst(j + 2, (u + 2) % _NB)

                wait_s(r, u)

                @pl.when(j + 2 < ncht)
                def _():
                    issue_g(j + 2, r)
            return carry

        lax.fori_loop(0, ncht // _NB, body, 0)
        plsc.subcore_barrier()
        pltpu.sync_copy(sp_agg.at[pl.ds(s * _ROWS, _ROWS)],
                        out_hbm.at[pl.ds(c * _N2 + s * _ROWS, _ROWS)])

    return agg


_sc_agg128 = _make_sc_agg(_NCH, False)
_sc_aggf = _make_sc_agg(_NCHD, True)


def _cat_halves(zcat):
    return jnp.concatenate([zcat[: _N2], zcat[_N2:]], axis=1)


def _tc_first_body(x_ref, deg_ref, win_ref, w1_ref, zp_ref, dinv_ref):
    deg = deg_ref[: _N2, :1] + deg_ref[_N2:, :1] + 1.0
    dinv = lax.rsqrt(deg)
    onehot = (x_ref[...] ==
              lax.broadcasted_iota(jnp.int32, (1, _A), 1)).astype(jnp.float32)
    h0 = jnp.dot(onehot, win_ref[...], preferred_element_type=jnp.float32)
    z = jnp.dot(h0, w1_ref[...], preferred_element_type=jnp.float32)
    zp = z * dinv
    zp_ref[: _N2] = zp[:, : _D // 2]
    zp_ref[_N2:] = zp[:, _D // 2:]
    dinv_ref[...] = dinv


_tc_first = pl.pallas_call(
    _tc_first_body,
    out_shape=(jax.ShapeDtypeStruct((2 * _N2, _D // 2), jnp.float32),
               jax.ShapeDtypeStruct((_N2, 1), jnp.float32)),
)


def _tc_epi_body(aggcat_ref, dinv_ref, b1_ref, w1_ref, zp_ref):
    dinv = dinv_ref[...]
    agg = _cat_halves(aggcat_ref[...])
    h = jnp.maximum(agg * dinv + b1_ref[...][None, :], 0.0)
    z = jnp.dot(h, w1_ref[...], preferred_element_type=jnp.float32)
    zp = z * dinv
    zp_ref[: _N2] = zp[:, : _D // 2]
    zp_ref[_N2:] = zp[:, _D // 2:]


_tc_epi = pl.pallas_call(
    _tc_epi_body,
    out_shape=jax.ShapeDtypeStruct((2 * _N2, _D // 2), jnp.float32),
)


def _tc_epi_final_body(aggcat_ref, dinv_ref, b1_ref, w2_ref, zpf_ref):
    dinv = dinv_ref[...]
    agg = _cat_halves(aggcat_ref[...])
    h = jnp.maximum(agg * dinv + b1_ref[...][None, :], 0.0)
    z = jnp.dot(h, w2_ref[...], preferred_element_type=jnp.float32)
    zp = z * dinv
    zpf_ref[...] = jnp.pad(zp, ((0, 0), (0, 128 - _A)))


_tc_epi_final = pl.pallas_call(
    _tc_epi_final_body,
    out_shape=jax.ShapeDtypeStruct((_N2, 128), jnp.float32),
)


def _tc_final_body(aggf_ref, dinv_ref, b2_ref, out_ref):
    agg = aggf_ref[: _N2] + aggf_ref[_N2:]
    out_ref[...] = agg[:, : _A] * dinv_ref[...] + b2_ref[...][None, :]


_tc_final = pl.pallas_call(
    _tc_final_body,
    out_shape=jax.ShapeDtypeStruct((_N2, _A), jnp.float32),
)


def kernel(x, edge_index, W_in, W1, b1, W2, b2):
    src = edge_index[0]
    dst = edge_index[1]
    x_p = jnp.pad(x, ((0, _N2 - _N), (0, 0)))
    zeros_n128 = jnp.zeros((_N2, 128), jnp.float32)
    ones_kd = jnp.ones((_K, 128), jnp.float32)

    def slots(a, ntiles, ncht):
        a2 = a.reshape(ntiles, _E // ntiles)
        a2 = jnp.pad(a2, ((0, 0), (0, ncht * _K - a2.shape[1])),
                     constant_values=_PAD_NODE)
        return a2.reshape(-1)

    src2a = slots(src, _NS, _NCH)
    src2b = src2a + _N2
    dst2 = slots(dst, _NS, _NCH).reshape(-1, _K)
    dst2 = jnp.concatenate([dst2, dst2], axis=0)
    src2f = slots(src, 32, _NCHD)
    dst2f = slots(dst, 32, _NCHD).reshape(-1, _K)

    deg = _sc_deg(dst2f, zeros_n128, ones_kd)
    zp, dinv = _tc_first(x_p, deg, W_in, W1)
    agg = _sc_agg128(zp, zp, src2a, src2b, dst2)
    for _ in range(_ITERS - 1):
        zp = _tc_epi(agg, dinv, b1, W1)
        agg = _sc_agg128(zp, zp, src2a, src2b, dst2)
    zpf = _tc_epi_final(agg, dinv, b1, W2)
    zpf2 = jnp.concatenate([zpf, zeros_n128], axis=0)
    zpfcat = jnp.concatenate([zpf, zpf], axis=0)
    aggf = _sc_aggf(zpfcat, zpf2, src2f, src2f + _N2, dst2f)
    return _tc_final(aggf, dinv, b2)[:_N]

# --- scband reference (transcript-rebuilt; emitter-appended) ---
"""Pipeline reference for scband-gcnmodel-1408749273246 (READ-ONLY COPY).

The authoritative reference and input builder live on the scoring server;
editing this copy changes nothing except your own understanding.
"""

import jax, jax.numpy as jnp
import numpy as np

N = 10000
E = 160000
A = 64  # size_alphabet + 1
D = 256  # embed_dim == num_hidden (required for repeated shared conv)
ITERS = 4


def gcn_conv(h, edge_index, W, b):
    # PyG GCNConv: add self-loops, symmetric normalization D^-1/2 (A+I) D^-1/2 X W + b
    n = h.shape[0]
    loop = jnp.arange(n, dtype=edge_index.dtype)
    src = jnp.concatenate([edge_index[0], loop])
    dst = jnp.concatenate([edge_index[1], loop])
    h = h @ W
    deg = jnp.zeros((n,), h.dtype).at[dst].add(1.0)
    dinv = jnp.where(deg > 0, 1.0 / jnp.sqrt(deg), 0.0)
    norm = dinv[src] * dinv[dst]
    msg = h[src] * norm[:, None]
    out = jnp.zeros_like(h).at[dst].add(msg)
    return out + b


def setup_inputs(seed: int = 0) -> dict:
    key = jax.random.key(seed)
    ks = jax.random.split(key, 6)
    x = jax.random.randint(ks[0], (N, 1), 0, A, dtype=jnp.int32)
    edge_index = jax.random.randint(ks[1], (2, E), 0, N, dtype=jnp.int32)
    W_in = jax.random.normal(ks[2], (A, D), dtype=jnp.float32) * 0.05
    W1 = jax.random.normal(ks[3], (D, D), dtype=jnp.float32) * 0.05
    b1 = jnp.zeros((D,), dtype=jnp.float32)
    W2 = jax.random.normal(ks[4], (D, A), dtype=jnp.float32) * 0.05
    b2 = jnp.zeros((A,), dtype=jnp.float32)
    return {"x": x, "edge_index": edge_index, "W_in": W_in, "W1": W1, "b1": b1, "W2": W2, "b2": b2}


def reference(x, edge_index, W_in, W1, b1, W2, b2):
    h = jax.nn.one_hot(x.squeeze(-1), A, dtype=jnp.float32)
    h = h @ W_in
    for _ in range(ITERS):
        h = jax.nn.relu(gcn_conv(h, edge_index, W1, b1))
    out = gcn_conv(h, edge_index, W2, b2)
    return out

if __name__ == "__main__":
    import jax
    _d = setup_inputs()
    print(jax.jit(kernel)(*tuple(_d.values())))

</pallas_src>

<mosaic_0001>
#map = affine_map<(d0, d1) -> (0, 0)>
#map1 = affine_map<(d0, d1) -> (0)>
module attributes {stable_mosaic.version = 14 : i64} {
  func.func @agg(%arg0: i32, %arg1: i32, %arg2: memref<20480x128xf32, #tpu.memory_space<hbm>>, %arg3: memref<20480x128xf32, #tpu.memory_space<hbm>>, %arg4: memref<163840xi32, #tpu.memory_space<hbm>>, %arg5: memref<163840xi32, #tpu.memory_space<hbm>>, %arg6: memref<2560x128xi32, #tpu.memory_space<hbm>>, %arg7: memref<20480x128xf32, #tpu.memory_space<hbm>>, %arg8: memref<10240x128xf32, #tpu.memory_space<vmem_shared>>, %arg9: memref<10240xi32, #tpu.memory_space<vmem>>, %arg10: memref<128xi32, #tpu.memory_space<vmem>>, %arg11: memref<128xi32, #tpu.memory_space<vmem>>, %arg12: memref<128xi32, #tpu.memory_space<vmem>>, %arg13: memref<128xi32, #tpu.memory_space<vmem>>, %arg14: memref<128x128xf32, #tpu.memory_space<vmem>>, %arg15: memref<128x128xf32, #tpu.memory_space<vmem>>, %arg16: memref<!tpu.dma_semaphore, #tpu.memory_space<semaphore_mem>>, %arg17: memref<!tpu.dma_semaphore, #tpu.memory_space<semaphore_mem>>, %arg18: memref<!tpu.dma_semaphore, #tpu.memory_space<semaphore_mem>>, %arg19: memref<!tpu.dma_semaphore, #tpu.memory_space<semaphore_mem>>, %arg20: memref<!tpu.dma_semaphore, #tpu.memory_space<semaphore_mem>>, %arg21: memref<!tpu.dma_semaphore, #tpu.memory_space<semaphore_mem>>, %arg22: memref<!tpu.dma_semaphore, #tpu.memory_space<semaphore_mem>>, %arg23: memref<!tpu.dma_semaphore, #tpu.memory_space<semaphore_mem>>) attributes {dimension_semantics = [#tpu.dimension_semantics<core_parallel>, #tpu.dimension_semantics<subcore_parallel>], iteration_bounds = array<i64: 2, 16>, scalar_prefetch = 0 : i64, scratch_operands = 16 : i64, tpu.core_type = #tpu.core_type<sc_vector_subcore>, window_params = [{transform_indices = #map}, {transform_indices = #map}, {transform_indices = #map1}, {transform_indices = #map1}, {transform_indices = #map}, {transform_indices = #map}]} {
    %mul3A = arith.constant 10240 : i32
    %mul3A_0 = arith.muli %arg0, %mul3A : i32
    %mul3A_1 = arith.constant 640 : i32
    %mul3A_2 = arith.muli %arg1, %mul3A_1 : i32
    %add3A = arith.addi %mul3A_0, %mul3A_2 : i32
    %mul3A_3 = arith.constant 640 : i32
    %mul3A_4 = arith.muli %arg1, %mul3A_3 : i32
    "tpu.region"() ({
      %run_scoped3A = tpu.sem_alloc : memref<!tpu.dma_semaphore, #tpu.memory_space<semaphore_mem>>
      %dma_start3A_55 = arith.constant 0 : i32
      %dma_start3A_56 = tpu.memref_slice %arg8[%mul3A_4, %dma_start3A_55] : memref<10240x128xf32, #tpu.memory_space<vmem_shared>> -> memref<640x128xf32, #tpu.memory_space<vmem_shared>>
      %dma_start3A_57 = arith.constant 0 : i32
      %dma_start3A_58 = tpu.memref_slice %arg3[%add3A, %dma_start3A_57] : memref<20480x128xf32, #tpu.memory_space<hbm>> -> memref<640x128xf32, #tpu.memory_space<hbm>>
      tpu.enqueue_dma source(%dma_start3A_58 : memref<640x128xf32, #tpu.memory_space<hbm>>) target(%dma_start3A_56 : memref<640x128xf32, #tpu.memory_space<vmem_shared>>) target_semaphore(%run_scoped3A : memref<!tpu.dma_semaphore, #tpu.memory_space<semaphore_mem>>)
      %dma_wait3A = arith.constant 0 : i32
      %dma_wait3A_59 = tpu.memref_slice %arg8[%mul3A_4, %dma_wait3A] : memref<10240x128xf32, #tpu.memory_space<vmem_shared>> -> memref<640x128xf32, #tpu.memory_space<vmem_shared>>
      %dma_wait3A_60 = arith.constant 0 : i32
      %dma_wait3A_61 = tpu.memref_slice %arg3[%add3A, %dma_wait3A_60] : memref<20480x128xf32, #tpu.memory_space<hbm>> -> memref<640x128xf32, #tpu.memory_space<hbm>>
      tpu.wait_dma2 semaphore(%run_scoped3A : memref<!tpu.dma_semaphore, #tpu.memory_space<semaphore_mem>>) src(%dma_wait3A_61 : memref<640x128xf32, #tpu.memory_space<hbm>>) dst(%dma_wait3A_59 : memref<640x128xf32, #tpu.memory_space<vmem_shared>>)
      tpu.yield
    }) : () -> ()
    %eq3A = arith.constant 0 : i32
    %eq3A_5 = arith.cmpi eq, %arg0, %eq3A : i32
    %convert_element_type3A = arith.extui %eq3A_5 : i1 to i32
    %cond3A = arith.constant 0 : i32
    %cond3A_6 = arith.cmpi ne, %convert_element_type3A, %cond3A : i32
    scf.if %cond3A_6 {
      %mul3A_55 = arith.constant 10240 : i32
      %mul3A_56 = arith.muli %arg1, %mul3A_55 : i32
      "tpu.region"() ({
        %run_scoped3A = tpu.sem_alloc : memref<!tpu.dma_semaphore, #tpu.memory_space<semaphore_mem>>
        %dma_start3A_57 = tpu.memref_slice %arg4[%mul3A_56] : memref<163840xi32, #tpu.memory_space<hbm>> -> memref<10240xi32, #tpu.memory_space<hbm>>
        %dma_start3A_58 = tpu.memref_slice %arg4[%mul3A_56] : memref<163840xi32, #tpu.memory_space<hbm>> -> memref<10240xi32, #tpu.memory_space<hbm>>
        tpu.enqueue_dma source(%dma_start3A_58 : memref<10240xi32, #tpu.memory_space<hbm>>) target(%arg9 : memref<10240xi32, #tpu.memory_space<vmem>>) target_semaphore(%run_scoped3A : memref<!tpu.dma_semaphore, #tpu.memory_space<semaphore_mem>>)
        %dma_wait3A = tpu.memref_slice %arg4[%mul3A_56] : memref<163840xi32, #tpu.memory_space<hbm>> -> memref<10240xi32, #tpu.memory_space<hbm>>
        %dma_wait3A_59 = tpu.memref_slice %arg4[%mul3A_56] : memref<163840xi32, #tpu.memory_space<hbm>> -> memref<10240xi32, #tpu.memory_space<hbm>>
        tpu.wait_dma2 semaphore(%run_scoped3A : memref<!tpu.dma_semaphore, #tpu.memory_space<semaphore_mem>>) src(%dma_wait3A_59 : memref<10240xi32, #tpu.memory_space<hbm>>) dst(%arg9 : memref<10240xi32, #tpu.memory_space<vmem>>)
        tpu.yield
      }) : () -> ()
    } else {
    }
    %eq3A_7 = arith.constant 1 : i32
    %eq3A_8 = arith.cmpi eq, %arg0, %eq3A_7 : i32
    %convert_element_type3A_9 = arith.extui %eq3A_8 : i1 to i32
    %cond3A_10 = arith.constant 0 : i32
    %cond3A_11 = arith.cmpi ne, %convert_element_type3A_9, %cond3A_10 : i32
    scf.if %cond3A_11 {
      %mul3A_55 = arith.constant 10240 : i32
      %mul3A_56 = arith.muli %arg1, %mul3A_55 : i32
      "tpu.region"() ({
        %run_scoped3A = tpu.sem_alloc : memref<!tpu.dma_semaphore, #tpu.memory_space<semaphore_mem>>
        %dma_start3A_57 = tpu.memref_slice %arg5[%mul3A_56] : memref<163840xi32, #tpu.memory_space<hbm>> -> memref<10240xi32, #tpu.memory_space<hbm>>
        %dma_start3A_58 = tpu.memref_slice %arg5[%mul3A_56] : memref<163840xi32, #tpu.memory_space<hbm>> -> memref<10240xi32, #tpu.memory_space<hbm>>
        tpu.enqueue_dma source(%dma_start3A_58 : memref<10240xi32, #tpu.memory_space<hbm>>) target(%arg9 : memref<10240xi32, #tpu.memory_space<vmem>>) target_semaphore(%run_scoped3A : memref<!tpu.dma_semaphore, #tpu.memory_space<semaphore_mem>>)
        %dma_wait3A = tpu.memref_slice %arg5[%mul3A_56] : memref<163840xi32, #tpu.memory_space<hbm>> -> memref<10240xi32, #tpu.memory_space<hbm>>
        %dma_wait3A_59 = tpu.memref_slice %arg5[%mul3A_56] : memref<163840xi32, #tpu.memory_space<hbm>> -> memref<10240xi32, #tpu.memory_space<hbm>>
        tpu.wait_dma2 semaphore(%run_scoped3A : memref<!tpu.dma_semaphore, #tpu.memory_space<semaphore_mem>>) src(%dma_wait3A_59 : memref<10240xi32, #tpu.memory_space<hbm>>) dst(%arg9 : memref<10240xi32, #tpu.memory_space<vmem>>)
        tpu.yield
      }) : () -> ()
    } else {
    }
    %barrier3A = arith.constant 0 : index
    tpu.barrier barrier_id(%barrier3A)
    %mul3A_12 = arith.constant 16 : i32
    %mul3A_13 = arith.muli %arg0, %mul3A_12 : i32
    %add3A_14 = arith.addi %mul3A_13, %arg1 : i32
    %mul3A_15 = arith.constant 80 : i32
    %mul3A_16 = arith.muli %add3A_14, %mul3A_15 : i32
    %add3A_17 = arith.constant 0 : i32
    %add3A_18 = arith.addi %mul3A_16, %add3A_17 : i32
    %dma_start3A = arith.constant 0 : i32
    %dma_start3A_19 = tpu.memref_slice %arg6[%add3A_18, %dma_start3A] : memref<2560x128xi32, #tpu.memory_space<hbm>> -> memref<1x128xi32, #tpu.memory_space<hbm>>
    %dma_start3A_20 = tpu.memref_squeeze %dma_start3A_19 : memref<1x128xi32, #tpu.memory_space<hbm>> -> memref<128xi32, #tpu.memory_space<hbm>>
    %dma_start3A_21 = arith.constant 0 : i32
    %dma_start3A_22 = tpu.memref_slice %arg6[%add3A_18, %dma_start3A_21] : memref<2560x128xi32, #tpu.memory_space<hbm>> -> memref<1x128xi32, #tpu.memory_space<hbm>>
    %dma_start3A_23 = tpu.memref_squeeze %dma_start3A_22 : memref<1x128xi32, #tpu.memory_space<hbm>> -> memref<128xi32, #tpu.memory_space<hbm>>
    tpu.enqueue_dma source(%dma_start3A_23 : memref<128xi32, #tpu.memory_space<hbm>>) target(%arg10 : memref<128xi32, #tpu.memory_space<vmem>>) target_semaphore(%arg20 : memref<!tpu.dma_semaphore, #tpu.memory_space<semaphore_mem>>)
    %add3A_24 = arith.constant 1 : i32
    %add3A_25 = arith.addi %mul3A_16, %add3A_24 : i32
    %dma_start3A_26 = arith.constant 0 : i32
    %dma_start3A_27 = tpu.memref_slice %arg6[%add3A_25, %dma_start3A_26] : memref<2560x128xi32, #tpu.memory_space<hbm>> -> memref<1x128xi32, #tpu.memory_space<hbm>>
    %dma_start3A_28 = tpu.memref_squeeze %dma_start3A_27 : memref<1x128xi32, #tpu.memory_space<hbm>> -> memref<128xi32, #tpu.memory_space<hbm>>
    %dma_start3A_29 = arith.constant 0 : i32
    %dma_start3A_30 = tpu.memref_slice %arg6[%add3A_25, %dma_start3A_29] : memref<2560x128xi32, #tpu.memory_space<hbm>> -> memref<1x128xi32, #tpu.memory_space<hbm>>
    %dma_start3A_31 = tpu.memref_squeeze %dma_start3A_30 : memref<1x128xi32, #tpu.memory_space<hbm>> -> memref<128xi32, #tpu.memory_space<hbm>>
    tpu.enqueue_dma source(%dma_start3A_31 : memref<128xi32, #tpu.memory_space<hbm>>) target(%arg11 : memref<128xi32, #tpu.memory_space<vmem>>) target_semaphore(%arg21 : memref<!tpu.dma_semaphore, #tpu.memory_space<semaphore_mem>>)
    %dma_start3A_32 = arith.constant 0 : i32
    %dma_start3A_33 = tpu.memref_slice %arg9[%dma_start3A_32] : memref<10240xi32, #tpu.memory_space<vmem>> -> memref<128xi32, #tpu.memory_space<vmem>>
    %dma_start3A_34 = arith.constant 0 : i32
    %dma_start3A_35 = arith.constant 0 : i32
    %dma_start3A_36 = tpu.memref_slice %arg2[%dma_start3A_34, %dma_start3A_35] : memref<20480x128xf32, #tpu.memory_space<hbm>> -> memref<20480x128xf32, #tpu.memory_space<hbm>>
    tpu.enqueue_indirect_dma source(%dma_start3A_36 : memref<20480x128xf32, #tpu.memory_space<hbm>>) target(%arg14 : memref<128x128xf32, #tpu.memory_space<vmem>>) offsets(%dma_start3A_33 : memref<128xi32, #tpu.memory_space<vmem>>) semaphore(%arg16 : memref<!tpu.dma_semaphore, #tpu.memory_space<semaphore_mem>>)
    %dma_start3A_37 = arith.constant 128 : i32
    %dma_start3A_38 = tpu.memref_slice %arg9[%dma_start3A_37] : memref<10240xi32, #tpu.memory_space<vmem>> -> memref<128xi32, #tpu.memory_space<vmem>>
    %dma_start3A_39 = arith.constant 0 : i32
    %dma_start3A_40 = arith.constant 0 : i32
    %dma_start3A_41 = tpu.memref_slice %arg2[%dma_start3A_39, %dma_start3A_40] : memref<20480x128xf32, #tpu.memory_space<hbm>> -> memref<20480x128xf32, #tpu.memory_space<hbm>>
    tpu.enqueue_indirect_dma source(%dma_start3A_41 : memref<20480x128xf32, #tpu.memory_space<hbm>>) target(%arg15 : memref<128x128xf32, #tpu.memory_space<vmem>>) offsets(%dma_start3A_38 : memref<128xi32, #tpu.memory_space<vmem>>) semaphore(%arg17 : memref<!tpu.dma_semaphore, #tpu.memory_space<semaphore_mem>>)
    %scan3A = arith.constant 0 : i32
    %scan3A_42 = arith.constant 0 : i32
    %scan3A_43 = arith.constant 20 : i32
    %scan3A_44 = arith.addi %scan3A_42, %scan3A_43 : i32
    %scan3A_45 = arith.constant 1 : i32
    scf.for %scan3A_55 = %scan3A_42 to %scan3A_44 step %scan3A_45  : i32 {
      %mul3A_56 = arith.constant 4 : i32
      %mul3A_57 = arith.muli %mul3A_56, %scan3A_55 : i32
      %add3A_58 = arith.constant 0 : i32
      %add3A_59 = arith.addi %mul3A_57, %add3A_58 : i32
      %mul3A_60 = arith.constant 128 : i32
      %mul3A_61 = arith.muli %add3A_59, %mul3A_60 : i32
      %dma_wait3A = tpu.memref_slice %arg9[%mul3A_61] : memref<10240xi32, #tpu.memory_space<vmem>> -> memref<128xi32, #tpu.memory_space<vmem>>
      %dma_wait3A_62 = arith.constant 0 : i32
      %dma_wait3A_63 = arith.constant 0 : i32
      %dma_wait3A_64 = tpu.memref_slice %arg2[%dma_wait3A_62, %dma_wait3A_63] : memref<20480x128xf32, #tpu.memory_space<hbm>> -> memref<20480x128xf32, #tpu.memory_space<hbm>>
      tpu.wait_indirect_dma semaphore(%arg16 : memref<!tpu.dma_semaphore, #tpu.memory_space<semaphore_mem>>) src(%dma_wait3A_64 : memref<20480x128xf32, #tpu.memory_space<hbm>>) dst(%arg14 : memref<128x128xf32, #tpu.memory_space<vmem>>)
      %add3A_65 = arith.addi %mul3A_16, %add3A_59 : i32
      %dma_wait3A_66 = arith.constant 0 : i32
      %dma_wait3A_67 = tpu.memref_slice %arg6[%add3A_65, %dma_wait3A_66] : memref<2560x128xi32, #tpu.memory_space<hbm>> -> memref<1x128xi32, #tpu.memory_space<hbm>>
      %dma_wait3A_68 = tpu.memref_squeeze %dma_wait3A_67 : memref<1x128xi32, #tpu.memory_space<hbm>> -> memref<128xi32, #tpu.memory_space<hbm>>
      %dma_wait3A_69 = arith.constant 0 : i32
      %dma_wait3A_70 = tpu.memref_slice %arg6[%add3A_65, %dma_wait3A_69] : memref<2560x128xi32, #tpu.memory_space<hbm>> -> memref<1x128xi32, #tpu.memory_space<hbm>>
      %dma_wait3A_71 = tpu.memref_squeeze %dma_wait3A_70 : memref<1x128xi32, #tpu.memory_space<hbm>> -> memref<128xi32, #tpu.memory_space<hbm>>
      tpu.wait_dma2 semaphore(%arg20 : memref<!tpu.dma_semaphore, #tpu.memory_space<semaphore_mem>>) src(%dma_wait3A_71 : memref<128xi32, #tpu.memory_space<hbm>>) dst(%arg10 : memref<128xi32, #tpu.memory_space<vmem>>)
      %dma_start3A_72 = arith.constant 0 : i32
      %dma_start3A_73 = arith.constant 0 : i32
      %dma_start3A_74 = tpu.memref_slice %arg8[%dma_start3A_72, %dma_start3A_73] : memref<10240x128xf32, #tpu.memory_space<vmem_shared>> -> memref<10240x128xf32, #tpu.memory_space<vmem_shared>>
      tpu.enqueue_indirect_dma source(%arg14 : memref<128x128xf32, #tpu.memory_space<vmem>>) target(%dma_start3A_74 : memref<10240x128xf32, #tpu.memory_space<vmem_shared>>) offsets(%arg10 : memref<128xi32, #tpu.memory_space<vmem>>) semaphore(%arg18 : memref<!tpu.dma_semaphore, #tpu.memory_space<semaphore_mem>>) {add = true}
      %add3A_75 = arith.constant 2 : i32
      %add3A_76 = arith.addi %add3A_59, %add3A_75 : i32
      %lt3A = arith.constant 80 : i32
      %lt3A_77 = arith.cmpi slt, %add3A_76, %lt3A : i32
      %convert_element_type3A_78 = arith.extui %lt3A_77 : i1 to i32
      %cond3A_79 = arith.constant 0 : i32
      %cond3A_80 = arith.cmpi ne, %convert_element_type3A_78, %cond3A_79 : i32
      scf.if %cond3A_80 {
        %add3A_202 = arith.constant 2 : i32
        %add3A_203 = arith.addi %add3A_59, %add3A_202 : i32
        %add3A_204 = arith.addi %mul3A_16, %add3A_203 : i32
        %dma_start3A_205 = arith.constant 0 : i32
        %dma_start3A_206 = tpu.memref_slice %arg6[%add3A_204, %dma_start3A_205] : memref<2560x128xi32, #tpu.memory_space<hbm>> -> memref<1x128xi32, #tpu.memory_space<hbm>>
        %dma_start3A_207 = tpu.memref_squeeze %dma_start3A_206 : memref<1x128xi32, #tpu.memory_space<hbm>> -> memref<128xi32, #tpu.memory_space<hbm>>
        %dma_start3A_208 = arith.constant 0 : i32
        %dma_start3A_209 = tpu.memref_slice %arg6[%add3A_204, %dma_start3A_208] : memref<2560x128xi32, #tpu.memory_space<hbm>> -> memref<1x128xi32, #tpu.memory_space<hbm>>
        %dma_start3A_210 = tpu.memref_squeeze %dma_start3A_209 : memref<1x128xi32, #tpu.memory_space<hbm>> -> memref<128xi32, #tpu.memory_space<hbm>>
        tpu.enqueue_dma source(%dma_start3A_210 : memref<128xi32, #tpu.memory_space<hbm>>) target(%arg12 : memref<128xi32, #tpu.memory_space<vmem>>) target_semaphore(%arg22 : memref<!tpu.dma_semaphore, #tpu.memory_space<semaphore_mem>>)
      } else {
      }
      %dma_wait3A_81 = arith.constant 0 : i32
      %dma_wait3A_82 = arith.constant 0 : i32
      %dma_wait3A_83 = tpu.memref_slice %arg8[%dma_wait3A_81, %dma_wait3A_82] : memref<10240x128xf32, #tpu.memory_space<vmem_shared>> -> memref<10240x128xf32, #tpu.memory_space<vmem_shared>>
      tpu.wait_indirect_dma semaphore(%arg18 : memref<!tpu.dma_semaphore, #tpu.memory_space<semaphore_mem>>) src(%arg14 : memref<128x128xf32, #tpu.memory_space<vmem>>) dst(%dma_wait3A_83 : memref<10240x128xf32, #tpu.memory_space<vmem_shared>>)
      %add3A_84 = arith.constant 2 : i32
      %add3A_85 = arith.addi %add3A_59, %add3A_84 : i32
      %lt3A_86 = arith.constant 80 : i32
      %lt3A_87 = arith.cmpi slt, %add3A_85, %lt3A_86 : i32
      %convert_element_type3A_88 = arith.extui %lt3A_87 : i1 to i32
      %cond3A_89 = arith.constant 0 : i32
      %cond3A_90 = arith.cmpi ne, %convert_element_type3A_88, %cond3A_89 : i32
      scf.if %cond3A_90 {
        %add3A_202 = arith.constant 2 : i32
        %add3A_203 = arith.addi %add3A_59, %add3A_202 : i32
        %mul3A_204 = arith.constant 128 : i32
        %mul3A_205 = arith.muli %add3A_203, %mul3A_204 : i32
        %dma_start3A_206 = tpu.memref_slice %arg9[%mul3A_205] : memref<10240xi32, #tpu.memory_space<vmem>> -> memref<128xi32, #tpu.memory_space<vmem>>
        %dma_start3A_207 = arith.constant 0 : i32
        %dma_start3A_208 = arith.constant 0 : i32
        %dma_start3A_209 = tpu.memref_slice %arg2[%dma_start3A_207, %dma_start3A_208] : memref<20480x128xf32, #tpu.memory_space<hbm>> -> memref<20480x128xf32, #tpu.memory_space<hbm>>
        tpu.enqueue_indirect_dma source(%dma_start3A_209 : memref<20480x128xf32, #tpu.memory_space<hbm>>) target(%arg14 : memref<128x128xf32, #tpu.memory_space<vmem>>) offsets(%dma_start3A_206 : memref<128xi32, #tpu.memory_space<vmem>>) semaphore(%arg16 : memref<!tpu.dma_semaphore, #tpu.memory_space<semaphore_mem>>)
      } else {
      }
      %mul3A_91 = arith.constant 4 : i32
      %mul3A_92 = arith.muli %mul3A_91, %scan3A_55 : i32
      %add3A_93 = arith.constant 1 : i32
      %add3A_94 = arith.addi %mul3A_92, %add3A_93 : i32
      %mul3A_95 = arith.constant 128 : i32
      %mul3A_96 = arith.muli %add3A_94, %mul3A_95 : i32
      %dma_wait3A_97 = tpu.memref_slice %arg9[%mul3A_96] : memref<10240xi32, #tpu.memory_space<vmem>> -> memref<128xi32, #tpu.memory_space<vmem>>
      %dma_wait3A_98 = arith.constant 0 : i32
      %dma_wait3A_99 = arith.constant 0 : i32
      %dma_wait3A_100 = tpu.memref_slice %arg2[%dma_wait3A_98, %dma_wait3A_99] : memref<20480x128xf32, #tpu.memory_space<hbm>> -> memref<20480x128xf32, #tpu.memory_space<hbm>>
      tpu.wait_indirect_dma semaphore(%arg17 : memref<!tpu.dma_semaphore, #tpu.memory_space<semaphore_mem>>) src(%dma_wait3A_100 : memref<20480x128xf32, #tpu.memory_space<hbm>>) dst(%arg15 : memref<128x128xf32, #tpu.memory_space<vmem>>)
      %add3A_101 = arith.addi %mul3A_16, %add3A_94 : i32
      %dma_wait3A_102 = arith.constant 0 : i32
      %dma_wait3A_103 = tpu.memref_slice %arg6[%add3A_101, %dma_wait3A_102] : memref<2560x128xi32, #tpu.memory_space<hbm>> -> memref<1x128xi32, #tpu.memory_space<hbm>>
      %dma_wait3A_104 = tpu.memref_squeeze %dma_wait3A_103 : memref<1x128xi32, #tpu.memory_space<hbm>> -> memref<128xi32, #tpu.memory_space<hbm>>
      %dma_wait3A_105 = arith.constant 0 : i32
      %dma_wait3A_106 = tpu.memref_slice %arg6[%add3A_101, %dma_wait3A_105] : memref<2560x128xi32, #tpu.memory_space<hbm>> -> memref<1x128xi32, #tpu.memory_space<hbm>>
      %dma_wait3A_107 = tpu.memref_squeeze %dma_wait3A_106 : memref<1x128xi32, #tpu.memory_space<hbm>> -> memref<128xi32, #tpu.memory_space<hbm>>
      tpu.wait_dma2 semaphore(%arg21 : memref<!tpu.dma_semaphore, #tpu.memory_space<semaphore_mem>>) src(%dma_wait3A_107 : memref<128xi32, #tpu.memory_space<hbm>>) dst(%arg11 : memref<128xi32, #tpu.memory_space<vmem>>)
      %dma_start3A_108 = arith.constant 0 : i32
      %dma_start3A_109 = arith.constant 0 : i32
      %dma_start3A_110 = tpu.memref_slice %arg8[%dma_start3A_108, %dma_start3A_109] : memref<10240x128xf32, #tpu.memory_space<vmem_shared>> -> memref<10240x128xf32, #tpu.memory_space<vmem_shared>>
      tpu.enqueue_indirect_dma source(%arg15 : memref<128x128xf32, #tpu.memory_space<vmem>>) target(%dma_start3A_110 : memref<10240x128xf32, #tpu.memory_space<vmem_shared>>) offsets(%arg11 : memref<128xi32, #tpu.memory_space<vmem>>) semaphore(%arg19 : memref<!tpu.dma_semaphore, #tpu.memory_space<semaphore_mem>>) {add = true}
      %add3A_111 = arith.constant 2 : i32
      %add3A_112 = arith.addi %add3A_94, %add3A_111 : i32
      %lt3A_113 = arith.constant 80 : i32
      %lt3A_114 = arith.cmpi slt, %add3A_112, %lt3A_113 : i32
      %convert_element_type3A_115 = arith.extui %lt3A_114 : i1 to i32
      %cond3A_116 = arith.constant 0 : i32
      %cond3A_117 = arith.cmpi ne, %convert_element_type3A_115, %cond3A_116 : i32
      scf.if %cond3A_117 {
        %add3A_202 = arith.constant 2 : i32
        %add3A_203 = arith.addi %add3A_94, %add3A_202 : i32
        %add3A_204 = arith.addi %mul3A_16, %add3A_203 : i32
        %dma_start3A_205 = arith.constant 0 : i32
        %dma_start3A_206 = tpu.memref_slice %arg6[%add3A_204, %dma_start3A_205] : memref<2560x128xi32, #tpu.memory_space<hbm>> -> memref<1x128xi32, #tpu.memory_space<hbm>>
        %dma_start3A_207 = tpu.memref_squeeze %dma_start3A_206 : memref<1x128xi32, #tpu.memory_space<hbm>> -> memref<128xi32, #tpu.memory_space<hbm>>
        %dma_start3A_208 = arith.constant 0 : i32
        %dma_start3A_209 = tpu.memref_slice %arg6[%add3A_204, %dma_start3A_208] : memref<2560x128xi32, #tpu.memory_space<hbm>> -> memref<1x128xi32, #tpu.memory_space<hbm>>
        %dma_start3A_210 = tpu.memref_squeeze %dma_start3A_209 : memref<1x128xi32, #tpu.memory_space<hbm>> -> memref<128xi32, #tpu.memory_space<hbm>>
        tpu.enqueue_dma source(%dma_start3A_210 : memref<128xi32, #tpu.memory_space<hbm>>) target(%arg13 : memref<128xi32, #tpu.memory_space<vmem>>) target_semaphore(%arg23 : memref<!tpu.dma_semaphore, #tpu.memory_space<semaphore_mem>>)
      } else {
      }
      %dma_wait3A_118 = arith.constant 0 : i32
      %dma_wait3A_119 = arith.constant 0 : i32
      %dma_wait3A_120 = tpu.memref_slice %arg8[%dma_wait3A_118, %dma_wait3A_119] : memref<10240x128xf32, #tpu.memory_space<vmem_shared>> -> memref<10240x128xf32, #tpu.memory_space<vmem_shared>>
      tpu.wait_indirect_dma semaphore(%arg19 : memref<!tpu.dma_semaphore, #tpu.memory_space<semaphore_mem>>) src(%arg15 : memref<128x128xf32, #tpu.memory_space<vmem>>) dst(%dma_wait3A_120 : memref<10240x128xf32, #tpu.memory_space<vmem_shared>>)
      %add3A_121 = arith.constant 2 : i32
      %add3A_122 = arith.addi %add3A_94, %add3A_121 : i32
      %lt3A_123 = arith.constant 80 : i32
      %lt3A_124 = arith.cmpi slt, %add3A_122, %lt3A_123 : i32
      %convert_element_type3A_125 = arith.extui %lt3A_124 : i1 to i32
      %cond3A_126 = arith.constant 0 : i32
      %cond3A_127 = arith.cmpi ne, %convert_element_type3A_125, %cond3A_126 : i32
      scf.if %cond3A_127 {
        %add3A_202 = arith.constant 2 : i32
        %add3A_203 = arith.addi %add3A_94, %add3A_202 : i32
        %mul3A_204 = arith.constant 128 : i32
        %mul3A_205 = arith.muli %add3A_203, %mul3A_204 : i32
        %dma_start3A_206 = tpu.memref_slice %arg9[%mul3A_205] : memref<10240xi32, #tpu.memory_space<vmem>> -> memref<128xi32, #tpu.memory_space<vmem>>
        %dma_start3A_207 = arith.constant 0 : i32
        %dma_start3A_208 = arith.constant 0 : i32
        %dma_start3A_209 = tpu.memref_slice %arg2[%dma_start3A_207, %dma_start3A_208] : memref<20480x128xf32, #tpu.memory_space<hbm>> -> memref<20480x128xf32, #tpu.memory_space<hbm>>
        tpu.enqueue_indirect_dma source(%dma_start3A_209 : memref<20480x128xf32, #tpu.memory_space<hbm>>) target(%arg15 : memref<128x128xf32, #tpu.memory_space<vmem>>) offsets(%dma_start3A_206 : memref<128xi32, #tpu.memory_space<vmem>>) semaphore(%arg17 : memref<!tpu.dma_semaphore, #tpu.memory_space<semaphore_mem>>)
      } else {
      }
      %mul3A_128 = arith.constant 4 : i32
      %mul3A_129 = arith.muli %mul3A_128, %scan3A_55 : i32
      %add3A_130 = arith.constant 2 : i32
      %add3A_131 = arith.addi %mul3A_129, %add3A_130 : i32
      %mul3A_132 = arith.constant 128 : i32
      %mul3A_133 = arith.muli %add3A_131, %mul3A_132 : i32
      %dma_wait3A_134 = tpu.memref_slice %arg9[%mul3A_133] : memref<10240xi32, #tpu.memory_space<vmem>> -> memref<128xi32, #tpu.memory_space<vmem>>
      %dma_wait3A_135 = arith.constant 0 : i32
      %dma_wait3A_136 = arith.constant 0 : i32
      %dma_wait3A_137 = tpu.memref_slice %arg2[%dma_wait3A_135, %dma_wait3A_136] : memref<20480x128xf32, #tpu.memory_space<hbm>> -> memref<20480x128xf32, #tpu.memory_space<hbm>>
      tpu.wait_indirect_dma semaphore(%arg16 : memref<!tpu.dma_semaphore, #tpu.memory_space<semaphore_mem>>) src(%dma_wait3A_137 : memref<20480x128xf32, #tpu.memory_space<hbm>>) dst(%arg14 : memref<128x128xf32, #tpu.memory_space<vmem>>)
      %add3A_138 = arith.addi %mul3A_16, %add3A_131 : i32
      %dma_wait3A_139 = arith.constant 0 : i32
      %dma_wait3A_140 = tpu.memref_slice %arg6[%add3A_138, %dma_wait3A_139] : memref<2560x128xi32, #tpu.memory_space<hbm>> -> memref<1x128xi32, #tpu.memory_space<hbm>>
      %dma_wait3A_141 = tpu.memref_squeeze %dma_wait3A_140 : memref<1x128xi32, #tpu.memory_space<hbm>> -> memref<128xi32, #tpu.memory_space<hbm>>
      %dma_wait3A_142 = arith.constant 0 : i32
      %dma_wait3A_143 = tpu.memref_slice %arg6[%add3A_138, %dma_wait3A_142] : memref<2560x128xi32, #tpu.memory_space<hbm>> -> memref<1x128xi32, #tpu.memory_space<hbm>>
      %dma_wait3A_144 = tpu.memref_squeeze %dma_wait3A_143 : memref<1x128xi32, #tpu.memory_space<hbm>> -> memref<128xi32, #tpu.memory_space<hbm>>
      tpu.wait_dma2 semaphore(%arg22 : memref<!tpu.dma_semaphore, #tpu.memory_space<semaphore_mem>>) src(%dma_wait3A_144 : memref<128xi32, #tpu.memory_space<hbm>>) dst(%arg12 : memref<128xi32, #tpu.memory_space<vmem>>)
      %dma_start3A_145 = arith.constant 0 : i32
      %dma_start3A_146 = arith.constant 0 : i32
      %dma_start3A_147 = tpu.memref_slice %arg8[%dma_start3A_145, %dma_start3A_146] : memref<10240x128xf32, #tpu.memory_space<vmem_shared>> -> memref<10240x128xf32, #tpu.memory_space<vmem_shared>>
      tpu.enqueue_indirect_dma source(%arg14 : memref<128x128xf32, #tpu.memory_space<vmem>>) target(%dma_start3A_147 : memref<10240x128xf32, #tpu.memory_space<vmem_shared>>) offsets(%arg12 : memref<128xi32, #tpu.memory_space<vmem>>) semaphore(%arg18 : memref<!tpu.dma_semaphore, #tpu.memory_space<semaphore_mem>>) {add = true}
      %add3A_148 = arith.constant 2 : i32
      %add3A_149 = arith.addi %add3A_131, %add3A_148 : i32
      %lt3A_150 = arith.constant 80 : i32
      %lt3A_151 = arith.cmpi slt, %add3A_149, %lt3A_150 : i32
      %convert_element_type3A_152 = arith.extui %lt3A_151 : i1 to i32
      %cond3A_153 = arith.constant 0 : i32
      %cond3A_154 = arith.cmpi ne, %convert_element_type3A_152, %cond3A_153 : i32
      scf.if %cond3A_154 {
        %add3A_202 = arith.constant 2 : i32
        %add3A_203 = arith.addi %add3A_131, %add3A_202 : i32
        %add3A_204 = arith.addi %mul3A_16, %add3A_203 : i32
        %dma_start3A_205 = arith.constant 0 : i32
        %dma_start3A_206 = tpu.memref_slice %arg6[%add3A_204, %dma_start3A_205] : memref<2560x128xi32, #tpu.memory_space<hbm>> -> memref<1x128xi32, #tpu.memory_space<hbm>>
        %dma_start3A_207 = tpu.memref_squeeze %dma_start3A_206 : memref<1x128xi32, #tpu.memory_space<hbm>> -> memref<128xi32, #tpu.memory_space<hbm>>
        %dma_start3A_208 = arith.constant 0 : i32
        %dma_start3A_209 = tpu.memref_slice %arg6[%add3A_204, %dma_start3A_208] : memref<2560x128xi32, #tpu.memory_space<hbm>> -> memref<1x128xi32, #tpu.memory_space<hbm>>
        %dma_start3A_210 = tpu.memref_squeeze %dma_start3A_209 : memref<1x128xi32, #tpu.memory_space<hbm>> -> memref<128xi32, #tpu.memory_space<hbm>>
        tpu.enqueue_dma source(%dma_start3A_210 : memref<128xi32, #tpu.memory_space<hbm>>) target(%arg10 : memref<128xi32, #tpu.memory_space<vmem>>) target_semaphore(%arg20 : memref<!tpu.dma_semaphore, #tpu.memory_space<semaphore_mem>>)
      } else {
      }
      %dma_wait3A_155 = arith.constant 0 : i32
      %dma_wait3A_156 = arith.constant 0 : i32
      %dma_wait3A_157 = tpu.memref_slice %arg8[%dma_wait3A_155, %dma_wait3A_156] : memref<10240x128xf32, #tpu.memory_space<vmem_shared>> -> memref<10240x128xf32, #tpu.memory_space<vmem_shared>>
      tpu.wait_indirect_dma semaphore(%arg18 : memref<!tpu.dma_semaphore, #tpu.memory_space<semaphore_mem>>) src(%arg14 : memref<128x128xf32, #tpu.memory_space<vmem>>) dst(%dma_wait3A_157 : memref<10240x128xf32, #tpu.memory_space<vmem_shared>>)
      %add3A_158 = arith.constant 2 : i32
      %add3A_159 = arith.addi %add3A_131, %add3A_158 : i32
      %lt3A_160 = arith.constant 80 : i32
      %lt3A_161 = arith.cmpi slt, %add3A_159, %lt3A_160 : i32
      %convert_element_type3A_162 = arith.extui %lt3A_161 : i1 to i32
      %cond3A_163 = arith.constant 0 : i32
      %cond3A_164 = arith.cmpi ne, %convert_element_type3A_162, %cond3A_163 : i32
      scf.if %cond3A_164 {
        %add3A_202 = arith.constant 2 : i32
        %add3A_203 = arith.addi %add3A_131, %add3A_202 : i32
        %mul3A_204 = arith.constant 128 : i32
        %mul3A_205 = arith.muli %add3A_203, %mul3A_204 : i32
        %dma_start3A_206 = tpu.memref_slice %arg9[%mul3A_205] : memref<10240xi32, #tpu.memory_space<vmem>> -> memref<128xi32, #tpu.memory_space<vmem>>
        %dma_start3A_207 = arith.constant 0 : i32
        %dma_start3A_208 = arith.constant 0 : i32
        %dma_start3A_209 = tpu.memref_slice %arg2[%dma_start3A_207, %dma_start3A_208] : memref<20480x128xf32, #tpu.memory_space<hbm>> -> memref<20480x128xf32, #tpu.memory_space<hbm>>
        tpu.enqueue_indirect_dma source(%dma_start3A_209 : memref<20480x128xf32, #tpu.memory_space<hbm>>) target(%arg14 : memref<128x128xf32, #tpu.memory_space<vmem>>) offsets(%dma_start3A_206 : memref<128xi32, #tpu.memory_space<vmem>>) semaphore(%arg16 : memref<!tpu.dma_semaphore, #tpu.memory_space<semaphore_mem>>)
      } else {
      }
      %mul3A_165 = arith.constant 4 : i32
      %mul3A_166 = arith.muli %mul3A_165, %scan3A_55 : i32
      %add3A_167 = arith.constant 3 : i32
      %add3A_168 = arith.addi %mul3A_166, %add3A_167 : i32
      %mul3A_169 = arith.constant 128 : i32
      %mul3A_170 = arith.muli %add3A_168, %mul3A_169 : i32
      %dma_wait3A_171 = tpu.memref_slice %arg9[%mul3A_170] : memref<10240xi32, #tpu.memory_space<vmem>> -> memref<128xi32, #tpu.memory_space<vmem>>
      %dma_wait3A_172 = arith.constant 0 : i32
      %dma_wait3A_173 = arith.constant 0 : i32
      %dma_wait3A_174 = tpu.memref_slice %arg2[%dma_wait3A_172, %dma_wait3A_173] : memref<20480x128xf32, #tpu.memory_space<hbm>> -> memref<20480x128xf32, #tpu.memory_space<hbm>>
      tpu.wait_indirect_dma semaphore(%arg17 : memref<!tpu.dma_semaphore, #tpu.memory_space<semaphore_mem>>) src(%dma_wait3A_174 : memref<20480x128xf32, #tpu.memory_space<hbm>>) dst(%arg15 : memref<128x128xf32, #tpu.memory_space<vmem>>)
      %add3A_175 = arith.addi %mul3A_16, %add3A_168 : i32
      %dma_wait3A_176 = arith.constant 0 : i32
      %dma_wait3A_177 = tpu.memref_slice %arg6[%add3A_175, %dma_wait3A_176] : memref<2560x128xi32, #tpu.memory_space<hbm>> -> memref<1x128xi32, #tpu.memory_space<hbm>>
      %dma_wait3A_178 = tpu.memref_squeeze %dma_wait3A_177 : memref<1x128xi32, #tpu.memory_space<hbm>> -> memref<128xi32, #tpu.memory_space<hbm>>
      %dma_wait3A_179 = arith.constant 0 : i32
      %dma_wait3A_180 = tpu.memref_slice %arg6[%add3A_175, %dma_wait3A_179] : memref<2560x128xi32, #tpu.memory_space<hbm>> -> memref<1x128xi32, #tpu.memory_space<hbm>>
      %dma_wait3A_181 = tpu.memref_squeeze %dma_wait3A_180 : memref<1x128xi32, #tpu.memory_space<hbm>> -> memref<128xi32, #tpu.memory_space<hbm>>
      tpu.wait_dma2 semaphore(%arg23 : memref<!tpu.dma_semaphore, #tpu.memory_space<semaphore_mem>>) src(%dma_wait3A_181 : memref<128xi32, #tpu.memory_space<hbm>>) dst(%arg13 : memref<128xi32, #tpu.memory_space<vmem>>)
      %dma_start3A_182 = arith.constant 0 : i32
      %dma_start3A_183 = arith.constant 0 : i32
      %dma_start3A_184 = tpu.memref_slice %arg8[%dma_start3A_182, %dma_start3A_183] : memref<10240x128xf32, #tpu.memory_space<vmem_shared>> -> memref<10240x128xf32, #tpu.memory_space<vmem_shared>>
      tpu.enqueue_indirect_dma source(%arg15 : memref<128x128xf32, #tpu.memory_space<vmem>>) target(%dma_start3A_184 : memref<10240x128xf32, #tpu.memory_space<vmem_shared>>) offsets(%arg13 : memref<128xi32, #tpu.memory_space<vmem>>) semaphore(%arg19 : memref<!tpu.dma_semaphore, #tpu.memory_space<semaphore_mem>>) {add = true}
      %add3A_185 = arith.constant 2 : i32
      %add3A_186 = arith.addi %add3A_168, %add3A_185 : i32
      %lt3A_187 = arith.constant 80 : i32
      %lt3A_188 = arith.cmpi slt, %add3A_186, %lt3A_187 : i32
      %convert_element_type3A_189 = arith.extui %lt3A_188 : i1 to i32
      %cond3A_190 = arith.constant 0 : i32
      %cond3A_191 = arith.cmpi ne, %convert_element_type3A_189, %cond3A_190 : i32
      scf.if %cond3A_191 {
        %add3A_202 = arith.constant 2 : i32
        %add3A_203 = arith.addi %add3A_168, %add3A_202 : i32
        %add3A_204 = arith.addi %mul3A_16, %add3A_203 : i32
        %dma_start3A_205 = arith.constant 0 : i32
        %dma_start3A_206 = tpu.memref_slice %arg6[%add3A_204, %dma_start3A_205] : memref<2560x128xi32, #tpu.memory_space<hbm>> -> memref<1x128xi32, #tpu.memory_space<hbm>>
        %dma_start3A_207 = tpu.memref_squeeze %dma_start3A_206 : memref<1x128xi32, #tpu.memory_space<hbm>> -> memref<128xi32, #tpu.memory_space<hbm>>
        %dma_start3A_208 = arith.constant 0 : i32
        %dma_start3A_209 = tpu.memref_slice %arg6[%add3A_204, %dma_start3A_208] : memref<2560x128xi32, #tpu.memory_space<hbm>> -> memref<1x128xi32, #tpu.memory_space<hbm>>
        %dma_start3A_210 = tpu.memref_squeeze %dma_start3A_209 : memref<1x128xi32, #tpu.memory_space<hbm>> -> memref<128xi32, #tpu.memory_space<hbm>>
        tpu.enqueue_dma source(%dma_start3A_210 : memref<128xi32, #tpu.memory_space<hbm>>) target(%arg11 : memref<128xi32, #tpu.memory_space<vmem>>) target_semaphore(%arg21 : memref<!tpu.dma_semaphore, #tpu.memory_space<semaphore_mem>>)
      } else {
      }
      %dma_wait3A_192 = arith.constant 0 : i32
      %dma_wait3A_193 = arith.constant 0 : i32
      %dma_wait3A_194 = tpu.memref_slice %arg8[%dma_wait3A_192, %dma_wait3A_193] : memref<10240x128xf32, #tpu.memory_space<vmem_shared>> -> memref<10240x128xf32, #tpu.memory_space<vmem_shared>>
      tpu.wait_indirect_dma semaphore(%arg19 : memref<!tpu.dma_semaphore, #tpu.memory_space<semaphore_mem>>) src(%arg15 : memref<128x128xf32, #tpu.memory_space<vmem>>) dst(%dma_wait3A_194 : memref<10240x128xf32, #tpu.memory_space<vmem_shared>>)
      %add3A_195 = arith.constant 2 : i32
      %add3A_196 = arith.addi %add3A_168, %add3A_195 : i32
      %lt3A_197 = arith.constant 80 : i32
      %lt3A_198 = arith.cmpi slt, %add3A_196, %lt3A_197 : i32
      %convert_element_type3A_199 = arith.extui %lt3A_198 : i1 to i32
      %cond3A_200 = arith.constant 0 : i32
      %cond3A_201 = arith.cmpi ne, %convert_element_type3A_199, %cond3A_200 : i32
      scf.if %cond3A_201 {
        %add3A_202 = arith.constant 2 : i32
        %add3A_203 = arith.addi %add3A_168, %add3A_202 : i32
        %mul3A_204 = arith.constant 128 : i32
        %mul3A_205 = arith.muli %add3A_203, %mul3A_204 : i32
        %dma_start3A_206 = tpu.memref_slice %arg9[%mul3A_205] : memref<10240xi32, #tpu.memory_space<vmem>> -> memref<128xi32, #tpu.memory_space<vmem>>
        %dma_start3A_207 = arith.constant 0 : i32
        %dma_start3A_208 = arith.constant 0 : i32
        %dma_start3A_209 = tpu.memref_slice %arg2[%dma_start3A_207, %dma_start3A_208] : memref<20480x128xf32, #tpu.memory_space<hbm>> -> memref<20480x128xf32, #tpu.memory_space<hbm>>
        tpu.enqueue_indirect_dma source(%dma_start3A_209 : memref<20480x128xf32, #tpu.memory_space<hbm>>) target(%arg15 : memref<128x128xf32, #tpu.memory_space<vmem>>) offsets(%dma_start3A_206 : memref<128xi32, #tpu.memory_space<vmem>>) semaphore(%arg17 : memref<!tpu.dma_semaphore, #tpu.memory_space<semaphore_mem>>)
      } else {
      }
    }
    %scan3A_46 = arith.constant 20 : i32
    %barrier3A_47 = arith.constant 0 : index
    tpu.barrier barrier_id(%barrier3A_47)
    %mul3A_48 = arith.constant 640 : i32
    %mul3A_49 = arith.muli %arg1, %mul3A_48 : i32
    %mul3A_50 = arith.constant 10240 : i32
    %mul3A_51 = arith.muli %arg0, %mul3A_50 : i32
    %mul3A_52 = arith.constant 640 : i32
    %mul3A_53 = arith.muli %arg1, %mul3A_52 : i32
    %add3A_54 = arith.addi %mul3A_51, %mul3A_53 : i32
    "tpu.region"() ({
      %run_scoped3A = tpu.sem_alloc : memref<!tpu.dma_semaphore, #tpu.memory_space<semaphore_mem>>
      %dma_start3A_55 = arith.constant 0 : i32
      %dma_start3A_56 = tpu.memref_slice %arg7[%add3A_54, %dma_start3A_55] : memref<20480x128xf32, #tpu.memory_space<hbm>> -> memref<640x128xf32, #tpu.memory_space<hbm>>
      %dma_start3A_57 = arith.constant 0 : i32
      %dma_start3A_58 = tpu.memref_slice %arg8[%mul3A_49, %dma_start3A_57] : memref<10240x128xf32, #tpu.memory_space<vmem_shared>> -> memref<640x128xf32, #tpu.memory_space<vmem_shared>>
      tpu.enqueue_dma source(%dma_start3A_58 : memref<640x128xf32, #tpu.memory_space<vmem_shared>>) target(%dma_start3A_56 : memref<640x128xf32, #tpu.memory_space<hbm>>) target_semaphore(%run_scoped3A : memref<!tpu.dma_semaphore, #tpu.memory_space<semaphore_mem>>)
      %dma_wait3A = arith.constant 0 : i32
      %dma_wait3A_59 = tpu.memref_slice %arg7[%add3A_54, %dma_wait3A] : memref<20480x128xf32, #tpu.memory_space<hbm>> -> memref<640x128xf32, #tpu.memory_space<hbm>>
      %dma_wait3A_60 = arith.constant 0 : i32
      %dma_wait3A_61 = tpu.memref_slice %arg8[%mul3A_49, %dma_wait3A_60] : memref<10240x128xf32, #tpu.memory_space<vmem_shared>> -> memref<640x128xf32, #tpu.memory_space<vmem_shared>>
      tpu.wait_dma2 semaphore(%run_scoped3A : memref<!tpu.dma_semaphore, #tpu.memory_space<semaphore_mem>>) src(%dma_wait3A_61 : memref<640x128xf32, #tpu.memory_space<vmem_shared>>) dst(%dma_wait3A_59 : memref<640x128xf32, #tpu.memory_space<hbm>>)
      tpu.yield
    }) : () -> ()
    return
  }
}

#map = affine_map<(d0, d1) -> (0, 0)>
module attributes {stable_mosaic.version = 14 : i64} {
  func.func @_sc_deg(%arg0: i32, %arg1: i32, %arg2: memref<1280x128xi32, #tpu.memory_space<hbm>>, %arg3: memref<10240x128xf32, #tpu.memory_space<hbm>>, %arg4: memref<128x128xf32, #tpu.memory_space<hbm>>, %arg5: memref<20480x128xf32, #tpu.memory_space<hbm>>, %arg6: memref<10240x128xf32, #tpu.memory_space<vmem_shared>>, %arg7: memref<128xi32, #tpu.memory_space<vmem>>, %arg8: memref<128xi32, #tpu.memory_space<vmem>>, %arg9: memref<128xi32, #tpu.memory_space<vmem>>, %arg10: memref<128xi32, #tpu.memory_space<vmem>>, %arg11: memref<128x128xf32, #tpu.memory_space<vmem>>, %arg12: memref<!tpu.dma_semaphore, #tpu.memory_space<semaphore_mem>>, %arg13: memref<!tpu.dma_semaphore, #tpu.memory_space<semaphore_mem>>, %arg14: memref<!tpu.dma_semaphore, #tpu.memory_space<semaphore_mem>>, %arg15: memref<!tpu.dma_semaphore, #tpu.memory_space<semaphore_mem>>, %arg16: memref<!tpu.dma_semaphore, #tpu.memory_space<semaphore_mem>>, %arg17: memref<!tpu.dma_semaphore, #tpu.memory_space<semaphore_mem>>, %arg18: memref<!tpu.dma_semaphore, #tpu.memory_space<semaphore_mem>>, %arg19: memref<!tpu.dma_semaphore, #tpu.memory_space<semaphore_mem>>) attributes {dimension_semantics = [#tpu.dimension_semantics<core_parallel>, #tpu.dimension_semantics<subcore_parallel>], iteration_bounds = array<i64: 2, 16>, scalar_prefetch = 0 : i64, scratch_operands = 14 : i64, tpu.core_type = #tpu.core_type<sc_vector_subcore>, window_params = [{transform_indices = #map}, {transform_indices = #map}, {transform_indices = #map}, {transform_indices = #map}]} {
    %mul3A = arith.constant 640 : i32
    %mul3A_0 = arith.muli %arg1, %mul3A : i32
    %mul3A_1 = arith.constant 640 : i32
    %mul3A_2 = arith.muli %arg1, %mul3A_1 : i32
    "tpu.region"() ({
      %run_scoped3A = tpu.sem_alloc : memref<!tpu.dma_semaphore, #tpu.memory_space<semaphore_mem>>
      %dma_start3A_37 = arith.constant 0 : i32
      %dma_start3A_38 = tpu.memref_slice %arg6[%mul3A_2, %dma_start3A_37] : memref<10240x128xf32, #tpu.memory_space<vmem_shared>> -> memref<640x128xf32, #tpu.memory_space<vmem_shared>>
      %dma_start3A_39 = arith.constant 0 : i32
      %dma_start3A_40 = tpu.memref_slice %arg3[%mul3A_0, %dma_start3A_39] : memref<10240x128xf32, #tpu.memory_space<hbm>> -> memref<640x128xf32, #tpu.memory_space<hbm>>
      tpu.enqueue_dma source(%dma_start3A_40 : memref<640x128xf32, #tpu.memory_space<hbm>>) target(%dma_start3A_38 : memref<640x128xf32, #tpu.memory_space<vmem_shared>>) target_semaphore(%run_scoped3A : memref<!tpu.dma_semaphore, #tpu.memory_space<semaphore_mem>>)
      %dma_wait3A_41 = arith.constant 0 : i32
      %dma_wait3A_42 = tpu.memref_slice %arg6[%mul3A_2, %dma_wait3A_41] : memref<10240x128xf32, #tpu.memory_space<vmem_shared>> -> memref<640x128xf32, #tpu.memory_space<vmem_shared>>
      %dma_wait3A_43 = arith.constant 0 : i32
      %dma_wait3A_44 = tpu.memref_slice %arg3[%mul3A_0, %dma_wait3A_43] : memref<10240x128xf32, #tpu.memory_space<hbm>> -> memref<640x128xf32, #tpu.memory_space<hbm>>
      tpu.wait_dma2 semaphore(%run_scoped3A : memref<!tpu.dma_semaphore, #tpu.memory_space<semaphore_mem>>) src(%dma_wait3A_44 : memref<640x128xf32, #tpu.memory_space<hbm>>) dst(%dma_wait3A_42 : memref<640x128xf32, #tpu.memory_space<vmem_shared>>)
      tpu.yield
    }) : () -> ()
    "tpu.region"() ({
      %run_scoped3A = tpu.sem_alloc : memref<!tpu.dma_semaphore, #tpu.memory_space<semaphore_mem>>
      tpu.enqueue_dma source(%arg4 : memref<128x128xf32, #tpu.memory_space<hbm>>) target(%arg11 : memref<128x128xf32, #tpu.memory_space<vmem>>) target_semaphore(%run_scoped3A : memref<!tpu.dma_semaphore, #tpu.memory_space<semaphore_mem>>)
      tpu.wait_dma2 semaphore(%run_scoped3A : memref<!tpu.dma_semaphore, #tpu.memory_space<semaphore_mem>>) src(%arg4 : memref<128x128xf32, #tpu.memory_space<hbm>>) dst(%arg11 : memref<128x128xf32, #tpu.memory_space<vmem>>)
      tpu.yield
    }) : () -> ()
    %barrier3A = arith.constant 0 : index
    tpu.barrier barrier_id(%barrier3A)
    %mul3A_3 = arith.constant 16 : i32
    %mul3A_4 = arith.muli %arg0, %mul3A_3 : i32
    %add3A = arith.addi %mul3A_4, %arg1 : i32
    %mul3A_5 = arith.constant 40 : i32
    %mul3A_6 = arith.muli %add3A, %mul3A_5 : i32
    %add3A_7 = arith.constant 0 : i32
    %add3A_8 = arith.addi %mul3A_6, %add3A_7 : i32
    %dma_start3A = arith.constant 0 : i32
    %dma_start3A_9 = tpu.memref_slice %arg2[%add3A_8, %dma_start3A] : memref<1280x128xi32, #tpu.memory_space<hbm>> -> memref<1x128xi32, #tpu.memory_space<hbm>>
    %dma_start3A_10 = tpu.memref_squeeze %dma_start3A_9 : memref<1x128xi32, #tpu.memory_space<hbm>> -> memref<128xi32, #tpu.memory_space<hbm>>
    %dma_start3A_11 = arith.constant 0 : i32
    %dma_start3A_12 = tpu.memref_slice %arg2[%add3A_8, %dma_start3A_11] : memref<1280x128xi32, #tpu.memory_space<hbm>> -> memref<1x128xi32, #tpu.memory_space<hbm>>
    %dma_start3A_13 = tpu.memref_squeeze %dma_start3A_12 : memref<1x128xi32, #tpu.memory_space<hbm>> -> memref<128xi32, #tpu.memory_space<hbm>>
    tpu.enqueue_dma source(%dma_start3A_13 : memref<128xi32, #tpu.memory_space<hbm>>) target(%arg7 : memref<128xi32, #tpu.memory_space<vmem>>) target_semaphore(%arg12 : memref<!tpu.dma_semaphore, #tpu.memory_space<semaphore_mem>>)
    %add3A_14 = arith.constant 1 : i32
    %add3A_15 = arith.addi %mul3A_6, %add3A_14 : i32
    %dma_start3A_16 = arith.constant 0 : i32
    %dma_start3A_17 = tpu.memref_slice %arg2[%add3A_15, %dma_start3A_16] : memref<1280x128xi32, #tpu.memory_space<hbm>> -> memref<1x128xi32, #tpu.memory_space<hbm>>
    %dma_start3A_18 = tpu.memref_squeeze %dma_start3A_17 : memref<1x128xi32, #tpu.memory_space<hbm>> -> memref<128xi32, #tpu.memory_space<hbm>>
    %dma_start3A_19 = arith.constant 0 : i32
    %dma_start3A_20 = tpu.memref_slice %arg2[%add3A_15, %dma_start3A_19] : memref<1280x128xi32, #tpu.memory_space<hbm>> -> memref<1x128xi32, #tpu.memory_space<hbm>>
    %dma_start3A_21 = tpu.memref_squeeze %dma_start3A_20 : memref<1x128xi32, #tpu.memory_space<hbm>> -> memref<128xi32, #tpu.memory_space<hbm>>
    tpu.enqueue_dma source(%dma_start3A_21 : memref<128xi32, #tpu.memory_space<hbm>>) target(%arg8 : memref<128xi32, #tpu.memory_space<vmem>>) target_semaphore(%arg13 : memref<!tpu.dma_semaphore, #tpu.memory_space<semaphore_mem>>)
    %scan3A = arith.constant 0 : i32
    %scan3A_22 = arith.constant 0 : i32
    %scan3A_23 = arith.constant 10 : i32
    %scan3A_24 = arith.addi %scan3A_22, %scan3A_23 : i32
    %scan3A_25 = arith.constant 1 : i32
    scf.for %scan3A_37 = %scan3A_22 to %scan3A_24 step %scan3A_25  : i32 {
      %mul3A_38 = arith.constant 4 : i32
      %mul3A_39 = arith.muli %mul3A_38, %scan3A_37 : i32
      %add3A_40 = arith.constant 0 : i32
      %add3A_41 = arith.addi %mul3A_39, %add3A_40 : i32
      %add3A_42 = arith.addi %mul3A_6, %add3A_41 : i32
      %dma_wait3A_43 = arith.constant 0 : i32
      %dma_wait3A_44 = tpu.memref_slice %arg2[%add3A_42, %dma_wait3A_43] : memref<1280x128xi32, #tpu.memory_space<hbm>> -> memref<1x128xi32, #tpu.memory_space<hbm>>
      %dma_wait3A_45 = tpu.memref_squeeze %dma_wait3A_44 : memref<1x128xi32, #tpu.memory_space<hbm>> -> memref<128xi32, #tpu.memory_space<hbm>>
      %dma_wait3A_46 = arith.constant 0 : i32
      %dma_wait3A_47 = tpu.memref_slice %arg2[%add3A_42, %dma_wait3A_46] : memref<1280x128xi32, #tpu.memory_space<hbm>> -> memref<1x128xi32, #tpu.memory_space<hbm>>
      %dma_wait3A_48 = tpu.memref_squeeze %dma_wait3A_47 : memref<1x128xi32, #tpu.memory_space<hbm>> -> memref<128xi32, #tpu.memory_space<hbm>>
      tpu.wait_dma2 semaphore(%arg12 : memref<!tpu.dma_semaphore, #tpu.memory_space<semaphore_mem>>) src(%dma_wait3A_48 : memref<128xi32, #tpu.memory_space<hbm>>) dst(%arg7 : memref<128xi32, #tpu.memory_space<vmem>>)
      %dma_start3A_49 = arith.constant 0 : i32
      %dma_start3A_50 = arith.constant 0 : i32
      %dma_start3A_51 = tpu.memref_slice %arg6[%dma_start3A_49, %dma_start3A_50] : memref<10240x128xf32, #tpu.memory_space<vmem_shared>> -> memref<10240x128xf32, #tpu.memory_space<vmem_shared>>
      tpu.enqueue_indirect_dma source(%arg11 : memref<128x128xf32, #tpu.memory_space<vmem>>) target(%dma_start3A_51 : memref<10240x128xf32, #tpu.memory_space<vmem_shared>>) offsets(%arg7 : memref<128xi32, #tpu.memory_space<vmem>>) semaphore(%arg16 : memref<!tpu.dma_semaphore, #tpu.memory_space<semaphore_mem>>) {add = true}
      %add3A_52 = arith.constant 2 : i32
      %add3A_53 = arith.addi %add3A_41, %add3A_52 : i32
      %lt3A = arith.constant 40 : i32
      %lt3A_54 = arith.cmpi slt, %add3A_53, %lt3A : i32
      %convert_element_type3A = arith.extui %lt3A_54 : i1 to i32
      %cond3A = arith.constant 0 : i32
      %cond3A_55 = arith.cmpi ne, %convert_element_type3A, %cond3A : i32
      scf.if %cond3A_55 {
        %add3A_138 = arith.constant 2 : i32
        %add3A_139 = arith.addi %add3A_41, %add3A_138 : i32
        %add3A_140 = arith.addi %mul3A_6, %add3A_139 : i32
        %dma_start3A_141 = arith.constant 0 : i32
        %dma_start3A_142 = tpu.memref_slice %arg2[%add3A_140, %dma_start3A_141] : memref<1280x128xi32, #tpu.memory_space<hbm>> -> memref<1x128xi32, #tpu.memory_space<hbm>>
        %dma_start3A_143 = tpu.memref_squeeze %dma_start3A_142 : memref<1x128xi32, #tpu.memory_space<hbm>> -> memref<128xi32, #tpu.memory_space<hbm>>
        %dma_start3A_144 = arith.constant 0 : i32
        %dma_start3A_145 = tpu.memref_slice %arg2[%add3A_140, %dma_start3A_144] : memref<1280x128xi32, #tpu.memory_space<hbm>> -> memref<1x128xi32, #tpu.memory_space<hbm>>
        %dma_start3A_146 = tpu.memref_squeeze %dma_start3A_145 : memref<1x128xi32, #tpu.memory_space<hbm>> -> memref<128xi32, #tpu.memory_space<hbm>>
        tpu.enqueue_dma source(%dma_start3A_146 : memref<128xi32, #tpu.memory_space<hbm>>) target(%arg9 : memref<128xi32, #tpu.memory_space<vmem>>) target_semaphore(%arg14 : memref<!tpu.dma_semaphore, #tpu.memory_space<semaphore_mem>>)
      } else {
      }
      %ge3A = arith.constant 1 : i32
      %ge3A_56 = arith.cmpi sge, %add3A_41, %ge3A : i32
      %convert_element_type3A_57 = arith.extui %ge3A_56 : i1 to i32
      %cond3A_58 = arith.constant 0 : i32
      %cond3A_59 = arith.cmpi ne, %convert_element_type3A_57, %cond3A_58 : i32
      scf.if %cond3A_59 {
        %dma_wait3A_138 = arith.constant 0 : i32
        %dma_wait3A_139 = arith.constant 0 : i32
        %dma_wait3A_140 = tpu.memref_slice %arg6[%dma_wait3A_138, %dma_wait3A_139] : memref<10240x128xf32, #tpu.memory_space<vmem_shared>> -> memref<10240x128xf32, #tpu.memory_space<vmem_shared>>
        tpu.wait_indirect_dma semaphore(%arg19 : memref<!tpu.dma_semaphore, #tpu.memory_space<semaphore_mem>>) src(%arg11 : memref<128x128xf32, #tpu.memory_space<vmem>>) dst(%dma_wait3A_140 : memref<10240x128xf32, #tpu.memory_space<vmem_shared>>)
      } else {
      }
      %mul3A_60 = arith.constant 4 : i32
      %mul3A_61 = arith.muli %mul3A_60, %scan3A_37 : i32
      %add3A_62 = arith.constant 1 : i32
      %add3A_63 = arith.addi %mul3A_61, %add3A_62 : i32
      %add3A_64 = arith.addi %mul3A_6, %add3A_63 : i32
      %dma_wait3A_65 = arith.constant 0 : i32
      %dma_wait3A_66 = tpu.memref_slice %arg2[%add3A_64, %dma_wait3A_65] : memref<1280x128xi32, #tpu.memory_space<hbm>> -> memref<1x128xi32, #tpu.memory_space<hbm>>
      %dma_wait3A_67 = tpu.memref_squeeze %dma_wait3A_66 : memref<1x128xi32, #tpu.memory_space<hbm>> -> memref<128xi32, #tpu.memory_space<hbm>>
      %dma_wait3A_68 = arith.constant 0 : i32
      %dma_wait3A_69 = tpu.memref_slice %arg2[%add3A_64, %dma_wait3A_68] : memref<1280x128xi32, #tpu.memory_space<hbm>> -> memref<1x128xi32, #tpu.memory_space<hbm>>
      %dma_wait3A_70 = tpu.memref_squeeze %dma_wait3A_69 : memref<1x128xi32, #tpu.memory_space<hbm>> -> memref<128xi32, #tpu.memory_space<hbm>>
      tpu.wait_dma2 semaphore(%arg13 : memref<!tpu.dma_semaphore, #tpu.memory_space<semaphore_mem>>) src(%dma_wait3A_70 : memref<128xi32, #tpu.memory_space<hbm>>) dst(%arg8 : memref<128xi32, #tpu.memory_space<vmem>>)
      %dma_start3A_71 = arith.constant 0 : i32
      %dma_start3A_72 = arith.constant 0 : i32
      %dma_start3A_73 = tpu.memref_slice %arg6[%dma_start3A_71, %dma_start3A_72] : memref<10240x128xf32, #tpu.memory_space<vmem_shared>> -> memref<10240x128xf32, #tpu.memory_space<vmem_shared>>
      tpu.enqueue_indirect_dma source(%arg11 : memref<128x128xf32, #tpu.memory_space<vmem>>) target(%dma_start3A_73 : memref<10240x128xf32, #tpu.memory_space<vmem_shared>>) offsets(%arg8 : memref<128xi32, #tpu.memory_space<vmem>>) semaphore(%arg17 : memref<!tpu.dma_semaphore, #tpu.memory_space<semaphore_mem>>) {add = true}
      %add3A_74 = arith.constant 2 : i32
      %add3A_75 = arith.addi %add3A_63, %add3A_74 : i32
      %lt3A_76 = arith.constant 40 : i32
      %lt3A_77 = arith.cmpi slt, %add3A_75, %lt3A_76 : i32
      %convert_element_type3A_78 = arith.extui %lt3A_77 : i1 to i32
      %cond3A_79 = arith.constant 0 : i32
      %cond3A_80 = arith.cmpi ne, %convert_element_type3A_78, %cond3A_79 : i32
      scf.if %cond3A_80 {
        %add3A_138 = arith.constant 2 : i32
        %add3A_139 = arith.addi %add3A_63, %add3A_138 : i32
        %add3A_140 = arith.addi %mul3A_6, %add3A_139 : i32
        %dma_start3A_141 = arith.constant 0 : i32
        %dma_start3A_142 = tpu.memref_slice %arg2[%add3A_140, %dma_start3A_141] : memref<1280x128xi32, #tpu.memory_space<hbm>> -> memref<1x128xi32, #tpu.memory_space<hbm>>
        %dma_start3A_143 = tpu.memref_squeeze %dma_start3A_142 : memref<1x128xi32, #tpu.memory_space<hbm>> -> memref<128xi32, #tpu.memory_space<hbm>>
        %dma_start3A_144 = arith.constant 0 : i32
        %dma_start3A_145 = tpu.memref_slice %arg2[%add3A_140, %dma_start3A_144] : memref<1280x128xi32, #tpu.memory_space<hbm>> -> memref<1x128xi32, #tpu.memory_space<hbm>>
        %dma_start3A_146 = tpu.memref_squeeze %dma_start3A_145 : memref<1x128xi32, #tpu.memory_space<hbm>> -> memref<128xi32, #tpu.memory_space<hbm>>
        tpu.enqueue_dma source(%dma_start3A_146 : memref<128xi32, #tpu.memory_space<hbm>>) target(%arg10 : memref<128xi32, #tpu.memory_space<vmem>>) target_semaphore(%arg15 : memref<!tpu.dma_semaphore, #tpu.memory_space<semaphore_mem>>)
      } else {
      }
      %ge3A_81 = arith.constant 1 : i32
      %ge3A_82 = arith.cmpi sge, %add3A_63, %ge3A_81 : i32
      %convert_element_type3A_83 = arith.extui %ge3A_82 : i1 to i32
      %cond3A_84 = arith.constant 0 : i32
      %cond3A_85 = arith.cmpi ne, %convert_element_type3A_83, %cond3A_84 : i32
      scf.if %cond3A_85 {
        %dma_wait3A_138 = arith.constant 0 : i32
        %dma_wait3A_139 = arith.constant 0 : i32
        %dma_wait3A_140 = tpu.memref_slice %arg6[%dma_wait3A_138, %dma_wait3A_139] : memref<10240x128xf32, #tpu.memory_space<vmem_shared>> -> memref<10240x128xf32, #tpu.memory_space<vmem_shared>>
        tpu.wait_indirect_dma semaphore(%arg16 : memref<!tpu.dma_semaphore, #tpu.memory_space<semaphore_mem>>) src(%arg11 : memref<128x128xf32, #tpu.memory_space<vmem>>) dst(%dma_wait3A_140 : memref<10240x128xf32, #tpu.memory_space<vmem_shared>>)
      } else {
      }
      %mul3A_86 = arith.constant 4 : i32
      %mul3A_87 = arith.muli %mul3A_86, %scan3A_37 : i32
      %add3A_88 = arith.constant 2 : i32
      %add3A_89 = arith.addi %mul3A_87, %add3A_88 : i32
      %add3A_90 = arith.addi %mul3A_6, %add3A_89 : i32
      %dma_wait3A_91 = arith.constant 0 : i32
      %dma_wait3A_92 = tpu.memref_slice %arg2[%add3A_90, %dma_wait3A_91] : memref<1280x128xi32, #tpu.memory_space<hbm>> -> memref<1x128xi32, #tpu.memory_space<hbm>>
      %dma_wait3A_93 = tpu.memref_squeeze %dma_wait3A_92 : memref<1x128xi32, #tpu.memory_space<hbm>> -> memref<128xi32, #tpu.memory_space<hbm>>
      %dma_wait3A_94 = arith.constant 0 : i32
      %dma_wait3A_95 = tpu.memref_slice %arg2[%add3A_90, %dma_wait3A_94] : memref<1280x128xi32, #tpu.memory_space<hbm>> -> memref<1x128xi32, #tpu.memory_space<hbm>>
      %dma_wait3A_96 = tpu.memref_squeeze %dma_wait3A_95 : memref<1x128xi32, #tpu.memory_space<hbm>> -> memref<128xi32, #tpu.memory_space<hbm>>
      tpu.wait_dma2 semaphore(%arg14 : memref<!tpu.dma_semaphore, #tpu.memory_space<semaphore_mem>>) src(%dma_wait3A_96 : memref<128xi32, #tpu.memory_space<hbm>>) dst(%arg9 : memref<128xi32, #tpu.memory_space<vmem>>)
      %dma_start3A_97 = arith.constant 0 : i32
      %dma_start3A_98 = arith.constant 0 : i32
      %dma_start3A_99 = tpu.memref_slice %arg6[%dma_start3A_97, %dma_start3A_98] : memref<10240x128xf32, #tpu.memory_space<vmem_shared>> -> memref<10240x128xf32, #tpu.memory_space<vmem_shared>>
      tpu.enqueue_indirect_dma source(%arg11 : memref<128x128xf32, #tpu.memory_space<vmem>>) target(%dma_start3A_99 : memref<10240x128xf32, #tpu.memory_space<vmem_shared>>) offsets(%arg9 : memref<128xi32, #tpu.memory_space<vmem>>) semaphore(%arg18 : memref<!tpu.dma_semaphore, #tpu.memory_space<semaphore_mem>>) {add = true}
      %add3A_100 = arith.constant 2 : i32
      %add3A_101 = arith.addi %add3A_89, %add3A_100 : i32
      %lt3A_102 = arith.constant 40 : i32
      %lt3A_103 = arith.cmpi slt, %add3A_101, %lt3A_102 : i32
      %convert_element_type3A_104 = arith.extui %lt3A_103 : i1 to i32
      %cond3A_105 = arith.constant 0 : i32
      %cond3A_106 = arith.cmpi ne, %convert_element_type3A_104, %cond3A_105 : i32
      scf.if %cond3A_106 {
        %add3A_138 = arith.constant 2 : i32
        %add3A_139 = arith.addi %add3A_89, %add3A_138 : i32
        %add3A_140 = arith.addi %mul3A_6, %add3A_139 : i32
        %dma_start3A_141 = arith.constant 0 : i32
        %dma_start3A_142 = tpu.memref_slice %arg2[%add3A_140, %dma_start3A_141] : memref<1280x128xi32, #tpu.memory_space<hbm>> -> memref<1x128xi32, #tpu.memory_space<hbm>>
        %dma_start3A_143 = tpu.memref_squeeze %dma_start3A_142 : memref<1x128xi32, #tpu.memory_space<hbm>> -> memref<128xi32, #tpu.memory_space<hbm>>
        %dma_start3A_144 = arith.constant 0 : i32
        %dma_start3A_145 = tpu.memref_slice %arg2[%add3A_140, %dma_start3A_144] : memref<1280x128xi32, #tpu.memory_space<hbm>> -> memref<1x128xi32, #tpu.memory_space<hbm>>
        %dma_start3A_146 = tpu.memref_squeeze %dma_start3A_145 : memref<1x128xi32, #tpu.memory_space<hbm>> -> memref<128xi32, #tpu.memory_space<hbm>>
        tpu.enqueue_dma source(%dma_start3A_146 : memref<128xi32, #tpu.memory_space<hbm>>) target(%arg7 : memref<128xi32, #tpu.memory_space<vmem>>) target_semaphore(%arg12 : memref<!tpu.dma_semaphore, #tpu.memory_space<semaphore_mem>>)
      } else {
      }
      %ge3A_107 = arith.constant 1 : i32
      %ge3A_108 = arith.cmpi sge, %add3A_89, %ge3A_107 : i32
      %convert_element_type3A_109 = arith.extui %ge3A_108 : i1 to i32
      %cond3A_110 = arith.constant 0 : i32
      %cond3A_111 = arith.cmpi ne, %convert_element_type3A_109, %cond3A_110 : i32
      scf.if %cond3A_111 {
        %dma_wait3A_138 = arith.constant 0 : i32
        %dma_wait3A_139 = arith.constant 0 : i32
        %dma_wait3A_140 = tpu.memref_slice %arg6[%dma_wait3A_138, %dma_wait3A_139] : memref<10240x128xf32, #tpu.memory_space<vmem_shared>> -> memref<10240x128xf32, #tpu.memory_space<vmem_shared>>
        tpu.wait_indirect_dma semaphore(%arg17 : memref<!tpu.dma_semaphore, #tpu.memory_space<semaphore_mem>>) src(%arg11 : memref<128x128xf32, #tpu.memory_space<vmem>>) dst(%dma_wait3A_140 : memref<10240x128xf32, #tpu.memory_space<vmem_shared>>)
      } else {
      }
      %mul3A_112 = arith.constant 4 : i32
      %mul3A_113 = arith.muli %mul3A_112, %scan3A_37 : i32
      %add3A_114 = arith.constant 3 : i32
      %add3A_115 = arith.addi %mul3A_113, %add3A_114 : i32
      %add3A_116 = arith.addi %mul3A_6, %add3A_115 : i32
      %dma_wait3A_117 = arith.constant 0 : i32
      %dma_wait3A_118 = tpu.memref_slice %arg2[%add3A_116, %dma_wait3A_117] : memref<1280x128xi32, #tpu.memory_space<hbm>> -> memref<1x128xi32, #tpu.memory_space<hbm>>
      %dma_wait3A_119 = tpu.memref_squeeze %dma_wait3A_118 : memref<1x128xi32, #tpu.memory_space<hbm>> -> memref<128xi32, #tpu.memory_space<hbm>>
      %dma_wait3A_120 = arith.constant 0 : i32
      %dma_wait3A_121 = tpu.memref_slice %arg2[%add3A_116, %dma_wait3A_120] : memref<1280x128xi32, #tpu.memory_space<hbm>> -> memref<1x128xi32, #tpu.memory_space<hbm>>
      %dma_wait3A_122 = tpu.memref_squeeze %dma_wait3A_121 : memref<1x128xi32, #tpu.memory_space<hbm>> -> memref<128xi32, #tpu.memory_space<hbm>>
      tpu.wait_dma2 semaphore(%arg15 : memref<!tpu.dma_semaphore, #tpu.memory_space<semaphore_mem>>) src(%dma_wait3A_122 : memref<128xi32, #tpu.memory_space<hbm>>) dst(%arg10 : memref<128xi32, #tpu.memory_space<vmem>>)
      %dma_start3A_123 = arith.constant 0 : i32
      %dma_start3A_124 = arith.constant 0 : i32
      %dma_start3A_125 = tpu.memref_slice %arg6[%dma_start3A_123, %dma_start3A_124] : memref<10240x128xf32, #tpu.memory_space<vmem_shared>> -> memref<10240x128xf32, #tpu.memory_space<vmem_shared>>
      tpu.enqueue_indirect_dma source(%arg11 : memref<128x128xf32, #tpu.memory_space<vmem>>) target(%dma_start3A_125 : memref<10240x128xf32, #tpu.memory_space<vmem_shared>>) offsets(%arg10 : memref<128xi32, #tpu.memory_space<vmem>>) semaphore(%arg19 : memref<!tpu.dma_semaphore, #tpu.memory_space<semaphore_mem>>) {add = true}
      %add3A_126 = arith.constant 2 : i32
      %add3A_127 = arith.addi %add3A_115, %add3A_126 : i32
      %lt3A_128 = arith.constant 40 : i32
      %lt3A_129 = arith.cmpi slt, %add3A_127, %lt3A_128 : i32
      %convert_element_type3A_130 = arith.extui %lt3A_129 : i1 to i32
      %cond3A_131 = arith.constant 0 : i32
      %cond3A_132 = arith.cmpi ne, %convert_element_type3A_130, %cond3A_131 : i32
      scf.if %cond3A_132 {
        %add3A_138 = arith.constant 2 : i32
        %add3A_139 = arith.addi %add3A_115, %add3A_138 : i32
        %add3A_140 = arith.addi %mul3A_6, %add3A_139 : i32
        %dma_start3A_141 = arith.constant 0 : i32
        %dma_start3A_142 = tpu.memref_slice %arg2[%add3A_140, %dma_start3A_141] : memref<1280x128xi32, #tpu.memory_space<hbm>> -> memref<1x128xi32, #tpu.memory_space<hbm>>
        %dma_start3A_143 = tpu.memref_squeeze %dma_start3A_142 : memref<1x128xi32, #tpu.memory_space<hbm>> -> memref<128xi32, #tpu.memory_space<hbm>>
        %dma_start3A_144 = arith.constant 0 : i32
        %dma_start3A_145 = tpu.memref_slice %arg2[%add3A_140, %dma_start3A_144] : memref<1280x128xi32, #tpu.memory_space<hbm>> -> memref<1x128xi32, #tpu.memory_space<hbm>>
        %dma_start3A_146 = tpu.memref_squeeze %dma_start3A_145 : memref<1x128xi32, #tpu.memory_space<hbm>> -> memref<128xi32, #tpu.memory_space<hbm>>
        tpu.enqueue_dma source(%dma_start3A_146 : memref<128xi32, #tpu.memory_space<hbm>>) target(%arg8 : memref<128xi32, #tpu.memory_space<vmem>>) target_semaphore(%arg13 : memref<!tpu.dma_semaphore, #tpu.memory_space<semaphore_mem>>)
      } else {
      }
      %ge3A_133 = arith.constant 1 : i32
      %ge3A_134 = arith.cmpi sge, %add3A_115, %ge3A_133 : i32
      %convert_element_type3A_135 = arith.extui %ge3A_134 : i1 to i32
      %cond3A_136 = arith.constant 0 : i32
      %cond3A_137 = arith.cmpi ne, %convert_element_type3A_135, %cond3A_136 : i32
      scf.if %cond3A_137 {
        %dma_wait3A_138 = arith.constant 0 : i32
        %dma_wait3A_139 = arith.constant 0 : i32
        %dma_wait3A_140 = tpu.memref_slice %arg6[%dma_wait3A_138, %dma_wait3A_139] : memref<10240x128xf32, #tpu.memory_space<vmem_shared>> -> memref<10240x128xf32, #tpu.memory_space<vmem_shared>>
        tpu.wait_indirect_dma semaphore(%arg18 : memref<!tpu.dma_semaphore, #tpu.memory_space<semaphore_mem>>) src(%arg11 : memref<128x128xf32, #tpu.memory_space<vmem>>) dst(%dma_wait3A_140 : memref<10240x128xf32, #tpu.memory_space<vmem_shared>>)
      } else {
      }
    }
    %scan3A_26 = arith.constant 10 : i32
    %dma_wait3A = arith.constant 0 : i32
    %dma_wait3A_27 = arith.constant 0 : i32
    %dma_wait3A_28 = tpu.memref_slice %arg6[%dma_wait3A, %dma_wait3A_27] : memref<10240x128xf32, #tpu.memory_space<vmem_shared>> -> memref<10240x128xf32, #tpu.memory_space<vmem_shared>>
    tpu.wait_indirect_dma semaphore(%arg19 : memref<!tpu.dma_semaphore, #tpu.memory_space<semaphore_mem>>) src(%arg11 : memref<128x128xf32, #tpu.memory_space<vmem>>) dst(%dma_wait3A_28 : memref<10240x128xf32, #tpu.memory_space<vmem_shared>>)
    %barrier3A_29 = arith.constant 0 : index
    tpu.barrier barrier_id(%barrier3A_29)
    %mul3A_30 = arith.constant 640 : i32
    %mul3A_31 = arith.muli %arg1, %mul3A_30 : i32
    %mul3A_32 = arith.constant 10240 : i32
    %mul3A_33 = arith.muli %arg0, %mul3A_32 : i32
    %mul3A_34 = arith.constant 640 : i32
    %mul3A_35 = arith.muli %arg1, %mul3A_34 : i32
    %add3A_36 = arith.addi %mul3A_33, %mul3A_35 : i32
    "tpu.region"() ({
      %run_scoped3A = tpu.sem_alloc : memref<!tpu.dma_semaphore, #tpu.memory_space<semaphore_mem>>
      %dma_start3A_37 = arith.constant 0 : i32
      %dma_start3A_38 = tpu.memref_slice %arg5[%add3A_36, %dma_start3A_37] : memref<20480x128xf32, #tpu.memory_space<hbm>> -> memref<640x128xf32, #tpu.memory_space<hbm>>
      %dma_start3A_39 = arith.constant 0 : i32
      %dma_start3A_40 = tpu.memref_slice %arg6[%mul3A_31, %dma_start3A_39] : memref<10240x128xf32, #tpu.memory_space<vmem_shared>> -> memref<640x128xf32, #tpu.memory_space<vmem_shared>>
      tpu.enqueue_dma source(%dma_start3A_40 : memref<640x128xf32, #tpu.memory_space<vmem_shared>>) target(%dma_start3A_38 : memref<640x128xf32, #tpu.memory_space<hbm>>) target_semaphore(%run_scoped3A : memref<!tpu.dma_semaphore, #tpu.memory_space<semaphore_mem>>)
      %dma_wait3A_41 = arith.constant 0 : i32
      %dma_wait3A_42 = tpu.memref_slice %arg5[%add3A_36, %dma_wait3A_41] : memref<20480x128xf32, #tpu.memory_space<hbm>> -> memref<640x128xf32, #tpu.memory_space<hbm>>
      %dma_wait3A_43 = arith.constant 0 : i32
      %dma_wait3A_44 = tpu.memref_slice %arg6[%mul3A_31, %dma_wait3A_43] : memref<10240x128xf32, #tpu.memory_space<vmem_shared>> -> memref<640x128xf32, #tpu.memory_space<vmem_shared>>
      tpu.wait_dma2 semaphore(%run_scoped3A : memref<!tpu.dma_semaphore, #tpu.memory_space<semaphore_mem>>) src(%dma_wait3A_44 : memref<640x128xf32, #tpu.memory_space<vmem_shared>>) dst(%dma_wait3A_42 : memref<640x128xf32, #tpu.memory_space<hbm>>)
      tpu.yield
    }) : () -> ()
    return
  }
}

#map = affine_map<(d0, d1) -> (0, 0)>
#map1 = affine_map<(d0, d1) -> (0)>
module attributes {stable_mosaic.version = 14 : i64} {
  func.func @agg(%arg0: i32, %arg1: i32, %arg2: memref<20480x128xf32, #tpu.memory_space<hbm>>, %arg3: memref<20480x128xf32, #tpu.memory_space<hbm>>, %arg4: memref<163840xi32, #tpu.memory_space<hbm>>, %arg5: memref<163840xi32, #tpu.memory_space<hbm>>, %arg6: memref<2560x128xi32, #tpu.memory_space<hbm>>, %arg7: memref<20480x128xf32, #tpu.memory_space<hbm>>, %arg8: memref<10240x128xf32, #tpu.memory_space<vmem_shared>>, %arg9: memref<10240xi32, #tpu.memory_space<vmem>>, %arg10: memref<128xi32, #tpu.memory_space<vmem>>, %arg11: memref<128xi32, #tpu.memory_space<vmem>>, %arg12: memref<128xi32, #tpu.memory_space<vmem>>, %arg13: memref<128xi32, #tpu.memory_space<vmem>>, %arg14: memref<128x128xf32, #tpu.memory_space<vmem>>, %arg15: memref<128x128xf32, #tpu.memory_space<vmem>>, %arg16: memref<!tpu.dma_semaphore, #tpu.memory_space<semaphore_mem>>, %arg17: memref<!tpu.dma_semaphore, #tpu.memory_space<semaphore_mem>>, %arg18: memref<!tpu.dma_semaphore, #tpu.memory_space<semaphore_mem>>, %arg19: memref<!tpu.dma_semaphore, #tpu.memory_space<semaphore_mem>>, %arg20: memref<!tpu.dma_semaphore, #tpu.memory_space<semaphore_mem>>, %arg21: memref<!tpu.dma_semaphore, #tpu.memory_space<semaphore_mem>>, %arg22: memref<!tpu.dma_semaphore, #tpu.memory_space<semaphore_mem>>, %arg23: memref<!tpu.dma_semaphore, #tpu.memory_space<semaphore_mem>>) attributes {dimension_semantics = [#tpu.dimension_semantics<core_parallel>, #tpu.dimension_semantics<subcore_parallel>], iteration_bounds = array<i64: 2, 16>, scalar_prefetch = 0 : i64, scratch_operands = 16 : i64, tpu.core_type = #tpu.core_type<sc_vector_subcore>, window_params = [{transform_indices = #map}, {transform_indices = #map}, {transform_indices = #map1}, {transform_indices = #map1}, {transform_indices = #map}, {transform_indices = #map}]} {
    %mul3A = arith.constant 10240 : i32
    %mul3A_0 = arith.muli %arg0, %mul3A : i32
    %mul3A_1 = arith.constant 640 : i32
    %mul3A_2 = arith.muli %arg1, %mul3A_1 : i32
    %add3A = arith.addi %mul3A_0, %mul3A_2 : i32
    %mul3A_3 = arith.constant 640 : i32
    %mul3A_4 = arith.muli %arg1, %mul3A_3 : i32
    "tpu.region"() ({
      %run_scoped3A = tpu.sem_alloc : memref<!tpu.dma_semaphore, #tpu.memory_space<semaphore_mem>>
      %dma_start3A_55 = arith.constant 0 : i32
      %dma_start3A_56 = tpu.memref_slice %arg8[%mul3A_4, %dma_start3A_55] : memref<10240x128xf32, #tpu.memory_space<vmem_shared>> -> memref<640x128xf32, #tpu.memory_space<vmem_shared>>
      %dma_start3A_57 = arith.constant 0 : i32
      %dma_start3A_58 = tpu.memref_slice %arg3[%add3A, %dma_start3A_57] : memref<20480x128xf32, #tpu.memory_space<hbm>> -> memref<640x128xf32, #tpu.memory_space<hbm>>
      tpu.enqueue_dma source(%dma_start3A_58 : memref<640x128xf32, #tpu.memory_space<hbm>>) target(%dma_start3A_56 : memref<640x128xf32, #tpu.memory_space<vmem_shared>>) target_semaphore(%run_scoped3A : memref<!tpu.dma_semaphore, #tpu.memory_space<semaphore_mem>>)
      %dma_wait3A = arith.constant 0 : i32
      %dma_wait3A_59 = tpu.memref_slice %arg8[%mul3A_4, %dma_wait3A] : memref<10240x128xf32, #tpu.memory_space<vmem_shared>> -> memref<640x128xf32, #tpu.memory_space<vmem_shared>>
      %dma_wait3A_60 = arith.constant 0 : i32
      %dma_wait3A_61 = tpu.memref_slice %arg3[%add3A, %dma_wait3A_60] : memref<20480x128xf32, #tpu.memory_space<hbm>> -> memref<640x128xf32, #tpu.memory_space<hbm>>
      tpu.wait_dma2 semaphore(%run_scoped3A : memref<!tpu.dma_semaphore, #tpu.memory_space<semaphore_mem>>) src(%dma_wait3A_61 : memref<640x128xf32, #tpu.memory_space<hbm>>) dst(%dma_wait3A_59 : memref<640x128xf32, #tpu.memory_space<vmem_shared>>)
      tpu.yield
    }) : () -> ()
    %eq3A = arith.constant 0 : i32
    %eq3A_5 = arith.cmpi eq, %arg0, %eq3A : i32
    %convert_element_type3A = arith.extui %eq3A_5 : i1 to i32
    %cond3A = arith.constant 0 : i32
    %cond3A_6 = arith.cmpi ne, %convert_element_type3A, %cond3A : i32
    scf.if %cond3A_6 {
      %mul3A_55 = arith.constant 10240 : i32
      %mul3A_56 = arith.muli %arg1, %mul3A_55 : i32
      "tpu.region"() ({
        %run_scoped3A = tpu.sem_alloc : memref<!tpu.dma_semaphore, #tpu.memory_space<semaphore_mem>>
        %dma_start3A_57 = tpu.memref_slice %arg4[%mul3A_56] : memref<163840xi32, #tpu.memory_space<hbm>> -> memref<10240xi32, #tpu.memory_space<hbm>>
        %dma_start3A_58 = tpu.memref_slice %arg4[%mul3A_56] : memref<163840xi32, #tpu.memory_space<hbm>> -> memref<10240xi32, #tpu.memory_space<hbm>>
        tpu.enqueue_dma source(%dma_start3A_58 : memref<10240xi32, #tpu.memory_space<hbm>>) target(%arg9 : memref<10240xi32, #tpu.memory_space<vmem>>) target_semaphore(%run_scoped3A : memref<!tpu.dma_semaphore, #tpu.memory_space<semaphore_mem>>)
        %dma_wait3A = tpu.memref_slice %arg4[%mul3A_56] : memref<163840xi32, #tpu.memory_space<hbm>> -> memref<10240xi32, #tpu.memory_space<hbm>>
        %dma_wait3A_59 = tpu.memref_slice %arg4[%mul3A_56] : memref<163840xi32, #tpu.memory_space<hbm>> -> memref<10240xi32, #tpu.memory_space<hbm>>
        tpu.wait_dma2 semaphore(%run_scoped3A : memref<!tpu.dma_semaphore, #tpu.memory_space<semaphore_mem>>) src(%dma_wait3A_59 : memref<10240xi32, #tpu.memory_space<hbm>>) dst(%arg9 : memref<10240xi32, #tpu.memory_space<vmem>>)
        tpu.yield
      }) : () -> ()
    } else {
    }
    %eq3A_7 = arith.constant 1 : i32
    %eq3A_8 = arith.cmpi eq, %arg0, %eq3A_7 : i32
    %convert_element_type3A_9 = arith.extui %eq3A_8 : i1 to i32
    %cond3A_10 = arith.constant 0 : i32
    %cond3A_11 = arith.cmpi ne, %convert_element_type3A_9, %cond3A_10 : i32
    scf.if %cond3A_11 {
      %mul3A_55 = arith.constant 10240 : i32
      %mul3A_56 = arith.muli %arg1, %mul3A_55 : i32
      "tpu.region"() ({
        %run_scoped3A = tpu.sem_alloc : memref<!tpu.dma_semaphore, #tpu.memory_space<semaphore_mem>>
        %dma_start3A_57 = tpu.memref_slice %arg5[%mul3A_56] : memref<163840xi32, #tpu.memory_space<hbm>> -> memref<10240xi32, #tpu.memory_space<hbm>>
        %dma_start3A_58 = tpu.memref_slice %arg5[%mul3A_56] : memref<163840xi32, #tpu.memory_space<hbm>> -> memref<10240xi32, #tpu.memory_space<hbm>>
        tpu.enqueue_dma source(%dma_start3A_58 : memref<10240xi32, #tpu.memory_space<hbm>>) target(%arg9 : memref<10240xi32, #tpu.memory_space<vmem>>) target_semaphore(%run_scoped3A : memref<!tpu.dma_semaphore, #tpu.memory_space<semaphore_mem>>)
        %dma_wait3A = tpu.memref_slice %arg5[%mul3A_56] : memref<163840xi32, #tpu.memory_space<hbm>> -> memref<10240xi32, #tpu.memory_space<hbm>>
        %dma_wait3A_59 = tpu.memref_slice %arg5[%mul3A_56] : memref<163840xi32, #tpu.memory_space<hbm>> -> memref<10240xi32, #tpu.memory_space<hbm>>
        tpu.wait_dma2 semaphore(%run_scoped3A : memref<!tpu.dma_semaphore, #tpu.memory_space<semaphore_mem>>) src(%dma_wait3A_59 : memref<10240xi32, #tpu.memory_space<hbm>>) dst(%arg9 : memref<10240xi32, #tpu.memory_space<vmem>>)
        tpu.yield
      }) : () -> ()
    } else {
    }
    %barrier3A = arith.constant 0 : index
    tpu.barrier barrier_id(%barrier3A)
    %mul3A_12 = arith.constant 16 : i32
    %mul3A_13 = arith.muli %arg0, %mul3A_12 : i32
    %add3A_14 = arith.addi %mul3A_13, %arg1 : i32
    %mul3A_15 = arith.constant 80 : i32
    %mul3A_16 = arith.muli %add3A_14, %mul3A_15 : i32
    %add3A_17 = arith.constant 0 : i32
    %add3A_18 = arith.addi %mul3A_16, %add3A_17 : i32
    %dma_start3A = arith.constant 0 : i32
    %dma_start3A_19 = tpu.memref_slice %arg6[%add3A_18, %dma_start3A] : memref<2560x128xi32, #tpu.memory_space<hbm>> -> memref<1x128xi32, #tpu.memory_space<hbm>>
    %dma_start3A_20 = tpu.memref_squeeze %dma_start3A_19 : memref<1x128xi32, #tpu.memory_space<hbm>> -> memref<128xi32, #tpu.memory_space<hbm>>
    %dma_start3A_21 = arith.constant 0 : i32
    %dma_start3A_22 = tpu.memref_slice %arg6[%add3A_18, %dma_start3A_21] : memref<2560x128xi32, #tpu.memory_space<hbm>> -> memref<1x128xi32, #tpu.memory_space<hbm>>
    %dma_start3A_23 = tpu.memref_squeeze %dma_start3A_22 : memref<1x128xi32, #tpu.memory_space<hbm>> -> memref<128xi32, #tpu.memory_space<hbm>>
    tpu.enqueue_dma source(%dma_start3A_23 : memref<128xi32, #tpu.memory_space<hbm>>) target(%arg10 : memref<128xi32, #tpu.memory_space<vmem>>) target_semaphore(%arg20 : memref<!tpu.dma_semaphore, #tpu.memory_space<semaphore_mem>>)
    %add3A_24 = arith.constant 1 : i32
    %add3A_25 = arith.addi %mul3A_16, %add3A_24 : i32
    %dma_start3A_26 = arith.constant 0 : i32
    %dma_start3A_27 = tpu.memref_slice %arg6[%add3A_25, %dma_start3A_26] : memref<2560x128xi32, #tpu.memory_space<hbm>> -> memref<1x128xi32, #tpu.memory_space<hbm>>
    %dma_start3A_28 = tpu.memref_squeeze %dma_start3A_27 : memref<1x128xi32, #tpu.memory_space<hbm>> -> memref<128xi32, #tpu.memory_space<hbm>>
    %dma_start3A_29 = arith.constant 0 : i32
    %dma_start3A_30 = tpu.memref_slice %arg6[%add3A_25, %dma_start3A_29] : memref<2560x128xi32, #tpu.memory_space<hbm>> -> memref<1x128xi32, #tpu.memory_space<hbm>>
    %dma_start3A_31 = tpu.memref_squeeze %dma_start3A_30 : memref<1x128xi32, #tpu.memory_space<hbm>> -> memref<128xi32, #tpu.memory_space<hbm>>
    tpu.enqueue_dma source(%dma_start3A_31 : memref<128xi32, #tpu.memory_space<hbm>>) target(%arg11 : memref<128xi32, #tpu.memory_space<vmem>>) target_semaphore(%arg21 : memref<!tpu.dma_semaphore, #tpu.memory_space<semaphore_mem>>)
    %dma_start3A_32 = arith.constant 0 : i32
    %dma_start3A_33 = tpu.memref_slice %arg9[%dma_start3A_32] : memref<10240xi32, #tpu.memory_space<vmem>> -> memref<128xi32, #tpu.memory_space<vmem>>
    %dma_start3A_34 = arith.constant 0 : i32
    %dma_start3A_35 = arith.constant 0 : i32
    %dma_start3A_36 = tpu.memref_slice %arg2[%dma_start3A_34, %dma_start3A_35] : memref<20480x128xf32, #tpu.memory_space<hbm>> -> memref<20480x128xf32, #tpu.memory_space<hbm>>
    tpu.enqueue_indirect_dma source(%dma_start3A_36 : memref<20480x128xf32, #tpu.memory_space<hbm>>) target(%arg14 : memref<128x128xf32, #tpu.memory_space<vmem>>) offsets(%dma_start3A_33 : memref<128xi32, #tpu.memory_space<vmem>>) semaphore(%arg16 : memref<!tpu.dma_semaphore, #tpu.memory_space<semaphore_mem>>)
    %dma_start3A_37 = arith.constant 128 : i32
    %dma_start3A_38 = tpu.memref_slice %arg9[%dma_start3A_37] : memref<10240xi32, #tpu.memory_space<vmem>> -> memref<128xi32, #tpu.memory_space<vmem>>
    %dma_start3A_39 = arith.constant 0 : i32
    %dma_start3A_40 = arith.constant 0 : i32
    %dma_start3A_41 = tpu.memref_slice %arg2[%dma_start3A_39, %dma_start3A_40] : memref<20480x128xf32, #tpu.memory_space<hbm>> -> memref<20480x128xf32, #tpu.memory_space<hbm>>
    tpu.enqueue_indirect_dma source(%dma_start3A_41 : memref<20480x128xf32, #tpu.memory_space<hbm>>) target(%arg15 : memref<128x128xf32, #tpu.memory_space<vmem>>) offsets(%dma_start3A_38 : memref<128xi32, #tpu.memory_space<vmem>>) semaphore(%arg17 : memref<!tpu.dma_semaphore, #tpu.memory_space<semaphore_mem>>)
    %scan3A = arith.constant 0 : i32
    %scan3A_42 = arith.constant 0 : i32
    %scan3A_43 = arith.constant 20 : i32
    %scan3A_44 = arith.addi %scan3A_42, %scan3A_43 : i32
    %scan3A_45 = arith.constant 1 : i32
    scf.for %scan3A_55 = %scan3A_42 to %scan3A_44 step %scan3A_45  : i32 {
      %mul3A_56 = arith.constant 4 : i32
      %mul3A_57 = arith.muli %mul3A_56, %scan3A_55 : i32
      %add3A_58 = arith.constant 0 : i32
      %add3A_59 = arith.addi %mul3A_57, %add3A_58 : i32
      %mul3A_60 = arith.constant 128 : i32
      %mul3A_61 = arith.muli %add3A_59, %mul3A_60 : i32
      %dma_wait3A = tpu.memref_slice %arg9[%mul3A_61] : memref<10240xi32, #tpu.memory_space<vmem>> -> memref<128xi32, #tpu.memory_space<vmem>>
      %dma_wait3A_62 = arith.constant 0 : i32
      %dma_wait3A_63 = arith.constant 0 : i32
      %dma_wait3A_64 = tpu.memref_slice %arg2[%dma_wait3A_62, %dma_wait3A_63] : memref<20480x128xf32, #tpu.memory_space<hbm>> -> memref<20480x128xf32, #tpu.memory_space<hbm>>
      tpu.wait_indirect_dma semaphore(%arg16 : memref<!tpu.dma_semaphore, #tpu.memory_space<semaphore_mem>>) src(%dma_wait3A_64 : memref<20480x128xf32, #tpu.memory_space<hbm>>) dst(%arg14 : memref<128x128xf32, #tpu.memory_space<vmem>>)
      %add3A_65 = arith.addi %mul3A_16, %add3A_59 : i32
      %dma_wait3A_66 = arith.constant 0 : i32
      %dma_wait3A_67 = tpu.memref_slice %arg6[%add3A_65, %dma_wait3A_66] : memref<2560x128xi32, #tpu.memory_space<hbm>> -> memref<1x128xi32, #tpu.memory_space<hbm>>
      %dma_wait3A_68 = tpu.memref_squeeze %dma_wait3A_67 : memref<1x128xi32, #tpu.memory_space<hbm>> -> memref<128xi32, #tpu.memory_space<hbm>>
      %dma_wait3A_69 = arith.constant 0 : i32
      %dma_wait3A_70 = tpu.memref_slice %arg6[%add3A_65, %dma_wait3A_69] : memref<2560x128xi32, #tpu.memory_space<hbm>> -> memref<1x128xi32, #tpu.memory_space<hbm>>
      %dma_wait3A_71 = tpu.memref_squeeze %dma_wait3A_70 : memref<1x128xi32, #tpu.memory_space<hbm>> -> memref<128xi32, #tpu.memory_space<hbm>>
      tpu.wait_dma2 semaphore(%arg20 : memref<!tpu.dma_semaphore, #tpu.memory_space<semaphore_mem>>) src(%dma_wait3A_71 : memref<128xi32, #tpu.memory_space<hbm>>) dst(%arg10 : memref<128xi32, #tpu.memory_space<vmem>>)
      %dma_start3A_72 = arith.constant 0 : i32
      %dma_start3A_73 = arith.constant 0 : i32
      %dma_start3A_74 = tpu.memref_slice %arg8[%dma_start3A_72, %dma_start3A_73] : memref<10240x128xf32, #tpu.memory_space<vmem_shared>> -> memref<10240x128xf32, #tpu.memory_space<vmem_shared>>
      tpu.enqueue_indirect_dma source(%arg14 : memref<128x128xf32, #tpu.memory_space<vmem>>) target(%dma_start3A_74 : memref<10240x128xf32, #tpu.memory_space<vmem_shared>>) offsets(%arg10 : memref<128xi32, #tpu.memory_space<vmem>>) semaphore(%arg18 : memref<!tpu.dma_semaphore, #tpu.memory_space<semaphore_mem>>) {add = true}
      %add3A_75 = arith.constant 2 : i32
      %add3A_76 = arith.addi %add3A_59, %add3A_75 : i32
      %lt3A = arith.constant 80 : i32
      %lt3A_77 = arith.cmpi slt, %add3A_76, %lt3A : i32
      %convert_element_type3A_78 = arith.extui %lt3A_77 : i1 to i32
      %cond3A_79 = arith.constant 0 : i32
      %cond3A_80 = arith.cmpi ne, %convert_element_type3A_78, %cond3A_79 : i32
      scf.if %cond3A_80 {
        %add3A_202 = arith.constant 2 : i32
        %add3A_203 = arith.addi %add3A_59, %add3A_202 : i32
        %add3A_204 = arith.addi %mul3A_16, %add3A_203 : i32
        %dma_start3A_205 = arith.constant 0 : i32
        %dma_start3A_206 = tpu.memref_slice %arg6[%add3A_204, %dma_start3A_205] : memref<2560x128xi32, #tpu.memory_space<hbm>> -> memref<1x128xi32, #tpu.memory_space<hbm>>
        %dma_start3A_207 = tpu.memref_squeeze %dma_start3A_206 : memref<1x128xi32, #tpu.memory_space<hbm>> -> memref<128xi32, #tpu.memory_space<hbm>>
        %dma_start3A_208 = arith.constant 0 : i32
        %dma_start3A_209 = tpu.memref_slice %arg6[%add3A_204, %dma_start3A_208] : memref<2560x128xi32, #tpu.memory_space<hbm>> -> memref<1x128xi32, #tpu.memory_space<hbm>>
        %dma_start3A_210 = tpu.memref_squeeze %dma_start3A_209 : memref<1x128xi32, #tpu.memory_space<hbm>> -> memref<128xi32, #tpu.memory_space<hbm>>
        tpu.enqueue_dma source(%dma_start3A_210 : memref<128xi32, #tpu.memory_space<hbm>>) target(%arg12 : memref<128xi32, #tpu.memory_space<vmem>>) target_semaphore(%arg22 : memref<!tpu.dma_semaphore, #tpu.memory_space<semaphore_mem>>)
      } else {
      }
      %dma_wait3A_81 = arith.constant 0 : i32
      %dma_wait3A_82 = arith.constant 0 : i32
      %dma_wait3A_83 = tpu.memref_slice %arg8[%dma_wait3A_81, %dma_wait3A_82] : memref<10240x128xf32, #tpu.memory_space<vmem_shared>> -> memref<10240x128xf32, #tpu.memory_space<vmem_shared>>
      tpu.wait_indirect_dma semaphore(%arg18 : memref<!tpu.dma_semaphore, #tpu.memory_space<semaphore_mem>>) src(%arg14 : memref<128x128xf32, #tpu.memory_space<vmem>>) dst(%dma_wait3A_83 : memref<10240x128xf32, #tpu.memory_space<vmem_shared>>)
      %add3A_84 = arith.constant 2 : i32
      %add3A_85 = arith.addi %add3A_59, %add3A_84 : i32
      %lt3A_86 = arith.constant 80 : i32
      %lt3A_87 = arith.cmpi slt, %add3A_85, %lt3A_86 : i32
      %convert_element_type3A_88 = arith.extui %lt3A_87 : i1 to i32
      %cond3A_89 = arith.constant 0 : i32
      %cond3A_90 = arith.cmpi ne, %convert_element_type3A_88, %cond3A_89 : i32
      scf.if %cond3A_90 {
        %add3A_202 = arith.constant 2 : i32
        %add3A_203 = arith.addi %add3A_59, %add3A_202 : i32
        %mul3A_204 = arith.constant 128 : i32
        %mul3A_205 = arith.muli %add3A_203, %mul3A_204 : i32
        %dma_start3A_206 = tpu.memref_slice %arg9[%mul3A_205] : memref<10240xi32, #tpu.memory_space<vmem>> -> memref<128xi32, #tpu.memory_space<vmem>>
        %dma_start3A_207 = arith.constant 0 : i32
        %dma_start3A_208 = arith.constant 0 : i32
        %dma_start3A_209 = tpu.memref_slice %arg2[%dma_start3A_207, %dma_start3A_208] : memref<20480x128xf32, #tpu.memory_space<hbm>> -> memref<20480x128xf32, #tpu.memory_space<hbm>>
        tpu.enqueue_indirect_dma source(%dma_start3A_209 : memref<20480x128xf32, #tpu.memory_space<hbm>>) target(%arg14 : memref<128x128xf32, #tpu.memory_space<vmem>>) offsets(%dma_start3A_206 : memref<128xi32, #tpu.memory_space<vmem>>) semaphore(%arg16 : memref<!tpu.dma_semaphore, #tpu.memory_space<semaphore_mem>>)
      } else {
      }
      %mul3A_91 = arith.constant 4 : i32
      %mul3A_92 = arith.muli %mul3A_91, %scan3A_55 : i32
      %add3A_93 = arith.constant 1 : i32
      %add3A_94 = arith.addi %mul3A_92, %add3A_93 : i32
      %mul3A_95 = arith.constant 128 : i32
      %mul3A_96 = arith.muli %add3A_94, %mul3A_95 : i32
      %dma_wait3A_97 = tpu.memref_slice %arg9[%mul3A_96] : memref<10240xi32, #tpu.memory_space<vmem>> -> memref<128xi32, #tpu.memory_space<vmem>>
      %dma_wait3A_98 = arith.constant 0 : i32
      %dma_wait3A_99 = arith.constant 0 : i32
      %dma_wait3A_100 = tpu.memref_slice %arg2[%dma_wait3A_98, %dma_wait3A_99] : memref<20480x128xf32, #tpu.memory_space<hbm>> -> memref<20480x128xf32, #tpu.memory_space<hbm>>
      tpu.wait_indirect_dma semaphore(%arg17 : memref<!tpu.dma_semaphore, #tpu.memory_space<semaphore_mem>>) src(%dma_wait3A_100 : memref<20480x128xf32, #tpu.memory_space<hbm>>) dst(%arg15 : memref<128x128xf32, #tpu.memory_space<vmem>>)
      %add3A_101 = arith.addi %mul3A_16, %add3A_94 : i32
      %dma_wait3A_102 = arith.constant 0 : i32
      %dma_wait3A_103 = tpu.memref_slice %arg6[%add3A_101, %dma_wait3A_102] : memref<2560x128xi32, #tpu.memory_space<hbm>> -> memref<1x128xi32, #tpu.memory_space<hbm>>
      %dma_wait3A_104 = tpu.memref_squeeze %dma_wait3A_103 : memref<1x128xi32, #tpu.memory_space<hbm>> -> memref<128xi32, #tpu.memory_space<hbm>>
      %dma_wait3A_105 = arith.constant 0 : i32
      %dma_wait3A_106 = tpu.memref_slice %arg6[%add3A_101, %dma_wait3A_105] : memref<2560x128xi32, #tpu.memory_space<hbm>> -> memref<1x128xi32, #tpu.memory_space<hbm>>
      %dma_wait3A_107 = tpu.memref_squeeze %dma_wait3A_106 : memref<1x128xi32, #tpu.memory_space<hbm>> -> memref<128xi32, #tpu.memory_space<hbm>>
      tpu.wait_dma2 semaphore(%arg21 : memref<!tpu.dma_semaphore, #tpu.memory_space<semaphore_mem>>) src(%dma_wait3A_107 : memref<128xi32, #tpu.memory_space<hbm>>) dst(%arg11 : memref<128xi32, #tpu.memory_space<vmem>>)
      %dma_start3A_108 = arith.constant 0 : i32
      %dma_start3A_109 = arith.constant 0 : i32
      %dma_start3A_110 = tpu.memref_slice %arg8[%dma_start3A_108, %dma_start3A_109] : memref<10240x128xf32, #tpu.memory_space<vmem_shared>> -> memref<10240x128xf32, #tpu.memory_space<vmem_shared>>
      tpu.enqueue_indirect_dma source(%arg15 : memref<128x128xf32, #tpu.memory_space<vmem>>) target(%dma_start3A_110 : memref<10240x128xf32, #tpu.memory_space<vmem_shared>>) offsets(%arg11 : memref<128xi32, #tpu.memory_space<vmem>>) semaphore(%arg19 : memref<!tpu.dma_semaphore, #tpu.memory_space<semaphore_mem>>) {add = true}
      %add3A_111 = arith.constant 2 : i32
      %add3A_112 = arith.addi %add3A_94, %add3A_111 : i32
      %lt3A_113 = arith.constant 80 : i32
      %lt3A_114 = arith.cmpi slt, %add3A_112, %lt3A_113 : i32
      %convert_element_type3A_115 = arith.extui %lt3A_114 : i1 to i32
      %cond3A_116 = arith.constant 0 : i32
      %cond3A_117 = arith.cmpi ne, %convert_element_type3A_115, %cond3A_116 : i32
      scf.if %cond3A_117 {
        %add3A_202 = arith.constant 2 : i32
        %add3A_203 = arith.addi %add3A_94, %add3A_202 : i32
        %add3A_204 = arith.addi %mul3A_16, %add3A_203 : i32
        %dma_start3A_205 = arith.constant 0 : i32
        %dma_start3A_206 = tpu.memref_slice %arg6[%add3A_204, %dma_start3A_205] : memref<2560x128xi32, #tpu.memory_space<hbm>> -> memref<1x128xi32, #tpu.memory_space<hbm>>
        %dma_start3A_207 = tpu.memref_squeeze %dma_start3A_206 : memref<1x128xi32, #tpu.memory_space<hbm>> -> memref<128xi32, #tpu.memory_space<hbm>>
        %dma_start3A_208 = arith.constant 0 : i32
        %dma_start3A_209 = tpu.memref_slice %arg6[%add3A_204, %dma_start3A_208] : memref<2560x128xi32, #tpu.memory_space<hbm>> -> memref<1x128xi32, #tpu.memory_space<hbm>>
        %dma_start3A_210 = tpu.memref_squeeze %dma_start3A_209 : memref<1x128xi32, #tpu.memory_space<hbm>> -> memref<128xi32, #tpu.memory_space<hbm>>
        tpu.enqueue_dma source(%dma_start3A_210 : memref<128xi32, #tpu.memory_space<hbm>>) target(%arg13 : memref<128xi32, #tpu.memory_space<vmem>>) target_semaphore(%arg23 : memref<!tpu.dma_semaphore, #tpu.memory_space<semaphore_mem>>)
      } else {
      }
      %dma_wait3A_118 = arith.constant 0 : i32
      %dma_wait3A_119 = arith.constant 0 : i32
      %dma_wait3A_120 = tpu.memref_slice %arg8[%dma_wait3A_118, %dma_wait3A_119] : memref<10240x128xf32, #tpu.memory_space<vmem_shared>> -> memref<10240x128xf32, #tpu.memory_space<vmem_shared>>
      tpu.wait_indirect_dma semaphore(%arg19 : memref<!tpu.dma_semaphore, #tpu.memory_space<semaphore_mem>>) src(%arg15 : memref<128x128xf32, #tpu.memory_space<vmem>>) dst(%dma_wait3A_120 : memref<10240x128xf32, #tpu.memory_space<vmem_shared>>)
      %add3A_121 = arith.constant 2 : i32
      %add3A_122 = arith.addi %add3A_94, %add3A_121 : i32
      %lt3A_123 = arith.constant 80 : i32
      %lt3A_124 = arith.cmpi slt, %add3A_122, %lt3A_123 : i32
      %convert_element_type3A_125 = arith.extui %lt3A_124 : i1 to i32
      %cond3A_126 = arith.constant 0 : i32
      %cond3A_127 = arith.cmpi ne, %convert_element_type3A_125, %cond3A_126 : i32
      scf.if %cond3A_127 {
        %add3A_202 = arith.constant 2 : i32
        %add3A_203 = arith.addi %add3A_94, %add3A_202 : i32
        %mul3A_204 = arith.constant 128 : i32
        %mul3A_205 = arith.muli %add3A_203, %mul3A_204 : i32
        %dma_start3A_206 = tpu.memref_slice %arg9[%mul3A_205] : memref<10240xi32, #tpu.memory_space<vmem>> -> memref<128xi32, #tpu.memory_space<vmem>>
        %dma_start3A_207 = arith.constant 0 : i32
        %dma_start3A_208 = arith.constant 0 : i32
        %dma_start3A_209 = tpu.memref_slice %arg2[%dma_start3A_207, %dma_start3A_208] : memref<20480x128xf32, #tpu.memory_space<hbm>> -> memref<20480x128xf32, #tpu.memory_space<hbm>>
        tpu.enqueue_indirect_dma source(%dma_start3A_209 : memref<20480x128xf32, #tpu.memory_space<hbm>>) target(%arg15 : memref<128x128xf32, #tpu.memory_space<vmem>>) offsets(%dma_start3A_206 : memref<128xi32, #tpu.memory_space<vmem>>) semaphore(%arg17 : memref<!tpu.dma_semaphore, #tpu.memory_space<semaphore_mem>>)
      } else {
      }
      %mul3A_128 = arith.constant 4 : i32
      %mul3A_129 = arith.muli %mul3A_128, %scan3A_55 : i32
      %add3A_130 = arith.constant 2 : i32
      %add3A_131 = arith.addi %mul3A_129, %add3A_130 : i32
      %mul3A_132 = arith.constant 128 : i32
      %mul3A_133 = arith.muli %add3A_131, %mul3A_132 : i32
      %dma_wait3A_134 = tpu.memref_slice %arg9[%mul3A_133] : memref<10240xi32, #tpu.memory_space<vmem>> -> memref<128xi32, #tpu.memory_space<vmem>>
      %dma_wait3A_135 = arith.constant 0 : i32
      %dma_wait3A_136 = arith.constant 0 : i32
      %dma_wait3A_137 = tpu.memref_slice %arg2[%dma_wait3A_135, %dma_wait3A_136] : memref<20480x128xf32, #tpu.memory_space<hbm>> -> memref<20480x128xf32, #tpu.memory_space<hbm>>
      tpu.wait_indirect_dma semaphore(%arg16 : memref<!tpu.dma_semaphore, #tpu.memory_space<semaphore_mem>>) src(%dma_wait3A_137 : memref<20480x128xf32, #tpu.memory_space<hbm>>) dst(%arg14 : memref<128x128xf32, #tpu.memory_space<vmem>>)
      %add3A_138 = arith.addi %mul3A_16, %add3A_131 : i32
      %dma_wait3A_139 = arith.constant 0 : i32
      %dma_wait3A_140 = tpu.memref_slice %arg6[%add3A_138, %dma_wait3A_139] : memref<2560x128xi32, #tpu.memory_space<hbm>> -> memref<1x128xi32, #tpu.memory_space<hbm>>
      %dma_wait3A_141 = tpu.memref_squeeze %dma_wait3A_140 : memref<1x128xi32, #tpu.memory_space<hbm>> -> memref<128xi32, #tpu.memory_space<hbm>>
      %dma_wait3A_142 = arith.constant 0 : i32
      %dma_wait3A_143 = tpu.memref_slice %arg6[%add3A_138, %dma_wait3A_142] : memref<2560x128xi32, #tpu.memory_space<hbm>> -> memref<1x128xi32, #tpu.memory_space<hbm>>
      %dma_wait3A_144 = tpu.memref_squeeze %dma_wait3A_143 : memref<1x128xi32, #tpu.memory_space<hbm>> -> memref<128xi32, #tpu.memory_space<hbm>>
      tpu.wait_dma2 semaphore(%arg22 : memref<!tpu.dma_semaphore, #tpu.memory_space<semaphore_mem>>) src(%dma_wait3A_144 : memref<128xi32, #tpu.memory_space<hbm>>) dst(%arg12 : memref<128xi32, #tpu.memory_space<vmem>>)
      %dma_start3A_145 = arith.constant 0 : i32
      %dma_start3A_146 = arith.constant 0 : i32
      %dma_start3A_147 = tpu.memref_slice %arg8[%dma_start3A_145, %dma_start3A_146] : memref<10240x128xf32, #tpu.memory_space<vmem_shared>> -> memref<10240x128xf32, #tpu.memory_space<vmem_shared>>
      tpu.enqueue_indirect_dma source(%arg14 : memref<128x128xf32, #tpu.memory_space<vmem>>) target(%dma_start3A_147 : memref<10240x128xf32, #tpu.memory_space<vmem_shared>>) offsets(%arg12 : memref<128xi32, #tpu.memory_space<vmem>>) semaphore(%arg18 : memref<!tpu.dma_semaphore, #tpu.memory_space<semaphore_mem>>) {add = true}
      %add3A_148 = arith.constant 2 : i32
      %add3A_149 = arith.addi %add3A_131, %add3A_148 : i32
      %lt3A_150 = arith.constant 80 : i32
      %lt3A_151 = arith.cmpi slt, %add3A_149, %lt3A_150 : i32
      %convert_element_type3A_152 = arith.extui %lt3A_151 : i1 to i32
      %cond3A_153 = arith.constant 0 : i32
      %cond3A_154 = arith.cmpi ne, %convert_element_type3A_152, %cond3A_153 : i32
      scf.if %cond3A_154 {
        %add3A_202 = arith.constant 2 : i32
        %add3A_203 = arith.addi %add3A_131, %add3A_202 : i32
        %add3A_204 = arith.addi %mul3A_16, %add3A_203 : i32
        %dma_start3A_205 = arith.constant 0 : i32
        %dma_start3A_206 = tpu.memref_slice %arg6[%add3A_204, %dma_start3A_205] : memref<2560x128xi32, #tpu.memory_space<hbm>> -> memref<1x128xi32, #tpu.memory_space<hbm>>
        %dma_start3A_207 = tpu.memref_squeeze %dma_start3A_206 : memref<1x128xi32, #tpu.memory_space<hbm>> -> memref<128xi32, #tpu.memory_space<hbm>>
        %dma_start3A_208 = arith.constant 0 : i32
        %dma_start3A_209 = tpu.memref_slice %arg6[%add3A_204, %dma_start3A_208] : memref<2560x128xi32, #tpu.memory_space<hbm>> -> memref<1x128xi32, #tpu.memory_space<hbm>>
        %dma_start3A_210 = tpu.memref_squeeze %dma_start3A_209 : memref<1x128xi32, #tpu.memory_space<hbm>> -> memref<128xi32, #tpu.memory_space<hbm>>
        tpu.enqueue_dma source(%dma_start3A_210 : memref<128xi32, #tpu.memory_space<hbm>>) target(%arg10 : memref<128xi32, #tpu.memory_space<vmem>>) target_semaphore(%arg20 : memref<!tpu.dma_semaphore, #tpu.memory_space<semaphore_mem>>)
      } else {
      }
      %dma_wait3A_155 = arith.constant 0 : i32
      %dma_wait3A_156 = arith.constant 0 : i32
      %dma_wait3A_157 = tpu.memref_slice %arg8[%dma_wait3A_155, %dma_wait3A_156] : memref<10240x128xf32, #tpu.memory_space<vmem_shared>> -> memref<10240x128xf32, #tpu.memory_space<vmem_shared>>
      tpu.wait_indirect_dma semaphore(%arg18 : memref<!tpu.dma_semaphore, #tpu.memory_space<semaphore_mem>>) src(%arg14 : memref<128x128xf32, #tpu.memory_space<vmem>>) dst(%dma_wait3A_157 : memref<10240x128xf32, #tpu.memory_space<vmem_shared>>)
      %add3A_158 = arith.constant 2 : i32
      %add3A_159 = arith.addi %add3A_131, %add3A_158 : i32
      %lt3A_160 = arith.constant 80 : i32
      %lt3A_161 = arith.cmpi slt, %add3A_159, %lt3A_160 : i32
      %convert_element_type3A_162 = arith.extui %lt3A_161 : i1 to i32
      %cond3A_163 = arith.constant 0 : i32
      %cond3A_164 = arith.cmpi ne, %convert_element_type3A_162, %cond3A_163 : i32
      scf.if %cond3A_164 {
        %add3A_202 = arith.constant 2 : i32
        %add3A_203 = arith.addi %add3A_131, %add3A_202 : i32
        %mul3A_204 = arith.constant 128 : i32
        %mul3A_205 = arith.muli %add3A_203, %mul3A_204 : i32
        %dma_start3A_206 = tpu.memref_slice %arg9[%mul3A_205] : memref<10240xi32, #tpu.memory_space<vmem>> -> memref<128xi32, #tpu.memory_space<vmem>>
        %dma_start3A_207 = arith.constant 0 : i32
        %dma_start3A_208 = arith.constant 0 : i32
        %dma_start3A_209 = tpu.memref_slice %arg2[%dma_start3A_207, %dma_start3A_208] : memref<20480x128xf32, #tpu.memory_space<hbm>> -> memref<20480x128xf32, #tpu.memory_space<hbm>>
        tpu.enqueue_indirect_dma source(%dma_start3A_209 : memref<20480x128xf32, #tpu.memory_space<hbm>>) target(%arg14 : memref<128x128xf32, #tpu.memory_space<vmem>>) offsets(%dma_start3A_206 : memref<128xi32, #tpu.memory_space<vmem>>) semaphore(%arg16 : memref<!tpu.dma_semaphore, #tpu.memory_space<semaphore_mem>>)
      } else {
      }
      %mul3A_165 = arith.constant 4 : i32
      %mul3A_166 = arith.muli %mul3A_165, %scan3A_55 : i32
      %add3A_167 = arith.constant 3 : i32
      %add3A_168 = arith.addi %mul3A_166, %add3A_167 : i32
      %mul3A_169 = arith.constant 128 : i32
      %mul3A_170 = arith.muli %add3A_168, %mul3A_169 : i32
      %dma_wait3A_171 = tpu.memref_slice %arg9[%mul3A_170] : memref<10240xi32, #tpu.memory_space<vmem>> -> memref<128xi32, #tpu.memory_space<vmem>>
      %dma_wait3A_172 = arith.constant 0 : i32
      %dma_wait3A_173 = arith.constant 0 : i32
      %dma_wait3A_174 = tpu.memref_slice %arg2[%dma_wait3A_172, %dma_wait3A_173] : memref<20480x128xf32, #tpu.memory_space<hbm>> -> memref<20480x128xf32, #tpu.memory_space<hbm>>
      tpu.wait_indirect_dma semaphore(%arg17 : memref<!tpu.dma_semaphore, #tpu.memory_space<semaphore_mem>>) src(%dma_wait3A_174 : memref<20480x128xf32, #tpu.memory_space<hbm>>) dst(%arg15 : memref<128x128xf32, #tpu.memory_space<vmem>>)
      %add3A_175 = arith.addi %mul3A_16, %add3A_168 : i32
      %dma_wait3A_176 = arith.constant 0 : i32
      %dma_wait3A_177 = tpu.memref_slice %arg6[%add3A_175, %dma_wait3A_176] : memref<2560x128xi32, #tpu.memory_space<hbm>> -> memref<1x128xi32, #tpu.memory_space<hbm>>
      %dma_wait3A_178 = tpu.memref_squeeze %dma_wait3A_177 : memref<1x128xi32, #tpu.memory_space<hbm>> -> memref<128xi32, #tpu.memory_space<hbm>>
      %dma_wait3A_179 = arith.constant 0 : i32
      %dma_wait3A_180 = tpu.memref_slice %arg6[%add3A_175, %dma_wait3A_179] : memref<2560x128xi32, #tpu.memory_space<hbm>> -> memref<1x128xi32, #tpu.memory_space<hbm>>
      %dma_wait3A_181 = tpu.memref_squeeze %dma_wait3A_180 : memref<1x128xi32, #tpu.memory_space<hbm>> -> memref<128xi32, #tpu.memory_space<hbm>>
      tpu.wait_dma2 semaphore(%arg23 : memref<!tpu.dma_semaphore, #tpu.memory_space<semaphore_mem>>) src(%dma_wait3A_181 : memref<128xi32, #tpu.memory_space<hbm>>) dst(%arg13 : memref<128xi32, #tpu.memory_space<vmem>>)
      %dma_start3A_182 = arith.constant 0 : i32
      %dma_start3A_183 = arith.constant 0 : i32
      %dma_start3A_184 = tpu.memref_slice %arg8[%dma_start3A_182, %dma_start3A_183] : memref<10240x128xf32, #tpu.memory_space<vmem_shared>> -> memref<10240x128xf32, #tpu.memory_space<vmem_shared>>
      tpu.enqueue_indirect_dma source(%arg15 : memref<128x128xf32, #tpu.memory_space<vmem>>) target(%dma_start3A_184 : memref<10240x128xf32, #tpu.memory_space<vmem_shared>>) offsets(%arg13 : memref<128xi32, #tpu.memory_space<vmem>>) semaphore(%arg19 : memref<!tpu.dma_semaphore, #tpu.memory_space<semaphore_mem>>) {add = true}
      %add3A_185 = arith.constant 2 : i32
      %add3A_186 = arith.addi %add3A_168, %add3A_185 : i32
      %lt3A_187 = arith.constant 80 : i32
      %lt3A_188 = arith.cmpi slt, %add3A_186, %lt3A_187 : i32
      %convert_element_type3A_189 = arith.extui %lt3A_188 : i1 to i32
      %cond3A_190 = arith.constant 0 : i32
      %cond3A_191 = arith.cmpi ne, %convert_element_type3A_189, %cond3A_190 : i32
      scf.if %cond3A_191 {
        %add3A_202 = arith.constant 2 : i32
        %add3A_203 = arith.addi %add3A_168, %add3A_202 : i32
        %add3A_204 = arith.addi %mul3A_16, %add3A_203 : i32
        %dma_start3A_205 = arith.constant 0 : i32
        %dma_start3A_206 = tpu.memref_slice %arg6[%add3A_204, %dma_start3A_205] : memref<2560x128xi32, #tpu.memory_space<hbm>> -> memref<1x128xi32, #tpu.memory_space<hbm>>
        %dma_start3A_207 = tpu.memref_squeeze %dma_start3A_206 : memref<1x128xi32, #tpu.memory_space<hbm>> -> memref<128xi32, #tpu.memory_space<hbm>>
        %dma_start3A_208 = arith.constant 0 : i32
        %dma_start3A_209 = tpu.memref_slice %arg6[%add3A_204, %dma_start3A_208] : memref<2560x128xi32, #tpu.memory_space<hbm>> -> memref<1x128xi32, #tpu.memory_space<hbm>>
        %dma_start3A_210 = tpu.memref_squeeze %dma_start3A_209 : memref<1x128xi32, #tpu.memory_space<hbm>> -> memref<128xi32, #tpu.memory_space<hbm>>
        tpu.enqueue_dma source(%dma_start3A_210 : memref<128xi32, #tpu.memory_space<hbm>>) target(%arg11 : memref<128xi32, #tpu.memory_space<vmem>>) target_semaphore(%arg21 : memref<!tpu.dma_semaphore, #tpu.memory_space<semaphore_mem>>)
      } else {
      }
      %dma_wait3A_192 = arith.constant 0 : i32
      %dma_wait3A_193 = arith.constant 0 : i32
      %dma_wait3A_194 = tpu.memref_slice %arg8[%dma_wait3A_192, %dma_wait3A_193] : memref<10240x128xf32, #tpu.memory_space<vmem_shared>> -> memref<10240x128xf32, #tpu.memory_space<vmem_shared>>
      tpu.wait_indirect_dma semaphore(%arg19 : memref<!tpu.dma_semaphore, #tpu.memory_space<semaphore_mem>>) src(%arg15 : memref<128x128xf32, #tpu.memory_space<vmem>>) dst(%dma_wait3A_194 : memref<10240x128xf32, #tpu.memory_space<vmem_shared>>)
      %add3A_195 = arith.constant 2 : i32
      %add3A_196 = arith.addi %add3A_168, %add3A_195 : i32
      %lt3A_197 = arith.constant 80 : i32
      %lt3A_198 = arith.cmpi slt, %add3A_196, %lt3A_197 : i32
      %convert_element_type3A_199 = arith.extui %lt3A_198 : i1 to i32
      %cond3A_200 = arith.constant 0 : i32
      %cond3A_201 = arith.cmpi ne, %convert_element_type3A_199, %cond3A_200 : i32
      scf.if %cond3A_201 {
        %add3A_202 = arith.constant 2 : i32
        %add3A_203 = arith.addi %add3A_168, %add3A_202 : i32
        %mul3A_204 = arith.constant 128 : i32
        %mul3A_205 = arith.muli %add3A_203, %mul3A_204 : i32
        %dma_start3A_206 = tpu.memref_slice %arg9[%mul3A_205] : memref<10240xi32, #tpu.memory_space<vmem>> -> memref<128xi32, #tpu.memory_space<vmem>>
        %dma_start3A_207 = arith.constant 0 : i32
        %dma_start3A_208 = arith.constant 0 : i32
        %dma_start3A_209 = tpu.memref_slice %arg2[%dma_start3A_207, %dma_start3A_208] : memref<20480x128xf32, #tpu.memory_space<hbm>> -> memref<20480x128xf32, #tpu.memory_space<hbm>>
        tpu.enqueue_indirect_dma source(%dma_start3A_209 : memref<20480x128xf32, #tpu.memory_space<hbm>>) target(%arg15 : memref<128x128xf32, #tpu.memory_space<vmem>>) offsets(%dma_start3A_206 : memref<128xi32, #tpu.memory_space<vmem>>) semaphore(%arg17 : memref<!tpu.dma_semaphore, #tpu.memory_space<semaphore_mem>>)
      } else {
      }
    }
    %scan3A_46 = arith.constant 20 : i32
    %barrier3A_47 = arith.constant 0 : index
    tpu.barrier barrier_id(%barrier3A_47)
    %mul3A_48 = arith.constant 640 : i32
    %mul3A_49 = arith.muli %arg1, %mul3A_48 : i32
    %mul3A_50 = arith.constant 10240 : i32
    %mul3A_51 = arith.muli %arg0, %mul3A_50 : i32
    %mul3A_52 = arith.constant 640 : i32
    %mul3A_53 = arith.muli %arg1, %mul3A_52 : i32
    %add3A_54 = arith.addi %mul3A_51, %mul3A_53 : i32
    "tpu.region"() ({
      %run_scoped3A = tpu.sem_alloc : memref<!tpu.dma_semaphore, #tpu.memory_space<semaphore_mem>>
      %dma_start3A_55 = arith.constant 0 : i32
      %dma_start3A_56 = tpu.memref_slice %arg7[%add3A_54, %dma_start3A_55] : memref<20480x128xf32, #tpu.memory_space<hbm>> -> memref<640x128xf32, #tpu.memory_space<hbm>>
      %dma_start3A_57 = arith.constant 0 : i32
      %dma_start3A_58 = tpu.memref_slice %arg8[%mul3A_49, %dma_start3A_57] : memref<10240x128xf32, #tpu.memory_space<vmem_shared>> -> memref<640x128xf32, #tpu.memory_space<vmem_shared>>
      tpu.enqueue_dma source(%dma_start3A_58 : memref<640x128xf32, #tpu.memory_space<vmem_shared>>) target(%dma_start3A_56 : memref<640x128xf32, #tpu.memory_space<hbm>>) target_semaphore(%run_scoped3A : memref<!tpu.dma_semaphore, #tpu.memory_space<semaphore_mem>>)
      %dma_wait3A = arith.constant 0 : i32
      %dma_wait3A_59 = tpu.memref_slice %arg7[%add3A_54, %dma_wait3A] : memref<20480x128xf32, #tpu.memory_space<hbm>> -> memref<640x128xf32, #tpu.memory_space<hbm>>
      %dma_wait3A_60 = arith.constant 0 : i32
      %dma_wait3A_61 = tpu.memref_slice %arg8[%mul3A_49, %dma_wait3A_60] : memref<10240x128xf32, #tpu.memory_space<vmem_shared>> -> memref<640x128xf32, #tpu.memory_space<vmem_shared>>
      tpu.wait_dma2 semaphore(%run_scoped3A : memref<!tpu.dma_semaphore, #tpu.memory_space<semaphore_mem>>) src(%dma_wait3A_61 : memref<640x128xf32, #tpu.memory_space<vmem_shared>>) dst(%dma_wait3A_59 : memref<640x128xf32, #tpu.memory_space<hbm>>)
      tpu.yield
    }) : () -> ()
    return
  }
}

#map = affine_map<(d0, d1) -> (0, 0)>
#map1 = affine_map<(d0, d1) -> (0)>
module attributes {stable_mosaic.version = 14 : i64} {
  func.func @agg(%arg0: i32, %arg1: i32, %arg2: memref<20480x128xf32, #tpu.memory_space<hbm>>, %arg3: memref<20480x128xf32, #tpu.memory_space<hbm>>, %arg4: memref<163840xi32, #tpu.memory_space<hbm>>, %arg5: memref<163840xi32, #tpu.memory_space<hbm>>, %arg6: memref<2560x128xi32, #tpu.memory_space<hbm>>, %arg7: memref<20480x128xf32, #tpu.memory_space<hbm>>, %arg8: memref<10240x128xf32, #tpu.memory_space<vmem_shared>>, %arg9: memref<10240xi32, #tpu.memory_space<vmem>>, %arg10: memref<128xi32, #tpu.memory_space<vmem>>, %arg11: memref<128xi32, #tpu.memory_space<vmem>>, %arg12: memref<128xi32, #tpu.memory_space<vmem>>, %arg13: memref<128xi32, #tpu.memory_space<vmem>>, %arg14: memref<128x128xf32, #tpu.memory_space<vmem>>, %arg15: memref<128x128xf32, #tpu.memory_space<vmem>>, %arg16: memref<!tpu.dma_semaphore, #tpu.memory_space<semaphore_mem>>, %arg17: memref<!tpu.dma_semaphore, #tpu.memory_space<semaphore_mem>>, %arg18: memref<!tpu.dma_semaphore, #tpu.memory_space<semaphore_mem>>, %arg19: memref<!tpu.dma_semaphore, #tpu.memory_space<semaphore_mem>>, %arg20: memref<!tpu.dma_semaphore, #tpu.memory_space<semaphore_mem>>, %arg21: memref<!tpu.dma_semaphore, #tpu.memory_space<semaphore_mem>>, %arg22: memref<!tpu.dma_semaphore, #tpu.memory_space<semaphore_mem>>, %arg23: memref<!tpu.dma_semaphore, #tpu.memory_space<semaphore_mem>>) attributes {dimension_semantics = [#tpu.dimension_semantics<core_parallel>, #tpu.dimension_semantics<subcore_parallel>], iteration_bounds = array<i64: 2, 16>, scalar_prefetch = 0 : i64, scratch_operands = 16 : i64, tpu.core_type = #tpu.core_type<sc_vector_subcore>, window_params = [{transform_indices = #map}, {transform_indices = #map}, {transform_indices = #map1}, {transform_indices = #map1}, {transform_indices = #map}, {transform_indices = #map}]} {
    %mul3A = arith.constant 10240 : i32
    %mul3A_0 = arith.muli %arg0, %mul3A : i32
    %mul3A_1 = arith.constant 640 : i32
    %mul3A_2 = arith.muli %arg1, %mul3A_1 : i32
    %add3A = arith.addi %mul3A_0, %mul3A_2 : i32
    %mul3A_3 = arith.constant 640 : i32
    %mul3A_4 = arith.muli %arg1, %mul3A_3 : i32
    "tpu.region"() ({
      %run_scoped3A = tpu.sem_alloc : memref<!tpu.dma_semaphore, #tpu.memory_space<semaphore_mem>>
      %dma_start3A_55 = arith.constant 0 : i32
      %dma_start3A_56 = tpu.memref_slice %arg8[%mul3A_4, %dma_start3A_55] : memref<10240x128xf32, #tpu.memory_space<vmem_shared>> -> memref<640x128xf32, #tpu.memory_space<vmem_shared>>
      %dma_start3A_57 = arith.constant 0 : i32
      %dma_start3A_58 = tpu.memref_slice %arg3[%add3A, %dma_start3A_57] : memref<20480x128xf32, #tpu.memory_space<hbm>> -> memref<640x128xf32, #tpu.memory_space<hbm>>
      tpu.enqueue_dma source(%dma_start3A_58 : memref<640x128xf32, #tpu.memory_space<hbm>>) target(%dma_start3A_56 : memref<640x128xf32, #tpu.memory_space<vmem_shared>>) target_semaphore(%run_scoped3A : memref<!tpu.dma_semaphore, #tpu.memory_space<semaphore_mem>>)
      %dma_wait3A = arith.constant 0 : i32
      %dma_wait3A_59 = tpu.memref_slice %arg8[%mul3A_4, %dma_wait3A] : memref<10240x128xf32, #tpu.memory_space<vmem_shared>> -> memref<640x128xf32, #tpu.memory_space<vmem_shared>>
      %dma_wait3A_60 = arith.constant 0 : i32
      %dma_wait3A_61 = tpu.memref_slice %arg3[%add3A, %dma_wait3A_60] : memref<20480x128xf32, #tpu.memory_space<hbm>> -> memref<640x128xf32, #tpu.memory_space<hbm>>
      tpu.wait_dma2 semaphore(%run_scoped3A : memref<!tpu.dma_semaphore, #tpu.memory_space<semaphore_mem>>) src(%dma_wait3A_61 : memref<640x128xf32, #tpu.memory_space<hbm>>) dst(%dma_wait3A_59 : memref<640x128xf32, #tpu.memory_space<vmem_shared>>)
      tpu.yield
    }) : () -> ()
    %eq3A = arith.constant 0 : i32
    %eq3A_5 = arith.cmpi eq, %arg0, %eq3A : i32
    %convert_element_type3A = arith.extui %eq3A_5 : i1 to i32
    %cond3A = arith.constant 0 : i32
    %cond3A_6 = arith.cmpi ne, %convert_element_type3A, %cond3A : i32
    scf.if %cond3A_6 {
      %mul3A_55 = arith.constant 10240 : i32
      %mul3A_56 = arith.muli %arg1, %mul3A_55 : i32
      "tpu.region"() ({
        %run_scoped3A = tpu.sem_alloc : memref<!tpu.dma_semaphore, #tpu.memory_space<semaphore_mem>>
        %dma_start3A_57 = tpu.memref_slice %arg4[%mul3A_56] : memref<163840xi32, #tpu.memory_space<hbm>> -> memref<10240xi32, #tpu.memory_space<hbm>>
        %dma_start3A_58 = tpu.memref_slice %arg4[%mul3A_56] : memref<163840xi32, #tpu.memory_space<hbm>> -> memref<10240xi32, #tpu.memory_space<hbm>>
        tpu.enqueue_dma source(%dma_start3A_58 : memref<10240xi32, #tpu.memory_space<hbm>>) target(%arg9 : memref<10240xi32, #tpu.memory_space<vmem>>) target_semaphore(%run_scoped3A : memref<!tpu.dma_semaphore, #tpu.memory_space<semaphore_mem>>)
        %dma_wait3A = tpu.memref_slice %arg4[%mul3A_56] : memref<163840xi32, #tpu.memory_space<hbm>> -> memref<10240xi32, #tpu.memory_space<hbm>>
        %dma_wait3A_59 = tpu.memref_slice %arg4[%mul3A_56] : memref<163840xi32, #tpu.memory_space<hbm>> -> memref<10240xi32, #tpu.memory_space<hbm>>
        tpu.wait_dma2 semaphore(%run_scoped3A : memref<!tpu.dma_semaphore, #tpu.memory_space<semaphore_mem>>) src(%dma_wait3A_59 : memref<10240xi32, #tpu.memory_space<hbm>>) dst(%arg9 : memref<10240xi32, #tpu.memory_space<vmem>>)
        tpu.yield
      }) : () -> ()
    } else {
    }
    %eq3A_7 = arith.constant 1 : i32
    %eq3A_8 = arith.cmpi eq, %arg0, %eq3A_7 : i32
    %convert_element_type3A_9 = arith.extui %eq3A_8 : i1 to i32
    %cond3A_10 = arith.constant 0 : i32
    %cond3A_11 = arith.cmpi ne, %convert_element_type3A_9, %cond3A_10 : i32
    scf.if %cond3A_11 {
      %mul3A_55 = arith.constant 10240 : i32
      %mul3A_56 = arith.muli %arg1, %mul3A_55 : i32
      "tpu.region"() ({
        %run_scoped3A = tpu.sem_alloc : memref<!tpu.dma_semaphore, #tpu.memory_space<semaphore_mem>>
        %dma_start3A_57 = tpu.memref_slice %arg5[%mul3A_56] : memref<163840xi32, #tpu.memory_space<hbm>> -> memref<10240xi32, #tpu.memory_space<hbm>>
        %dma_start3A_58 = tpu.memref_slice %arg5[%mul3A_56] : memref<163840xi32, #tpu.memory_space<hbm>> -> memref<10240xi32, #tpu.memory_space<hbm>>
        tpu.enqueue_dma source(%dma_start3A_58 : memref<10240xi32, #tpu.memory_space<hbm>>) target(%arg9 : memref<10240xi32, #tpu.memory_space<vmem>>) target_semaphore(%run_scoped3A : memref<!tpu.dma_semaphore, #tpu.memory_space<semaphore_mem>>)
        %dma_wait3A = tpu.memref_slice %arg5[%mul3A_56] : memref<163840xi32, #tpu.memory_space<hbm>> -> memref<10240xi32, #tpu.memory_space<hbm>>
        %dma_wait3A_59 = tpu.memref_slice %arg5[%mul3A_56] : memref<163840xi32, #tpu.memory_space<hbm>> -> memref<10240xi32, #tpu.memory_space<hbm>>
        tpu.wait_dma2 semaphore(%run_scoped3A : memref<!tpu.dma_semaphore, #tpu.memory_space<semaphore_mem>>) src(%dma_wait3A_59 : memref<10240xi32, #tpu.memory_space<hbm>>) dst(%arg9 : memref<10240xi32, #tpu.memory_space<vmem>>)
        tpu.yield
      }) : () -> ()
    } else {
    }
    %barrier3A = arith.constant 0 : index
    tpu.barrier barrier_id(%barrier3A)
    %mul3A_12 = arith.constant 16 : i32
    %mul3A_13 = arith.muli %arg0, %mul3A_12 : i32
    %add3A_14 = arith.addi %mul3A_13, %arg1 : i32
    %mul3A_15 = arith.constant 80 : i32
    %mul3A_16 = arith.muli %add3A_14, %mul3A_15 : i32
    %add3A_17 = arith.constant 0 : i32
    %add3A_18 = arith.addi %mul3A_16, %add3A_17 : i32
    %dma_start3A = arith.constant 0 : i32
    %dma_start3A_19 = tpu.memref_slice %arg6[%add3A_18, %dma_start3A] : memref<2560x128xi32, #tpu.memory_space<hbm>> -> memref<1x128xi32, #tpu.memory_space<hbm>>
    %dma_start3A_20 = tpu.memref_squeeze %dma_start3A_19 : memref<1x128xi32, #tpu.memory_space<hbm>> -> memref<128xi32, #tpu.memory_space<hbm>>
    %dma_start3A_21 = arith.constant 0 : i32
    %dma_start3A_22 = tpu.memref_slice %arg6[%add3A_18, %dma_start3A_21] : memref<2560x128xi32, #tpu.memory_space<hbm>> -> memref<1x128xi32, #tpu.memory_space<hbm>>
    %dma_start3A_23 = tpu.memref_squeeze %dma_start3A_22 : memref<1x128xi32, #tpu.memory_space<hbm>> -> memref<128xi32, #tpu.memory_space<hbm>>
    tpu.enqueue_dma source(%dma_start3A_23 : memref<128xi32, #tpu.memory_space<hbm>>) target(%arg10 : memref<128xi32, #tpu.memory_space<vmem>>) target_semaphore(%arg20 : memref<!tpu.dma_semaphore, #tpu.memory_space<semaphore_mem>>)
    %add3A_24 = arith.constant 1 : i32
    %add3A_25 = arith.addi %mul3A_16, %add3A_24 : i32
    %dma_start3A_26 = arith.constant 0 : i32
    %dma_start3A_27 = tpu.memref_slice %arg6[%add3A_25, %dma_start3A_26] : memref<2560x128xi32, #tpu.memory_space<hbm>> -> memref<1x128xi32, #tpu.memory_space<hbm>>
    %dma_start3A_28 = tpu.memref_squeeze %dma_start3A_27 : memref<1x128xi32, #tpu.memory_space<hbm>> -> memref<128xi32, #tpu.memory_space<hbm>>
    %dma_start3A_29 = arith.constant 0 : i32
    %dma_start3A_30 = tpu.memref_slice %arg6[%add3A_25, %dma_start3A_29] : memref<2560x128xi32, #tpu.memory_space<hbm>> -> memref<1x128xi32, #tpu.memory_space<hbm>>
    %dma_start3A_31 = tpu.memref_squeeze %dma_start3A_30 : memref<1x128xi32, #tpu.memory_space<hbm>> -> memref<128xi32, #tpu.memory_space<hbm>>
    tpu.enqueue_dma source(%dma_start3A_31 : memref<128xi32, #tpu.memory_space<hbm>>) target(%arg11 : memref<128xi32, #tpu.memory_space<vmem>>) target_semaphore(%arg21 : memref<!tpu.dma_semaphore, #tpu.memory_space<semaphore_mem>>)
    %dma_start3A_32 = arith.constant 0 : i32
    %dma_start3A_33 = tpu.memref_slice %arg9[%dma_start3A_32] : memref<10240xi32, #tpu.memory_space<vmem>> -> memref<128xi32, #tpu.memory_space<vmem>>
    %dma_start3A_34 = arith.constant 0 : i32
    %dma_start3A_35 = arith.constant 0 : i32
    %dma_start3A_36 = tpu.memref_slice %arg2[%dma_start3A_34, %dma_start3A_35] : memref<20480x128xf32, #tpu.memory_space<hbm>> -> memref<20480x128xf32, #tpu.memory_space<hbm>>
    tpu.enqueue_indirect_dma source(%dma_start3A_36 : memref<20480x128xf32, #tpu.memory_space<hbm>>) target(%arg14 : memref<128x128xf32, #tpu.memory_space<vmem>>) offsets(%dma_start3A_33 : memref<128xi32, #tpu.memory_space<vmem>>) semaphore(%arg16 : memref<!tpu.dma_semaphore, #tpu.memory_space<semaphore_mem>>)
    %dma_start3A_37 = arith.constant 128 : i32
    %dma_start3A_38 = tpu.memref_slice %arg9[%dma_start3A_37] : memref<10240xi32, #tpu.memory_space<vmem>> -> memref<128xi32, #tpu.memory_space<vmem>>
    %dma_start3A_39 = arith.constant 0 : i32
    %dma_start3A_40 = arith.constant 0 : i32
    %dma_start3A_41 = tpu.memref_slice %arg2[%dma_start3A_39, %dma_start3A_40] : memref<20480x128xf32, #tpu.memory_space<hbm>> -> memref<20480x128xf32, #tpu.memory_space<hbm>>
    tpu.enqueue_indirect_dma source(%dma_start3A_41 : memref<20480x128xf32, #tpu.memory_space<hbm>>) target(%arg15 : memref<128x128xf32, #tpu.memory_space<vmem>>) offsets(%dma_start3A_38 : memref<128xi32, #tpu.memory_space<vmem>>) semaphore(%arg17 : memref<!tpu.dma_semaphore, #tpu.memory_space<semaphore_mem>>)
    %scan3A = arith.constant 0 : i32
    %scan3A_42 = arith.constant 0 : i32
    %scan3A_43 = arith.constant 20 : i32
    %scan3A_44 = arith.addi %scan3A_42, %scan3A_43 : i32
    %scan3A_45 = arith.constant 1 : i32
    scf.for %scan3A_55 = %scan3A_42 to %scan3A_44 step %scan3A_45  : i32 {
      %mul3A_56 = arith.constant 4 : i32
      %mul3A_57 = arith.muli %mul3A_56, %scan3A_55 : i32
      %add3A_58 = arith.constant 0 : i32
      %add3A_59 = arith.addi %mul3A_57, %add3A_58 : i32
      %mul3A_60 = arith.constant 128 : i32
      %mul3A_61 = arith.muli %add3A_59, %mul3A_60 : i32
      %dma_wait3A = tpu.memref_slice %arg9[%mul3A_61] : memref<10240xi32, #tpu.memory_space<vmem>> -> memref<128xi32, #tpu.memory_space<vmem>>
      %dma_wait3A_62 = arith.constant 0 : i32
      %dma_wait3A_63 = arith.constant 0 : i32
      %dma_wait3A_64 = tpu.memref_slice %arg2[%dma_wait3A_62, %dma_wait3A_63] : memref<20480x128xf32, #tpu.memory_space<hbm>> -> memref<20480x128xf32, #tpu.memory_space<hbm>>
      tpu.wait_indirect_dma semaphore(%arg16 : memref<!tpu.dma_semaphore, #tpu.memory_space<semaphore_mem>>) src(%dma_wait3A_64 : memref<20480x128xf32, #tpu.memory_space<hbm>>) dst(%arg14 : memref<128x128xf32, #tpu.memory_space<vmem>>)
      %add3A_65 = arith.addi %mul3A_16, %add3A_59 : i32
      %dma_wait3A_66 = arith.constant 0 : i32
      %dma_wait3A_67 = tpu.memref_slice %arg6[%add3A_65, %dma_wait3A_66] : memref<2560x128xi32, #tpu.memory_space<hbm>> -> memref<1x128xi32, #tpu.memory_space<hbm>>
      %dma_wait3A_68 = tpu.memref_squeeze %dma_wait3A_67 : memref<1x128xi32, #tpu.memory_space<hbm>> -> memref<128xi32, #tpu.memory_space<hbm>>
      %dma_wait3A_69 = arith.constant 0 : i32
      %dma_wait3A_70 = tpu.memref_slice %arg6[%add3A_65, %dma_wait3A_69] : memref<2560x128xi32, #tpu.memory_space<hbm>> -> memref<1x128xi32, #tpu.memory_space<hbm>>
      %dma_wait3A_71 = tpu.memref_squeeze %dma_wait3A_70 : memref<1x128xi32, #tpu.memory_space<hbm>> -> memref<128xi32, #tpu.memory_space<hbm>>
      tpu.wait_dma2 semaphore(%arg20 : memref<!tpu.dma_semaphore, #tpu.memory_space<semaphore_mem>>) src(%dma_wait3A_71 : memref<128xi32, #tpu.memory_space<hbm>>) dst(%arg10 : memref<128xi32, #tpu.memory_space<vmem>>)
      %dma_start3A_72 = arith.constant 0 : i32
      %dma_start3A_73 = arith.constant 0 : i32
      %dma_start3A_74 = tpu.memref_slice %arg8[%dma_start3A_72, %dma_start3A_73] : memref<10240x128xf32, #tpu.memory_space<vmem_shared>> -> memref<10240x128xf32, #tpu.memory_space<vmem_shared>>
      tpu.enqueue_indirect_dma source(%arg14 : memref<128x128xf32, #tpu.memory_space<vmem>>) target(%dma_start3A_74 : memref<10240x128xf32, #tpu.memory_space<vmem_shared>>) offsets(%arg10 : memref<128xi32, #tpu.memory_space<vmem>>) semaphore(%arg18 : memref<!tpu.dma_semaphore, #tpu.memory_space<semaphore_mem>>) {add = true}
      %add3A_75 = arith.constant 2 : i32
      %add3A_76 = arith.addi %add3A_59, %add3A_75 : i32
      %lt3A = arith.constant 80 : i32
      %lt3A_77 = arith.cmpi slt, %add3A_76, %lt3A : i32
      %convert_element_type3A_78 = arith.extui %lt3A_77 : i1 to i32
      %cond3A_79 = arith.constant 0 : i32
      %cond3A_80 = arith.cmpi ne, %convert_element_type3A_78, %cond3A_79 : i32
      scf.if %cond3A_80 {
        %add3A_202 = arith.constant 2 : i32
        %add3A_203 = arith.addi %add3A_59, %add3A_202 : i32
        %add3A_204 = arith.addi %mul3A_16, %add3A_203 : i32
        %dma_start3A_205 = arith.constant 0 : i32
        %dma_start3A_206 = tpu.memref_slice %arg6[%add3A_204, %dma_start3A_205] : memref<2560x128xi32, #tpu.memory_space<hbm>> -> memref<1x128xi32, #tpu.memory_space<hbm>>
        %dma_start3A_207 = tpu.memref_squeeze %dma_start3A_206 : memref<1x128xi32, #tpu.memory_space<hbm>> -> memref<128xi32, #tpu.memory_space<hbm>>
        %dma_start3A_208 = arith.constant 0 : i32
        %dma_start3A_209 = tpu.memref_slice %arg6[%add3A_204, %dma_start3A_208] : memref<2560x128xi32, #tpu.memory_space<hbm>> -> memref<1x128xi32, #tpu.memory_space<hbm>>
        %dma_start3A_210 = tpu.memref_squeeze %dma_start3A_209 : memref<1x128xi32, #tpu.memory_space<hbm>> -> memref<128xi32, #tpu.memory_space<hbm>>
        tpu.enqueue_dma source(%dma_start3A_210 : memref<128xi32, #tpu.memory_space<hbm>>) target(%arg12 : memref<128xi32, #tpu.memory_space<vmem>>) target_semaphore(%arg22 : memref<!tpu.dma_semaphore, #tpu.memory_space<semaphore_mem>>)
      } else {
      }
      %dma_wait3A_81 = arith.constant 0 : i32
      %dma_wait3A_82 = arith.constant 0 : i32
      %dma_wait3A_83 = tpu.memref_slice %arg8[%dma_wait3A_81, %dma_wait3A_82] : memref<10240x128xf32, #tpu.memory_space<vmem_shared>> -> memref<10240x128xf32, #tpu.memory_space<vmem_shared>>
      tpu.wait_indirect_dma semaphore(%arg18 : memref<!tpu.dma_semaphore, #tpu.memory_space<semaphore_mem>>) src(%arg14 : memref<128x128xf32, #tpu.memory_space<vmem>>) dst(%dma_wait3A_83 : memref<10240x128xf32, #tpu.memory_space<vmem_shared>>)
      %add3A_84 = arith.constant 2 : i32
      %add3A_85 = arith.addi %add3A_59, %add3A_84 : i32
      %lt3A_86 = arith.constant 80 : i32
      %lt3A_87 = arith.cmpi slt, %add3A_85, %lt3A_86 : i32
      %convert_element_type3A_88 = arith.extui %lt3A_87 : i1 to i32
      %cond3A_89 = arith.constant 0 : i32
      %cond3A_90 = arith.cmpi ne, %convert_element_type3A_88, %cond3A_89 : i32
      scf.if %cond3A_90 {
        %add3A_202 = arith.constant 2 : i32
        %add3A_203 = arith.addi %add3A_59, %add3A_202 : i32
        %mul3A_204 = arith.constant 128 : i32
        %mul3A_205 = arith.muli %add3A_203, %mul3A_204 : i32
        %dma_start3A_206 = tpu.memref_slice %arg9[%mul3A_205] : memref<10240xi32, #tpu.memory_space<vmem>> -> memref<128xi32, #tpu.memory_space<vmem>>
        %dma_start3A_207 = arith.constant 0 : i32
        %dma_start3A_208 = arith.constant 0 : i32
        %dma_start3A_209 = tpu.memref_slice %arg2[%dma_start3A_207, %dma_start3A_208] : memref<20480x128xf32, #tpu.memory_space<hbm>> -> memref<20480x128xf32, #tpu.memory_space<hbm>>
        tpu.enqueue_indirect_dma source(%dma_start3A_209 : memref<20480x128xf32, #tpu.memory_space<hbm>>) target(%arg14 : memref<128x128xf32, #tpu.memory_space<vmem>>) offsets(%dma_start3A_206 : memref<128xi32, #tpu.memory_space<vmem>>) semaphore(%arg16 : memref<!tpu.dma_semaphore, #tpu.memory_space<semaphore_mem>>)
      } else {
      }
      %mul3A_91 = arith.constant 4 : i32
      %mul3A_92 = arith.muli %mul3A_91, %scan3A_55 : i32
      %add3A_93 = arith.constant 1 : i32
      %add3A_94 = arith.addi %mul3A_92, %add3A_93 : i32
      %mul3A_95 = arith.constant 128 : i32
      %mul3A_96 = arith.muli %add3A_94, %mul3A_95 : i32
      %dma_wait3A_97 = tpu.memref_slice %arg9[%mul3A_96] : memref<10240xi32, #tpu.memory_space<vmem>> -> memref<128xi32, #tpu.memory_space<vmem>>
      %dma_wait3A_98 = arith.constant 0 : i32
      %dma_wait3A_99 = arith.constant 0 : i32
      %dma_wait3A_100 = tpu.memref_slice %arg2[%dma_wait3A_98, %dma_wait3A_99] : memref<20480x128xf32, #tpu.memory_space<hbm>> -> memref<20480x128xf32, #tpu.memory_space<hbm>>
      tpu.wait_indirect_dma semaphore(%arg17 : memref<!tpu.dma_semaphore, #tpu.memory_space<semaphore_mem>>) src(%dma_wait3A_100 : memref<20480x128xf32, #tpu.memory_space<hbm>>) dst(%arg15 : memref<128x128xf32, #tpu.memory_space<vmem>>)
      %add3A_101 = arith.addi %mul3A_16, %add3A_94 : i32
      %dma_wait3A_102 = arith.constant 0 : i32
      %dma_wait3A_103 = tpu.memref_slice %arg6[%add3A_101, %dma_wait3A_102] : memref<2560x128xi32, #tpu.memory_space<hbm>> -> memref<1x128xi32, #tpu.memory_space<hbm>>
      %dma_wait3A_104 = tpu.memref_squeeze %dma_wait3A_103 : memref<1x128xi32, #tpu.memory_space<hbm>> -> memref<128xi32, #tpu.memory_space<hbm>>
      %dma_wait3A_105 = arith.constant 0 : i32
      %dma_wait3A_106 = tpu.memref_slice %arg6[%add3A_101, %dma_wait3A_105] : memref<2560x128xi32, #tpu.memory_space<hbm>> -> memref<1x128xi32, #tpu.memory_space<hbm>>
      %dma_wait3A_107 = tpu.memref_squeeze %dma_wait3A_106 : memref<1x128xi32, #tpu.memory_space<hbm>> -> memref<128xi32, #tpu.memory_space<hbm>>
      tpu.wait_dma2 semaphore(%arg21 : memref<!tpu.dma_semaphore, #tpu.memory_space<semaphore_mem>>) src(%dma_wait3A_107 : memref<128xi32, #tpu.memory_space<hbm>>) dst(%arg11 : memref<128xi32, #tpu.memory_space<vmem>>)
      %dma_start3A_108 = arith.constant 0 : i32
      %dma_start3A_109 = arith.constant 0 : i32
      %dma_start3A_110 = tpu.memref_slice %arg8[%dma_start3A_108, %dma_start3A_109] : memref<10240x128xf32, #tpu.memory_space<vmem_shared>> -> memref<10240x128xf32, #tpu.memory_space<vmem_shared>>
      tpu.enqueue_indirect_dma source(%arg15 : memref<128x128xf32, #tpu.memory_space<vmem>>) target(%dma_start3A_110 : memref<10240x128xf32, #tpu.memory_space<vmem_shared>>) offsets(%arg11 : memref<128xi32, #tpu.memory_space<vmem>>) semaphore(%arg19 : memref<!tpu.dma_semaphore, #tpu.memory_space<semaphore_mem>>) {add = true}
      %add3A_111 = arith.constant 2 : i32
      %add3A_112 = arith.addi %add3A_94, %add3A_111 : i32
      %lt3A_113 = arith.constant 80 : i32
      %lt3A_114 = arith.cmpi slt, %add3A_112, %lt3A_113 : i32
      %convert_element_type3A_115 = arith.extui %lt3A_114 : i1 to i32
      %cond3A_116 = arith.constant 0 : i32
      %cond3A_117 = arith.cmpi ne, %convert_element_type3A_115, %cond3A_116 : i32
      scf.if %cond3A_117 {
        %add3A_202 = arith.constant 2 : i32
        %add3A_203 = arith.addi %add3A_94, %add3A_202 : i32
        %add3A_204 = arith.addi %mul3A_16, %add3A_203 : i32
        %dma_start3A_205 = arith.constant 0 : i32
        %dma_start3A_206 = tpu.memref_slice %arg6[%add3A_204, %dma_start3A_205] : memref<2560x128xi32, #tpu.memory_space<hbm>> -> memref<1x128xi32, #tpu.memory_space<hbm>>
        %dma_start3A_207 = tpu.memref_squeeze %dma_start3A_206 : memref<1x128xi32, #tpu.memory_space<hbm>> -> memref<128xi32, #tpu.memory_space<hbm>>
        %dma_start3A_208 = arith.constant 0 : i32
        %dma_start3A_209 = tpu.memref_slice %arg6[%add3A_204, %dma_start3A_208] : memref<2560x128xi32, #tpu.memory_space<hbm>> -> memref<1x128xi32, #tpu.memory_space<hbm>>
        %dma_start3A_210 = tpu.memref_squeeze %dma_start3A_209 : memref<1x128xi32, #tpu.memory_space<hbm>> -> memref<128xi32, #tpu.memory_space<hbm>>
        tpu.enqueue_dma source(%dma_start3A_210 : memref<128xi32, #tpu.memory_space<hbm>>) target(%arg13 : memref<128xi32, #tpu.memory_space<vmem>>) target_semaphore(%arg23 : memref<!tpu.dma_semaphore, #tpu.memory_space<semaphore_mem>>)
      } else {
      }
      %dma_wait3A_118 = arith.constant 0 : i32
      %dma_wait3A_119 = arith.constant 0 : i32
      %dma_wait3A_120 = tpu.memref_slice %arg8[%dma_wait3A_118, %dma_wait3A_119] : memref<10240x128xf32, #tpu.memory_space<vmem_shared>> -> memref<10240x128xf32, #tpu.memory_space<vmem_shared>>
      tpu.wait_indirect_dma semaphore(%arg19 : memref<!tpu.dma_semaphore, #tpu.memory_space<semaphore_mem>>) src(%arg15 : memref<128x128xf32, #tpu.memory_space<vmem>>) dst(%dma_wait3A_120 : memref<10240x128xf32, #tpu.memory_space<vmem_shared>>)
      %add3A_121 = arith.constant 2 : i32
      %add3A_122 = arith.addi %add3A_94, %add3A_121 : i32
      %lt3A_123 = arith.constant 80 : i32
      %lt3A_124 = arith.cmpi slt, %add3A_122, %lt3A_123 : i32
      %convert_element_type3A_125 = arith.extui %lt3A_124 : i1 to i32
      %cond3A_126 = arith.constant 0 : i32
      %cond3A_127 = arith.cmpi ne, %convert_element_type3A_125, %cond3A_126 : i32
      scf.if %cond3A_127 {
        %add3A_202 = arith.constant 2 : i32
        %add3A_203 = arith.addi %add3A_94, %add3A_202 : i32
        %mul3A_204 = arith.constant 128 : i32
        %mul3A_205 = arith.muli %add3A_203, %mul3A_204 : i32
        %dma_start3A_206 = tpu.memref_slice %arg9[%mul3A_205] : memref<10240xi32, #tpu.memory_space<vmem>> -> memref<128xi32, #tpu.memory_space<vmem>>
        %dma_start3A_207 = arith.constant 0 : i32
        %dma_start3A_208 = arith.constant 0 : i32
        %dma_start3A_209 = tpu.memref_slice %arg2[%dma_start3A_207, %dma_start3A_208] : memref<20480x128xf32, #tpu.memory_space<hbm>> -> memref<20480x128xf32, #tpu.memory_space<hbm>>
        tpu.enqueue_indirect_dma source(%dma_start3A_209 : memref<20480x128xf32, #tpu.memory_space<hbm>>) target(%arg15 : memref<128x128xf32, #tpu.memory_space<vmem>>) offsets(%dma_start3A_206 : memref<128xi32, #tpu.memory_space<vmem>>) semaphore(%arg17 : memref<!tpu.dma_semaphore, #tpu.memory_space<semaphore_mem>>)
      } else {
      }
      %mul3A_128 = arith.constant 4 : i32
      %mul3A_129 = arith.muli %mul3A_128, %scan3A_55 : i32
      %add3A_130 = arith.constant 2 : i32
      %add3A_131 = arith.addi %mul3A_129, %add3A_130 : i32
      %mul3A_132 = arith.constant 128 : i32
      %mul3A_133 = arith.muli %add3A_131, %mul3A_132 : i32
      %dma_wait3A_134 = tpu.memref_slice %arg9[%mul3A_133] : memref<10240xi32, #tpu.memory_space<vmem>> -> memref<128xi32, #tpu.memory_space<vmem>>
      %dma_wait3A_135 = arith.constant 0 : i32
      %dma_wait3A_136 = arith.constant 0 : i32
      %dma_wait3A_137 = tpu.memref_slice %arg2[%dma_wait3A_135, %dma_wait3A_136] : memref<20480x128xf32, #tpu.memory_space<hbm>> -> memref<20480x128xf32, #tpu.memory_space<hbm>>
      tpu.wait_indirect_dma semaphore(%arg16 : memref<!tpu.dma_semaphore, #tpu.memory_space<semaphore_mem>>) src(%dma_wait3A_137 : memref<20480x128xf32, #tpu.memory_space<hbm>>) dst(%arg14 : memref<128x128xf32, #tpu.memory_space<vmem>>)
      %add3A_138 = arith.addi %mul3A_16, %add3A_131 : i32
      %dma_wait3A_139 = arith.constant 0 : i32
      %dma_wait3A_140 = tpu.memref_slice %arg6[%add3A_138, %dma_wait3A_139] : memref<2560x128xi32, #tpu.memory_space<hbm>> -> memref<1x128xi32, #tpu.memory_space<hbm>>
      %dma_wait3A_141 = tpu.memref_squeeze %dma_wait3A_140 : memref<1x128xi32, #tpu.memory_space<hbm>> -> memref<128xi32, #tpu.memory_space<hbm>>
      %dma_wait3A_142 = arith.constant 0 : i32
      %dma_wait3A_143 = tpu.memref_slice %arg6[%add3A_138, %dma_wait3A_142] : memref<2560x128xi32, #tpu.memory_space<hbm>> -> memref<1x128xi32, #tpu.memory_space<hbm>>
      %dma_wait3A_144 = tpu.memref_squeeze %dma_wait3A_143 : memref<1x128xi32, #tpu.memory_space<hbm>> -> memref<128xi32, #tpu.memory_space<hbm>>
      tpu.wait_dma2 semaphore(%arg22 : memref<!tpu.dma_semaphore, #tpu.memory_space<semaphore_mem>>) src(%dma_wait3A_144 : memref<128xi32, #tpu.memory_space<hbm>>) dst(%arg12 : memref<128xi32, #tpu.memory_space<vmem>>)
      %dma_start3A_145 = arith.constant 0 : i32
      %dma_start3A_146 = arith.constant 0 : i32
      %dma_start3A_147 = tpu.memref_slice %arg8[%dma_start3A_145, %dma_start3A_146] : memref<10240x128xf32, #tpu.memory_space<vmem_shared>> -> memref<10240x128xf32, #tpu.memory_space<vmem_shared>>
      tpu.enqueue_indirect_dma source(%arg14 : memref<128x128xf32, #tpu.memory_space<vmem>>) target(%dma_start3A_147 : memref<10240x128xf32, #tpu.memory_space<vmem_shared>>) offsets(%arg12 : memref<128xi32, #tpu.memory_space<vmem>>) semaphore(%arg18 : memref<!tpu.dma_semaphore, #tpu.memory_space<semaphore_mem>>) {add = true}
      %add3A_148 = arith.constant 2 : i32
      %add3A_149 = arith.addi %add3A_131, %add3A_148 : i32
      %lt3A_150 = arith.constant 80 : i32
      %lt3A_151 = arith.cmpi slt, %add3A_149, %lt3A_150 : i32
      %convert_element_type3A_152 = arith.extui %lt3A_151 : i1 to i32
      %cond3A_153 = arith.constant 0 : i32
      %cond3A_154 = arith.cmpi ne, %convert_element_type3A_152, %cond3A_153 : i32
      scf.if %cond3A_154 {
        %add3A_202 = arith.constant 2 : i32
        %add3A_203 = arith.addi %add3A_131, %add3A_202 : i32
        %add3A_204 = arith.addi %mul3A_16, %add3A_203 : i32
        %dma_start3A_205 = arith.constant 0 : i32
        %dma_start3A_206 = tpu.memref_slice %arg6[%add3A_204, %dma_start3A_205] : memref<2560x128xi32, #tpu.memory_space<hbm>> -> memref<1x128xi32, #tpu.memory_space<hbm>>
        %dma_start3A_207 = tpu.memref_squeeze %dma_start3A_206 : memref<1x128xi32, #tpu.memory_space<hbm>> -> memref<128xi32, #tpu.memory_space<hbm>>
        %dma_start3A_208 = arith.constant 0 : i32
        %dma_start3A_209 = tpu.memref_slice %arg6[%add3A_204, %dma_start3A_208] : memref<2560x128xi32, #tpu.memory_space<hbm>> -> memref<1x128xi32, #tpu.memory_space<hbm>>
        %dma_start3A_210 = tpu.memref_squeeze %dma_start3A_209 : memref<1x128xi32, #tpu.memory_space<hbm>> -> memref<128xi32, #tpu.memory_space<hbm>>
        tpu.enqueue_dma source(%dma_start3A_210 : memref<128xi32, #tpu.memory_space<hbm>>) target(%arg10 : memref<128xi32, #tpu.memory_space<vmem>>) target_semaphore(%arg20 : memref<!tpu.dma_semaphore, #tpu.memory_space<semaphore_mem>>)
      } else {
      }
      %dma_wait3A_155 = arith.constant 0 : i32
      %dma_wait3A_156 = arith.constant 0 : i32
      %dma_wait3A_157 = tpu.memref_slice %arg8[%dma_wait3A_155, %dma_wait3A_156] : memref<10240x128xf32, #tpu.memory_space<vmem_shared>> -> memref<10240x128xf32, #tpu.memory_space<vmem_shared>>
      tpu.wait_indirect_dma semaphore(%arg18 : memref<!tpu.dma_semaphore, #tpu.memory_space<semaphore_mem>>) src(%arg14 : memref<128x128xf32, #tpu.memory_space<vmem>>) dst(%dma_wait3A_157 : memref<10240x128xf32, #tpu.memory_space<vmem_shared>>)
      %add3A_158 = arith.constant 2 : i32
      %add3A_159 = arith.addi %add3A_131, %add3A_158 : i32
      %lt3A_160 = arith.constant 80 : i32
      %lt3A_161 = arith.cmpi slt, %add3A_159, %lt3A_160 : i32
      %convert_element_type3A_162 = arith.extui %lt3A_161 : i1 to i32
      %cond3A_163 = arith.constant 0 : i32
      %cond3A_164 = arith.cmpi ne, %convert_element_type3A_162, %cond3A_163 : i32
      scf.if %cond3A_164 {
        %add3A_202 = arith.constant 2 : i32
        %add3A_203 = arith.addi %add3A_131, %add3A_202 : i32
        %mul3A_204 = arith.constant 128 : i32
        %mul3A_205 = arith.muli %add3A_203, %mul3A_204 : i32
        %dma_start3A_206 = tpu.memref_slice %arg9[%mul3A_205] : memref<10240xi32, #tpu.memory_space<vmem>> -> memref<128xi32, #tpu.memory_space<vmem>>
        %dma_start3A_207 = arith.constant 0 : i32
        %dma_start3A_208 = arith.constant 0 : i32
        %dma_start3A_209 = tpu.memref_slice %arg2[%dma_start3A_207, %dma_start3A_208] : memref<20480x128xf32, #tpu.memory_space<hbm>> -> memref<20480x128xf32, #tpu.memory_space<hbm>>
        tpu.enqueue_indirect_dma source(%dma_start3A_209 : memref<20480x128xf32, #tpu.memory_space<hbm>>) target(%arg14 : memref<128x128xf32, #tpu.memory_space<vmem>>) offsets(%dma_start3A_206 : memref<128xi32, #tpu.memory_space<vmem>>) semaphore(%arg16 : memref<!tpu.dma_semaphore, #tpu.memory_space<semaphore_mem>>)
      } else {
      }
      %mul3A_165 = arith.constant 4 : i32
      %mul3A_166 = arith.muli %mul3A_165, %scan3A_55 : i32
      %add3A_167 = arith.constant 3 : i32
      %add3A_168 = arith.addi %mul3A_166, %add3A_167 : i32
      %mul3A_169 = arith.constant 128 : i32
      %mul3A_170 = arith.muli %add3A_168, %mul3A_169 : i32
      %dma_wait3A_171 = tpu.memref_slice %arg9[%mul3A_170] : memref<10240xi32, #tpu.memory_space<vmem>> -> memref<128xi32, #tpu.memory_space<vmem>>
      %dma_wait3A_172 = arith.constant 0 : i32
      %dma_wait3A_173 = arith.constant 0 : i32
      %dma_wait3A_174 = tpu.memref_slice %arg2[%dma_wait3A_172, %dma_wait3A_173] : memref<20480x128xf32, #tpu.memory_space<hbm>> -> memref<20480x128xf32, #tpu.memory_space<hbm>>
      tpu.wait_indirect_dma semaphore(%arg17 : memref<!tpu.dma_semaphore, #tpu.memory_space<semaphore_mem>>) src(%dma_wait3A_174 : memref<20480x128xf32, #tpu.memory_space<hbm>>) dst(%arg15 : memref<128x128xf32, #tpu.memory_space<vmem>>)
      %add3A_175 = arith.addi %mul3A_16, %add3A_168 : i32
      %dma_wait3A_176 = arith.constant 0 : i32
      %dma_wait3A_177 = tpu.memref_slice %arg6[%add3A_175, %dma_wait3A_176] : memref<2560x128xi32, #tpu.memory_space<hbm>> -> memref<1x128xi32, #tpu.memory_space<hbm>>
      %dma_wait3A_178 = tpu.memref_squeeze %dma_wait3A_177 : memref<1x128xi32, #tpu.memory_space<hbm>> -> memref<128xi32, #tpu.memory_space<hbm>>
      %dma_wait3A_179 = arith.constant 0 : i32
      %dma_wait3A_180 = tpu.memref_slice %arg6[%add3A_175, %dma_wait3A_179] : memref<2560x128xi32, #tpu.memory_space<hbm>> -> memref<1x128xi32, #tpu.memory_space<hbm>>
      %dma_wait3A_181 = tpu.memref_squeeze %dma_wait3A_180 : memref<1x128xi32, #tpu.memory_space<hbm>> -> memref<128xi32, #tpu.memory_space<hbm>>
      tpu.wait_dma2 semaphore(%arg23 : memref<!tpu.dma_semaphore, #tpu.memory_space<semaphore_mem>>) src(%dma_wait3A_181 : memref<128xi32, #tpu.memory_space<hbm>>) dst(%arg13 : memref<128xi32, #tpu.memory_space<vmem>>)
      %dma_start3A_182 = arith.constant 0 : i32
      %dma_start3A_183 = arith.constant 0 : i32
      %dma_start3A_184 = tpu.memref_slice %arg8[%dma_start3A_182, %dma_start3A_183] : memref<10240x128xf32, #tpu.memory_space<vmem_shared>> -> memref<10240x128xf32, #tpu.memory_space<vmem_shared>>
      tpu.enqueue_indirect_dma source(%arg15 : memref<128x128xf32, #tpu.memory_space<vmem>>) target(%dma_start3A_184 : memref<10240x128xf32, #tpu.memory_space<vmem_shared>>) offsets(%arg13 : memref<128xi32, #tpu.memory_space<vmem>>) semaphore(%arg19 : memref<!tpu.dma_semaphore, #tpu.memory_space<semaphore_mem>>) {add = true}
      %add3A_185 = arith.constant 2 : i32
      %add3A_186 = arith.addi %add3A_168, %add3A_185 : i32
      %lt3A_187 = arith.constant 80 : i32
      %lt3A_188 = arith.cmpi slt, %add3A_186, %lt3A_187 : i32
      %convert_element_type3A_189 = arith.extui %lt3A_188 : i1 to i32
      %cond3A_190 = arith.constant 0 : i32
      %cond3A_191 = arith.cmpi ne, %convert_element_type3A_189, %cond3A_190 : i32
      scf.if %cond3A_191 {
        %add3A_202 = arith.constant 2 : i32
        %add3A_203 = arith.addi %add3A_168, %add3A_202 : i32
        %add3A_204 = arith.addi %mul3A_16, %add3A_203 : i32
        %dma_start3A_205 = arith.constant 0 : i32
        %dma_start3A_206 = tpu.memref_slice %arg6[%add3A_204, %dma_start3A_205] : memref<2560x128xi32, #tpu.memory_space<hbm>> -> memref<1x128xi32, #tpu.memory_space<hbm>>
        %dma_start3A_207 = tpu.memref_squeeze %dma_start3A_206 : memref<1x128xi32, #tpu.memory_space<hbm>> -> memref<128xi32, #tpu.memory_space<hbm>>
        %dma_start3A_208 = arith.constant 0 : i32
        %dma_start3A_209 = tpu.memref_slice %arg6[%add3A_204, %dma_start3A_208] : memref<2560x128xi32, #tpu.memory_space<hbm>> -> memref<1x128xi32, #tpu.memory_space<hbm>>
        %dma_start3A_210 = tpu.memref_squeeze %dma_start3A_209 : memref<1x128xi32, #tpu.memory_space<hbm>> -> memref<128xi32, #tpu.memory_space<hbm>>
        tpu.enqueue_dma source(%dma_start3A_210 : memref<128xi32, #tpu.memory_space<hbm>>) target(%arg11 : memref<128xi32, #tpu.memory_space<vmem>>) target_semaphore(%arg21 : memref<!tpu.dma_semaphore, #tpu.memory_space<semaphore_mem>>)
      } else {
      }
      %dma_wait3A_192 = arith.constant 0 : i32
      %dma_wait3A_193 = arith.constant 0 : i32
      %dma_wait3A_194 = tpu.memref_slice %arg8[%dma_wait3A_192, %dma_wait3A_193] : memref<10240x128xf32, #tpu.memory_space<vmem_shared>> -> memref<10240x128xf32, #tpu.memory_space<vmem_shared>>
      tpu.wait_indirect_dma semaphore(%arg19 : memref<!tpu.dma_semaphore, #tpu.memory_space<semaphore_mem>>) src(%arg15 : memref<128x128xf32, #tpu.memory_space<vmem>>) dst(%dma_wait3A_194 : memref<10240x128xf32, #tpu.memory_space<vmem_shared>>)
      %add3A_195 = arith.constant 2 : i32
      %add3A_196 = arith.addi %add3A_168, %add3A_195 : i32
      %lt3A_197 = arith.constant 80 : i32
      %lt3A_198 = arith.cmpi slt, %add3A_196, %lt3A_197 : i32
      %convert_element_type3A_199 = arith.extui %lt3A_198 : i1 to i32
      %cond3A_200 = arith.constant 0 : i32
      %cond3A_201 = arith.cmpi ne, %convert_element_type3A_199, %cond3A_200 : i32
      scf.if %cond3A_201 {
        %add3A_202 = arith.constant 2 : i32
        %add3A_203 = arith.addi %add3A_168, %add3A_202 : i32
        %mul3A_204 = arith.constant 128 : i32
        %mul3A_205 = arith.muli %add3A_203, %mul3A_204 : i32
        %dma_start3A_206 = tpu.memref_slice %arg9[%mul3A_205] : memref<10240xi32, #tpu.memory_space<vmem>> -> memref<128xi32, #tpu.memory_space<vmem>>
        %dma_start3A_207 = arith.constant 0 : i32
        %dma_start3A_208 = arith.constant 0 : i32
        %dma_start3A_209 = tpu.memref_slice %arg2[%dma_start3A_207, %dma_start3A_208] : memref<20480x128xf32, #tpu.memory_space<hbm>> -> memref<20480x128xf32, #tpu.memory_space<hbm>>
        tpu.enqueue_indirect_dma source(%dma_start3A_209 : memref<20480x128xf32, #tpu.memory_space<hbm>>) target(%arg15 : memref<128x128xf32, #tpu.memory_space<vmem>>) offsets(%dma_start3A_206 : memref<128xi32, #tpu.memory_space<vmem>>) semaphore(%arg17 : memref<!tpu.dma_semaphore, #tpu.memory_space<semaphore_mem>>)
      } else {
      }
    }
    %scan3A_46 = arith.constant 20 : i32
    %barrier3A_47 = arith.constant 0 : index
    tpu.barrier barrier_id(%barrier3A_47)
    %mul3A_48 = arith.constant 640 : i32
    %mul3A_49 = arith.muli %arg1, %mul3A_48 : i32
    %mul3A_50 = arith.constant 10240 : i32
    %mul3A_51 = arith.muli %arg0, %mul3A_50 : i32
    %mul3A_52 = arith.constant 640 : i32
    %mul3A_53 = arith.muli %arg1, %mul3A_52 : i32
    %add3A_54 = arith.addi %mul3A_51, %mul3A_53 : i32
    "tpu.region"() ({
      %run_scoped3A = tpu.sem_alloc : memref<!tpu.dma_semaphore, #tpu.memory_space<semaphore_mem>>
      %dma_start3A_55 = arith.constant 0 : i32
      %dma_start3A_56 = tpu.memref_slice %arg7[%add3A_54, %dma_start3A_55] : memref<20480x128xf32, #tpu.memory_space<hbm>> -> memref<640x128xf32, #tpu.memory_space<hbm>>
      %dma_start3A_57 = arith.constant 0 : i32
      %dma_start3A_58 = tpu.memref_slice %arg8[%mul3A_49, %dma_start3A_57] : memref<10240x128xf32, #tpu.memory_space<vmem_shared>> -> memref<640x128xf32, #tpu.memory_space<vmem_shared>>
      tpu.enqueue_dma source(%dma_start3A_58 : memref<640x128xf32, #tpu.memory_space<vmem_shared>>) target(%dma_start3A_56 : memref<640x128xf32, #tpu.memory_space<hbm>>) target_semaphore(%run_scoped3A : memref<!tpu.dma_semaphore, #tpu.memory_space<semaphore_mem>>)
      %dma_wait3A = arith.constant 0 : i32
      %dma_wait3A_59 = tpu.memref_slice %arg7[%add3A_54, %dma_wait3A] : memref<20480x128xf32, #tpu.memory_space<hbm>> -> memref<640x128xf32, #tpu.memory_space<hbm>>
      %dma_wait3A_60 = arith.constant 0 : i32
      %dma_wait3A_61 = tpu.memref_slice %arg8[%mul3A_49, %dma_wait3A_60] : memref<10240x128xf32, #tpu.memory_space<vmem_shared>> -> memref<640x128xf32, #tpu.memory_space<vmem_shared>>
      tpu.wait_dma2 semaphore(%run_scoped3A : memref<!tpu.dma_semaphore, #tpu.memory_space<semaphore_mem>>) src(%dma_wait3A_61 : memref<640x128xf32, #tpu.memory_space<vmem_shared>>) dst(%dma_wait3A_59 : memref<640x128xf32, #tpu.memory_space<hbm>>)
      tpu.yield
    }) : () -> ()
    return
  }
}

#map = affine_map<(d0, d1) -> (0, 0)>
#map1 = affine_map<(d0, d1) -> (0)>
module attributes {stable_mosaic.version = 14 : i64} {
  func.func @agg(%arg0: i32, %arg1: i32, %arg2: memref<20480x128xf32, #tpu.memory_space<hbm>>, %arg3: memref<20480x128xf32, #tpu.memory_space<hbm>>, %arg4: memref<163840xi32, #tpu.memory_space<hbm>>, %arg5: memref<163840xi32, #tpu.memory_space<hbm>>, %arg6: memref<1280x128xi32, #tpu.memory_space<hbm>>, %arg7: memref<20480x128xf32, #tpu.memory_space<hbm>>, %arg8: memref<10240x128xf32, #tpu.memory_space<vmem_shared>>, %arg9: memref<5120xi32, #tpu.memory_space<vmem>>, %arg10: memref<128xi32, #tpu.memory_space<vmem>>, %arg11: memref<128xi32, #tpu.memory_space<vmem>>, %arg12: memref<128xi32, #tpu.memory_space<vmem>>, %arg13: memref<128xi32, #tpu.memory_space<vmem>>, %arg14: memref<128x128xf32, #tpu.memory_space<vmem>>, %arg15: memref<128x128xf32, #tpu.memory_space<vmem>>, %arg16: memref<!tpu.dma_semaphore, #tpu.memory_space<semaphore_mem>>, %arg17: memref<!tpu.dma_semaphore, #tpu.memory_space<semaphore_mem>>, %arg18: memref<!tpu.dma_semaphore, #tpu.memory_space<semaphore_mem>>, %arg19: memref<!tpu.dma_semaphore, #tpu.memory_space<semaphore_mem>>, %arg20: memref<!tpu.dma_semaphore, #tpu.memory_space<semaphore_mem>>, %arg21: memref<!tpu.dma_semaphore, #tpu.memory_space<semaphore_mem>>, %arg22: memref<!tpu.dma_semaphore, #tpu.memory_space<semaphore_mem>>, %arg23: memref<!tpu.dma_semaphore, #tpu.memory_space<semaphore_mem>>) attributes {dimension_semantics = [#tpu.dimension_semantics<core_parallel>, #tpu.dimension_semantics<subcore_parallel>], iteration_bounds = array<i64: 2, 16>, scalar_prefetch = 0 : i64, scratch_operands = 16 : i64, tpu.core_type = #tpu.core_type<sc_vector_subcore>, window_params = [{transform_indices = #map}, {transform_indices = #map}, {transform_indices = #map1}, {transform_indices = #map1}, {transform_indices = #map}, {transform_indices = #map}]} {
    %mul3A = arith.constant 10240 : i32
    %mul3A_0 = arith.muli %arg0, %mul3A : i32
    %mul3A_1 = arith.constant 640 : i32
    %mul3A_2 = arith.muli %arg1, %mul3A_1 : i32
    %add3A = arith.addi %mul3A_0, %mul3A_2 : i32
    %mul3A_3 = arith.constant 640 : i32
    %mul3A_4 = arith.muli %arg1, %mul3A_3 : i32
    "tpu.region"() ({
      %run_scoped3A = tpu.sem_alloc : memref<!tpu.dma_semaphore, #tpu.memory_space<semaphore_mem>>
      %dma_start3A_58 = arith.constant 0 : i32
      %dma_start3A_59 = tpu.memref_slice %arg8[%mul3A_4, %dma_start3A_58] : memref<10240x128xf32, #tpu.memory_space<vmem_shared>> -> memref<640x128xf32, #tpu.memory_space<vmem_shared>>
      %dma_start3A_60 = arith.constant 0 : i32
      %dma_start3A_61 = tpu.memref_slice %arg3[%add3A, %dma_start3A_60] : memref<20480x128xf32, #tpu.memory_space<hbm>> -> memref<640x128xf32, #tpu.memory_space<hbm>>
      tpu.enqueue_dma source(%dma_start3A_61 : memref<640x128xf32, #tpu.memory_space<hbm>>) target(%dma_start3A_59 : memref<640x128xf32, #tpu.memory_space<vmem_shared>>) target_semaphore(%run_scoped3A : memref<!tpu.dma_semaphore, #tpu.memory_space<semaphore_mem>>)
      %dma_wait3A = arith.constant 0 : i32
      %dma_wait3A_62 = tpu.memref_slice %arg8[%mul3A_4, %dma_wait3A] : memref<10240x128xf32, #tpu.memory_space<vmem_shared>> -> memref<640x128xf32, #tpu.memory_space<vmem_shared>>
      %dma_wait3A_63 = arith.constant 0 : i32
      %dma_wait3A_64 = tpu.memref_slice %arg3[%add3A, %dma_wait3A_63] : memref<20480x128xf32, #tpu.memory_space<hbm>> -> memref<640x128xf32, #tpu.memory_space<hbm>>
      tpu.wait_dma2 semaphore(%run_scoped3A : memref<!tpu.dma_semaphore, #tpu.memory_space<semaphore_mem>>) src(%dma_wait3A_64 : memref<640x128xf32, #tpu.memory_space<hbm>>) dst(%dma_wait3A_62 : memref<640x128xf32, #tpu.memory_space<vmem_shared>>)
      tpu.yield
    }) : () -> ()
    %mul3A_5 = arith.constant 16 : i32
    %mul3A_6 = arith.muli %arg0, %mul3A_5 : i32
    %add3A_7 = arith.addi %mul3A_6, %arg1 : i32
    %eq3A = arith.constant 0 : i32
    %eq3A_8 = arith.cmpi eq, %arg0, %eq3A : i32
    %convert_element_type3A = arith.extui %eq3A_8 : i1 to i32
    %cond3A = arith.constant 0 : i32
    %cond3A_9 = arith.cmpi ne, %convert_element_type3A, %cond3A : i32
    scf.if %cond3A_9 {
      %mul3A_58 = arith.constant 5120 : i32
      %mul3A_59 = arith.muli %add3A_7, %mul3A_58 : i32
      "tpu.region"() ({
        %run_scoped3A = tpu.sem_alloc : memref<!tpu.dma_semaphore, #tpu.memory_space<semaphore_mem>>
        %dma_start3A_60 = tpu.memref_slice %arg4[%mul3A_59] : memref<163840xi32, #tpu.memory_space<hbm>> -> memref<5120xi32, #tpu.memory_space<hbm>>
        %dma_start3A_61 = tpu.memref_slice %arg4[%mul3A_59] : memref<163840xi32, #tpu.memory_space<hbm>> -> memref<5120xi32, #tpu.memory_space<hbm>>
        tpu.enqueue_dma source(%dma_start3A_61 : memref<5120xi32, #tpu.memory_space<hbm>>) target(%arg9 : memref<5120xi32, #tpu.memory_space<vmem>>) target_semaphore(%run_scoped3A : memref<!tpu.dma_semaphore, #tpu.memory_space<semaphore_mem>>)
        %dma_wait3A = tpu.memref_slice %arg4[%mul3A_59] : memref<163840xi32, #tpu.memory_space<hbm>> -> memref<5120xi32, #tpu.memory_space<hbm>>
        %dma_wait3A_62 = tpu.memref_slice %arg4[%mul3A_59] : memref<163840xi32, #tpu.memory_space<hbm>> -> memref<5120xi32, #tpu.memory_space<hbm>>
        tpu.wait_dma2 semaphore(%run_scoped3A : memref<!tpu.dma_semaphore, #tpu.memory_space<semaphore_mem>>) src(%dma_wait3A_62 : memref<5120xi32, #tpu.memory_space<hbm>>) dst(%arg9 : memref<5120xi32, #tpu.memory_space<vmem>>)
        tpu.yield
      }) : () -> ()
    } else {
    }
    %eq3A_10 = arith.constant 1 : i32
    %eq3A_11 = arith.cmpi eq, %arg0, %eq3A_10 : i32
    %convert_element_type3A_12 = arith.extui %eq3A_11 : i1 to i32
    %cond3A_13 = arith.constant 0 : i32
    %cond3A_14 = arith.cmpi ne, %convert_element_type3A_12, %cond3A_13 : i32
    scf.if %cond3A_14 {
      %mul3A_58 = arith.constant 5120 : i32
      %mul3A_59 = arith.muli %add3A_7, %mul3A_58 : i32
      "tpu.region"() ({
        %run_scoped3A = tpu.sem_alloc : memref<!tpu.dma_semaphore, #tpu.memory_space<semaphore_mem>>
        %dma_start3A_60 = tpu.memref_slice %arg5[%mul3A_59] : memref<163840xi32, #tpu.memory_space<hbm>> -> memref<5120xi32, #tpu.memory_space<hbm>>
        %dma_start3A_61 = tpu.memref_slice %arg5[%mul3A_59] : memref<163840xi32, #tpu.memory_space<hbm>> -> memref<5120xi32, #tpu.memory_space<hbm>>
        tpu.enqueue_dma source(%dma_start3A_61 : memref<5120xi32, #tpu.memory_space<hbm>>) target(%arg9 : memref<5120xi32, #tpu.memory_space<vmem>>) target_semaphore(%run_scoped3A : memref<!tpu.dma_semaphore, #tpu.memory_space<semaphore_mem>>)
        %dma_wait3A = tpu.memref_slice %arg5[%mul3A_59] : memref<163840xi32, #tpu.memory_space<hbm>> -> memref<5120xi32, #tpu.memory_space<hbm>>
        %dma_wait3A_62 = tpu.memref_slice %arg5[%mul3A_59] : memref<163840xi32, #tpu.memory_space<hbm>> -> memref<5120xi32, #tpu.memory_space<hbm>>
        tpu.wait_dma2 semaphore(%run_scoped3A : memref<!tpu.dma_semaphore, #tpu.memory_space<semaphore_mem>>) src(%dma_wait3A_62 : memref<5120xi32, #tpu.memory_space<hbm>>) dst(%arg9 : memref<5120xi32, #tpu.memory_space<vmem>>)
        tpu.yield
      }) : () -> ()
    } else {
    }
    %barrier3A = arith.constant 0 : index
    tpu.barrier barrier_id(%barrier3A)
    %mul3A_15 = arith.constant 16 : i32
    %mul3A_16 = arith.muli %arg0, %mul3A_15 : i32
    %add3A_17 = arith.addi %mul3A_16, %arg1 : i32
    %mul3A_18 = arith.constant 40 : i32
    %mul3A_19 = arith.muli %add3A_17, %mul3A_18 : i32
    %add3A_20 = arith.constant 0 : i32
    %add3A_21 = arith.addi %mul3A_19, %add3A_20 : i32
    %dma_start3A = arith.constant 0 : i32
    %dma_start3A_22 = tpu.memref_slice %arg6[%add3A_21, %dma_start3A] : memref<1280x128xi32, #tpu.memory_space<hbm>> -> memref<1x128xi32, #tpu.memory_space<hbm>>
    %dma_start3A_23 = tpu.memref_squeeze %dma_start3A_22 : memref<1x128xi32, #tpu.memory_space<hbm>> -> memref<128xi32, #tpu.memory_space<hbm>>
    %dma_start3A_24 = arith.constant 0 : i32
    %dma_start3A_25 = tpu.memref_slice %arg6[%add3A_21, %dma_start3A_24] : memref<1280x128xi32, #tpu.memory_space<hbm>> -> memref<1x128xi32, #tpu.memory_space<hbm>>
    %dma_start3A_26 = tpu.memref_squeeze %dma_start3A_25 : memref<1x128xi32, #tpu.memory_space<hbm>> -> memref<128xi32, #tpu.memory_space<hbm>>
    tpu.enqueue_dma source(%dma_start3A_26 : memref<128xi32, #tpu.memory_space<hbm>>) target(%arg10 : memref<128xi32, #tpu.memory_space<vmem>>) target_semaphore(%arg20 : memref<!tpu.dma_semaphore, #tpu.memory_space<semaphore_mem>>)
    %add3A_27 = arith.constant 1 : i32
    %add3A_28 = arith.addi %mul3A_19, %add3A_27 : i32
    %dma_start3A_29 = arith.constant 0 : i32
    %dma_start3A_30 = tpu.memref_slice %arg6[%add3A_28, %dma_start3A_29] : memref<1280x128xi32, #tpu.memory_space<hbm>> -> memref<1x128xi32, #tpu.memory_space<hbm>>
    %dma_start3A_31 = tpu.memref_squeeze %dma_start3A_30 : memref<1x128xi32, #tpu.memory_space<hbm>> -> memref<128xi32, #tpu.memory_space<hbm>>
    %dma_start3A_32 = arith.constant 0 : i32
    %dma_start3A_33 = tpu.memref_slice %arg6[%add3A_28, %dma_start3A_32] : memref<1280x128xi32, #tpu.memory_space<hbm>> -> memref<1x128xi32, #tpu.memory_space<hbm>>
    %dma_start3A_34 = tpu.memref_squeeze %dma_start3A_33 : memref<1x128xi32, #tpu.memory_space<hbm>> -> memref<128xi32, #tpu.memory_space<hbm>>
    tpu.enqueue_dma source(%dma_start3A_34 : memref<128xi32, #tpu.memory_space<hbm>>) target(%arg11 : memref<128xi32, #tpu.memory_space<vmem>>) target_semaphore(%arg21 : memref<!tpu.dma_semaphore, #tpu.memory_space<semaphore_mem>>)
    %dma_start3A_35 = arith.constant 0 : i32
    %dma_start3A_36 = tpu.memref_slice %arg9[%dma_start3A_35] : memref<5120xi32, #tpu.memory_space<vmem>> -> memref<128xi32, #tpu.memory_space<vmem>>
    %dma_start3A_37 = arith.constant 0 : i32
    %dma_start3A_38 = arith.constant 0 : i32
    %dma_start3A_39 = tpu.memref_slice %arg2[%dma_start3A_37, %dma_start3A_38] : memref<20480x128xf32, #tpu.memory_space<hbm>> -> memref<20480x128xf32, #tpu.memory_space<hbm>>
    tpu.enqueue_indirect_dma source(%dma_start3A_39 : memref<20480x128xf32, #tpu.memory_space<hbm>>) target(%arg14 : memref<128x128xf32, #tpu.memory_space<vmem>>) offsets(%dma_start3A_36 : memref<128xi32, #tpu.memory_space<vmem>>) semaphore(%arg16 : memref<!tpu.dma_semaphore, #tpu.memory_space<semaphore_mem>>)
    %dma_start3A_40 = arith.constant 128 : i32
    %dma_start3A_41 = tpu.memref_slice %arg9[%dma_start3A_40] : memref<5120xi32, #tpu.memory_space<vmem>> -> memref<128xi32, #tpu.memory_space<vmem>>
    %dma_start3A_42 = arith.constant 0 : i32
    %dma_start3A_43 = arith.constant 0 : i32
    %dma_start3A_44 = tpu.memref_slice %arg2[%dma_start3A_42, %dma_start3A_43] : memref<20480x128xf32, #tpu.memory_space<hbm>> -> memref<20480x128xf32, #tpu.memory_space<hbm>>
    tpu.enqueue_indirect_dma source(%dma_start3A_44 : memref<20480x128xf32, #tpu.memory_space<hbm>>) target(%arg15 : memref<128x128xf32, #tpu.memory_space<vmem>>) offsets(%dma_start3A_41 : memref<128xi32, #tpu.memory_space<vmem>>) semaphore(%arg17 : memref<!tpu.dma_semaphore, #tpu.memory_space<semaphore_mem>>)
    %scan3A = arith.constant 0 : i32
    %scan3A_45 = arith.constant 0 : i32
    %scan3A_46 = arith.constant 10 : i32
    %scan3A_47 = arith.addi %scan3A_45, %scan3A_46 : i32
    %scan3A_48 = arith.constant 1 : i32
    scf.for %scan3A_58 = %scan3A_45 to %scan3A_47 step %scan3A_48  : i32 {
      %mul3A_59 = arith.constant 4 : i32
      %mul3A_60 = arith.muli %mul3A_59, %scan3A_58 : i32
      %add3A_61 = arith.constant 0 : i32
      %add3A_62 = arith.addi %mul3A_60, %add3A_61 : i32
      %mul3A_63 = arith.constant 128 : i32
      %mul3A_64 = arith.muli %add3A_62, %mul3A_63 : i32
      %dma_wait3A = tpu.memref_slice %arg9[%mul3A_64] : memref<5120xi32, #tpu.memory_space<vmem>> -> memref<128xi32, #tpu.memory_space<vmem>>
      %dma_wait3A_65 = arith.constant 0 : i32
      %dma_wait3A_66 = arith.constant 0 : i32
      %dma_wait3A_67 = tpu.memref_slice %arg2[%dma_wait3A_65, %dma_wait3A_66] : memref<20480x128xf32, #tpu.memory_space<hbm>> -> memref<20480x128xf32, #tpu.memory_space<hbm>>
      tpu.wait_indirect_dma semaphore(%arg16 : memref<!tpu.dma_semaphore, #tpu.memory_space<semaphore_mem>>) src(%dma_wait3A_67 : memref<20480x128xf32, #tpu.memory_space<hbm>>) dst(%arg14 : memref<128x128xf32, #tpu.memory_space<vmem>>)
      %add3A_68 = arith.addi %mul3A_19, %add3A_62 : i32
      %dma_wait3A_69 = arith.constant 0 : i32
      %dma_wait3A_70 = tpu.memref_slice %arg6[%add3A_68, %dma_wait3A_69] : memref<1280x128xi32, #tpu.memory_space<hbm>> -> memref<1x128xi32, #tpu.memory_space<hbm>>
      %dma_wait3A_71 = tpu.memref_squeeze %dma_wait3A_70 : memref<1x128xi32, #tpu.memory_space<hbm>> -> memref<128xi32, #tpu.memory_space<hbm>>
      %dma_wait3A_72 = arith.constant 0 : i32
      %dma_wait3A_73 = tpu.memref_slice %arg6[%add3A_68, %dma_wait3A_72] : memref<1280x128xi32, #tpu.memory_space<hbm>> -> memref<1x128xi32, #tpu.memory_space<hbm>>
      %dma_wait3A_74 = tpu.memref_squeeze %dma_wait3A_73 : memref<1x128xi32, #tpu.memory_space<hbm>> -> memref<128xi32, #tpu.memory_space<hbm>>
      tpu.wait_dma2 semaphore(%arg20 : memref<!tpu.dma_semaphore, #tpu.memory_space<semaphore_mem>>) src(%dma_wait3A_74 : memref<128xi32, #tpu.memory_space<hbm>>) dst(%arg10 : memref<128xi32, #tpu.memory_space<vmem>>)
      %dma_start3A_75 = arith.constant 0 : i32
      %dma_start3A_76 = arith.constant 0 : i32
      %dma_start3A_77 = tpu.memref_slice %arg8[%dma_start3A_75, %dma_start3A_76] : memref<10240x128xf32, #tpu.memory_space<vmem_shared>> -> memref<10240x128xf32, #tpu.memory_space<vmem_shared>>
      tpu.enqueue_indirect_dma source(%arg14 : memref<128x128xf32, #tpu.memory_space<vmem>>) target(%dma_start3A_77 : memref<10240x128xf32, #tpu.memory_space<vmem_shared>>) offsets(%arg10 : memref<128xi32, #tpu.memory_space<vmem>>) semaphore(%arg18 : memref<!tpu.dma_semaphore, #tpu.memory_space<semaphore_mem>>) {add = true}
      %add3A_78 = arith.constant 2 : i32
      %add3A_79 = arith.addi %add3A_62, %add3A_78 : i32
      %lt3A = arith.constant 40 : i32
      %lt3A_80 = arith.cmpi slt, %add3A_79, %lt3A : i32
      %convert_element_type3A_81 = arith.extui %lt3A_80 : i1 to i32
      %cond3A_82 = arith.constant 0 : i32
      %cond3A_83 = arith.cmpi ne, %convert_element_type3A_81, %cond3A_82 : i32
      scf.if %cond3A_83 {
        %add3A_205 = arith.constant 2 : i32
        %add3A_206 = arith.addi %add3A_62, %add3A_205 : i32
        %add3A_207 = arith.addi %mul3A_19, %add3A_206 : i32
        %dma_start3A_208 = arith.constant 0 : i32
        %dma_start3A_209 = tpu.memref_slice %arg6[%add3A_207, %dma_start3A_208] : memref<1280x128xi32, #tpu.memory_space<hbm>> -> memref<1x128xi32, #tpu.memory_space<hbm>>
        %dma_start3A_210 = tpu.memref_squeeze %dma_start3A_209 : memref<1x128xi32, #tpu.memory_space<hbm>> -> memref<128xi32, #tpu.memory_space<hbm>>
        %dma_start3A_211 = arith.constant 0 : i32
        %dma_start3A_212 = tpu.memref_slice %arg6[%add3A_207, %dma_start3A_211] : memref<1280x128xi32, #tpu.memory_space<hbm>> -> memref<1x128xi32, #tpu.memory_space<hbm>>
        %dma_start3A_213 = tpu.memref_squeeze %dma_start3A_212 : memref<1x128xi32, #tpu.memory_space<hbm>> -> memref<128xi32, #tpu.memory_space<hbm>>
        tpu.enqueue_dma source(%dma_start3A_213 : memref<128xi32, #tpu.memory_space<hbm>>) target(%arg12 : memref<128xi32, #tpu.memory_space<vmem>>) target_semaphore(%arg22 : memref<!tpu.dma_semaphore, #tpu.memory_space<semaphore_mem>>)
      } else {
      }
      %dma_wait3A_84 = arith.constant 0 : i32
      %dma_wait3A_85 = arith.constant 0 : i32
      %dma_wait3A_86 = tpu.memref_slice %arg8[%dma_wait3A_84, %dma_wait3A_85] : memref<10240x128xf32, #tpu.memory_space<vmem_shared>> -> memref<10240x128xf32, #tpu.memory_space<vmem_shared>>
      tpu.wait_indirect_dma semaphore(%arg18 : memref<!tpu.dma_semaphore, #tpu.memory_space<semaphore_mem>>) src(%arg14 : memref<128x128xf32, #tpu.memory_space<vmem>>) dst(%dma_wait3A_86 : memref<10240x128xf32, #tpu.memory_space<vmem_shared>>)
      %add3A_87 = arith.constant 2 : i32
      %add3A_88 = arith.addi %add3A_62, %add3A_87 : i32
      %lt3A_89 = arith.constant 40 : i32
      %lt3A_90 = arith.cmpi slt, %add3A_88, %lt3A_89 : i32
      %convert_element_type3A_91 = arith.extui %lt3A_90 : i1 to i32
      %cond3A_92 = arith.constant 0 : i32
      %cond3A_93 = arith.cmpi ne, %convert_element_type3A_91, %cond3A_92 : i32
      scf.if %cond3A_93 {
        %add3A_205 = arith.constant 2 : i32
        %add3A_206 = arith.addi %add3A_62, %add3A_205 : i32
        %mul3A_207 = arith.constant 128 : i32
        %mul3A_208 = arith.muli %add3A_206, %mul3A_207 : i32
        %dma_start3A_209 = tpu.memref_slice %arg9[%mul3A_208] : memref<5120xi32, #tpu.memory_space<vmem>> -> memref<128xi32, #tpu.memory_space<vmem>>
        %dma_start3A_210 = arith.constant 0 : i32
        %dma_start3A_211 = arith.constant 0 : i32
        %dma_start3A_212 = tpu.memref_slice %arg2[%dma_start3A_210, %dma_start3A_211] : memref<20480x128xf32, #tpu.memory_space<hbm>> -> memref<20480x128xf32, #tpu.memory_space<hbm>>
        tpu.enqueue_indirect_dma source(%dma_start3A_212 : memref<20480x128xf32, #tpu.memory_space<hbm>>) target(%arg14 : memref<128x128xf32, #tpu.memory_space<vmem>>) offsets(%dma_start3A_209 : memref<128xi32, #tpu.memory_space<vmem>>) semaphore(%arg16 : memref<!tpu.dma_semaphore, #tpu.memory_space<semaphore_mem>>)
      } else {
      }
      %mul3A_94 = arith.constant 4 : i32
      %mul3A_95 = arith.muli %mul3A_94, %scan3A_58 : i32
      %add3A_96 = arith.constant 1 : i32
      %add3A_97 = arith.addi %mul3A_95, %add3A_96 : i32
      %mul3A_98 = arith.constant 128 : i32
      %mul3A_99 = arith.muli %add3A_97, %mul3A_98 : i32
      %dma_wait3A_100 = tpu.memref_slice %arg9[%mul3A_99] : memref<5120xi32, #tpu.memory_space<vmem>> -> memref<128xi32, #tpu.memory_space<vmem>>
      %dma_wait3A_101 = arith.constant 0 : i32
      %dma_wait3A_102 = arith.constant 0 : i32
      %dma_wait3A_103 = tpu.memref_slice %arg2[%dma_wait3A_101, %dma_wait3A_102] : memref<20480x128xf32, #tpu.memory_space<hbm>> -> memref<20480x128xf32, #tpu.memory_space<hbm>>
      tpu.wait_indirect_dma semaphore(%arg17 : memref<!tpu.dma_semaphore, #tpu.memory_space<semaphore_mem>>) src(%dma_wait3A_103 : memref<20480x128xf32, #tpu.memory_space<hbm>>) dst(%arg15 : memref<128x128xf32, #tpu.memory_space<vmem>>)
      %add3A_104 = arith.addi %mul3A_19, %add3A_97 : i32
      %dma_wait3A_105 = arith.constant 0 : i32
      %dma_wait3A_106 = tpu.memref_slice %arg6[%add3A_104, %dma_wait3A_105] : memref<1280x128xi32, #tpu.memory_space<hbm>> -> memref<1x128xi32, #tpu.memory_space<hbm>>
      %dma_wait3A_107 = tpu.memref_squeeze %dma_wait3A_106 : memref<1x128xi32, #tpu.memory_space<hbm>> -> memref<128xi32, #tpu.memory_space<hbm>>
      %dma_wait3A_108 = arith.constant 0 : i32
      %dma_wait3A_109 = tpu.memref_slice %arg6[%add3A_104, %dma_wait3A_108] : memref<1280x128xi32, #tpu.memory_space<hbm>> -> memref<1x128xi32, #tpu.memory_space<hbm>>
      %dma_wait3A_110 = tpu.memref_squeeze %dma_wait3A_109 : memref<1x128xi32, #tpu.memory_space<hbm>> -> memref<128xi32, #tpu.memory_space<hbm>>
      tpu.wait_dma2 semaphore(%arg21 : memref<!tpu.dma_semaphore, #tpu.memory_space<semaphore_mem>>) src(%dma_wait3A_110 : memref<128xi32, #tpu.memory_space<hbm>>) dst(%arg11 : memref<128xi32, #tpu.memory_space<vmem>>)
      %dma_start3A_111 = arith.constant 0 : i32
      %dma_start3A_112 = arith.constant 0 : i32
      %dma_start3A_113 = tpu.memref_slice %arg8[%dma_start3A_111, %dma_start3A_112] : memref<10240x128xf32, #tpu.memory_space<vmem_shared>> -> memref<10240x128xf32, #tpu.memory_space<vmem_shared>>
      tpu.enqueue_indirect_dma source(%arg15 : memref<128x128xf32, #tpu.memory_space<vmem>>) target(%dma_start3A_113 : memref<10240x128xf32, #tpu.memory_space<vmem_shared>>) offsets(%arg11 : memref<128xi32, #tpu.memory_space<vmem>>) semaphore(%arg19 : memref<!tpu.dma_semaphore, #tpu.memory_space<semaphore_mem>>) {add = true}
      %add3A_114 = arith.constant 2 : i32
      %add3A_115 = arith.addi %add3A_97, %add3A_114 : i32
      %lt3A_116 = arith.constant 40 : i32
      %lt3A_117 = arith.cmpi slt, %add3A_115, %lt3A_116 : i32
      %convert_element_type3A_118 = arith.extui %lt3A_117 : i1 to i32
      %cond3A_119 = arith.constant 0 : i32
      %cond3A_120 = arith.cmpi ne, %convert_element_type3A_118, %cond3A_119 : i32
      scf.if %cond3A_120 {
        %add3A_205 = arith.constant 2 : i32
        %add3A_206 = arith.addi %add3A_97, %add3A_205 : i32
        %add3A_207 = arith.addi %mul3A_19, %add3A_206 : i32
        %dma_start3A_208 = arith.constant 0 : i32
        %dma_start3A_209 = tpu.memref_slice %arg6[%add3A_207, %dma_start3A_208] : memref<1280x128xi32, #tpu.memory_space<hbm>> -> memref<1x128xi32, #tpu.memory_space<hbm>>
        %dma_start3A_210 = tpu.memref_squeeze %dma_start3A_209 : memref<1x128xi32, #tpu.memory_space<hbm>> -> memref<128xi32, #tpu.memory_space<hbm>>
        %dma_start3A_211 = arith.constant 0 : i32
        %dma_start3A_212 = tpu.memref_slice %arg6[%add3A_207, %dma_start3A_211] : memref<1280x128xi32, #tpu.memory_space<hbm>> -> memref<1x128xi32, #tpu.memory_space<hbm>>
        %dma_start3A_213 = tpu.memref_squeeze %dma_start3A_212 : memref<1x128xi32, #tpu.memory_space<hbm>> -> memref<128xi32, #tpu.memory_space<hbm>>
        tpu.enqueue_dma source(%dma_start3A_213 : memref<128xi32, #tpu.memory_space<hbm>>) target(%arg13 : memref<128xi32, #tpu.memory_space<vmem>>) target_semaphore(%arg23 : memref<!tpu.dma_semaphore, #tpu.memory_space<semaphore_mem>>)
      } else {
      }
      %dma_wait3A_121 = arith.constant 0 : i32
      %dma_wait3A_122 = arith.constant 0 : i32
      %dma_wait3A_123 = tpu.memref_slice %arg8[%dma_wait3A_121, %dma_wait3A_122] : memref<10240x128xf32, #tpu.memory_space<vmem_shared>> -> memref<10240x128xf32, #tpu.memory_space<vmem_shared>>
      tpu.wait_indirect_dma semaphore(%arg19 : memref<!tpu.dma_semaphore, #tpu.memory_space<semaphore_mem>>) src(%arg15 : memref<128x128xf32, #tpu.memory_space<vmem>>) dst(%dma_wait3A_123 : memref<10240x128xf32, #tpu.memory_space<vmem_shared>>)
      %add3A_124 = arith.constant 2 : i32
      %add3A_125 = arith.addi %add3A_97, %add3A_124 : i32
      %lt3A_126 = arith.constant 40 : i32
      %lt3A_127 = arith.cmpi slt, %add3A_125, %lt3A_126 : i32
      %convert_element_type3A_128 = arith.extui %lt3A_127 : i1 to i32
      %cond3A_129 = arith.constant 0 : i32
      %cond3A_130 = arith.cmpi ne, %convert_element_type3A_128, %cond3A_129 : i32
      scf.if %cond3A_130 {
        %add3A_205 = arith.constant 2 : i32
        %add3A_206 = arith.addi %add3A_97, %add3A_205 : i32
        %mul3A_207 = arith.constant 128 : i32
        %mul3A_208 = arith.muli %add3A_206, %mul3A_207 : i32
        %dma_start3A_209 = tpu.memref_slice %arg9[%mul3A_208] : memref<5120xi32, #tpu.memory_space<vmem>> -> memref<128xi32, #tpu.memory_space<vmem>>
        %dma_start3A_210 = arith.constant 0 : i32
        %dma_start3A_211 = arith.constant 0 : i32
        %dma_start3A_212 = tpu.memref_slice %arg2[%dma_start3A_210, %dma_start3A_211] : memref<20480x128xf32, #tpu.memory_space<hbm>> -> memref<20480x128xf32, #tpu.memory_space<hbm>>
        tpu.enqueue_indirect_dma source(%dma_start3A_212 : memref<20480x128xf32, #tpu.memory_space<hbm>>) target(%arg15 : memref<128x128xf32, #tpu.memory_space<vmem>>) offsets(%dma_start3A_209 : memref<128xi32, #tpu.memory_space<vmem>>) semaphore(%arg17 : memref<!tpu.dma_semaphore, #tpu.memory_space<semaphore_mem>>)
      } else {
      }
      %mul3A_131 = arith.constant 4 : i32
      %mul3A_132 = arith.muli %mul3A_131, %scan3A_58 : i32
      %add3A_133 = arith.constant 2 : i32
      %add3A_134 = arith.addi %mul3A_132, %add3A_133 : i32
      %mul3A_135 = arith.constant 128 : i32
      %mul3A_136 = arith.muli %add3A_134, %mul3A_135 : i32
      %dma_wait3A_137 = tpu.memref_slice %arg9[%mul3A_136] : memref<5120xi32, #tpu.memory_space<vmem>> -> memref<128xi32, #tpu.memory_space<vmem>>
      %dma_wait3A_138 = arith.constant 0 : i32
      %dma_wait3A_139 = arith.constant 0 : i32
      %dma_wait3A_140 = tpu.memref_slice %arg2[%dma_wait3A_138, %dma_wait3A_139] : memref<20480x128xf32, #tpu.memory_space<hbm>> -> memref<20480x128xf32, #tpu.memory_space<hbm>>
      tpu.wait_indirect_dma semaphore(%arg16 : memref<!tpu.dma_semaphore, #tpu.memory_space<semaphore_mem>>) src(%dma_wait3A_140 : memref<20480x128xf32, #tpu.memory_space<hbm>>) dst(%arg14 : memref<128x128xf32, #tpu.memory_space<vmem>>)
      %add3A_141 = arith.addi %mul3A_19, %add3A_134 : i32
      %dma_wait3A_142 = arith.constant 0 : i32
      %dma_wait3A_143 = tpu.memref_slice %arg6[%add3A_141, %dma_wait3A_142] : memref<1280x128xi32, #tpu.memory_space<hbm>> -> memref<1x128xi32, #tpu.memory_space<hbm>>
      %dma_wait3A_144 = tpu.memref_squeeze %dma_wait3A_143 : memref<1x128xi32, #tpu.memory_space<hbm>> -> memref<128xi32, #tpu.memory_space<hbm>>
      %dma_wait3A_145 = arith.constant 0 : i32
      %dma_wait3A_146 = tpu.memref_slice %arg6[%add3A_141, %dma_wait3A_145] : memref<1280x128xi32, #tpu.memory_space<hbm>> -> memref<1x128xi32, #tpu.memory_space<hbm>>
      %dma_wait3A_147 = tpu.memref_squeeze %dma_wait3A_146 : memref<1x128xi32, #tpu.memory_space<hbm>> -> memref<128xi32, #tpu.memory_space<hbm>>
      tpu.wait_dma2 semaphore(%arg22 : memref<!tpu.dma_semaphore, #tpu.memory_space<semaphore_mem>>) src(%dma_wait3A_147 : memref<128xi32, #tpu.memory_space<hbm>>) dst(%arg12 : memref<128xi32, #tpu.memory_space<vmem>>)
      %dma_start3A_148 = arith.constant 0 : i32
      %dma_start3A_149 = arith.constant 0 : i32
      %dma_start3A_150 = tpu.memref_slice %arg8[%dma_start3A_148, %dma_start3A_149] : memref<10240x128xf32, #tpu.memory_space<vmem_shared>> -> memref<10240x128xf32, #tpu.memory_space<vmem_shared>>
      tpu.enqueue_indirect_dma source(%arg14 : memref<128x128xf32, #tpu.memory_space<vmem>>) target(%dma_start3A_150 : memref<10240x128xf32, #tpu.memory_space<vmem_shared>>) offsets(%arg12 : memref<128xi32, #tpu.memory_space<vmem>>) semaphore(%arg18 : memref<!tpu.dma_semaphore, #tpu.memory_space<semaphore_mem>>) {add = true}
      %add3A_151 = arith.constant 2 : i32
      %add3A_152 = arith.addi %add3A_134, %add3A_151 : i32
      %lt3A_153 = arith.constant 40 : i32
      %lt3A_154 = arith.cmpi slt, %add3A_152, %lt3A_153 : i32
      %convert_element_type3A_155 = arith.extui %lt3A_154 : i1 to i32
      %cond3A_156 = arith.constant 0 : i32
      %cond3A_157 = arith.cmpi ne, %convert_element_type3A_155, %cond3A_156 : i32
      scf.if %cond3A_157 {
        %add3A_205 = arith.constant 2 : i32
        %add3A_206 = arith.addi %add3A_134, %add3A_205 : i32
        %add3A_207 = arith.addi %mul3A_19, %add3A_206 : i32
        %dma_start3A_208 = arith.constant 0 : i32
        %dma_start3A_209 = tpu.memref_slice %arg6[%add3A_207, %dma_start3A_208] : memref<1280x128xi32, #tpu.memory_space<hbm>> -> memref<1x128xi32, #tpu.memory_space<hbm>>
        %dma_start3A_210 = tpu.memref_squeeze %dma_start3A_209 : memref<1x128xi32, #tpu.memory_space<hbm>> -> memref<128xi32, #tpu.memory_space<hbm>>
        %dma_start3A_211 = arith.constant 0 : i32
        %dma_start3A_212 = tpu.memref_slice %arg6[%add3A_207, %dma_start3A_211] : memref<1280x128xi32, #tpu.memory_space<hbm>> -> memref<1x128xi32, #tpu.memory_space<hbm>>
        %dma_start3A_213 = tpu.memref_squeeze %dma_start3A_212 : memref<1x128xi32, #tpu.memory_space<hbm>> -> memref<128xi32, #tpu.memory_space<hbm>>
        tpu.enqueue_dma source(%dma_start3A_213 : memref<128xi32, #tpu.memory_space<hbm>>) target(%arg10 : memref<128xi32, #tpu.memory_space<vmem>>) target_semaphore(%arg20 : memref<!tpu.dma_semaphore, #tpu.memory_space<semaphore_mem>>)
      } else {
      }
      %dma_wait3A_158 = arith.constant 0 : i32
      %dma_wait3A_159 = arith.constant 0 : i32
      %dma_wait3A_160 = tpu.memref_slice %arg8[%dma_wait3A_158, %dma_wait3A_159] : memref<10240x128xf32, #tpu.memory_space<vmem_shared>> -> memref<10240x128xf32, #tpu.memory_space<vmem_shared>>
      tpu.wait_indirect_dma semaphore(%arg18 : memref<!tpu.dma_semaphore, #tpu.memory_space<semaphore_mem>>) src(%arg14 : memref<128x128xf32, #tpu.memory_space<vmem>>) dst(%dma_wait3A_160 : memref<10240x128xf32, #tpu.memory_space<vmem_shared>>)
      %add3A_161 = arith.constant 2 : i32
      %add3A_162 = arith.addi %add3A_134, %add3A_161 : i32
      %lt3A_163 = arith.constant 40 : i32
      %lt3A_164 = arith.cmpi slt, %add3A_162, %lt3A_163 : i32
      %convert_element_type3A_165 = arith.extui %lt3A_164 : i1 to i32
      %cond3A_166 = arith.constant 0 : i32
      %cond3A_167 = arith.cmpi ne, %convert_element_type3A_165, %cond3A_166 : i32
      scf.if %cond3A_167 {
        %add3A_205 = arith.constant 2 : i32
        %add3A_206 = arith.addi %add3A_134, %add3A_205 : i32
        %mul3A_207 = arith.constant 128 : i32
        %mul3A_208 = arith.muli %add3A_206, %mul3A_207 : i32
        %dma_start3A_209 = tpu.memref_slice %arg9[%mul3A_208] : memref<5120xi32, #tpu.memory_space<vmem>> -> memref<128xi32, #tpu.memory_space<vmem>>
        %dma_start3A_210 = arith.constant 0 : i32
        %dma_start3A_211 = arith.constant 0 : i32
        %dma_start3A_212 = tpu.memref_slice %arg2[%dma_start3A_210, %dma_start3A_211] : memref<20480x128xf32, #tpu.memory_space<hbm>> -> memref<20480x128xf32, #tpu.memory_space<hbm>>
        tpu.enqueue_indirect_dma source(%dma_start3A_212 : memref<20480x128xf32, #tpu.memory_space<hbm>>) target(%arg14 : memref<128x128xf32, #tpu.memory_space<vmem>>) offsets(%dma_start3A_209 : memref<128xi32, #tpu.memory_space<vmem>>) semaphore(%arg16 : memref<!tpu.dma_semaphore, #tpu.memory_space<semaphore_mem>>)
      } else {
      }
      %mul3A_168 = arith.constant 4 : i32
      %mul3A_169 = arith.muli %mul3A_168, %scan3A_58 : i32
      %add3A_170 = arith.constant 3 : i32
      %add3A_171 = arith.addi %mul3A_169, %add3A_170 : i32
      %mul3A_172 = arith.constant 128 : i32
      %mul3A_173 = arith.muli %add3A_171, %mul3A_172 : i32
      %dma_wait3A_174 = tpu.memref_slice %arg9[%mul3A_173] : memref<5120xi32, #tpu.memory_space<vmem>> -> memref<128xi32, #tpu.memory_space<vmem>>
      %dma_wait3A_175 = arith.constant 0 : i32
      %dma_wait3A_176 = arith.constant 0 : i32
      %dma_wait3A_177 = tpu.memref_slice %arg2[%dma_wait3A_175, %dma_wait3A_176] : memref<20480x128xf32, #tpu.memory_space<hbm>> -> memref<20480x128xf32, #tpu.memory_space<hbm>>
      tpu.wait_indirect_dma semaphore(%arg17 : memref<!tpu.dma_semaphore, #tpu.memory_space<semaphore_mem>>) src(%dma_wait3A_177 : memref<20480x128xf32, #tpu.memory_space<hbm>>) dst(%arg15 : memref<128x128xf32, #tpu.memory_space<vmem>>)
      %add3A_178 = arith.addi %mul3A_19, %add3A_171 : i32
      %dma_wait3A_179 = arith.constant 0 : i32
      %dma_wait3A_180 = tpu.memref_slice %arg6[%add3A_178, %dma_wait3A_179] : memref<1280x128xi32, #tpu.memory_space<hbm>> -> memref<1x128xi32, #tpu.memory_space<hbm>>
      %dma_wait3A_181 = tpu.memref_squeeze %dma_wait3A_180 : memref<1x128xi32, #tpu.memory_space<hbm>> -> memref<128xi32, #tpu.memory_space<hbm>>
      %dma_wait3A_182 = arith.constant 0 : i32
      %dma_wait3A_183 = tpu.memref_slice %arg6[%add3A_178, %dma_wait3A_182] : memref<1280x128xi32, #tpu.memory_space<hbm>> -> memref<1x128xi32, #tpu.memory_space<hbm>>
      %dma_wait3A_184 = tpu.memref_squeeze %dma_wait3A_183 : memref<1x128xi32, #tpu.memory_space<hbm>> -> memref<128xi32, #tpu.memory_space<hbm>>
      tpu.wait_dma2 semaphore(%arg23 : memref<!tpu.dma_semaphore, #tpu.memory_space<semaphore_mem>>) src(%dma_wait3A_184 : memref<128xi32, #tpu.memory_space<hbm>>) dst(%arg13 : memref<128xi32, #tpu.memory_space<vmem>>)
      %dma_start3A_185 = arith.constant 0 : i32
      %dma_start3A_186 = arith.constant 0 : i32
      %dma_start3A_187 = tpu.memref_slice %arg8[%dma_start3A_185, %dma_start3A_186] : memref<10240x128xf32, #tpu.memory_space<vmem_shared>> -> memref<10240x128xf32, #tpu.memory_space<vmem_shared>>
      tpu.enqueue_indirect_dma source(%arg15 : memref<128x128xf32, #tpu.memory_space<vmem>>) target(%dma_start3A_187 : memref<10240x128xf32, #tpu.memory_space<vmem_shared>>) offsets(%arg13 : memref<128xi32, #tpu.memory_space<vmem>>) semaphore(%arg19 : memref<!tpu.dma_semaphore, #tpu.memory_space<semaphore_mem>>) {add = true}
      %add3A_188 = arith.constant 2 : i32
      %add3A_189 = arith.addi %add3A_171, %add3A_188 : i32
      %lt3A_190 = arith.constant 40 : i32
      %lt3A_191 = arith.cmpi slt, %add3A_189, %lt3A_190 : i32
      %convert_element_type3A_192 = arith.extui %lt3A_191 : i1 to i32
      %cond3A_193 = arith.constant 0 : i32
      %cond3A_194 = arith.cmpi ne, %convert_element_type3A_192, %cond3A_193 : i32
      scf.if %cond3A_194 {
        %add3A_205 = arith.constant 2 : i32
        %add3A_206 = arith.addi %add3A_171, %add3A_205 : i32
        %add3A_207 = arith.addi %mul3A_19, %add3A_206 : i32
        %dma_start3A_208 = arith.constant 0 : i32
        %dma_start3A_209 = tpu.memref_slice %arg6[%add3A_207, %dma_start3A_208] : memref<1280x128xi32, #tpu.memory_space<hbm>> -> memref<1x128xi32, #tpu.memory_space<hbm>>
        %dma_start3A_210 = tpu.memref_squeeze %dma_start3A_209 : memref<1x128xi32, #tpu.memory_space<hbm>> -> memref<128xi32, #tpu.memory_space<hbm>>
        %dma_start3A_211 = arith.constant 0 : i32
        %dma_start3A_212 = tpu.memref_slice %arg6[%add3A_207, %dma_start3A_211] : memref<1280x128xi32, #tpu.memory_space<hbm>> -> memref<1x128xi32, #tpu.memory_space<hbm>>
        %dma_start3A_213 = tpu.memref_squeeze %dma_start3A_212 : memref<1x128xi32, #tpu.memory_space<hbm>> -> memref<128xi32, #tpu.memory_space<hbm>>
        tpu.enqueue_dma source(%dma_start3A_213 : memref<128xi32, #tpu.memory_space<hbm>>) target(%arg11 : memref<128xi32, #tpu.memory_space<vmem>>) target_semaphore(%arg21 : memref<!tpu.dma_semaphore, #tpu.memory_space<semaphore_mem>>)
      } else {
      }
      %dma_wait3A_195 = arith.constant 0 : i32
      %dma_wait3A_196 = arith.constant 0 : i32
      %dma_wait3A_197 = tpu.memref_slice %arg8[%dma_wait3A_195, %dma_wait3A_196] : memref<10240x128xf32, #tpu.memory_space<vmem_shared>> -> memref<10240x128xf32, #tpu.memory_space<vmem_shared>>
      tpu.wait_indirect_dma semaphore(%arg19 : memref<!tpu.dma_semaphore, #tpu.memory_space<semaphore_mem>>) src(%arg15 : memref<128x128xf32, #tpu.memory_space<vmem>>) dst(%dma_wait3A_197 : memref<10240x128xf32, #tpu.memory_space<vmem_shared>>)
      %add3A_198 = arith.constant 2 : i32
      %add3A_199 = arith.addi %add3A_171, %add3A_198 : i32
      %lt3A_200 = arith.constant 40 : i32
      %lt3A_201 = arith.cmpi slt, %add3A_199, %lt3A_200 : i32
      %convert_element_type3A_202 = arith.extui %lt3A_201 : i1 to i32
      %cond3A_203 = arith.constant 0 : i32
      %cond3A_204 = arith.cmpi ne, %convert_element_type3A_202, %cond3A_203 : i32
      scf.if %cond3A_204 {
        %add3A_205 = arith.constant 2 : i32
        %add3A_206 = arith.addi %add3A_171, %add3A_205 : i32
        %mul3A_207 = arith.constant 128 : i32
        %mul3A_208 = arith.muli %add3A_206, %mul3A_207 : i32
        %dma_start3A_209 = tpu.memref_slice %arg9[%mul3A_208] : memref<5120xi32, #tpu.memory_space<vmem>> -> memref<128xi32, #tpu.memory_space<vmem>>
        %dma_start3A_210 = arith.constant 0 : i32
        %dma_start3A_211 = arith.constant 0 : i32
        %dma_start3A_212 = tpu.memref_slice %arg2[%dma_start3A_210, %dma_start3A_211] : memref<20480x128xf32, #tpu.memory_space<hbm>> -> memref<20480x128xf32, #tpu.memory_space<hbm>>
        tpu.enqueue_indirect_dma source(%dma_start3A_212 : memref<20480x128xf32, #tpu.memory_space<hbm>>) target(%arg15 : memref<128x128xf32, #tpu.memory_space<vmem>>) offsets(%dma_start3A_209 : memref<128xi32, #tpu.memory_space<vmem>>) semaphore(%arg17 : memref<!tpu.dma_semaphore, #tpu.memory_space<semaphore_mem>>)
      } else {
      }
    }
    %scan3A_49 = arith.constant 10 : i32
    %barrier3A_50 = arith.constant 0 : index
    tpu.barrier barrier_id(%barrier3A_50)
    %mul3A_51 = arith.constant 640 : i32
    %mul3A_52 = arith.muli %arg1, %mul3A_51 : i32
    %mul3A_53 = arith.constant 10240 : i32
    %mul3A_54 = arith.muli %arg0, %mul3A_53 : i32
    %mul3A_55 = arith.constant 640 : i32
    %mul3A_56 = arith.muli %arg1, %mul3A_55 : i32
    %add3A_57 = arith.addi %mul3A_54, %mul3A_56 : i32
    "tpu.region"() ({
      %run_scoped3A = tpu.sem_alloc : memref<!tpu.dma_semaphore, #tpu.memory_space<semaphore_mem>>
      %dma_start3A_58 = arith.constant 0 : i32
      %dma_start3A_59 = tpu.memref_slice %arg7[%add3A_57, %dma_start3A_58] : memref<20480x128xf32, #tpu.memory_space<hbm>> -> memref<640x128xf32, #tpu.memory_space<hbm>>
      %dma_start3A_60 = arith.constant 0 : i32
      %dma_start3A_61 = tpu.memref_slice %arg8[%mul3A_52, %dma_start3A_60] : memref<10240x128xf32, #tpu.memory_space<vmem_shared>> -> memref<640x128xf32, #tpu.memory_space<vmem_shared>>
      tpu.enqueue_dma source(%dma_start3A_61 : memref<640x128xf32, #tpu.memory_space<vmem_shared>>) target(%dma_start3A_59 : memref<640x128xf32, #tpu.memory_space<hbm>>) target_semaphore(%run_scoped3A : memref<!tpu.dma_semaphore, #tpu.memory_space<semaphore_mem>>)
      %dma_wait3A = arith.constant 0 : i32
      %dma_wait3A_62 = tpu.memref_slice %arg7[%add3A_57, %dma_wait3A] : memref<20480x128xf32, #tpu.memory_space<hbm>> -> memref<640x128xf32, #tpu.memory_space<hbm>>
      %dma_wait3A_63 = arith.constant 0 : i32
      %dma_wait3A_64 = tpu.memref_slice %arg8[%mul3A_52, %dma_wait3A_63] : memref<10240x128xf32, #tpu.memory_space<vmem_shared>> -> memref<640x128xf32, #tpu.memory_space<vmem_shared>>
      tpu.wait_dma2 semaphore(%run_scoped3A : memref<!tpu.dma_semaphore, #tpu.memory_space<semaphore_mem>>) src(%dma_wait3A_64 : memref<640x128xf32, #tpu.memory_space<vmem_shared>>) dst(%dma_wait3A_62 : memref<640x128xf32, #tpu.memory_space<hbm>>)
      tpu.yield
    }) : () -> ()
    return
  }
}

#map = affine_map<(d0, d1) -> (0, 0)>
#map1 = affine_map<(d0, d1) -> (0)>
module attributes {stable_mosaic.version = 14 : i64} {
  func.func @agg(%arg0: i32, %arg1: i32, %arg2: memref<20480x128xf32, #tpu.memory_space<hbm>>, %arg3: memref<20480x128xf32, #tpu.memory_space<hbm>>, %arg4: memref<163840xi32, #tpu.memory_space<hbm>>, %arg5: memref<163840xi32, #tpu.memory_space<hbm>>, %arg6: memref<2560x128xi32, #tpu.memory_space<hbm>>, %arg7: memref<20480x128xf32, #tpu.memory_space<hbm>>, %arg8: memref<10240x128xf32, #tpu.memory_space<vmem_shared>>, %arg9: memref<10240xi32, #tpu.memory_space<vmem>>, %arg10: memref<128xi32, #tpu.memory_space<vmem>>, %arg11: memref<128xi32, #tpu.memory_space<vmem>>, %arg12: memref<128xi32, #tpu.memory_space<vmem>>, %arg13: memref<128xi32, #tpu.memory_space<vmem>>, %arg14: memref<128x128xf32, #tpu.memory_space<vmem>>, %arg15: memref<128x128xf32, #tpu.memory_space<vmem>>, %arg16: memref<!tpu.dma_semaphore, #tpu.memory_space<semaphore_mem>>, %arg17: memref<!tpu.dma_semaphore, #tpu.memory_space<semaphore_mem>>, %arg18: memref<!tpu.dma_semaphore, #tpu.memory_space<semaphore_mem>>, %arg19: memref<!tpu.dma_semaphore, #tpu.memory_space<semaphore_mem>>, %arg20: memref<!tpu.dma_semaphore, #tpu.memory_space<semaphore_mem>>, %arg21: memref<!tpu.dma_semaphore, #tpu.memory_space<semaphore_mem>>, %arg22: memref<!tpu.dma_semaphore, #tpu.memory_space<semaphore_mem>>, %arg23: memref<!tpu.dma_semaphore, #tpu.memory_space<semaphore_mem>>) attributes {dimension_semantics = [#tpu.dimension_semantics<core_parallel>, #tpu.dimension_semantics<subcore_parallel>], iteration_bounds = array<i64: 2, 16>, scalar_prefetch = 0 : i64, scratch_operands = 16 : i64, tpu.core_type = #tpu.core_type<sc_vector_subcore>, window_params = [{transform_indices = #map}, {transform_indices = #map}, {transform_indices = #map1}, {transform_indices = #map1}, {transform_indices = #map}, {transform_indices = #map}]} {
    %mul3A = arith.constant 10240 : i32
    %mul3A_0 = arith.muli %arg0, %mul3A : i32
    %mul3A_1 = arith.constant 640 : i32
    %mul3A_2 = arith.muli %arg1, %mul3A_1 : i32
    %add3A = arith.addi %mul3A_0, %mul3A_2 : i32
    %mul3A_3 = arith.constant 640 : i32
    %mul3A_4 = arith.muli %arg1, %mul3A_3 : i32
    "tpu.region"() ({
      %run_scoped3A = tpu.sem_alloc : memref<!tpu.dma_semaphore, #tpu.memory_space<semaphore_mem>>
      %dma_start3A_55 = arith.constant 0 : i32
      %dma_start3A_56 = tpu.memref_slice %arg8[%mul3A_4, %dma_start3A_55] : memref<10240x128xf32, #tpu.memory_space<vmem_shared>> -> memref<640x128xf32, #tpu.memory_space<vmem_shared>>
      %dma_start3A_57 = arith.constant 0 : i32
      %dma_start3A_58 = tpu.memref_slice %arg3[%add3A, %dma_start3A_57] : memref<20480x128xf32, #tpu.memory_space<hbm>> -> memref<640x128xf32, #tpu.memory_space<hbm>>
      tpu.enqueue_dma source(%dma_start3A_58 : memref<640x128xf32, #tpu.memory_space<hbm>>) target(%dma_start3A_56 : memref<640x128xf32, #tpu.memory_space<vmem_shared>>) target_semaphore(%run_scoped3A : memref<!tpu.dma_semaphore, #tpu.memory_space<semaphore_mem>>)
      %dma_wait3A = arith.constant 0 : i32
      %dma_wait3A_59 = tpu.memref_slice %arg8[%mul3A_4, %dma_wait3A] : memref<10240x128xf32, #tpu.memory_space<vmem_shared>> -> memref<640x128xf32, #tpu.memory_space<vmem_shared>>
      %dma_wait3A_60 = arith.constant 0 : i32
      %dma_wait3A_61 = tpu.memref_slice %arg3[%add3A, %dma_wait3A_60] : memref<20480x128xf32, #tpu.memory_space<hbm>> -> memref<640x128xf32, #tpu.memory_space<hbm>>
      tpu.wait_dma2 semaphore(%run_scoped3A : memref<!tpu.dma_semaphore, #tpu.memory_space<semaphore_mem>>) src(%dma_wait3A_61 : memref<640x128xf32, #tpu.memory_space<hbm>>) dst(%dma_wait3A_59 : memref<640x128xf32, #tpu.memory_space<vmem_shared>>)
      tpu.yield
    }) : () -> ()
    %eq3A = arith.constant 0 : i32
    %eq3A_5 = arith.cmpi eq, %arg0, %eq3A : i32
    %convert_element_type3A = arith.extui %eq3A_5 : i1 to i32
    %cond3A = arith.constant 0 : i32
    %cond3A_6 = arith.cmpi ne, %convert_element_type3A, %cond3A : i32
    scf.if %cond3A_6 {
      %mul3A_55 = arith.constant 10240 : i32
      %mul3A_56 = arith.muli %arg1, %mul3A_55 : i32
      "tpu.region"() ({
        %run_scoped3A = tpu.sem_alloc : memref<!tpu.dma_semaphore, #tpu.memory_space<semaphore_mem>>
        %dma_start3A_57 = tpu.memref_slice %arg4[%mul3A_56] : memref<163840xi32, #tpu.memory_space<hbm>> -> memref<10240xi32, #tpu.memory_space<hbm>>
        %dma_start3A_58 = tpu.memref_slice %arg4[%mul3A_56] : memref<163840xi32, #tpu.memory_space<hbm>> -> memref<10240xi32, #tpu.memory_space<hbm>>
        tpu.enqueue_dma source(%dma_start3A_58 : memref<10240xi32, #tpu.memory_space<hbm>>) target(%arg9 : memref<10240xi32, #tpu.memory_space<vmem>>) target_semaphore(%run_scoped3A : memref<!tpu.dma_semaphore, #tpu.memory_space<semaphore_mem>>)
        %dma_wait3A = tpu.memref_slice %arg4[%mul3A_56] : memref<163840xi32, #tpu.memory_space<hbm>> -> memref<10240xi32, #tpu.memory_space<hbm>>
        %dma_wait3A_59 = tpu.memref_slice %arg4[%mul3A_56] : memref<163840xi32, #tpu.memory_space<hbm>> -> memref<10240xi32, #tpu.memory_space<hbm>>
        tpu.wait_dma2 semaphore(%run_scoped3A : memref<!tpu.dma_semaphore, #tpu.memory_space<semaphore_mem>>) src(%dma_wait3A_59 : memref<10240xi32, #tpu.memory_space<hbm>>) dst(%arg9 : memref<10240xi32, #tpu.memory_space<vmem>>)
        tpu.yield
      }) : () -> ()
    } else {
    }
    %eq3A_7 = arith.constant 1 : i32
    %eq3A_8 = arith.cmpi eq, %arg0, %eq3A_7 : i32
    %convert_element_type3A_9 = arith.extui %eq3A_8 : i1 to i32
    %cond3A_10 = arith.constant 0 : i32
    %cond3A_11 = arith.cmpi ne, %convert_element_type3A_9, %cond3A_10 : i32
    scf.if %cond3A_11 {
      %mul3A_55 = arith.constant 10240 : i32
      %mul3A_56 = arith.muli %arg1, %mul3A_55 : i32
      "tpu.region"() ({
        %run_scoped3A = tpu.sem_alloc : memref<!tpu.dma_semaphore, #tpu.memory_space<semaphore_mem>>
        %dma_start3A_57 = tpu.memref_slice %arg5[%mul3A_56] : memref<163840xi32, #tpu.memory_space<hbm>> -> memref<10240xi32, #tpu.memory_space<hbm>>
        %dma_start3A_58 = tpu.memref_slice %arg5[%mul3A_56] : memref<163840xi32, #tpu.memory_space<hbm>> -> memref<10240xi32, #tpu.memory_space<hbm>>
        tpu.enqueue_dma source(%dma_start3A_58 : memref<10240xi32, #tpu.memory_space<hbm>>) target(%arg9 : memref<10240xi32, #tpu.memory_space<vmem>>) target_semaphore(%run_scoped3A : memref<!tpu.dma_semaphore, #tpu.memory_space<semaphore_mem>>)
        %dma_wait3A = tpu.memref_slice %arg5[%mul3A_56] : memref<163840xi32, #tpu.memory_space<hbm>> -> memref<10240xi32, #tpu.memory_space<hbm>>
        %dma_wait3A_59 = tpu.memref_slice %arg5[%mul3A_56] : memref<163840xi32, #tpu.memory_space<hbm>> -> memref<10240xi32, #tpu.memory_space<hbm>>
        tpu.wait_dma2 semaphore(%run_scoped3A : memref<!tpu.dma_semaphore, #tpu.memory_space<semaphore_mem>>) src(%dma_wait3A_59 : memref<10240xi32, #tpu.memory_space<hbm>>) dst(%arg9 : memref<10240xi32, #tpu.memory_space<vmem>>)
        tpu.yield
      }) : () -> ()
    } else {
    }
    %barrier3A = arith.constant 0 : index
    tpu.barrier barrier_id(%barrier3A)
    %mul3A_12 = arith.constant 16 : i32
    %mul3A_13 = arith.muli %arg0, %mul3A_12 : i32
    %add3A_14 = arith.addi %mul3A_13, %arg1 : i32
    %mul3A_15 = arith.constant 80 : i32
    %mul3A_16 = arith.muli %add3A_14, %mul3A_15 : i32
    %add3A_17 = arith.constant 0 : i32
    %add3A_18 = arith.addi %mul3A_16, %add3A_17 : i32
    %dma_start3A = arith.constant 0 : i32
    %dma_start3A_19 = tpu.memref_slice %arg6[%add3A_18, %dma_start3A] : memref<2560x128xi32, #tpu.memory_space<hbm>> -> memref<1x128xi32, #tpu.memory_space<hbm>>
    %dma_start3A_20 = tpu.memref_squeeze %dma_start3A_19 : memref<1x128xi32, #tpu.memory_space<hbm>> -> memref<128xi32, #tpu.memory_space<hbm>>
    %dma_start3A_21 = arith.constant 0 : i32
    %dma_start3A_22 = tpu.memref_slice %arg6[%add3A_18, %dma_start3A_21] : memref<2560x128xi32, #tpu.memory_space<hbm>> -> memref<1x128xi32, #tpu.memory_space<hbm>>
    %dma_start3A_23 = tpu.memref_squeeze %dma_start3A_22 : memref<1x128xi32, #tpu.memory_space<hbm>> -> memref<128xi32, #tpu.memory_space<hbm>>
    tpu.enqueue_dma source(%dma_start3A_23 : memref<128xi32, #tpu.memory_space<hbm>>) target(%arg10 : memref<128xi32, #tpu.memory_space<vmem>>) target_semaphore(%arg20 : memref<!tpu.dma_semaphore, #tpu.memory_space<semaphore_mem>>)
    %add3A_24 = arith.constant 1 : i32
    %add3A_25 = arith.addi %mul3A_16, %add3A_24 : i32
    %dma_start3A_26 = arith.constant 0 : i32
    %dma_start3A_27 = tpu.memref_slice %arg6[%add3A_25, %dma_start3A_26] : memref<2560x128xi32, #tpu.memory_space<hbm>> -> memref<1x128xi32, #tpu.memory_space<hbm>>
    %dma_start3A_28 = tpu.memref_squeeze %dma_start3A_27 : memref<1x128xi32, #tpu.memory_space<hbm>> -> memref<128xi32, #tpu.memory_space<hbm>>
    %dma_start3A_29 = arith.constant 0 : i32
    %dma_start3A_30 = tpu.memref_slice %arg6[%add3A_25, %dma_start3A_29] : memref<2560x128xi32, #tpu.memory_space<hbm>> -> memref<1x128xi32, #tpu.memory_space<hbm>>
    %dma_start3A_31 = tpu.memref_squeeze %dma_start3A_30 : memref<1x128xi32, #tpu.memory_space<hbm>> -> memref<128xi32, #tpu.memory_space<hbm>>
    tpu.enqueue_dma source(%dma_start3A_31 : memref<128xi32, #tpu.memory_space<hbm>>) target(%arg11 : memref<128xi32, #tpu.memory_space<vmem>>) target_semaphore(%arg21 : memref<!tpu.dma_semaphore, #tpu.memory_space<semaphore_mem>>)
    %dma_start3A_32 = arith.constant 0 : i32
    %dma_start3A_33 = tpu.memref_slice %arg9[%dma_start3A_32] : memref<10240xi32, #tpu.memory_space<vmem>> -> memref<128xi32, #tpu.memory_space<vmem>>
    %dma_start3A_34 = arith.constant 0 : i32
    %dma_start3A_35 = arith.constant 0 : i32
    %dma_start3A_36 = tpu.memref_slice %arg2[%dma_start3A_34, %dma_start3A_35] : memref<20480x128xf32, #tpu.memory_space<hbm>> -> memref<20480x128xf32, #tpu.memory_space<hbm>>
    tpu.enqueue_indirect_dma source(%dma_start3A_36 : memref<20480x128xf32, #tpu.memory_space<hbm>>) target(%arg14 : memref<128x128xf32, #tpu.memory_space<vmem>>) offsets(%dma_start3A_33 : memref<128xi32, #tpu.memory_space<vmem>>) semaphore(%arg16 : memref<!tpu.dma_semaphore, #tpu.memory_space<semaphore_mem>>)
    %dma_start3A_37 = arith.constant 128 : i32
    %dma_start3A_38 = tpu.memref_slice %arg9[%dma_start3A_37] : memref<10240xi32, #tpu.memory_space<vmem>> -> memref<128xi32, #tpu.memory_space<vmem>>
    %dma_start3A_39 = arith.constant 0 : i32
    %dma_start3A_40 = arith.constant 0 : i32
    %dma_start3A_41 = tpu.memref_slice %arg2[%dma_start3A_39, %dma_start3A_40] : memref<20480x128xf32, #tpu.memory_space<hbm>> -> memref<20480x128xf32, #tpu.memory_space<hbm>>
    tpu.enqueue_indirect_dma source(%dma_start3A_41 : memref<20480x128xf32, #tpu.memory_space<hbm>>) target(%arg15 : memref<128x128xf32, #tpu.memory_space<vmem>>) offsets(%dma_start3A_38 : memref<128xi32, #tpu.memory_space<vmem>>) semaphore(%arg17 : memref<!tpu.dma_semaphore, #tpu.memory_space<semaphore_mem>>)
    %scan3A = arith.constant 0 : i32
    %scan3A_42 = arith.constant 0 : i32
    %scan3A_43 = arith.constant 20 : i32
    %scan3A_44 = arith.addi %scan3A_42, %scan3A_43 : i32
    %scan3A_45 = arith.constant 1 : i32
    scf.for %scan3A_55 = %scan3A_42 to %scan3A_44 step %scan3A_45  : i32 {
      %mul3A_56 = arith.constant 4 : i32
      %mul3A_57 = arith.muli %mul3A_56, %scan3A_55 : i32
      %add3A_58 = arith.constant 0 : i32
      %add3A_59 = arith.addi %mul3A_57, %add3A_58 : i32
      %mul3A_60 = arith.constant 128 : i32
      %mul3A_61 = arith.muli %add3A_59, %mul3A_60 : i32
      %dma_wait3A = tpu.memref_slice %arg9[%mul3A_61] : memref<10240xi32, #tpu.memory_space<vmem>> -> memref<128xi32, #tpu.memory_space<vmem>>
      %dma_wait3A_62 = arith.constant 0 : i32
      %dma_wait3A_63 = arith.constant 0 : i32
      %dma_wait3A_64 = tpu.memref_slice %arg2[%dma_wait3A_62, %dma_wait3A_63] : memref<20480x128xf32, #tpu.memory_space<hbm>> -> memref<20480x128xf32, #tpu.memory_space<hbm>>
      tpu.wait_indirect_dma semaphore(%arg16 : memref<!tpu.dma_semaphore, #tpu.memory_space<semaphore_mem>>) src(%dma_wait3A_64 : memref<20480x128xf32, #tpu.memory_space<hbm>>) dst(%arg14 : memref<128x128xf32, #tpu.memory_space<vmem>>)
      %add3A_65 = arith.addi %mul3A_16, %add3A_59 : i32
      %dma_wait3A_66 = arith.constant 0 : i32
      %dma_wait3A_67 = tpu.memref_slice %arg6[%add3A_65, %dma_wait3A_66] : memref<2560x128xi32, #tpu.memory_space<hbm>> -> memref<1x128xi32, #tpu.memory_space<hbm>>
      %dma_wait3A_68 = tpu.memref_squeeze %dma_wait3A_67 : memref<1x128xi32, #tpu.memory_space<hbm>> -> memref<128xi32, #tpu.memory_space<hbm>>
      %dma_wait3A_69 = arith.constant 0 : i32
      %dma_wait3A_70 = tpu.memref_slice %arg6[%add3A_65, %dma_wait3A_69] : memref<2560x128xi32, #tpu.memory_space<hbm>> -> memref<1x128xi32, #tpu.memory_space<hbm>>
      %dma_wait3A_71 = tpu.memref_squeeze %dma_wait3A_70 : memref<1x128xi32, #tpu.memory_space<hbm>> -> memref<128xi32, #tpu.memory_space<hbm>>
      tpu.wait_dma2 semaphore(%arg20 : memref<!tpu.dma_semaphore, #tpu.memory_space<semaphore_mem>>) src(%dma_wait3A_71 : memref<128xi32, #tpu.memory_space<hbm>>) dst(%arg10 : memref<128xi32, #tpu.memory_space<vmem>>)
      %dma_start3A_72 = arith.constant 0 : i32
      %dma_start3A_73 = arith.constant 0 : i32
      %dma_start3A_74 = tpu.memref_slice %arg8[%dma_start3A_72, %dma_start3A_73] : memref<10240x128xf32, #tpu.memory_space<vmem_shared>> -> memref<10240x128xf32, #tpu.memory_space<vmem_shared>>
      tpu.enqueue_indirect_dma source(%arg14 : memref<128x128xf32, #tpu.memory_space<vmem>>) target(%dma_start3A_74 : memref<10240x128xf32, #tpu.memory_space<vmem_shared>>) offsets(%arg10 : memref<128xi32, #tpu.memory_space<vmem>>) semaphore(%arg18 : memref<!tpu.dma_semaphore, #tpu.memory_space<semaphore_mem>>) {add = true}
      %add3A_75 = arith.constant 2 : i32
      %add3A_76 = arith.addi %add3A_59, %add3A_75 : i32
      %lt3A = arith.constant 80 : i32
      %lt3A_77 = arith.cmpi slt, %add3A_76, %lt3A : i32
      %convert_element_type3A_78 = arith.extui %lt3A_77 : i1 to i32
      %cond3A_79 = arith.constant 0 : i32
      %cond3A_80 = arith.cmpi ne, %convert_element_type3A_78, %cond3A_79 : i32
      scf.if %cond3A_80 {
        %add3A_202 = arith.constant 2 : i32
        %add3A_203 = arith.addi %add3A_59, %add3A_202 : i32
        %add3A_204 = arith.addi %mul3A_16, %add3A_203 : i32
        %dma_start3A_205 = arith.constant 0 : i32
        %dma_start3A_206 = tpu.memref_slice %arg6[%add3A_204, %dma_start3A_205] : memref<2560x128xi32, #tpu.memory_space<hbm>> -> memref<1x128xi32, #tpu.memory_space<hbm>>
        %dma_start3A_207 = tpu.memref_squeeze %dma_start3A_206 : memref<1x128xi32, #tpu.memory_space<hbm>> -> memref<128xi32, #tpu.memory_space<hbm>>
        %dma_start3A_208 = arith.constant 0 : i32
        %dma_start3A_209 = tpu.memref_slice %arg6[%add3A_204, %dma_start3A_208] : memref<2560x128xi32, #tpu.memory_space<hbm>> -> memref<1x128xi32, #tpu.memory_space<hbm>>
        %dma_start3A_210 = tpu.memref_squeeze %dma_start3A_209 : memref<1x128xi32, #tpu.memory_space<hbm>> -> memref<128xi32, #tpu.memory_space<hbm>>
        tpu.enqueue_dma source(%dma_start3A_210 : memref<128xi32, #tpu.memory_space<hbm>>) target(%arg12 : memref<128xi32, #tpu.memory_space<vmem>>) target_semaphore(%arg22 : memref<!tpu.dma_semaphore, #tpu.memory_space<semaphore_mem>>)
      } else {
      }
      %dma_wait3A_81 = arith.constant 0 : i32
      %dma_wait3A_82 = arith.constant 0 : i32
      %dma_wait3A_83 = tpu.memref_slice %arg8[%dma_wait3A_81, %dma_wait3A_82] : memref<10240x128xf32, #tpu.memory_space<vmem_shared>> -> memref<10240x128xf32, #tpu.memory_space<vmem_shared>>
      tpu.wait_indirect_dma semaphore(%arg18 : memref<!tpu.dma_semaphore, #tpu.memory_space<semaphore_mem>>) src(%arg14 : memref<128x128xf32, #tpu.memory_space<vmem>>) dst(%dma_wait3A_83 : memref<10240x128xf32, #tpu.memory_space<vmem_shared>>)
      %add3A_84 = arith.constant 2 : i32
      %add3A_85 = arith.addi %add3A_59, %add3A_84 : i32
      %lt3A_86 = arith.constant 80 : i32
      %lt3A_87 = arith.cmpi slt, %add3A_85, %lt3A_86 : i32
      %convert_element_type3A_88 = arith.extui %lt3A_87 : i1 to i32
      %cond3A_89 = arith.constant 0 : i32
      %cond3A_90 = arith.cmpi ne, %convert_element_type3A_88, %cond3A_89 : i32
      scf.if %cond3A_90 {
        %add3A_202 = arith.constant 2 : i32
        %add3A_203 = arith.addi %add3A_59, %add3A_202 : i32
        %mul3A_204 = arith.constant 128 : i32
        %mul3A_205 = arith.muli %add3A_203, %mul3A_204 : i32
        %dma_start3A_206 = tpu.memref_slice %arg9[%mul3A_205] : memref<10240xi32, #tpu.memory_space<vmem>> -> memref<128xi32, #tpu.memory_space<vmem>>
        %dma_start3A_207 = arith.constant 0 : i32
        %dma_start3A_208 = arith.constant 0 : i32
        %dma_start3A_209 = tpu.memref_slice %arg2[%dma_start3A_207, %dma_start3A_208] : memref<20480x128xf32, #tpu.memory_space<hbm>> -> memref<20480x128xf32, #tpu.memory_space<hbm>>
        tpu.enqueue_indirect_dma source(%dma_start3A_209 : memref<20480x128xf32, #tpu.memory_space<hbm>>) target(%arg14 : memref<128x128xf32, #tpu.memory_space<vmem>>) offsets(%dma_start3A_206 : memref<128xi32, #tpu.memory_space<vmem>>) semaphore(%arg16 : memref<!tpu.dma_semaphore, #tpu.memory_space<semaphore_mem>>)
      } else {
      }
      %mul3A_91 = arith.constant 4 : i32
      %mul3A_92 = arith.muli %mul3A_91, %scan3A_55 : i32
      %add3A_93 = arith.constant 1 : i32
      %add3A_94 = arith.addi %mul3A_92, %add3A_93 : i32
      %mul3A_95 = arith.constant 128 : i32
      %mul3A_96 = arith.muli %add3A_94, %mul3A_95 : i32
      %dma_wait3A_97 = tpu.memref_slice %arg9[%mul3A_96] : memref<10240xi32, #tpu.memory_space<vmem>> -> memref<128xi32, #tpu.memory_space<vmem>>
      %dma_wait3A_98 = arith.constant 0 : i32
      %dma_wait3A_99 = arith.constant 0 : i32
      %dma_wait3A_100 = tpu.memref_slice %arg2[%dma_wait3A_98, %dma_wait3A_99] : memref<20480x128xf32, #tpu.memory_space<hbm>> -> memref<20480x128xf32, #tpu.memory_space<hbm>>
      tpu.wait_indirect_dma semaphore(%arg17 : memref<!tpu.dma_semaphore, #tpu.memory_space<semaphore_mem>>) src(%dma_wait3A_100 : memref<20480x128xf32, #tpu.memory_space<hbm>>) dst(%arg15 : memref<128x128xf32, #tpu.memory_space<vmem>>)
      %add3A_101 = arith.addi %mul3A_16, %add3A_94 : i32
      %dma_wait3A_102 = arith.constant 0 : i32
      %dma_wait3A_103 = tpu.memref_slice %arg6[%add3A_101, %dma_wait3A_102] : memref<2560x128xi32, #tpu.memory_space<hbm>> -> memref<1x128xi32, #tpu.memory_space<hbm>>
      %dma_wait3A_104 = tpu.memref_squeeze %dma_wait3A_103 : memref<1x128xi32, #tpu.memory_space<hbm>> -> memref<128xi32, #tpu.memory_space<hbm>>
      %dma_wait3A_105 = arith.constant 0 : i32
      %dma_wait3A_106 = tpu.memref_slice %arg6[%add3A_101, %dma_wait3A_105] : memref<2560x128xi32, #tpu.memory_space<hbm>> -> memref<1x128xi32, #tpu.memory_space<hbm>>
      %dma_wait3A_107 = tpu.memref_squeeze %dma_wait3A_106 : memref<1x128xi32, #tpu.memory_space<hbm>> -> memref<128xi32, #tpu.memory_space<hbm>>
      tpu.wait_dma2 semaphore(%arg21 : memref<!tpu.dma_semaphore, #tpu.memory_space<semaphore_mem>>) src(%dma_wait3A_107 : memref<128xi32, #tpu.memory_space<hbm>>) dst(%arg11 : memref<128xi32, #tpu.memory_space<vmem>>)
      %dma_start3A_108 = arith.constant 0 : i32
      %dma_start3A_109 = arith.constant 0 : i32
      %dma_start3A_110 = tpu.memref_slice %arg8[%dma_start3A_108, %dma_start3A_109] : memref<10240x128xf32, #tpu.memory_space<vmem_shared>> -> memref<10240x128xf32, #tpu.memory_space<vmem_shared>>
      tpu.enqueue_indirect_dma source(%arg15 : memref<128x128xf32, #tpu.memory_space<vmem>>) target(%dma_start3A_110 : memref<10240x128xf32, #tpu.memory_space<vmem_shared>>) offsets(%arg11 : memref<128xi32, #tpu.memory_space<vmem>>) semaphore(%arg19 : memref<!tpu.dma_semaphore, #tpu.memory_space<semaphore_mem>>) {add = true}
      %add3A_111 = arith.constant 2 : i32
      %add3A_112 = arith.addi %add3A_94, %add3A_111 : i32
      %lt3A_113 = arith.constant 80 : i32
      %lt3A_114 = arith.cmpi slt, %add3A_112, %lt3A_113 : i32
      %convert_element_type3A_115 = arith.extui %lt3A_114 : i1 to i32
      %cond3A_116 = arith.constant 0 : i32
      %cond3A_117 = arith.cmpi ne, %convert_element_type3A_115, %cond3A_116 : i32
      scf.if %cond3A_117 {
        %add3A_202 = arith.constant 2 : i32
        %add3A_203 = arith.addi %add3A_94, %add3A_202 : i32
        %add3A_204 = arith.addi %mul3A_16, %add3A_203 : i32
        %dma_start3A_205 = arith.constant 0 : i32
        %dma_start3A_206 = tpu.memref_slice %arg6[%add3A_204, %dma_start3A_205] : memref<2560x128xi32, #tpu.memory_space<hbm>> -> memref<1x128xi32, #tpu.memory_space<hbm>>
        %dma_start3A_207 = tpu.memref_squeeze %dma_start3A_206 : memref<1x128xi32, #tpu.memory_space<hbm>> -> memref<128xi32, #tpu.memory_space<hbm>>
        %dma_start3A_208 = arith.constant 0 : i32
        %dma_start3A_209 = tpu.memref_slice %arg6[%add3A_204, %dma_start3A_208] : memref<2560x128xi32, #tpu.memory_space<hbm>> -> memref<1x128xi32, #tpu.memory_space<hbm>>
        %dma_start3A_210 = tpu.memref_squeeze %dma_start3A_209 : memref<1x128xi32, #tpu.memory_space<hbm>> -> memref<128xi32, #tpu.memory_space<hbm>>
        tpu.enqueue_dma source(%dma_start3A_210 : memref<128xi32, #tpu.memory_space<hbm>>) target(%arg13 : memref<128xi32, #tpu.memory_space<vmem>>) target_semaphore(%arg23 : memref<!tpu.dma_semaphore, #tpu.memory_space<semaphore_mem>>)
      } else {
      }
      %dma_wait3A_118 = arith.constant 0 : i32
      %dma_wait3A_119 = arith.constant 0 : i32
      %dma_wait3A_120 = tpu.memref_slice %arg8[%dma_wait3A_118, %dma_wait3A_119] : memref<10240x128xf32, #tpu.memory_space<vmem_shared>> -> memref<10240x128xf32, #tpu.memory_space<vmem_shared>>
      tpu.wait_indirect_dma semaphore(%arg19 : memref<!tpu.dma_semaphore, #tpu.memory_space<semaphore_mem>>) src(%arg15 : memref<128x128xf32, #tpu.memory_space<vmem>>) dst(%dma_wait3A_120 : memref<10240x128xf32, #tpu.memory_space<vmem_shared>>)
      %add3A_121 = arith.constant 2 : i32
      %add3A_122 = arith.addi %add3A_94, %add3A_121 : i32
      %lt3A_123 = arith.constant 80 : i32
      %lt3A_124 = arith.cmpi slt, %add3A_122, %lt3A_123 : i32
      %convert_element_type3A_125 = arith.extui %lt3A_124 : i1 to i32
      %cond3A_126 = arith.constant 0 : i32
      %cond3A_127 = arith.cmpi ne, %convert_element_type3A_125, %cond3A_126 : i32
      scf.if %cond3A_127 {
        %add3A_202 = arith.constant 2 : i32
        %add3A_203 = arith.addi %add3A_94, %add3A_202 : i32
        %mul3A_204 = arith.constant 128 : i32
        %mul3A_205 = arith.muli %add3A_203, %mul3A_204 : i32
        %dma_start3A_206 = tpu.memref_slice %arg9[%mul3A_205] : memref<10240xi32, #tpu.memory_space<vmem>> -> memref<128xi32, #tpu.memory_space<vmem>>
        %dma_start3A_207 = arith.constant 0 : i32
        %dma_start3A_208 = arith.constant 0 : i32
        %dma_start3A_209 = tpu.memref_slice %arg2[%dma_start3A_207, %dma_start3A_208] : memref<20480x128xf32, #tpu.memory_space<hbm>> -> memref<20480x128xf32, #tpu.memory_space<hbm>>
        tpu.enqueue_indirect_dma source(%dma_start3A_209 : memref<20480x128xf32, #tpu.memory_space<hbm>>) target(%arg15 : memref<128x128xf32, #tpu.memory_space<vmem>>) offsets(%dma_start3A_206 : memref<128xi32, #tpu.memory_space<vmem>>) semaphore(%arg17 : memref<!tpu.dma_semaphore, #tpu.memory_space<semaphore_mem>>)
      } else {
      }
      %mul3A_128 = arith.constant 4 : i32
      %mul3A_129 = arith.muli %mul3A_128, %scan3A_55 : i32
      %add3A_130 = arith.constant 2 : i32
      %add3A_131 = arith.addi %mul3A_129, %add3A_130 : i32
      %mul3A_132 = arith.constant 128 : i32
      %mul3A_133 = arith.muli %add3A_131, %mul3A_132 : i32
      %dma_wait3A_134 = tpu.memref_slice %arg9[%mul3A_133] : memref<10240xi32, #tpu.memory_space<vmem>> -> memref<128xi32, #tpu.memory_space<vmem>>
      %dma_wait3A_135 = arith.constant 0 : i32
      %dma_wait3A_136 = arith.constant 0 : i32
      %dma_wait3A_137 = tpu.memref_slice %arg2[%dma_wait3A_135, %dma_wait3A_136] : memref<20480x128xf32, #tpu.memory_space<hbm>> -> memref<20480x128xf32, #tpu.memory_space<hbm>>
      tpu.wait_indirect_dma semaphore(%arg16 : memref<!tpu.dma_semaphore, #tpu.memory_space<semaphore_mem>>) src(%dma_wait3A_137 : memref<20480x128xf32, #tpu.memory_space<hbm>>) dst(%arg14 : memref<128x128xf32, #tpu.memory_space<vmem>>)
      %add3A_138 = arith.addi %mul3A_16, %add3A_131 : i32
      %dma_wait3A_139 = arith.constant 0 : i32
      %dma_wait3A_140 = tpu.memref_slice %arg6[%add3A_138, %dma_wait3A_139] : memref<2560x128xi32, #tpu.memory_space<hbm>> -> memref<1x128xi32, #tpu.memory_space<hbm>>
      %dma_wait3A_141 = tpu.memref_squeeze %dma_wait3A_140 : memref<1x128xi32, #tpu.memory_space<hbm>> -> memref<128xi32, #tpu.memory_space<hbm>>
      %dma_wait3A_142 = arith.constant 0 : i32
      %dma_wait3A_143 = tpu.memref_slice %arg6[%add3A_138, %dma_wait3A_142] : memref<2560x128xi32, #tpu.memory_space<hbm>> -> memref<1x128xi32, #tpu.memory_space<hbm>>
      %dma_wait3A_144 = tpu.memref_squeeze %dma_wait3A_143 : memref<1x128xi32, #tpu.memory_space<hbm>> -> memref<128xi32, #tpu.memory_space<hbm>>
      tpu.wait_dma2 semaphore(%arg22 : memref<!tpu.dma_semaphore, #tpu.memory_space<semaphore_mem>>) src(%dma_wait3A_144 : memref<128xi32, #tpu.memory_space<hbm>>) dst(%arg12 : memref<128xi32, #tpu.memory_space<vmem>>)
      %dma_start3A_145 = arith.constant 0 : i32
      %dma_start3A_146 = arith.constant 0 : i32
      %dma_start3A_147 = tpu.memref_slice %arg8[%dma_start3A_145, %dma_start3A_146] : memref<10240x128xf32, #tpu.memory_space<vmem_shared>> -> memref<10240x128xf32, #tpu.memory_space<vmem_shared>>
      tpu.enqueue_indirect_dma source(%arg14 : memref<128x128xf32, #tpu.memory_space<vmem>>) target(%dma_start3A_147 : memref<10240x128xf32, #tpu.memory_space<vmem_shared>>) offsets(%arg12 : memref<128xi32, #tpu.memory_space<vmem>>) semaphore(%arg18 : memref<!tpu.dma_semaphore, #tpu.memory_space<semaphore_mem>>) {add = true}
      %add3A_148 = arith.constant 2 : i32
      %add3A_149 = arith.addi %add3A_131, %add3A_148 : i32
      %lt3A_150 = arith.constant 80 : i32
      %lt3A_151 = arith.cmpi slt, %add3A_149, %lt3A_150 : i32
      %convert_element_type3A_152 = arith.extui %lt3A_151 : i1 to i32
      %cond3A_153 = arith.constant 0 : i32
      %cond3A_154 = arith.cmpi ne, %convert_element_type3A_152, %cond3A_153 : i32
      scf.if %cond3A_154 {
        %add3A_202 = arith.constant 2 : i32
        %add3A_203 = arith.addi %add3A_131, %add3A_202 : i32
        %add3A_204 = arith.addi %mul3A_16, %add3A_203 : i32
        %dma_start3A_205 = arith.constant 0 : i32
        %dma_start3A_206 = tpu.memref_slice %arg6[%add3A_204, %dma_start3A_205] : memref<2560x128xi32, #tpu.memory_space<hbm>> -> memref<1x128xi32, #tpu.memory_space<hbm>>
        %dma_start3A_207 = tpu.memref_squeeze %dma_start3A_206 : memref<1x128xi32, #tpu.memory_space<hbm>> -> memref<128xi32, #tpu.memory_space<hbm>>
        %dma_start3A_208 = arith.constant 0 : i32
        %dma_start3A_209 = tpu.memref_slice %arg6[%add3A_204, %dma_start3A_208] : memref<2560x128xi32, #tpu.memory_space<hbm>> -> memref<1x128xi32, #tpu.memory_space<hbm>>
        %dma_start3A_210 = tpu.memref_squeeze %dma_start3A_209 : memref<1x128xi32, #tpu.memory_space<hbm>> -> memref<128xi32, #tpu.memory_space<hbm>>
        tpu.enqueue_dma source(%dma_start3A_210 : memref<128xi32, #tpu.memory_space<hbm>>) target(%arg10 : memref<128xi32, #tpu.memory_space<vmem>>) target_semaphore(%arg20 : memref<!tpu.dma_semaphore, #tpu.memory_space<semaphore_mem>>)
      } else {
      }
      %dma_wait3A_155 = arith.constant 0 : i32
      %dma_wait3A_156 = arith.constant 0 : i32
      %dma_wait3A_157 = tpu.memref_slice %arg8[%dma_wait3A_155, %dma_wait3A_156] : memref<10240x128xf32, #tpu.memory_space<vmem_shared>> -> memref<10240x128xf32, #tpu.memory_space<vmem_shared>>
      tpu.wait_indirect_dma semaphore(%arg18 : memref<!tpu.dma_semaphore, #tpu.memory_space<semaphore_mem>>) src(%arg14 : memref<128x128xf32, #tpu.memory_space<vmem>>) dst(%dma_wait3A_157 : memref<10240x128xf32, #tpu.memory_space<vmem_shared>>)
      %add3A_158 = arith.constant 2 : i32
      %add3A_159 = arith.addi %add3A_131, %add3A_158 : i32
      %lt3A_160 = arith.constant 80 : i32
      %lt3A_161 = arith.cmpi slt, %add3A_159, %lt3A_160 : i32
      %convert_element_type3A_162 = arith.extui %lt3A_161 : i1 to i32
      %cond3A_163 = arith.constant 0 : i32
      %cond3A_164 = arith.cmpi ne, %convert_element_type3A_162, %cond3A_163 : i32
      scf.if %cond3A_164 {
        %add3A_202 = arith.constant 2 : i32
        %add3A_203 = arith.addi %add3A_131, %add3A_202 : i32
        %mul3A_204 = arith.constant 128 : i32
        %mul3A_205 = arith.muli %add3A_203, %mul3A_204 : i32
        %dma_start3A_206 = tpu.memref_slice %arg9[%mul3A_205] : memref<10240xi32, #tpu.memory_space<vmem>> -> memref<128xi32, #tpu.memory_space<vmem>>
        %dma_start3A_207 = arith.constant 0 : i32
        %dma_start3A_208 = arith.constant 0 : i32
        %dma_start3A_209 = tpu.memref_slice %arg2[%dma_start3A_207, %dma_start3A_208] : memref<20480x128xf32, #tpu.memory_space<hbm>> -> memref<20480x128xf32, #tpu.memory_space<hbm>>
        tpu.enqueue_indirect_dma source(%dma_start3A_209 : memref<20480x128xf32, #tpu.memory_space<hbm>>) target(%arg14 : memref<128x128xf32, #tpu.memory_space<vmem>>) offsets(%dma_start3A_206 : memref<128xi32, #tpu.memory_space<vmem>>) semaphore(%arg16 : memref<!tpu.dma_semaphore, #tpu.memory_space<semaphore_mem>>)
      } else {
      }
      %mul3A_165 = arith.constant 4 : i32
      %mul3A_166 = arith.muli %mul3A_165, %scan3A_55 : i32
      %add3A_167 = arith.constant 3 : i32
      %add3A_168 = arith.addi %mul3A_166, %add3A_167 : i32
      %mul3A_169 = arith.constant 128 : i32
      %mul3A_170 = arith.muli %add3A_168, %mul3A_169 : i32
      %dma_wait3A_171 = tpu.memref_slice %arg9[%mul3A_170] : memref<10240xi32, #tpu.memory_space<vmem>> -> memref<128xi32, #tpu.memory_space<vmem>>
      %dma_wait3A_172 = arith.constant 0 : i32
      %dma_wait3A_173 = arith.constant 0 : i32
      %dma_wait3A_174 = tpu.memref_slice %arg2[%dma_wait3A_172, %dma_wait3A_173] : memref<20480x128xf32, #tpu.memory_space<hbm>> -> memref<20480x128xf32, #tpu.memory_space<hbm>>
      tpu.wait_indirect_dma semaphore(%arg17 : memref<!tpu.dma_semaphore, #tpu.memory_space<semaphore_mem>>) src(%dma_wait3A_174 : memref<20480x128xf32, #tpu.memory_space<hbm>>) dst(%arg15 : memref<128x128xf32, #tpu.memory_space<vmem>>)
      %add3A_175 = arith.addi %mul3A_16, %add3A_168 : i32
      %dma_wait3A_176 = arith.constant 0 : i32
      %dma_wait3A_177 = tpu.memref_slice %arg6[%add3A_175, %dma_wait3A_176] : memref<2560x128xi32, #tpu.memory_space<hbm>> -> memref<1x128xi32, #tpu.memory_space<hbm>>
      %dma_wait3A_178 = tpu.memref_squeeze %dma_wait3A_177 : memref<1x128xi32, #tpu.memory_space<hbm>> -> memref<128xi32, #tpu.memory_space<hbm>>
      %dma_wait3A_179 = arith.constant 0 : i32
      %dma_wait3A_180 = tpu.memref_slice %arg6[%add3A_175, %dma_wait3A_179] : memref<2560x128xi32, #tpu.memory_space<hbm>> -> memref<1x128xi32, #tpu.memory_space<hbm>>
      %dma_wait3A_181 = tpu.memref_squeeze %dma_wait3A_180 : memref<1x128xi32, #tpu.memory_space<hbm>> -> memref<128xi32, #tpu.memory_space<hbm>>
      tpu.wait_dma2 semaphore(%arg23 : memref<!tpu.dma_semaphore, #tpu.memory_space<semaphore_mem>>) src(%dma_wait3A_181 : memref<128xi32, #tpu.memory_space<hbm>>) dst(%arg13 : memref<128xi32, #tpu.memory_space<vmem>>)
      %dma_start3A_182 = arith.constant 0 : i32
      %dma_start3A_183 = arith.constant 0 : i32
      %dma_start3A_184 = tpu.memref_slice %arg8[%dma_start3A_182, %dma_start3A_183] : memref<10240x128xf32, #tpu.memory_space<vmem_shared>> -> memref<10240x128xf32, #tpu.memory_space<vmem_shared>>
      tpu.enqueue_indirect_dma source(%arg15 : memref<128x128xf32, #tpu.memory_space<vmem>>) target(%dma_start3A_184 : memref<10240x128xf32, #tpu.memory_space<vmem_shared>>) offsets(%arg13 : memref<128xi32, #tpu.memory_space<vmem>>) semaphore(%arg19 : memref<!tpu.dma_semaphore, #tpu.memory_space<semaphore_mem>>) {add = true}
      %add3A_185 = arith.constant 2 : i32
      %add3A_186 = arith.addi %add3A_168, %add3A_185 : i32
      %lt3A_187 = arith.constant 80 : i32
      %lt3A_188 = arith.cmpi slt, %add3A_186, %lt3A_187 : i32
      %convert_element_type3A_189 = arith.extui %lt3A_188 : i1 to i32
      %cond3A_190 = arith.constant 0 : i32
      %cond3A_191 = arith.cmpi ne, %convert_element_type3A_189, %cond3A_190 : i32
      scf.if %cond3A_191 {
        %add3A_202 = arith.constant 2 : i32
        %add3A_203 = arith.addi %add3A_168, %add3A_202 : i32
        %add3A_204 = arith.addi %mul3A_16, %add3A_203 : i32
        %dma_start3A_205 = arith.constant 0 : i32
        %dma_start3A_206 = tpu.memref_slice %arg6[%add3A_204, %dma_start3A_205] : memref<2560x128xi32, #tpu.memory_space<hbm>> -> memref<1x128xi32, #tpu.memory_space<hbm>>
        %dma_start3A_207 = tpu.memref_squeeze %dma_start3A_206 : memref<1x128xi32, #tpu.memory_space<hbm>> -> memref<128xi32, #tpu.memory_space<hbm>>
        %dma_start3A_208 = arith.constant 0 : i32
        %dma_start3A_209 = tpu.memref_slice %arg6[%add3A_204, %dma_start3A_208] : memref<2560x128xi32, #tpu.memory_space<hbm>> -> memref<1x128xi32, #tpu.memory_space<hbm>>
        %dma_start3A_210 = tpu.memref_squeeze %dma_start3A_209 : memref<1x128xi32, #tpu.memory_space<hbm>> -> memref<128xi32, #tpu.memory_space<hbm>>
        tpu.enqueue_dma source(%dma_start3A_210 : memref<128xi32, #tpu.memory_space<hbm>>) target(%arg11 : memref<128xi32, #tpu.memory_space<vmem>>) target_semaphore(%arg21 : memref<!tpu.dma_semaphore, #tpu.memory_space<semaphore_mem>>)
      } else {
      }
      %dma_wait3A_192 = arith.constant 0 : i32
      %dma_wait3A_193 = arith.constant 0 : i32
      %dma_wait3A_194 = tpu.memref_slice %arg8[%dma_wait3A_192, %dma_wait3A_193] : memref<10240x128xf32, #tpu.memory_space<vmem_shared>> -> memref<10240x128xf32, #tpu.memory_space<vmem_shared>>
      tpu.wait_indirect_dma semaphore(%arg19 : memref<!tpu.dma_semaphore, #tpu.memory_space<semaphore_mem>>) src(%arg15 : memref<128x128xf32, #tpu.memory_space<vmem>>) dst(%dma_wait3A_194 : memref<10240x128xf32, #tpu.memory_space<vmem_shared>>)
      %add3A_195 = arith.constant 2 : i32
      %add3A_196 = arith.addi %add3A_168, %add3A_195 : i32
      %lt3A_197 = arith.constant 80 : i32
      %lt3A_198 = arith.cmpi slt, %add3A_196, %lt3A_197 : i32
      %convert_element_type3A_199 = arith.extui %lt3A_198 : i1 to i32
      %cond3A_200 = arith.constant 0 : i32
      %cond3A_201 = arith.cmpi ne, %convert_element_type3A_199, %cond3A_200 : i32
      scf.if %cond3A_201 {
        %add3A_202 = arith.constant 2 : i32
        %add3A_203 = arith.addi %add3A_168, %add3A_202 : i32
        %mul3A_204 = arith.constant 128 : i32
        %mul3A_205 = arith.muli %add3A_203, %mul3A_204 : i32
        %dma_start3A_206 = tpu.memref_slice %arg9[%mul3A_205] : memref<10240xi32, #tpu.memory_space<vmem>> -> memref<128xi32, #tpu.memory_space<vmem>>
        %dma_start3A_207 = arith.constant 0 : i32
        %dma_start3A_208 = arith.constant 0 : i32
        %dma_start3A_209 = tpu.memref_slice %arg2[%dma_start3A_207, %dma_start3A_208] : memref<20480x128xf32, #tpu.memory_space<hbm>> -> memref<20480x128xf32, #tpu.memory_space<hbm>>
        tpu.enqueue_indirect_dma source(%dma_start3A_209 : memref<20480x128xf32, #tpu.memory_space<hbm>>) target(%arg15 : memref<128x128xf32, #tpu.memory_space<vmem>>) offsets(%dma_start3A_206 : memref<128xi32, #tpu.memory_space<vmem>>) semaphore(%arg17 : memref<!tpu.dma_semaphore, #tpu.memory_space<semaphore_mem>>)
      } else {
      }
    }
    %scan3A_46 = arith.constant 20 : i32
    %barrier3A_47 = arith.constant 0 : index
    tpu.barrier barrier_id(%barrier3A_47)
    %mul3A_48 = arith.constant 640 : i32
    %mul3A_49 = arith.muli %arg1, %mul3A_48 : i32
    %mul3A_50 = arith.constant 10240 : i32
    %mul3A_51 = arith.muli %arg0, %mul3A_50 : i32
    %mul3A_52 = arith.constant 640 : i32
    %mul3A_53 = arith.muli %arg1, %mul3A_52 : i32
    %add3A_54 = arith.addi %mul3A_51, %mul3A_53 : i32
    "tpu.region"() ({
      %run_scoped3A = tpu.sem_alloc : memref<!tpu.dma_semaphore, #tpu.memory_space<semaphore_mem>>
      %dma_start3A_55 = arith.constant 0 : i32
      %dma_start3A_56 = tpu.memref_slice %arg7[%add3A_54, %dma_start3A_55] : memref<20480x128xf32, #tpu.memory_space<hbm>> -> memref<640x128xf32, #tpu.memory_space<hbm>>
      %dma_start3A_57 = arith.constant 0 : i32
      %dma_start3A_58 = tpu.memref_slice %arg8[%mul3A_49, %dma_start3A_57] : memref<10240x128xf32, #tpu.memory_space<vmem_shared>> -> memref<640x128xf32, #tpu.memory_space<vmem_shared>>
      tpu.enqueue_dma source(%dma_start3A_58 : memref<640x128xf32, #tpu.memory_space<vmem_shared>>) target(%dma_start3A_56 : memref<640x128xf32, #tpu.memory_space<hbm>>) target_semaphore(%run_scoped3A : memref<!tpu.dma_semaphore, #tpu.memory_space<semaphore_mem>>)
      %dma_wait3A = arith.constant 0 : i32
      %dma_wait3A_59 = tpu.memref_slice %arg7[%add3A_54, %dma_wait3A] : memref<20480x128xf32, #tpu.memory_space<hbm>> -> memref<640x128xf32, #tpu.memory_space<hbm>>
      %dma_wait3A_60 = arith.constant 0 : i32
      %dma_wait3A_61 = tpu.memref_slice %arg8[%mul3A_49, %dma_wait3A_60] : memref<10240x128xf32, #tpu.memory_space<vmem_shared>> -> memref<640x128xf32, #tpu.memory_space<vmem_shared>>
      tpu.wait_dma2 semaphore(%run_scoped3A : memref<!tpu.dma_semaphore, #tpu.memory_space<semaphore_mem>>) src(%dma_wait3A_61 : memref<640x128xf32, #tpu.memory_space<vmem_shared>>) dst(%dma_wait3A_59 : memref<640x128xf32, #tpu.memory_space<hbm>>)
      tpu.yield
    }) : () -> ()
    return
  }
}

module attributes {stable_mosaic.version = 14 : i64} {
  func.func @_tc_first_body(%arg0: memref<10240x1xi32, #tpu.memory_space<vmem>>, %arg1: memref<20480x128xf32, #tpu.memory_space<vmem>>, %arg2: memref<64x256xf32, #tpu.memory_space<vmem>>, %arg3: memref<256x256xf32, #tpu.memory_space<vmem>>, %arg4: memref<20480x128xf32, #tpu.memory_space<vmem>>, %arg5: memref<10240x1xf32, #tpu.memory_space<vmem>>) attributes {dimension_semantics = [], scalar_prefetch = 0 : i64, scratch_operands = 0 : i64, tpu.core_type = #tpu.core_type<tc>} {
    %get3A = arith.constant 0 : index
    %get3A_0 = arith.constant 0 : index
    %get3A_1 = vector.load %arg1[%get3A, %get3A_0] : memref<20480x128xf32, #tpu.memory_space<vmem>>, vector<10240x1xf32>
    %get3A_2 = arith.constant 10240 : index
    %get3A_3 = arith.constant 0 : index
    %get3A_4 = vector.load %arg1[%get3A_2, %get3A_3] : memref<20480x128xf32, #tpu.memory_space<vmem>>, vector<10240x1xf32>
    %add3A = arith.addf %get3A_1, %get3A_4 : vector<10240x1xf32>
    %add3A_5 = arith.constant 1.000000e+00 : f32
    %add3A_6 = vector.broadcast %add3A_5 : f32 to vector<10240x1xf32>
    %add3A_7 = arith.addf %add3A, %add3A_6 : vector<10240x1xf32>
    %rsqrt3A = math.rsqrt %add3A_7 : vector<10240x1xf32>
    %get3A_8 = arith.constant 0 : index
    %get3A_9 = arith.constant 0 : index
    %get3A_10 = vector.load %arg0[%get3A_8, %get3A_9] : memref<10240x1xi32, #tpu.memory_space<vmem>>, vector<10240x1xi32>
    %iota3A = tpu.iota {dimensions = array<i32: 1>} : vector<1x64xi32>
    %eq3A = vector.broadcast %get3A_10 : vector<10240x1xi32> to vector<10240x64xi32>
    %eq3A_11 = vector.broadcast %iota3A : vector<1x64xi32> to vector<10240x64xi32>
    %eq3A_12 = arith.cmpi eq, %eq3A, %eq3A_11 : vector<10240x64xi32>
    %convert_element_type3A = arith.extui %eq3A_12 : vector<10240x64xi1> to vector<10240x64xi32>
    %convert_element_type3A_13 = arith.sitofp %convert_element_type3A : vector<10240x64xi32> to vector<10240x64xf32>
    %get3A_14 = arith.constant 0 : index
    %get3A_15 = arith.constant 0 : index
    %get3A_16 = vector.load %arg2[%get3A_14, %get3A_15] : memref<64x256xf32, #tpu.memory_space<vmem>>, vector<64x256xf32>
    %dot_general3A = arith.constant dense<0.000000e+00> : vector<10240x256xf32>
    %dot_general3A_17 = tpu.matmul %convert_element_type3A_13, %get3A_16, %dot_general3A {dimension_numbers = #tpu.dot_dimension_numbers<[1], [0], [0], [1], [0, 0, 1, 1], [], []>, transpose_lhs_hint = false} : vector<10240x64xf32>, vector<64x256xf32>, vector<10240x256xf32> -> vector<10240x256xf32>
    %get3A_18 = arith.constant 0 : index
    %get3A_19 = arith.constant 0 : index
    %get3A_20 = vector.load %arg3[%get3A_18, %get3A_19] : memref<256x256xf32, #tpu.memory_space<vmem>>, vector<256x256xf32>
    %dot_general3A_21 = arith.constant dense<0.000000e+00> : vector<10240x256xf32>
    %dot_general3A_22 = tpu.matmul %dot_general3A_17, %get3A_20, %dot_general3A_21 {dimension_numbers = #tpu.dot_dimension_numbers<[1], [0], [0], [1], [0, 0, 1, 1], [], []>, transpose_lhs_hint = false} : vector<10240x256xf32>, vector<256x256xf32>, vector<10240x256xf32> -> vector<10240x256xf32>
    %mul3A = vector.broadcast %rsqrt3A : vector<10240x1xf32> to vector<10240x256xf32>
    %mul3A_23 = arith.mulf %dot_general3A_22, %mul3A : vector<10240x256xf32>
    %slice3A = vector.extract_strided_slice %mul3A_23 {offsets = [0, 0], sizes = [10240, 128], strides = [1, 1]} : vector<10240x256xf32> to vector<10240x128xf32>
    %swap3A = arith.constant 0 : index
    %swap3A_24 = arith.constant 0 : index
    %swap3A_25 = vector.load %arg4[%swap3A, %swap3A_24] : memref<20480x128xf32, #tpu.memory_space<vmem>>, vector<10240x128xf32>
    tpu.vector_store %arg4[%swap3A, %swap3A_24], %slice3A {strides = array<i32>} : memref<20480x128xf32, #tpu.memory_space<vmem>>, vector<10240x128xf32>,
    %slice3A_26 = vector.extract_strided_slice %mul3A_23 {offsets = [0, 128], sizes = [10240, 128], strides = [1, 1]} : vector<10240x256xf32> to vector<10240x128xf32>
    %swap3A_27 = arith.constant 10240 : index
    %swap3A_28 = arith.constant 0 : index
    %swap3A_29 = vector.load %arg4[%swap3A_27, %swap3A_28] : memref<20480x128xf32, #tpu.memory_space<vmem>>, vector<10240x128xf32>
    tpu.vector_store %arg4[%swap3A_27, %swap3A_28], %slice3A_26 {strides = array<i32>} : memref<20480x128xf32, #tpu.memory_space<vmem>>, vector<10240x128xf32>,
    %swap3A_30 = arith.constant 0 : index
    %swap3A_31 = arith.constant 0 : index
    %swap3A_32 = vector.load %arg5[%swap3A_30, %swap3A_31] : memref<10240x1xf32, #tpu.memory_space<vmem>>, vector<10240x1xf32>
    tpu.vector_store %arg5[%swap3A_30, %swap3A_31], %rsqrt3A {strides = array<i32>} : memref<10240x1xf32, #tpu.memory_space<vmem>>, vector<10240x1xf32>,
    return
  }
}

module attributes {stable_mosaic.version = 14 : i64} {
  func.func @_tc_epi_body(%arg0: memref<20480x128xf32, #tpu.memory_space<vmem>>, %arg1: memref<10240x1xf32, #tpu.memory_space<vmem>>, %arg2: memref<256xf32, #tpu.memory_space<vmem>>, %arg3: memref<256x256xf32, #tpu.memory_space<vmem>>, %arg4: memref<20480x128xf32, #tpu.memory_space<vmem>>) attributes {dimension_semantics = [], scalar_prefetch = 0 : i64, scratch_operands = 0 : i64, tpu.core_type = #tpu.core_type<tc>} {
    %get3A = arith.constant 0 : index
    %get3A_0 = arith.constant 0 : index
    %get3A_1 = vector.load %arg1[%get3A, %get3A_0] : memref<10240x1xf32, #tpu.memory_space<vmem>>, vector<10240x1xf32>
    %get3A_2 = arith.constant 0 : index
    %get3A_3 = arith.constant 0 : index
    %get3A_4 = vector.load %arg0[%get3A_2, %get3A_3] : memref<20480x128xf32, #tpu.memory_space<vmem>>, vector<20480x128xf32>
    %slice3A = vector.extract_strided_slice %get3A_4 {offsets = [0, 0], sizes = [10240, 128], strides = [1, 1]} : vector<20480x128xf32> to vector<10240x128xf32>
    %slice3A_5 = vector.extract_strided_slice %get3A_4 {offsets = [10240, 0], sizes = [10240, 128], strides = [1, 1]} : vector<20480x128xf32> to vector<10240x128xf32>
    %concatenate3A = tpu.concatenate %slice3A, %slice3A_5 in 1 : vector<10240x128xf32>, vector<10240x128xf32> -> vector<10240x256xf32>
    %mul3A = vector.broadcast %get3A_1 : vector<10240x1xf32> to vector<10240x256xf32>
    %mul3A_6 = arith.mulf %concatenate3A, %mul3A : vector<10240x256xf32>
    %get3A_7 = arith.constant 0 : index
    %get3A_8 = vector.load %arg2[%get3A_7] : memref<256xf32, #tpu.memory_space<vmem>>, vector<256xf32>
    %broadcast_in_dim3A = vector.shape_cast %get3A_8 : vector<256xf32> to vector<1x256xf32>
    %add3A = vector.broadcast %broadcast_in_dim3A : vector<1x256xf32> to vector<10240x256xf32>
    %add3A_9 = arith.addf %mul3A_6, %add3A : vector<10240x256xf32>
    %max3A = arith.constant 0.000000e+00 : f32
    %max3A_10 = vector.broadcast %max3A : f32 to vector<10240x256xf32>
    %max3A_11 = arith.maximumf %add3A_9, %max3A_10 : vector<10240x256xf32>
    %get3A_12 = arith.constant 0 : index
    %get3A_13 = arith.constant 0 : index
    %get3A_14 = vector.load %arg3[%get3A_12, %get3A_13] : memref<256x256xf32, #tpu.memory_space<vmem>>, vector<256x256xf32>
    %dot_general3A = arith.constant dense<0.000000e+00> : vector<10240x256xf32>
    %dot_general3A_15 = tpu.matmul %max3A_11, %get3A_14, %dot_general3A {dimension_numbers = #tpu.dot_dimension_numbers<[1], [0], [0], [1], [0, 0, 1, 1], [], []>, transpose_lhs_hint = false} : vector<10240x256xf32>, vector<256x256xf32>, vector<10240x256xf32> -> vector<10240x256xf32>
    %mul3A_16 = vector.broadcast %get3A_1 : vector<10240x1xf32> to vector<10240x256xf32>
    %mul3A_17 = arith.mulf %dot_general3A_15, %mul3A_16 : vector<10240x256xf32>
    %slice3A_18 = vector.extract_strided_slice %mul3A_17 {offsets = [0, 0], sizes = [10240, 128], strides = [1, 1]} : vector<10240x256xf32> to vector<10240x128xf32>
    %swap3A = arith.constant 0 : index
    %swap3A_19 = arith.constant 0 : index
    %swap3A_20 = vector.load %arg4[%swap3A, %swap3A_19] : memref<20480x128xf32, #tpu.memory_space<vmem>>, vector<10240x128xf32>
    tpu.vector_store %arg4[%swap3A, %swap3A_19], %slice3A_18 {strides = array<i32>} : memref<20480x128xf32, #tpu.memory_space<vmem>>, vector<10240x128xf32>,
    %slice3A_21 = vector.extract_strided_slice %mul3A_17 {offsets = [0, 128], sizes = [10240, 128], strides = [1, 1]} : vector<10240x256xf32> to vector<10240x128xf32>
    %swap3A_22 = arith.constant 10240 : index
    %swap3A_23 = arith.constant 0 : index
    %swap3A_24 = vector.load %arg4[%swap3A_22, %swap3A_23] : memref<20480x128xf32, #tpu.memory_space<vmem>>, vector<10240x128xf32>
    tpu.vector_store %arg4[%swap3A_22, %swap3A_23], %slice3A_21 {strides = array<i32>} : memref<20480x128xf32, #tpu.memory_space<vmem>>, vector<10240x128xf32>,
    return
  }
}

module attributes {stable_mosaic.version = 14 : i64} {
  func.func @_tc_epi_final_body(%arg0: memref<20480x128xf32, #tpu.memory_space<vmem>>, %arg1: memref<10240x1xf32, #tpu.memory_space<vmem>>, %arg2: memref<256xf32, #tpu.memory_space<vmem>>, %arg3: memref<256x64xf32, #tpu.memory_space<vmem>>, %arg4: memref<10240x128xf32, #tpu.memory_space<vmem>>) attributes {dimension_semantics = [], scalar_prefetch = 0 : i64, scratch_operands = 0 : i64, tpu.core_type = #tpu.core_type<tc>} {
    %get3A = arith.constant 0 : index
    %get3A_0 = arith.constant 0 : index
    %get3A_1 = vector.load %arg1[%get3A, %get3A_0] : memref<10240x1xf32, #tpu.memory_space<vmem>>, vector<10240x1xf32>
    %get3A_2 = arith.constant 0 : index
    %get3A_3 = arith.constant 0 : index
    %get3A_4 = vector.load %arg0[%get3A_2, %get3A_3] : memref<20480x128xf32, #tpu.memory_space<vmem>>, vector<20480x128xf32>
    %slice3A = vector.extract_strided_slice %get3A_4 {offsets = [0, 0], sizes = [10240, 128], strides = [1, 1]} : vector<20480x128xf32> to vector<10240x128xf32>
    %slice3A_5 = vector.extract_strided_slice %get3A_4 {offsets = [10240, 0], sizes = [10240, 128], strides = [1, 1]} : vector<20480x128xf32> to vector<10240x128xf32>
    %concatenate3A = tpu.concatenate %slice3A, %slice3A_5 in 1 : vector<10240x128xf32>, vector<10240x128xf32> -> vector<10240x256xf32>
    %mul3A = vector.broadcast %get3A_1 : vector<10240x1xf32> to vector<10240x256xf32>
    %mul3A_6 = arith.mulf %concatenate3A, %mul3A : vector<10240x256xf32>
    %get3A_7 = arith.constant 0 : index
    %get3A_8 = vector.load %arg2[%get3A_7] : memref<256xf32, #tpu.memory_space<vmem>>, vector<256xf32>
    %broadcast_in_dim3A = vector.shape_cast %get3A_8 : vector<256xf32> to vector<1x256xf32>
    %add3A = vector.broadcast %broadcast_in_dim3A : vector<1x256xf32> to vector<10240x256xf32>
    %add3A_9 = arith.addf %mul3A_6, %add3A : vector<10240x256xf32>
    %max3A = arith.constant 0.000000e+00 : f32
    %max3A_10 = vector.broadcast %max3A : f32 to vector<10240x256xf32>
    %max3A_11 = arith.maximumf %add3A_9, %max3A_10 : vector<10240x256xf32>
    %get3A_12 = arith.constant 0 : index
    %get3A_13 = arith.constant 0 : index
    %get3A_14 = vector.load %arg3[%get3A_12, %get3A_13] : memref<256x64xf32, #tpu.memory_space<vmem>>, vector<256x64xf32>
    %dot_general3A = arith.constant dense<0.000000e+00> : vector<10240x64xf32>
    %dot_general3A_15 = tpu.matmul %max3A_11, %get3A_14, %dot_general3A {dimension_numbers = #tpu.dot_dimension_numbers<[1], [0], [0], [1], [0, 0, 1, 1], [], []>, transpose_lhs_hint = false} : vector<10240x256xf32>, vector<256x64xf32>, vector<10240x64xf32> -> vector<10240x64xf32>
    %mul3A_16 = vector.broadcast %get3A_1 : vector<10240x1xf32> to vector<10240x64xf32>
    %mul3A_17 = arith.mulf %dot_general3A_15, %mul3A_16 : vector<10240x64xf32>
    %jit3A = arith.constant 0 : i32
    %convert_element_type3A = arith.sitofp %jit3A : i32 to f32
    %pad3A = vector.broadcast %convert_element_type3A : f32 to vector<10240x64xf32>
    %pad3A_18 = tpu.concatenate %mul3A_17, %pad3A in 1 : vector<10240x64xf32>, vector<10240x64xf32> -> vector<10240x128xf32>
    %swap3A = arith.constant 0 : index
    %swap3A_19 = arith.constant 0 : index
    %swap3A_20 = vector.load %arg4[%swap3A, %swap3A_19] : memref<10240x128xf32, #tpu.memory_space<vmem>>, vector<10240x128xf32>
    tpu.vector_store %arg4[%swap3A, %swap3A_19], %pad3A_18 {strides = array<i32>} : memref<10240x128xf32, #tpu.memory_space<vmem>>, vector<10240x128xf32>,
    return
  }
}

module attributes {stable_mosaic.version = 14 : i64} {
  func.func @_tc_final_body(%arg0: memref<20480x128xf32, #tpu.memory_space<vmem>>, %arg1: memref<10240x1xf32, #tpu.memory_space<vmem>>, %arg2: memref<64xf32, #tpu.memory_space<vmem>>, %arg3: memref<10240x64xf32, #tpu.memory_space<vmem>>) attributes {dimension_semantics = [], scalar_prefetch = 0 : i64, scratch_operands = 0 : i64, tpu.core_type = #tpu.core_type<tc>} {
    %get3A = arith.constant 0 : index
    %get3A_0 = arith.constant 0 : index
    %get3A_1 = vector.load %arg0[%get3A, %get3A_0] : memref<20480x128xf32, #tpu.memory_space<vmem>>, vector<10240x128xf32>
    %get3A_2 = arith.constant 10240 : index
    %get3A_3 = arith.constant 0 : index
    %get3A_4 = vector.load %arg0[%get3A_2, %get3A_3] : memref<20480x128xf32, #tpu.memory_space<vmem>>, vector<10240x128xf32>
    %add3A = arith.addf %get3A_1, %get3A_4 : vector<10240x128xf32>
    %slice3A = vector.extract_strided_slice %add3A {offsets = [0, 0], sizes = [10240, 64], strides = [1, 1]} : vector<10240x128xf32> to vector<10240x64xf32>
    %get3A_5 = arith.constant 0 : index
    %get3A_6 = arith.constant 0 : index
    %get3A_7 = vector.load %arg1[%get3A_5, %get3A_6] : memref<10240x1xf32, #tpu.memory_space<vmem>>, vector<10240x1xf32>
    %mul3A = vector.broadcast %get3A_7 : vector<10240x1xf32> to vector<10240x64xf32>
    %mul3A_8 = arith.mulf %slice3A, %mul3A : vector<10240x64xf32>
    %get3A_9 = arith.constant 0 : index
    %get3A_10 = vector.load %arg2[%get3A_9] : memref<64xf32, #tpu.memory_space<vmem>>, vector<64xf32>
    %broadcast_in_dim3A = vector.shape_cast %get3A_10 : vector<64xf32> to vector<1x64xf32>
    %add3A_11 = vector.broadcast %broadcast_in_dim3A : vector<1x64xf32> to vector<10240x64xf32>
    %add3A_12 = arith.addf %mul3A_8, %add3A_11 : vector<10240x64xf32>
    %swap3A = arith.constant 0 : index
    %swap3A_13 = arith.constant 0 : index
    %swap3A_14 = vector.load %arg3[%swap3A, %swap3A_13] : memref<10240x64xf32, #tpu.memory_space<vmem>>, vector<10240x64xf32>
    tpu.vector_store %arg3[%swap3A, %swap3A_13], %add3A_12 {strides = array<i32>} : memref<10240x64xf32, #tpu.memory_space<vmem>>, vector<10240x64xf32>,
    return
  }
}

</mosaic_0001>

<sc_bundles>
// kernel: kernel.14.cloned.1.call-start
scs
__scs_entry_jumppad:
0x0: {  	(pc) =	sbr.rel $0x88, $3  }
0x1: {  	(tag) =	ssettag $0x0;
	lr =	simm.s32 $0x1  }
0x2: {  	[smem:$0x3F9A] =	sst lr;
	_ =	strace $0xD0000000  }
0x3: {  	_ = 	snop  }
0x4: {  	_ = 	snop  }
0x5: {  	_ = 	snop  }
0x6: {  	_ = 	snop  }
0x7: {  	_ = 	snop  }
__scs_overlays_trampoline_lowered:
0x8: {  	[smem:$0x3FA9] =	sst s0  }
0x9: {  	[smem:$0x3FAA] =	sst s1  }
0xa: {  	[smem:$0x3FAB] =	sst s2  }
0xb: {  	[smem:$0x3FAC] =	sst s3  }
0xc: {  	[smem:$0x3FAD] =	sst s4  }
0xd: {  	[smem:$0x3FAE] =	sst s5  }
0xe: {  	[smem:$0x3FAF] =	sst s6  }
0xf: {  	[smem:$0x3FB0] =	sst s7  }
0x10: {  	[smem:$0x3FB1] =	sst s8  }
0x11: {  	[smem:$0x3FB2] =	sst s9;
	s0 =	simm.s32 @!p0 $0x0  }
0x12: {  	s1 =	sld [smem:$0x3F98];
	s0 =	simm.s32 @p0 $0x1  }
0x13: {  	[smem:$0x3FB3] =	sst s0;
	s0 =	simm.s32 @!p1 $0x0  }
0x14: {  	s2 =	sld [smem:$0x3F97];
	s0 =	simm.s32 @p1 $0x1  }
0x15: {  	[smem:$0x3FB4] =	sst s0;
	s0 =	simm.s32 @!p2 $0x0  }
0x16: {  	s3 =	sld [smem:$0x3FDB];
	s0 =	simm.s32 @p2 $0x1  }
0x17: {  	s4 =	simm.s32 $0x1BF5;
	[smem:$0x3FB6] =	sst s0  }
0x18: {  	s0 =	sld [smem:$0x3F99];
	_ =	swait.ge [sflag:s4], $0x0  }
0x19: {  	s7 =	sld [smem:$0x3F9A]  }
0x1a: {  	s8 =	sadd.s32 $0xFFFFE003, lr  }
0x1b: {  	s9 =	sadd.s32 $0xFFFFFEF7, lr;
	s5 =	simm.s32 $0xFFFFFFFF;
	p2 =	slt.u32 s8, $0xFFFFF086  }
0x1c: {  	p1 =	slt.u32 s9, $0xF7A;
	s5 =	simm.s32 @!p2 $0x0  }
0x1d: {  	s5 =	simm.s32 @p1 $0x1;
	p0 =	seq.s32 s7, s2  }
0x1e: {  	s7 =	smul.u32 @!p0 $0xF7A, s2;
	p2 =	seq.s32 @!p0 s5, $0x0  }
0x1f: {  	s9 =	smul.u32 $0xF7A, s1;
	s8 =	simm.s32 @!p0 $0x1BF5;
	p2 =	por !p2, p0  }
0x20: {  	[sflag:s8] =	ssyncset.s32 @!p0 $0xFFFFF086;
	s6 =	sadd.s32 @!p0 s3, s7;
	s7 =	simm.s32 @!p0 $0x108  }
0x21: {  	s3 =	sadd.s32 s3, s9;
	s6 =	sadd.s32 @!p0 $0x88, s6;
	s7 =	simm.s32 @p2 $0x1082  }
0x22: {  	[simem:s7], [sflag:s8] =	dma.local @!p0 [hbm:s6], $0xF7A  }
0x23: {  	s9 =	sor.u32 $0xD0000000, s2;
	s6 =	simm.s32 $0x108;
	_ =	swait.ge @!p0 [sflag:s8], $0x0  }
0x24: {  	s3 =	sadd.s32 $0x88, s3;
	s6 =	simm.s32 @!p1 $0x1082;
	[sflag:s4] =	ssyncset.s32 $0xFFFFF086  }
0x25: {  	[simem:s6], [sflag:s4] =	dma.local [hbm:s3], $0xF7A  }
0x26: {  	[smem:$0x3F9A] =	sst s1;
	(tag) =	ssettag s2;
	_ =	strace s9  }
0x27: {  	s1 =	sld [smem:$0x3FAA]  }
0x28: {  	s2 =	sld [smem:$0x3FAB]  }
0x29: {  	s4 =	sld [smem:$0x3FAD]  }
0x2a: {  	p0 =	seq.s32 s5, $0x0;
	s5 =	sld [smem:$0x3FAE]  }
0x2b: {  	s6 =	sld [smem:$0x3FAF]  }
0x2c: {  	s7 =	sld [smem:$0x3FB0]  }
0x2d: {  	s3 =	simm.s32 $0x108;
	s8 =	sld [smem:$0x3FB1]  }
0x2e: {  	s3 =	simm.s32 @!p0 $0x1082;
	s9 =	sld [smem:$0x3FB2]  }
0x2f: {  	lr =	sadd.s32 s0, s3;
	s0 =	sld [smem:$0x3FA9]  }
0x30: {  	s3 =	sld [smem:$0x3FAC]  }
0x31: {  	[smem:$0x3FB5] =	sst s10  }
0x32: {  	s10 =	sld [smem:$0x3FB3];
	_ =	sdelay $0x3  }
0x33: {  	p0 =	seq.s32 s10, $0x1;
	s10 =	sld [smem:$0x3FB5];
	_ =	sdelay $0x3  }
0x34: {  	[smem:$0x3FB5] =	sst s10  }
0x35: {  	s10 =	sld [smem:$0x3FB4];
	_ =	sdelay $0x3  }
0x36: {  	p1 =	seq.s32 s10, $0x1;
	s10 =	sld [smem:$0x3FB5];
	_ =	sdelay $0x3  }
0x37: {  	[smem:$0x3FB5] =	sst s10  }
0x38: {  	s10 =	sld [smem:$0x3FB6]  }
0x39: {  	_ = 	snop;
	(pc) =	sbr.ind lr, $3  }
0x3a: {  	_ = 	snop  }
0x3b: {  	_ = 	snop  }
0x3c: {  	p2 =	seq.s32 s10, $0x1;
	s10 =	sld [smem:$0x3FB5]  }
0x3d: {  	_ =	shalt  }
0x3e: {  	_ =	shalt  }
0x3f: {  	_ =	shalt  }
0x40: {  	_ =	shalt  }
0x41: {  	_ =	shalt  }
0x42: {  	_ =	shalt  }
0x43: {  	_ =	shalt  }
0x44: {  	_ =	shalt  }
0x45: {  	_ =	shalt  }
0x46: {  	_ =	shalt  }
0x47: {  	_ =	shalt  }
0x48: {  	_ =	shalt  }
0x49: {  	_ =	shalt  }
0x4a: {  	_ =	shalt  }
0x4b: {  	_ =	shalt  }
0x4c: {  	_ =	shalt  }
0x4d: {  	_ =	shalt  }
0x4e: {  	_ =	shalt  }
0x4f: {  	_ =	shalt  }
0x50: {  	_ =	shalt  }
0x51: {  	_ =	shalt  }
0x52: {  	_ =	shalt  }
0x53: {  	_ =	shalt  }
0x54: {  	_ =	shalt  }
0x55: {  	_ =	shalt  }
0x56: {  	_ =	shalt  }
0x57: {  	_ =	shalt  }
0x58: {  	_ =	shalt  }
0x59: {  	_ =	shalt  }
0x5a: {  	_ =	shalt  }
0x5b: {  	_ =	shalt  }
0x5c: {  	_ =	shalt  }
0x5d: {  	_ =	shalt  }
0x5e: {  	_ =	shalt  }
0x5f: {  	_ =	shalt  }
0x60: {  	_ =	shalt  }
0x61: {  	_ =	shalt  }
0x62: {  	_ =	shalt  }
0x63: {  	_ =	shalt  }
0x64: {  	_ =	shalt  }
0x65: {  	_ =	shalt  }
0x66: {  	_ =	shalt  }
0x67: {  	_ =	shalt  }
0x68: {  	_ =	shalt  }
0x69: {  	_ =	shalt  }
0x6a: {  	_ =	shalt  }
0x6b: {  	_ =	shalt  }
0x6c: {  	_ =	shalt  }
0x6d: {  	_ =	shalt  }
0x6e: {  	_ =	shalt  }
0x6f: {  	_ =	shalt  }
0x70: {  	_ =	shalt  }
0x71: {  	_ =	shalt  }
0x72: {  	_ =	shalt  }
0x73: {  	_ =	shalt  }
0x74: {  	_ =	shalt  }
0x75: {  	_ =	shalt  }
0x76: {  	_ =	shalt  }
0x77: {  	_ =	shalt  }
0x78: {  	_ =	shalt  }
0x79: {  	_ =	shalt  }
0x7a: {  	_ =	shalt  }
0x7b: {  	_ =	shalt  }
0x7c: {  	_ =	shalt  }
0x7d: {  	_ =	shalt  }
0x7e: {  	_ =	shalt  }
0x7f: {  	_ =	shalt  }
0x80: {  	_ =	shalt  }
0x81: {  	_ =	shalt  }
0x82: {  	_ =	shalt  }
0x83: {  	_ =	shalt  }
0x84: {  	_ =	shalt  }
0x85: {  	_ =	shalt  }
0x86: {  	_ =	shalt  }
0x87: {  	_ =	shalt  }
.Lfunc_end0:
.L_simem_size_0:
called_computation_lowered:
.L_overlay_start_0:
0x88: {  	s2 =	sld [smem:$0x3FD9]  }
0x89: {  	s3 =	sld [smem:$0x3FFE];
	_ =	sdelay $0x1  }
0x8a: {  	s1 =	srdreg.scid  }
0x8b: {  	s0 =	sand.u32 $0x1, s1  }
0x8c: {  	s16 =	sshll.u32 s0, $0xA;
	s2 =	sadd.s32 s3, s2  }
0x8d: {  	s2 =	sadd.s32 s2, s16  }
0x8e: {  	[smem:$0x3FC1] =	sst s2  }
0x8f: {  	_ = 	snop  }
0x90: {  	(tm) =	ssettm $0x1  }
0x91: {  	s17 =	sld [smem:$0x3FFB];
	_ =	sdelay $0x3  }
0x92: {  	_ =	strace s17  }
0x93: {  	s2 =	sld [smem:$0x3FFC];
	_ =	sdelay $0x3  }
0x94: {  	_ =	strace s2  }
0x95: {  	s2 =	sld [smem:$0x3FFD];
	_ =	sdelay $0x3  }
0x96: {  	_ =	strace s2  }
0x97: {  	_ =	strace $0x8FFFFFFF  }
0x98: {  	s18 =	sld [smem:$0x3FDB];
	_ =	sdelay $0x1  }
0x99: {  	s19 =	simm.s32 $_scs_section_size  }
0x9a: {  	s4 =	simm.s32 $_size__tile_overlayer_lowered;
	s5 =	simm.s32 $_tile_overlayer_lowered  }
0x9b: {  	s22 =	simm.s32 $0x1BFF;
	s21 =	sshll.u32 s5, $0x1;
	s2 =	sadd.s32 s19, s18  }
0x9c: {  	s6 =	simm.s32 $0x0;
	s20 =	sshll.u32 s4, $0x1;
	s4 =	sadd.s32 s21, s2  }
0x9d: {  	[timem:s6], [sflag:s22] =	dma.local [hbm:s4], s20  }
0x9e: {  	_ =	swait.ge [sflag:s22], s20  }
0x9f: {  	s3 =	ssub.s32 $0x0, s20;
	[sflag:s22] =	ssyncset.done $0x0  }
0xa0: {  	[sflag:s22] =	ssyncadd.s32 s3;
	_ =	sdelay $0x1  }
0xa1: {  	s23 =	simm.s32 $0x1B8B  }
0xa2: {  	_ =	swait.ge [sflag:s23], $0x1  }
0xa3: {  	[sflag:s23] =	ssyncset.done $0x0  }
0xa4: {  	s25 =	simm.s32 $0x1B8E;
	s24 =	sld [smem:$0x3FFE];
	[sflag:s23] =	ssyncadd.s32 $0xFFFFFFFF  }
0xa5: {  	s26 =	simm.s32 $execute0_lowered;
	[smem:$0x3FD2] =	sst s25  }
0xa6: {  	s4 =	sshll.u32 s26, $0x1;
	_ =	strace $0x80000046;
	[dreg:$0x1] =	wrdreg $0xFFFFFFFF  }
0xa7: {  	s28 =	simm.s32 $_size_execute0_lowered;
	s2 =	sadd.s32 s2, s4;
	[dreg:$0x0] =	wrdreg $0x0  }
0xa8: {  	s4 =	sshll.u32 s28, $0x1;
	[dreg:$0x2] =	wrdreg s2  }
0xa9: {  	[dreg:$0x3] =	wrdreg s4  }
0xaa: {  	[dreg:$0x4] =	wrdreg $0xC0  }
0xab: {  	_ =	task [dreg:s6], $0x5FFFF  }
0xac: {  	[dreg:$0x1] =	wrdreg $0xFFFFFFFF  }
0xad: {  	[dreg:$0x0] =	wrdreg $0x60  }
0xae: {  	[dreg:$0x2] =	wrdreg s24  }
0xaf: {  	[dreg:$0x3] =	wrdreg $0x0  }
0xb0: {  	[dreg:$0x4] =	wrdreg $0x9  }
0xb1: {  	_ =	task.clear_ibuf [dreg:s6], $0x5FFFF;
	_ =	strace $0x90000046  }
0xb2: {  	s29 =	simm.s32 $0x9;
	_ =	strace $0x80000048  }
0xb3: {  	_ =	swait.ge [sflag:s29], $0x1  }
0xb4: {  	[sflag:s29] =	ssyncadd.s32 $0xFFFFFFFF  }
0xb5: {  	_ =	strace $0x90000048  }
0xb6: {  	_ =	sfence  }
0xb7: {  	s30 =	sld [smem:$0x0];
	_ =	sdelay $0x2  }
0xb8: {  	s31 =	sshll.u32 s1, $0xD;
	s1 =	sshrl.u32 s1, $0x2  }
0xb9: {  	s3 =	sand.u32 $0x4000, s31;
	s1 =	sadd.s32 s1, s30  }
0xba: {  	s0 =	sor.u32 s3, s0;
	s1 =	sshll.u32 s1, $0x11  }
0xbb: {  	s0 =	sor.u32 s1, s0  }
0xbc: {  	s0 =	sadd.s32 $0x8F2B, s0  }
0xbd: {  	[sflag:s0] =	ssyncadd.remote.s32 $0x1  }
0xbe: {  	_ =	sfence.sel $0xFFFF  }
0xbf: {  	[dreg:$0x0] =	wrdreg $0xFFFFFFFF;
	(pc) =	sbr.abs _section_cstart, $3  }
0xc0: {  	[dreg:$0x1] =	wrdreg $0xFFFFFFFF  }
0xc1: {  	_ =	task.clear_ibuf [dreg:s6], $0x2FFFF;
	_ =	strace $0x9FFFFFFF  }
0xc2: {  	(tm) =	ssettm $0x7FFFFFFF  }
0xc3: {  	_ =	shalt  }
tec
execute0_lowered:
.L_overlay_start_1:
0x0: {  	(tag) =	ssettag $0x1  }
0x1: {  	s6 =	rddreg [dreg:$0x0]  }
0x2: {  	s2 =	rddreg [dreg:$0x1]  }
0x3: {  	s0 =	stileid.u32;
	s4 =	srdreg.scid;
	s3 =	simm.s32 $0x0  }
0x4: {  	s17 =	simm.s32 $0x14080;
	s18 =	simm.s32 $0x1;
	s19 =	simm.s32 $0x80  }
0x5: {  	s20 =	simm.s32 $0x14100;
	s21 =	simm.s32 $0x2;
	s7 =	smul.u32 $0x2800, s0  }
0x6: {  	s22 =	simm.s32 $0x14180;
	s8 =	sand.u32 $0x1, s4;
	s11 =	smul.u32 $0x50000, s0  }
0x7: {  	[smem:$0x7FF] =	sst s3;
	s4 =	sadd.s32 $0x8600, s6;
	s16 =	smul.u32 $0x280, s0  }
0x8: {  	s1 =	sadd.s32 $0xD600, s6;
	s30 =	sshll.u32 s0, $0x6;
	s9 =	smul.u32 $0x28000, s8  }
0x9: {  	_ =	strace $0x80000047;
	[dreg:$0x4] =	wrdreg s1;
	s23 =	ssub.s32 $0x2, s8  }
0xa: {  	s12 =	sshll.u32 s8, $0x4;
	s15 =	smul.u32 $0x2800, s8;
	s8 =	sor.u32 $0x1C09, s30  }
0xb: {  	[dreg:$0x3] =	wrdreg s22;
	s22 =	simm.s32 $0x5;
	s10 =	sadd.s32 s7, s6  }
0xc: {  	s24 =	sshrl.u32 s23, $0x1;
	s25 =	sor.u32 s0, s12;
	s28 =	sshrl.u32 s11, $0x2  }
0xd: {  	s7 =	sadd.s32 s7, s9;
	s26 =	ssub.s32 s23, s24;
	s14 =	sadd.s32 s28, s2  }
0xe: {  	s29 =	sadd.s32 $0xDE00, s10;
	s12 =	sadd.s32 s16, s15;
	s15 =	simm.s32 $0x14200  }
0xf: {  	s16 =	simm.s32 $0x14000;
	s13 =	sadd.s32 s7, s6;
	s7 =	smul.u32 $0x280, s25  }
0x10: {  	s23 =	simm.s32 $0x3;
	s24 =	simm.s32 $0x7;
	[dreg:$0x5] =	wrdreg s29  }
0x11: {  	s11 =	smax.u32 s26, $0x1;
	s25 =	simm.s32 $0x8;
	s7 =	sadd.s32 s4, s7  }
0x12: {  	s26 =	simm.s32 $0x0;
	s10 =	sadd.s32 $0x35E00, s13;
	s31 =	sadd.s32 $0x10, s7  }
0x13: {  	s13 =	sshrl.u32 s14, $0x3;
	s14 =	simm.s32 $0x9;
	[dreg:$0x6] =	wrdreg s31  }
.LBB2_1:
0x14: {  	s0 =	rddreg [dreg:$0x5]  }
0x15: {  	[spmem:s13], [sflag:s8] =	dma.local [hbm:s0], $0x2800  }
0x16: {  	_ =	swait.ge [sflag:s14], $0x2800  }
0x17: {  	[sflag:s14] =	ssyncset.done $0x0  }
0x18: {  	s29 =	rddreg [dreg:$0x4];
	[sflag:s14] =	ssyncadd.s32 $0xFFFFD800  }
0x19: {  	[tilespmem:s15], [sflag:$0x9] =	stream.linear.gather [hbm4b:s29+s3], $0x4000, $0x38;
	[tilespmem:$0x18200] =	vst v63  }
0x1a: {  	_ =	swait.ge [sflag:s14], $0x4000  }
0x1b: {  	[sflag:s14] =	ssyncset.done $0x0  }
0x1c: {  	[sflag:s14] =	ssyncadd.s32 $0xFFFFC000  }
0x1d: {  	[bflag:$0x0] =	sbarrier.arrive $0xFFFF  }
0x1e: {  	[tilespmem:s16], [sflag:$0x1] =	stream.linear.gather [hbm4b:s7+s3], $0x80, $0x38;
	[tilespmem:$0x18200] =	vst v63  }
0x1f: {  	s30 =	rddreg [dreg:$0x6]  }
0x20: {  	[tilespmem:s17], [sflag:$0x2] =	stream.linear.gather [hbm4b:s30+s3], $0x80, $0x38;
	[tilespmem:$0x18200] =	vst v63  }
0x21: {  	s28 =	sadd.s32 $0x0, s12;
	s29 =	sand.u32 $0x40, s3;
	_ =	swait.ge [sflag:s18], $0x80  }
0x22: {  	s28 =	sand.u32 $0xFFFFF80, s28;
	s29 =	sadd.s32 s29, s4;
	[sflag:s18] =	ssyncset.done $0x0  }
0x23: {  	p0 =	por $0x1, $0x1;
	s28 =	sadd.s32 s28, s29;
	[sflag:s18] =	ssyncadd.s32 $0xFFFFFF80  }
0x24: {  	[spmem:s2] =	stream.indirect.scatter.add.f32 [tilespmem:s15], [sflag:$0x5], $0x80, s16, s19, $0xb8;
	[tilespmem:$0x18200] =	vst v63  }
0x25: {  	s29 =	sadd.s32 $0x20, s28;
	s30 =	simm.s32 @!p0 $0x8  }
0x26: {  	[tilespmem:s20], [sflag:$0x3] =	stream.linear.gather [hbm4b:s29+s3], $0x80, $0x38;
	[tilespmem:$0x18200] =	vst v63  }
0x27: {  	_ =	swait.ge @!p0 [sflag:s30], $0x4000  }
0x28: {  	[sflag:s30] =	ssyncset.done @!p0 $0x0  }
0x29: {  	[sflag:s30] =	ssyncadd.s32 @!p0 $0xFFFFC000  }
0x2a: {  	_ =	swait.ge [sflag:s21], $0x80  }
0x2b: {  	[sflag:s21] =	ssyncset.done $0x0  }
0x2c: {  	[sflag:s21] =	ssyncadd.s32 $0xFFFFFF80  }
0x2d: {  	[spmem:s2] =	stream.indirect.scatter.add.f32 [tilespmem:s15], [sflag:$0x6], $0x80, s17, s19, $0xb8;
	[tilespmem:$0x18200] =	vst v63  }
0x2e: {  	s28 =	sadd.s32 $0x30, s28;
	s31 =	rddreg [dreg:$0x3]  }
0x2f: {  	[tilespmem:s31], [sflag:$0x4] =	stream.linear.gather [hbm4b:s28+s3], $0x80, $0x38;
	[tilespmem:$0x18200] =	vst v63  }
0x30: {  	_ =	swait.ge [sflag:s22], $0x4000  }
0x31: {  	[sflag:s22] =	ssyncset.done $0x0  }
0x32: {  	[sflag:s22] =	ssyncadd.s32 $0xFFFFC000  }
0x33: {  	_ =	swait.ge [sflag:s23], $0x80  }
0x34: {  	p0 =	por $0x0, $0x0;
	[sflag:s23] =	ssyncset.done $0x0  }
0x35: {  	s28 =	simm.s32 @p0 $0x6;
	[sflag:s23] =	ssyncadd.s32 $0xFFFFFF80  }
0x36: {  	[spmem:s2] =	stream.indirect.scatter.add.f32 [tilespmem:s15], [sflag:$0x7], $0x80, s20, s19, $0xb8;
	[tilespmem:$0x18200] =	vst v63  }
0x37: {  	s29 =	sadd.s32 @!p0 $0x0, s12;
	_ =	swait.ge @p0 [sflag:s28], $0x4000  }
0x38: {  	s0 =	simm.s32 @p0 $0x4;
	s31 =	sxor.u32 @!p0 $0xFFFFFFFF, s3;
	[sflag:s28] =	ssyncset.done @p0 $0x0  }
0x39: {  	s30 =	sadd.s32 @!p0 $0x40, s29;
	s31 =	sand.u32 @!p0 $0x40, s31;
	[sflag:s28] =	ssyncadd.s32 @p0 $0xFFFFC000  }
0x3a: {  	s28 =	sand.u32 @!p0 $0xFFFFF80, s30;
	s30 =	sadd.s32 @!p0 s4, s31;
	_ =	swait.ge @p0 [sflag:s0], $0x80  }
0x3b: {  	s31 =	simm.s32 @p0 $0x14200;
	s28 =	sadd.s32 @!p0 s28, s30;
	[sflag:s0] =	ssyncset.done @p0 $0x0  }
0x3c: {  	s30 =	simm.s32 @p0 $0x80;
	[sflag:s0] =	ssyncadd.s32 @p0 $0xFFFFFF80;
	s0 =	simm.s32 @p0 $0x14180  }
0x3d: {  	[spmem:s2] =	stream.indirect.scatter.add.f32 @p0 [tilespmem:s31], [sflag:$0x8], $0x80, s0, s30, $0xb8;
	[tilespmem:$0x18200] =	vst v63  }
0x3e: {  	s0 =	simm.s32 @!p0 $0x0;
	s30 =	simm.s32 @!p0 $0x14000;
	s31 =	simm.s32 @!p0 $0x6  }
0x3f: {  	[tilespmem:s30], [sflag:$0x1] =	stream.linear.gather @!p0 [hbm4b:s28+s0], $0x80, $0x38;
	[tilespmem:$0x18200] =	vst v63  }
0x40: {  	_ =	swait.ge @!p0 [sflag:s31], $0x4000  }
0x41: {  	[sflag:s31] =	ssyncset.done @!p0 $0x0  }
0x42: {  	s28 =	simm.s32 @!p0 $0x4;
	[sflag:s31] =	ssyncadd.s32 @!p0 $0xFFFFC000  }
0x43: {  	_ =	swait.ge @!p0 [sflag:s28], $0x80  }
0x44: {  	s30 =	simm.s32 @!p0 $0x14200;
	[sflag:s28] =	ssyncset.done @!p0 $0x0  }
0x45: {  	s31 =	simm.s32 @!p0 $0x80;
	[sflag:s28] =	ssyncadd.s32 @!p0 $0xFFFFFF80;
	s28 =	simm.s32 @!p0 $0x14180  }
0x46: {  	[spmem:s2] =	stream.indirect.scatter.add.f32 @!p0 [tilespmem:s30], [sflag:$0x8], $0x80, s28, s31, $0xb8;
	[tilespmem:$0x18200] =	vst v63  }
0x47: {  	s28 =	simm.s32 @!p0 $0x50  }
0x48: {  	s29 =	sadd.s32 @!p0 $0x50, s29;
	s28 =	sand.u32 @!p0 $0x50, s28  }
0x49: {  	s29 =	sand.u32 @!p0 $0xFFFFF80, s29;
	s28 =	sadd.s32 @!p0 s4, s28  }
0x4a: {  	s28 =	sadd.s32 @!p0 s29, s28;
	s29 =	simm.s32 @!p0 $0x14080  }
0x4b: {  	[tilespmem:s29], [sflag:$0x2] =	stream.linear.gather @!p0 [hbm4b:s28+s0], $0x80, $0x38;
	[tilespmem:$0x18200] =	vst v63  }
0x4c: {  	s28 =	simm.s32 $0x40;
	_ =	swait.ge [sflag:s24], $0x4000  }
.LBB2_2:
0x4d: {  	[sflag:s24] =	ssyncset.done $0x0  }
0x4e: {  	s29 =	smov.u32 s28;
	[sflag:s24] =	ssyncadd.s32 $0xFFFFC000  }
0x4f: {  	s0 =	sadd.s32 s29, s12;
	s30 =	sand.u32 $0x40, s29;
	_ =	swait.ge [sflag:s18], $0x80  }
0x50: {  	s0 =	sand.u32 $0xFFFFF80, s0;
	s30 =	sadd.s32 s30, s4;
	[sflag:s18] =	ssyncset.done $0x0  }
0x51: {  	p1 =	seq.s32 s29, $0x0;
	s0 =	sadd.s32 s0, s30;
	[sflag:s18] =	ssyncadd.s32 $0xFFFFFF80  }
0x52: {  	[spmem:s2] =	stream.indirect.scatter.add.f32 [tilespmem:s15], [sflag:$0x5], $0x80, s16, s19, $0xb8;
	[tilespmem:$0x18200] =	vst v63  }
0x53: {  	s31 =	simm.s32 @!p1 $0x8;
	s30 =	sadd.s32 $0x20, s0  }
0x54: {  	[tilespmem:s20], [sflag:$0x3] =	stream.linear.gather [hbm4b:s30+s3], $0x80, $0x38;
	[tilespmem:$0x18200] =	vst v63  }
0x55: {  	_ =	swait.ge @!p1 [sflag:s31], $0x4000  }
0x56: {  	[sflag:s31] =	ssyncset.done @!p1 $0x0  }
0x57: {  	[sflag:s31] =	ssyncadd.s32 @!p1 $0xFFFFC000  }
0x58: {  	_ =	swait.ge [sflag:s21], $0x80  }
0x59: {  	[sflag:s21] =	ssyncset.done $0x0  }
0x5a: {  	[sflag:s21] =	ssyncadd.s32 $0xFFFFFF80  }
0x5b: {  	[spmem:s2] =	stream.indirect.scatter.add.f32 [tilespmem:s15], [sflag:$0x6], $0x80, s17, s19, $0xb8;
	[tilespmem:$0x18200] =	vst v63  }
0x5c: {  	s0 =	sadd.s32 $0x30, s0;
	s31 =	rddreg [dreg:$0x3]  }
0x5d: {  	[tilespmem:s31], [sflag:$0x4] =	stream.linear.gather [hbm4b:s0+s3], $0x80, $0x38;
	[tilespmem:$0x18200] =	vst v63  }
0x5e: {  	_ =	swait.ge [sflag:s22], $0x4000  }
0x5f: {  	[sflag:s22] =	ssyncset.done $0x0  }
0x60: {  	[sflag:s22] =	ssyncadd.s32 $0xFFFFC000  }
0x61: {  	_ =	swait.ge [sflag:s23], $0x80  }
0x62: {  	p1 =	seq.s32 s29, $0x240;
	[sflag:s23] =	ssyncset.done $0x0  }
0x63: {  	s0 =	simm.s32 @p1 $0x6;
	[sflag:s23] =	ssyncadd.s32 $0xFFFFFF80  }
0x64: {  	[spmem:s2] =	stream.indirect.scatter.add.f32 [tilespmem:s15], [sflag:$0x7], $0x80, s20, s19, $0xb8;
	[tilespmem:$0x18200] =	vst v63  }
0x65: {  	s28 =	sadd.s32 $0x40, s28;
	s30 =	sadd.s32 @!p1 s29, s12;
	_ =	swait.ge @p1 [sflag:s0], $0x4000  }
0x66: {  	s1 =	sxor.u32 @!p1 $0xFFFFFFFF, s29;
	s5 =	simm.s32 @p1 $0x4;
	[sflag:s0] =	ssyncset.done @p1 $0x0  }
0x67: {  	s6 =	simm.s32 @p1 $0x14180;
	s1 =	sand.u32 @!p1 $0x40, s1;
	[sflag:s0] =	ssyncadd.s32 @p1 $0xFFFFC000  }
0x68: {  	s1 =	sadd.s32 @!p1 s4, s1;
	s31 =	sadd.s32 @!p1 $0x40, s30;
	_ =	swait.ge @p1 [sflag:s5], $0x80  }
0x69: {  	s0 =	sand.u32 @!p1 $0xFFFFF80, s31;
	s31 =	simm.s32 @p1 $0x14200;
	[sflag:s5] =	ssyncset.done @p1 $0x0  }
0x6a: {  	s0 =	sadd.s32 @!p1 s0, s1;
	s1 =	simm.s32 @p1 $0x80;
	[sflag:s5] =	ssyncadd.s32 @p1 $0xFFFFFF80  }
0x6b: {  	[spmem:s2] =	stream.indirect.scatter.add.f32 @p1 [tilespmem:s31], [sflag:$0x8], $0x80, s6, s1, $0xb8;
	[tilespmem:$0x18200] =	vst v63  }
0x6c: {  	s9 =	simm.s32 @!p1 $0x14000;
	s5 =	simm.s32 @!p1 $0x0;
	s1 =	simm.s32 @!p1 $0x6  }
0x6d: {  	[tilespmem:s9], [sflag:$0x1] =	stream.linear.gather @!p1 [hbm4b:s0+s5], $0x80, $0x38;
	[tilespmem:$0x18200] =	vst v63  }
0x6e: {  	p0 =	sne.s32 s28, $0x280;
	s6 =	sadd.s32 @!p1 $0x50, s30;
	_ =	swait.ge @!p1 [sflag:s1], $0x4000  }
0x6f: {  	s29 =	sadd.s32 @!p1 $0x50, s29;
	s0 =	sand.u32 @!p1 $0xFFFFF80, s6;
	[sflag:s1] =	ssyncset.done @!p1 $0x0  }
0x70: {  	s6 =	sand.u32 @!p1 $0x50, s29;
	s9 =	simm.s32 @!p1 $0x4;
	[sflag:s1] =	ssyncadd.s32 @!p1 $0xFFFFC000  }
0x71: {  	s29 =	simm.s32 @!p1 $0x14180;
	s6 =	sadd.s32 @!p1 s4, s6;
	_ =	swait.ge @!p1 [sflag:s9], $0x80  }
0x72: {  	s0 =	sadd.s32 @!p1 s0, s6;
	s6 =	simm.s32 @!p1 $0x80;
	[sflag:s9] =	ssyncset.done @!p1 $0x0  }
.Ltmp0:
0x73: {  	s1 =	simm.s32 @!p1 $0x14200;
	[sflag:s9] =	ssyncadd.s32 @!p1 $0xFFFFFF80;
	(pc) =	sbr.rel @p0 .LBB2_2-.Ltmp0, $4  }
0x74: {  	[spmem:s2] =	stream.indirect.scatter.add.f32 @!p1 [tilespmem:s1], [sflag:$0x8], $0x80, s29, s6, $0xb8;
	[tilespmem:$0x18200] =	vst v63  }
0x75: {  	s9 =	simm.s32 @!p1 $0x14080  }
0x76: {  	[tilespmem:s9], [sflag:$0x2] =	stream.linear.gather @!p1 [hbm4b:s0+s5], $0x80, $0x38;
	[tilespmem:$0x18200] =	vst v63  }
0x77: {  	_ =	swait.ge [sflag:s24], $0x4000  }
0x78: {  	[sflag:s24] =	ssyncset.done $0x0  }
0x79: {  	[sflag:s24] =	ssyncadd.s32 $0xFFFFC000  }
0x7a: {  	_ =	swait.ge [sflag:s25], $0x4000  }
0x7b: {  	s26 =	sadd.s32 $0x1, s26;
	[sflag:s25] =	ssyncset.done $0x0  }
0x7c: {  	p0 =	sne.s32 s26, s11;
	[sflag:s25] =	ssyncadd.s32 $0xFFFFC000  }
.Ltmp1:
0x7d: {  	[bflag:$0x0] =	sbarrier.arrive $0xFFFF;
	(pc) =	sbr.rel @p0 .LBB2_1-.Ltmp1, $4  }
0x7e: {  	[hbm:s10], [sflag:s8] =	dma.local [spmem:s13], $0x2800  }
0x7f: {  	_ =	swait.ge [sflag:s14], $0x2800  }
0x80: {  	[sflag:s14] =	ssyncset.done $0x0  }
0x81: {  	[sflag:s14] =	ssyncadd.s32 $0xFFFFD800  }
0x82: {  	_ =	sfence.sel $0x180000  }
0x83: {  	[bflag:$0x0] =	sbarrier.arrive $0xFFFF  }
0x84: {  	_ =	strace $0x90000047  }
0x85: {  	s0 =	stileid.u32;
	[bflag:$0x2] =	sbarrier.arrive $0xFFFF  }
0x86: {  	p0 =	sne.s32 s0, $0x0;
	s0 =	rddreg [dreg:$0x2]  }
0x87: {  	s0 =	sadd.s32 @!p0 $0x100000, s0  }
0x88: {  	[sflag:s0] =	ssyncadd.tile.s32 @!p0 $0x1;
	_ =	shalt  }
.Lfunc_end2:
_tile_overlayer_lowered:
.L_overlay_start_2:
0x89: {  	(tag) =	ssettag $0x2  }
0x8a: {  	s0 =	rddreg [dreg:$0x0];
	s2 =	stileid.u32  }
0x8b: {  	s1 =	rddreg [dreg:$0x1];
	p0 =	sne.s32 s2, $0x0  }
0x8c: {  	s3 =	rddreg [dreg:$0x2];
	[bflag:$0x3] =	sbarrier.arrive $0xFFFF;
	s2 =	simm.s32 @!p0 $0x1C09  }
0x8d: {  	[timem:s3], [sflag:s2] =	dma.local @!p0 [hbm:s0], s1  }
0x8e: {  	s0 =	simm.s32 @!p0 $0x9  }
0x8f: {  	_ =	swait.ge @!p0 [sflag:s0], s1  }
0x90: {  	s1 =	ssub.s32 @!p0 $0x0, s1;
	[sflag:s0] =	ssyncset.done @!p0 $0x0  }
0x91: {  	[sflag:s0] =	ssyncadd.s32 @!p0 s1  }
0x92: {  	[bflag:$0x3] =	sbarrier.arrive $0xFFFF  }
0x93: {  	_ =	shalt  }

// kernel: kernel.17.cloned.1.call-start
scs
__scs_entry_jumppad:
0x0: {  	(pc) =	sbr.rel $0x88, $3  }
0x1: {  	(tag) =	ssettag $0x0;
	lr =	simm.s32 $0x1  }
0x2: {  	[smem:$0x3F9A] =	sst lr;
	_ =	strace $0xD0000000  }
0x3: {  	_ = 	snop  }
0x4: {  	_ = 	snop  }
0x5: {  	_ = 	snop  }
0x6: {  	_ = 	snop  }
0x7: {  	_ = 	snop  }
__scs_overlays_trampoline_lowered:
0x8: {  	[smem:$0x3FA9] =	sst s0  }
0x9: {  	[smem:$0x3FAA] =	sst s1  }
0xa: {  	[smem:$0x3FAB] =	sst s2  }
0xb: {  	[smem:$0x3FAC] =	sst s3  }
0xc: {  	[smem:$0x3FAD] =	sst s4  }
0xd: {  	[smem:$0x3FAE] =	sst s5  }
0xe: {  	[smem:$0x3FAF] =	sst s6  }
0xf: {  	[smem:$0x3FB0] =	sst s7  }
0x10: {  	[smem:$0x3FB1] =	sst s8  }
0x11: {  	[smem:$0x3FB2] =	sst s9;
	s0 =	simm.s32 @!p0 $0x0  }
0x12: {  	s1 =	sld [smem:$0x3F98];
	s0 =	simm.s32 @p0 $0x1  }
0x13: {  	[smem:$0x3FB3] =	sst s0;
	s0 =	simm.s32 @!p1 $0x0  }
0x14: {  	s2 =	sld [smem:$0x3F97];
	s0 =	simm.s32 @p1 $0x1  }
0x15: {  	[smem:$0x3FB4] =	sst s0;
	s0 =	simm.s32 @!p2 $0x0  }
0x16: {  	s3 =	sld [smem:$0x3FDB];
	s0 =	simm.s32 @p2 $0x1  }
0x17: {  	s4 =	simm.s32 $0x1BF5;
	[smem:$0x3FB6] =	sst s0  }
0x18: {  	s0 =	sld [smem:$0x3F99];
	_ =	swait.ge [sflag:s4], $0x0  }
0x19: {  	s7 =	sld [smem:$0x3F9A]  }
0x1a: {  	s8 =	sadd.s32 $0xFFFFE003, lr  }
0x1b: {  	s9 =	sadd.s32 $0xFFFFFEF7, lr;
	s5 =	simm.s32 $0xFFFFFFFF;
	p2 =	slt.u32 s8, $0xFFFFF086  }
0x1c: {  	p1 =	slt.u32 s9, $0xF7A;
	s5 =	simm.s32 @!p2 $0x0  }
0x1d: {  	s5 =	simm.s32 @p1 $0x1;
	p0 =	seq.s32 s7, s2  }
0x1e: {  	s7 =	smul.u32 @!p0 $0xF7A, s2;
	p2 =	seq.s32 @!p0 s5, $0x0  }
0x1f: {  	s9 =	smul.u32 $0xF7A, s1;
	s8 =	simm.s32 @!p0 $0x1BF5;
	p2 =	por !p2, p0  }
0x20: {  	[sflag:s8] =	ssyncset.s32 @!p0 $0xFFFFF086;
	s6 =	sadd.s32 @!p0 s3, s7;
	s7 =	simm.s32 @!p0 $0x108  }
0x21: {  	s3 =	sadd.s32 s3, s9;
	s6 =	sadd.s32 @!p0 $0x88, s6;
	s7 =	simm.s32 @p2 $0x1082  }
0x22: {  	[simem:s7], [sflag:s8] =	dma.local @!p0 [hbm:s6], $0xF7A  }
0x23: {  	s9 =	sor.u32 $0xD0000000, s2;
	s6 =	simm.s32 $0x108;
	_ =	swait.ge @!p0 [sflag:s8], $0x0  }
0x24: {  	s3 =	sadd.s32 $0x88, s3;
	s6 =	simm.s32 @!p1 $0x1082;
	[sflag:s4] =	ssyncset.s32 $0xFFFFF086  }
0x25: {  	[simem:s6], [sflag:s4] =	dma.local [hbm:s3], $0xF7A  }
0x26: {  	[smem:$0x3F9A] =	sst s1;
	(tag) =	ssettag s2;
	_ =	strace s9  }
0x27: {  	s1 =	sld [smem:$0x3FAA]  }
0x28: {  	s2 =	sld [smem:$0x3FAB]  }
0x29: {  	s4 =	sld [smem:$0x3FAD]  }
0x2a: {  	p0 =	seq.s32 s5, $0x0;
	s5 =	sld [smem:$0x3FAE]  }
0x2b: {  	s6 =	sld [smem:$0x3FAF]  }
0x2c: {  	s7 =	sld [smem:$0x3FB0]  }
0x2d: {  	s3 =	simm.s32 $0x108;
	s8 =	sld [smem:$0x3FB1]  }
0x2e: {  	s3 =	simm.s32 @!p0 $0x1082;
	s9 =	sld [smem:$0x3FB2]  }
0x2f: {  	lr =	sadd.s32 s0, s3;
	s0 =	sld [smem:$0x3FA9]  }
0x30: {  	s3 =	sld [smem:$0x3FAC]  }
0x31: {  	[smem:$0x3FB5] =	sst s10  }
0x32: {  	s10 =	sld [smem:$0x3FB3];
	_ =	sdelay $0x3  }
0x33: {  	p0 =	seq.s32 s10, $0x1;
	s10 =	sld [smem:$0x3FB5];
	_ =	sdelay $0x3  }
0x34: {  	[smem:$0x3FB5] =	sst s10  }
0x35: {  	s10 =	sld [smem:$0x3FB4];
	_ =	sdelay $0x3  }
0x36: {  	p1 =	seq.s32 s10, $0x1;
	s10 =	sld [smem:$0x3FB5];
	_ =	sdelay $0x3  }
0x37: {  	[smem:$0x3FB5] =	sst s10  }
0x38: {  	s10 =	sld [smem:$0x3FB6]  }
0x39: {  	_ = 	snop;
	(pc) =	sbr.ind lr, $3  }
0x3a: {  	_ = 	snop  }
0x3b: {  	_ = 	snop  }
0x3c: {  	p2 =	seq.s32 s10, $0x1;
	s10 =	sld [smem:$0x3FB5]  }
0x3d: {  	_ =	shalt  }
0x3e: {  	_ =	shalt  }
0x3f: {  	_ =	shalt  }
0x40: {  	_ =	shalt  }
0x41: {  	_ =	shalt  }
0x42: {  	_ =	shalt  }
0x43: {  	_ =	shalt  }
0x44: {  	_ =	shalt  }
0x45: {  	_ =	shalt  }
0x46: {  	_ =	shalt  }
0x47: {  	_ =	shalt  }
0x48: {  	_ =	shalt  }
0x49: {  	_ =	shalt  }
0x4a: {  	_ =	shalt  }
0x4b: {  	_ =	shalt  }
0x4c: {  	_ =	shalt  }
0x4d: {  	_ =	shalt  }
0x4e: {  	_ =	shalt  }
0x4f: {  	_ =	shalt  }
0x50: {  	_ =	shalt  }
0x51: {  	_ =	shalt  }
0x52: {  	_ =	shalt  }
0x53: {  	_ =	shalt  }
0x54: {  	_ =	shalt  }
0x55: {  	_ =	shalt  }
0x56: {  	_ =	shalt  }
0x57: {  	_ =	shalt  }
0x58: {  	_ =	shalt  }
0x59: {  	_ =	shalt  }
0x5a: {  	_ =	shalt  }
0x5b: {  	_ =	shalt  }
0x5c: {  	_ =	shalt  }
0x5d: {  	_ =	shalt  }
0x5e: {  	_ =	shalt  }
0x5f: {  	_ =	shalt  }
0x60: {  	_ =	shalt  }
0x61: {  	_ =	shalt  }
0x62: {  	_ =	shalt  }
0x63: {  	_ =	shalt  }
0x64: {  	_ =	shalt  }
0x65: {  	_ =	shalt  }
0x66: {  	_ =	shalt  }
0x67: {  	_ =	shalt  }
0x68: {  	_ =	shalt  }
0x69: {  	_ =	shalt  }
0x6a: {  	_ =	shalt  }
0x6b: {  	_ =	shalt  }
0x6c: {  	_ =	shalt  }
0x6d: {  	_ =	shalt  }
0x6e: {  	_ =	shalt  }
0x6f: {  	_ =	shalt  }
0x70: {  	_ =	shalt  }
0x71: {  	_ =	shalt  }
0x72: {  	_ =	shalt  }
0x73: {  	_ =	shalt  }
0x74: {  	_ =	shalt  }
0x75: {  	_ =	shalt  }
0x76: {  	_ =	shalt  }
0x77: {  	_ =	shalt  }
0x78: {  	_ =	shalt  }
0x79: {  	_ =	shalt  }
0x7a: {  	_ =	shalt  }
0x7b: {  	_ =	shalt  }
0x7c: {  	_ =	shalt  }
0x7d: {  	_ =	shalt  }
0x7e: {  	_ =	shalt  }
0x7f: {  	_ =	shalt  }
0x80: {  	_ =	shalt  }
0x81: {  	_ =	shalt  }
0x82: {  	_ =	shalt  }
0x83: {  	_ =	shalt  }
0x84: {  	_ =	shalt  }
0x85: {  	_ =	shalt  }
0x86: {  	_ =	shalt  }
0x87: {  	_ =	shalt  }
.Lfunc_end0:
.L_simem_size_0:
called_computation.1_lowered:
.L_overlay_start_0:
0x88: {  	s2 =	sld [smem:$0x3FD9]  }
0x89: {  	s3 =	sld [smem:$0x3FFE];
	_ =	sdelay $0x1  }
0x8a: {  	s1 =	srdreg.scid  }
0x8b: {  	s0 =	sand.u32 $0x1, s1  }
0x8c: {  	s17 =	sshll.u32 s0, $0xA;
	s2 =	sadd.s32 s3, s2  }
0x8d: {  	s2 =	sadd.s32 s2, s17  }
0x8e: {  	[smem:$0x3FC1] =	sst s2  }
0x8f: {  	_ = 	snop  }
0x90: {  	s2 =	sld [smem:$0x3FD0];
	(tm) =	ssettm $0x1  }
0x91: {  	s18 =	sld [smem:$0x3FFB];
	_ =	sdelay $0x3  }
0x92: {  	_ =	strace s18  }
0x93: {  	s3 =	sld [smem:$0x3FFC];
	_ =	sdelay $0x3  }
0x94: {  	_ =	strace s3  }
0x95: {  	s3 =	sld [smem:$0x3FFD];
	_ =	sdelay $0x3  }
0x96: {  	_ =	strace s3  }
0x97: {  	_ =	strace $0x8FFFFFFF  }
0x98: {  	s19 =	sld [smem:$0x3FDB];
	_ =	sdelay $0x1  }
0x99: {  	s4 =	simm.s32 $_scs_section_size  }
0x9a: {  	s5 =	simm.s32 $_size__tile_overlayer_lowered;
	s6 =	simm.s32 $_tile_overlayer_lowered  }
0x9b: {  	s22 =	simm.s32 $0x1BFF;
	s21 =	sshll.u32 s6, $0x1;
	s3 =	sadd.s32 s4, s19  }
0x9c: {  	s7 =	simm.s32 $0x0;
	s20 =	sshll.u32 s5, $0x1;
	s5 =	sadd.s32 s21, s3  }
0x9d: {  	[timem:s7], [sflag:s22] =	dma.local [hbm:s5], s20  }
0x9e: {  	_ =	swait.ge [sflag:s22], s20  }
0x9f: {  	s4 =	ssub.s32 $0x0, s20;
	[sflag:s22] =	ssyncset.done $0x0  }
0xa0: {  	[sflag:s22] =	ssyncadd.s32 s4;
	_ =	sdelay $0x1  }
0xa1: {  	s23 =	simm.s32 $0x1B8B  }
0xa2: {  	_ =	swait.ge [sflag:s23], $0x1  }
0xa3: {  	[sflag:s23] =	ssyncset.done $0x0  }
0xa4: {  	s25 =	simm.s32 $0x1B8E;
	s24 =	sld [smem:$0x3FFE];
	[sflag:s23] =	ssyncadd.s32 $0xFFFFFFFF  }
0xa5: {  	s26 =	simm.s32 $execute0_lowered;
	[smem:$0x3FD2] =	sst s25  }
0xa6: {  	s5 =	sshll.u32 s26, $0x1;
	_ =	strace $0x80000049;
	[dreg:$0x1] =	wrdreg $0xFFFFFFFF  }
0xa7: {  	s28 =	simm.s32 $_size_execute0_lowered;
	s3 =	sadd.s32 s3, s5;
	[dreg:$0x0] =	wrdreg $0x0  }
0xa8: {  	s5 =	sshll.u32 s28, $0x1;
	[dreg:$0x2] =	wrdreg s3  }
0xa9: {  	[dreg:$0x3] =	wrdreg s5  }
0xaa: {  	[dreg:$0x4] =	wrdreg $0xC0  }
0xab: {  	_ =	task [dreg:s7], $0x5FFFF  }
0xac: {  	[dreg:$0x1] =	wrdreg $0xFFFFFFFF  }
0xad: {  	[dreg:$0x0] =	wrdreg $0x60  }
0xae: {  	[dreg:$0x2] =	wrdreg s24  }
0xaf: {  	[dreg:$0x3] =	wrdreg s2  }
0xb0: {  	[dreg:$0x4] =	wrdreg $0x0  }
0xb1: {  	[dreg:$0x5] =	wrdreg $0x9  }
0xb2: {  	_ =	task.clear_ibuf [dreg:s7], $0x6FFFF;
	_ =	strace $0x90000049  }
0xb3: {  	s29 =	simm.s32 $0x9;
	_ =	strace $0x8000004B  }
0xb4: {  	_ =	swait.ge [sflag:s29], $0x1  }
0xb5: {  	[sflag:s29] =	ssyncadd.s32 $0xFFFFFFFF  }
0xb6: {  	_ =	strace $0x9000004B  }
0xb7: {  	_ =	sfence  }
0xb8: {  	s30 =	sld [smem:$0x0];
	_ =	sdelay $0x2  }
0xb9: {  	s31 =	sshll.u32 s1, $0xD;
	s1 =	sshrl.u32 s1, $0x2  }
0xba: {  	s3 =	sand.u32 $0x4000, s31;
	s1 =	sadd.s32 s1, s30  }
0xbb: {  	s0 =	sor.u32 s3, s0;
	s1 =	sshll.u32 s1, $0x11  }
0xbc: {  	s0 =	sor.u32 s1, s0  }
0xbd: {  	s0 =	sadd.s32 $0x8F2B, s0  }
0xbe: {  	[sflag:s0] =	ssyncadd.remote.s32 $0x1  }
0xbf: {  	_ =	sfence.sel $0xFFFF  }
0xc0: {  	[dreg:$0x0] =	wrdreg $0xFFFFFFFF;
	(pc) =	sbr.abs _section_cstart, $3  }
0xc1: {  	[dreg:$0x1] =	wrdreg $0xFFFFFFFF  }
0xc2: {  	_ =	task.clear_ibuf [dreg:s7], $0x2FFFF;
	_ =	strace $0x9FFFFFFF  }
0xc3: {  	(tm) =	ssettm $0x7FFFFFFF  }
tec
execute0_lowered:
.L_overlay_start_1:
0x0: {  	(tag) =	ssettag $0x1  }
0x1: {  	s0 =	rddreg [dreg:$0x0]  }
0x2: {  	s1 =	srdreg.scid;
	s2 =	rddreg [dreg:$0x1]  }
0x3: {  	s12 =	stileid.u32;
	s3 =	rddreg [dreg:$0x2]  }
0x4: {  	s4 =	simm.s32 $0x0;
	s15 =	simm.s32 $0x9;
	s16 =	simm.s32 $0x14000  }
0x5: {  	s17 =	simm.s32 $0x16800;
	s18 =	simm.s32 $0x16880;
	s19 =	simm.s32 $0x80  }
0x6: {  	s20 =	simm.s32 $0x16A00;
	s28 =	simm.s32 $0x2;
	s29 =	simm.s32 $0x6  }
0x7: {  	s30 =	simm.s32 $0x16980;
	s31 =	simm.s32 $0x4;
	s6 =	smul.u32 $0x280, s12  }
0x8: {  	s21 =	simm.s32 $0x0;
	s1 =	sand.u32 $0x1, s1;
	s7 =	smul.u32 $0x50000, s12  }
0x9: {  	[smem:$0x7FF] =	sst s4;
	s23 =	sshll.u32 s12, $0x6;
	s13 =	smul.u32 $0x500, s12  }
0xa: {  	s5 =	smul.u32 $0x2800, s1;
	_ =	strace $0x8000004A;
	s8 =	ssub.s32 $0x2, s1  }
0xb: {  	s11 =	sshll.u32 s1, $0x4;
	p0 =	seq.s32 s1, $0x1;
	s1 =	smul.u32 $0x5000, s1  }
0xc: {  	s10 =	sshrl.u32 s8, $0x1;
	s7 =	sshrl.u32 s7, $0x2;
	s22 =	sor.u32 s12, s11  }
0xd: {  	s5 =	sadd.s32 s6, s5;
	s10 =	ssub.s32 s8, s10;
	s14 =	sadd.s32 s7, s3  }
0xe: {  	s24 =	smul.u32 $0x500, s22;
	s7 =	sor.u32 $0x1C09, s23;
	s22 =	simm.s32 $0x1AA00  }
0xf: {  	s23 =	simm.s32 $0x1;
	s6 =	sshll.u32 s5, $0x4;
	s5 =	sadd.s32 $0xD600, s0  }
0x10: {  	s26 =	smax.u32 s10, $0x1;
	s14 =	sshrl.u32 s14, $0x3;
	s9 =	sadd.s32 s6, s0  }
0x11: {  	s6 =	sadd.s32 s5, s6;
	s8 =	sadd.s32 s2, s24;
	[dreg:$0x8] =	wrdreg s26  }
0x12: {  	s24 =	simm.s32 $0x5;
	[dreg:$0x4] =	wrdreg s6;
	s6 =	simm.s32 $0x8AE00  }
.Ltmp0:
0x13: {  	[dreg:$0x5] =	wrdreg s8;
	s8 =	sadd.s32 $0x10, s8;
	(pc) =	sbr.rel .LBB2_1-.Ltmp0, $4  }
0x14: {  	s25 =	sadd.s32 $0x8FE00, s9;
	s6 =	simm.s32 @!p0 $0x85E00;
	[dreg:$0x6] =	wrdreg s8  }
0x15: {  	s26 =	simm.s32 $0x3;
	[dreg:$0x7] =	wrdreg s25;
	s0 =	sadd.s32 s6, s0  }
0x16: {  	s25 =	simm.s32 $0x16900;
	s0 =	sadd.s32 s0, s13;
	s13 =	sadd.s32 s13, s1  }
0x17: {  	s1 =	simm.s32 $0x7;
	[dreg:$0x9] =	wrdreg s0;
	s0 =	simm.s32 $0x8  }
.LBB2_4:
0x18: {  	_ =	swait.ge [sflag:s31], $0x4000  }
0x19: {  	[sflag:s31] =	ssyncset.done $0x0  }
0x1a: {  	[sflag:s31] =	ssyncadd.s32 $0xFFFFC000  }
0x1b: {  	[bflag:$0x0] =	sbarrier.arrive $0xFFFF  }
0x1c: {  	s6 =	rddreg [dreg:$0x7]  }
0x1d: {  	[hbm:s6], [sflag:s7] =	dma.local [spmem:s14], $0x2800  }
0x1e: {  	_ =	swait.ge [sflag:s15], $0x2800  }
0x1f: {  	s21 =	sadd.s32 $0x1, s21;
	s12 =	rddreg [dreg:$0x8]  }
0x20: {  	p0 =	sne.s32 s21, s12  }
.Ltmp1:
0x21: {  	_ = 	snop;
	(pc) =	sbr.rel @!p0 .LBB2_5-.Ltmp1, $3  }
0x22: {  	_ =	sdelay $0x1  }
0x23: {  	[sflag:s15] =	ssyncset.done $0x0  }
0x24: {  	[sflag:s15] =	ssyncadd.s32 $0xFFFFD800  }
.LBB2_1:
0x25: {  	s6 =	rddreg [dreg:$0x4]  }
0x26: {  	[spmem:s14], [sflag:s7] =	dma.local [hbm:s6], $0x2800  }
0x27: {  	_ =	swait.ge [sflag:s15], $0x2800  }
0x28: {  	[sflag:s15] =	ssyncset.done $0x0  }
0x29: {  	s9 =	rddreg [dreg:$0x9];
	[sflag:s15] =	ssyncadd.s32 $0xFFFFD800  }
0x2a: {  	[tilespmem:s16], [sflag:$0x9] =	stream.linear.gather [hbm4b:s9+s4], $0x2800, $0x38;
	[tilespmem:$0x1EA00] =	vst v63  }
0x2b: {  	_ =	swait.ge [sflag:s15], $0x2800  }
0x2c: {  	[sflag:s15] =	ssyncset.done $0x0  }
0x2d: {  	[sflag:s15] =	ssyncadd.s32 $0xFFFFD800  }
0x2e: {  	[bflag:$0x0] =	sbarrier.arrive $0xFFFF  }
0x2f: {  	s10 =	rddreg [dreg:$0x5]  }
0x30: {  	[tilespmem:s17], [sflag:$0x5] =	stream.linear.gather [hbm4b:s10+s4], $0x80, $0x38;
	[tilespmem:$0x1EA00] =	vst v63  }
0x31: {  	s11 =	rddreg [dreg:$0x6]  }
0x32: {  	[tilespmem:s18], [sflag:$0x6] =	stream.linear.gather [hbm4b:s11+s4], $0x80, $0x38;
	[tilespmem:$0x1EA00] =	vst v63  }
0x33: {  	_ = 	snop  }
0x34: {  	[tilespmem:s20], [sflag:$0x1] =	stream.indirect.gather [hbm4b:s5+s19], $0x80, s16, s19, $0xb8;
	[tilespmem:$0x1EA00] =	vst v63  }
0x35: {  	s12 =	simm.s32 $0x14080;
	s6 =	simm.s32 $0x50;
	s9 =	simm.s32 $0x14180  }
0x36: {  	[tilespmem:s22], [sflag:$0x2] =	stream.indirect.gather [hbm4b:s5+s19], $0x80, s12, s19, $0xb8;
	[tilespmem:$0x1EA00] =	vst v63  }
.LBB2_2:
0x37: {  	_ =	swait.ge [sflag:s23], $0x4000  }
0x38: {  	[sflag:s23] =	ssyncset.done $0x0  }
0x39: {  	[sflag:s23] =	ssyncadd.s32 $0xFFFFC000  }
0x3a: {  	s10 =	sadd.s32 s6, s13;
	s8 =	sadd.s32 $0xFFFFFFD0, s6;
	_ =	swait.ge [sflag:s24], $0x80  }
0x3b: {  	s11 =	sadd.s32 $0xFFFFFFB0, s10;
	s8 =	sand.u32 $0x60, s8;
	[sflag:s24] =	ssyncset.done $0x0  }
0x3c: {  	s11 =	sand.u32 $0xFFFFF80, s11;
	s8 =	sadd.s32 s2, s8;
	[sflag:s24] =	ssyncadd.s32 $0xFFFFFF80  }
0x3d: {  	[spmem:s3] =	stream.indirect.scatter.add.f32 [tilespmem:s20], [sflag:$0x3], $0x80, s17, s19, $0xb8;
	[tilespmem:$0x1EA00] =	vst v63  }
0x3e: {  	s8 =	sadd.s32 s11, s8  }
0x3f: {  	[tilespmem:s25], [sflag:$0x7] =	stream.linear.gather [hbm4b:s8+s4], $0x80, $0x38;
	[tilespmem:$0x1EA00] =	vst v63  }
0x40: {  	_ =	swait.ge [sflag:s26], $0x4000  }
0x41: {  	[sflag:s26] =	ssyncset.done $0x0  }
0x42: {  	s12 =	sadd.s32 $0xFFFFFF80, s9;
	[sflag:s26] =	ssyncadd.s32 $0xFFFFC000  }
0x43: {  	[tilespmem:s20], [sflag:$0x1] =	stream.indirect.gather [hbm4b:s5+s19], $0x80, s12, s19, $0xb8;
	[tilespmem:$0x1EA00] =	vst v63  }
0x44: {  	_ =	swait.ge [sflag:s28], $0x4000  }
0x45: {  	[sflag:s28] =	ssyncset.done $0x0  }
0x46: {  	[sflag:s28] =	ssyncadd.s32 $0xFFFFC000  }
0x47: {  	s12 =	sadd.s32 $0xFFFFFFE0, s6;
	_ =	swait.ge [sflag:s29], $0x80  }
0x48: {  	s8 =	sand.u32 $0x70, s12;
	[sflag:s29] =	ssyncset.done $0x0  }
0x49: {  	s8 =	sadd.s32 s2, s8;
	[sflag:s29] =	ssyncadd.s32 $0xFFFFFF80  }
0x4a: {  	[spmem:s3] =	stream.indirect.scatter.add.f32 [tilespmem:s22], [sflag:$0x4], $0x80, s18, s19, $0xb8;
	[tilespmem:$0x1EA00] =	vst v63  }
0x4b: {  	s8 =	sadd.s32 s11, s8  }
0x4c: {  	[tilespmem:s30], [sflag:$0x8] =	stream.linear.gather [hbm4b:s8+s4], $0x80, $0x38;
	[tilespmem:$0x1EA00] =	vst v63  }
0x4d: {  	_ =	swait.ge [sflag:s31], $0x4000  }
0x4e: {  	[sflag:s31] =	ssyncset.done $0x0  }
0x4f: {  	[sflag:s31] =	ssyncadd.s32 $0xFFFFC000  }
0x50: {  	[tilespmem:s22], [sflag:$0x2] =	stream.indirect.gather [hbm4b:s5+s19], $0x80, s9, s19, $0xb8;
	[tilespmem:$0x1EA00] =	vst v63  }
0x51: {  	_ =	swait.ge [sflag:s23], $0x4000  }
0x52: {  	[sflag:s23] =	ssyncset.done $0x0  }
0x53: {  	[sflag:s23] =	ssyncadd.s32 $0xFFFFC000  }
0x54: {  	_ =	swait.ge [sflag:s1], $0x80  }
0x55: {  	p0 =	seq.s32 s6, $0x510;
	[sflag:s1] =	ssyncset.done $0x0  }
0x56: {  	s8 =	simm.s32 @p0 $0x3;
	[sflag:s1] =	ssyncadd.s32 $0xFFFFFF80  }
0x57: {  	[spmem:s3] =	stream.indirect.scatter.add.f32 [tilespmem:s20], [sflag:$0x3], $0x80, s25, s19, $0xb8;
	[tilespmem:$0x1EA00] =	vst v63  }
0x58: {  	s11 =	sadd.s32 @!p0 $0xFFFFFFF0, s6;
	_ =	swait.ge @p0 [sflag:s8], $0x4000  }
0x59: {  	s12 =	sadd.s32 @!p0 s13, s11;
	s11 =	sand.u32 @!p0 $0x40, s11;
	[sflag:s8] =	ssyncset.done @p0 $0x0  }
0x5a: {  	s11 =	sadd.s32 @!p0 s2, s11;
	[sflag:s8] =	ssyncadd.s32 @p0 $0xFFFFC000;
	s8 =	sand.u32 @!p0 $0xFFFFF80, s12  }
0x5b: {  	s12 =	simm.s32 @!p0 $0x16800;
	s8 =	sadd.s32 @!p0 s8, s11;
	s11 =	simm.s32 @!p0 $0x0  }
0x5c: {  	[tilespmem:s12], [sflag:$0x5] =	stream.linear.gather @!p0 [hbm4b:s8+s11], $0x80, $0x38;
	[tilespmem:$0x1EA00] =	vst v63  }
0x5d: {  	s8 =	simm.s32 @!p0 $0x3  }
0x5e: {  	_ =	swait.ge @!p0 [sflag:s8], $0x4000  }
0x5f: {  	s11 =	simm.s32 @!p0 $0x80;
	[sflag:s8] =	ssyncset.done @!p0 $0x0  }
0x60: {  	s12 =	simm.s32 @!p0 $0x16A00;
	[sflag:s8] =	ssyncadd.s32 @!p0 $0xFFFFC000;
	s8 =	sadd.s32 @!p0 $0x80, s9  }
0x61: {  	[tilespmem:s12], [sflag:$0x1] =	stream.indirect.gather @!p0 [hbm4b:s5+s11], $0x80, s8, s11, $0xb8;
	[tilespmem:$0x1EA00] =	vst v63  }
0x62: {  	_ =	swait.ge [sflag:s28], $0x4000  }
0x63: {  	[sflag:s28] =	ssyncset.done $0x0  }
.Ltmp2:
0x64: {  	[sflag:s28] =	ssyncadd.s32 $0xFFFFC000;
	(pc) =	sbr.rel @p0 .LBB2_4-.Ltmp2, $4  }
0x65: {  	_ =	swait.ge [sflag:s0], $0x80  }
0x66: {  	[sflag:s0] =	ssyncset.done $0x0  }
0x67: {  	[sflag:s0] =	ssyncadd.s32 $0xFFFFFF80  }
0x68: {  	[spmem:s3] =	stream.indirect.scatter.add.f32 [tilespmem:s22], [sflag:$0x4], $0x80, s30, s19, $0xb8;
	[tilespmem:$0x1EA00] =	vst v63  }
0x69: {  	s8 =	sand.u32 $0x50, s6  }
0x6a: {  	s10 =	sand.u32 $0xFFFFF80, s10;
	s8 =	sadd.s32 s2, s8  }
0x6b: {  	s8 =	sadd.s32 s10, s8  }
0x6c: {  	[tilespmem:s18], [sflag:$0x6] =	stream.linear.gather [hbm4b:s8+s4], $0x80, $0x38;
	[tilespmem:$0x1EA00] =	vst v63  }
.Ltmp3:
0x6d: {  	_ = 	snop;
	(pc) =	sbr.rel .LBB2_2-.Ltmp3, $4  }
0x6e: {  	_ =	swait.ge [sflag:s31], $0x4000  }
0x6f: {  	s12 =	sadd.s32 $0x100, s9;
	[sflag:s31] =	ssyncset.done $0x0  }
0x70: {  	s6 =	sadd.s32 $0x40, s6;
	s9 =	sadd.s32 $0x200, s9;
	[sflag:s31] =	ssyncadd.s32 $0xFFFFC000  }
0x71: {  	[tilespmem:s22], [sflag:$0x2] =	stream.indirect.gather [hbm4b:s5+s19], $0x80, s12, s19, $0xb8;
	[tilespmem:$0x1EA00] =	vst v63  }
.LBB2_5:
0x72: {  	_ =	sfence.sel $0x180000  }
0x73: {  	[bflag:$0x0] =	sbarrier.arrive $0xFFFF  }
0x74: {  	_ =	strace $0x9000004A  }
0x75: {  	s0 =	stileid.u32;
	[bflag:$0x2] =	sbarrier.arrive $0xFFFF  }
0x76: {  	p0 =	sne.s32 s0, $0x0;
	s0 =	rddreg [dreg:$0x3]  }
0x77: {  	s0 =	sadd.s32 @!p0 $0x100000, s0  }
0x78: {  	[sflag:s0] =	ssyncadd.tile.s32 @!p0 $0x1;
	_ =	shalt  }
.Lfunc_end2:
_tile_overlayer_lowered:
.L_overlay_start_2:
0x79: {  	(tag) =	ssettag $0x2  }
0x7a: {  	s0 =	rddreg [dreg:$0x0];
	s2 =	stileid.u32  }
0x7b: {  	s1 =	rddreg [dreg:$0x1];
	p0 =	sne.s32 s2, $0x0  }
0x7c: {  	s3 =	rddreg [dreg:$0x2];
	[bflag:$0x3] =	sbarrier.arrive $0xFFFF;
	s2 =	simm.s32 @!p0 $0x1C09  }
0x7d: {  	[timem:s3], [sflag:s2] =	dma.local @!p0 [hbm:s0], s1  }
0x7e: {  	s0 =	simm.s32 @!p0 $0x9  }
0x7f: {  	_ =	swait.ge @!p0 [sflag:s0], s1  }
0x80: {  	s1 =	ssub.s32 @!p0 $0x0, s1;
	[sflag:s0] =	ssyncset.done @!p0 $0x0  }
0x81: {  	[sflag:s0] =	ssyncadd.s32 @!p0 s1  }
0x82: {  	[bflag:$0x3] =	sbarrier.arrive $0xFFFF  }
0x83: {  	_ =	shalt  }

// kernel: kernel.20.cloned.1.call-start
scs
__scs_entry_jumppad:
0x0: {  	(pc) =	sbr.rel $0x88, $3  }
0x1: {  	(tag) =	ssettag $0x0;
	lr =	simm.s32 $0x1  }
0x2: {  	[smem:$0x3F9A] =	sst lr;
	_ =	strace $0xD0000000  }
0x3: {  	_ = 	snop  }
0x4: {  	_ = 	snop  }
0x5: {  	_ = 	snop  }
0x6: {  	_ = 	snop  }
0x7: {  	_ = 	snop  }
__scs_overlays_trampoline_lowered:
0x8: {  	[smem:$0x3FA9] =	sst s0  }
0x9: {  	[smem:$0x3FAA] =	sst s1  }
0xa: {  	[smem:$0x3FAB] =	sst s2  }
0xb: {  	[smem:$0x3FAC] =	sst s3  }
0xc: {  	[smem:$0x3FAD] =	sst s4  }
0xd: {  	[smem:$0x3FAE] =	sst s5  }
0xe: {  	[smem:$0x3FAF] =	sst s6  }
0xf: {  	[smem:$0x3FB0] =	sst s7  }
0x10: {  	[smem:$0x3FB1] =	sst s8  }
0x11: {  	[smem:$0x3FB2] =	sst s9;
	s0 =	simm.s32 @!p0 $0x0  }
0x12: {  	s1 =	sld [smem:$0x3F98];
	s0 =	simm.s32 @p0 $0x1  }
0x13: {  	[smem:$0x3FB3] =	sst s0;
	s0 =	simm.s32 @!p1 $0x0  }
0x14: {  	s2 =	sld [smem:$0x3F97];
	s0 =	simm.s32 @p1 $0x1  }
0x15: {  	[smem:$0x3FB4] =	sst s0;
	s0 =	simm.s32 @!p2 $0x0  }
0x16: {  	s3 =	sld [smem:$0x3FDB];
	s0 =	simm.s32 @p2 $0x1  }
0x17: {  	s4 =	simm.s32 $0x1BF5;
	[smem:$0x3FB6] =	sst s0  }
0x18: {  	s0 =	sld [smem:$0x3F99];
	_ =	swait.ge [sflag:s4], $0x0  }
0x19: {  	s7 =	sld [smem:$0x3F9A]  }
0x1a: {  	s8 =	sadd.s32 $0xFFFFE003, lr  }
0x1b: {  	s9 =	sadd.s32 $0xFFFFFEF7, lr;
	s5 =	simm.s32 $0xFFFFFFFF;
	p2 =	slt.u32 s8, $0xFFFFF086  }
0x1c: {  	p1 =	slt.u32 s9, $0xF7A;
	s5 =	simm.s32 @!p2 $0x0  }
0x1d: {  	s5 =	simm.s32 @p1 $0x1;
	p0 =	seq.s32 s7, s2  }
0x1e: {  	s7 =	smul.u32 @!p0 $0xF7A, s2;
	p2 =	seq.s32 @!p0 s5, $0x0  }
0x1f: {  	s9 =	smul.u32 $0xF7A, s1;
	s8 =	simm.s32 @!p0 $0x1BF5;
	p2 =	por !p2, p0  }
0x20: {  	[sflag:s8] =	ssyncset.s32 @!p0 $0xFFFFF086;
	s6 =	sadd.s32 @!p0 s3, s7;
	s7 =	simm.s32 @!p0 $0x108  }
0x21: {  	s3 =	sadd.s32 s3, s9;
	s6 =	sadd.s32 @!p0 $0x88, s6;
	s7 =	simm.s32 @p2 $0x1082  }
0x22: {  	[simem:s7], [sflag:s8] =	dma.local @!p0 [hbm:s6], $0xF7A  }
0x23: {  	s9 =	sor.u32 $0xD0000000, s2;
	s6 =	simm.s32 $0x108;
	_ =	swait.ge @!p0 [sflag:s8], $0x0  }
0x24: {  	s3 =	sadd.s32 $0x88, s3;
	s6 =	simm.s32 @!p1 $0x1082;
	[sflag:s4] =	ssyncset.s32 $0xFFFFF086  }
0x25: {  	[simem:s6], [sflag:s4] =	dma.local [hbm:s3], $0xF7A  }
0x26: {  	[smem:$0x3F9A] =	sst s1;
	(tag) =	ssettag s2;
	_ =	strace s9  }
0x27: {  	s1 =	sld [smem:$0x3FAA]  }
0x28: {  	s2 =	sld [smem:$0x3FAB]  }
0x29: {  	s4 =	sld [smem:$0x3FAD]  }
0x2a: {  	p0 =	seq.s32 s5, $0x0;
	s5 =	sld [smem:$0x3FAE]  }
0x2b: {  	s6 =	sld [smem:$0x3FAF]  }
0x2c: {  	s7 =	sld [smem:$0x3FB0]  }
0x2d: {  	s3 =	simm.s32 $0x108;
	s8 =	sld [smem:$0x3FB1]  }
0x2e: {  	s3 =	simm.s32 @!p0 $0x1082;
	s9 =	sld [smem:$0x3FB2]  }
0x2f: {  	lr =	sadd.s32 s0, s3;
	s0 =	sld [smem:$0x3FA9]  }
0x30: {  	s3 =	sld [smem:$0x3FAC]  }
0x31: {  	[smem:$0x3FB5] =	sst s10  }
0x32: {  	s10 =	sld [smem:$0x3FB3];
	_ =	sdelay $0x3  }
0x33: {  	p0 =	seq.s32 s10, $0x1;
	s10 =	sld [smem:$0x3FB5];
	_ =	sdelay $0x3  }
0x34: {  	[smem:$0x3FB5] =	sst s10  }
0x35: {  	s10 =	sld [smem:$0x3FB4];
	_ =	sdelay $0x3  }
0x36: {  	p1 =	seq.s32 s10, $0x1;
	s10 =	sld [smem:$0x3FB5];
	_ =	sdelay $0x3  }
0x37: {  	[smem:$0x3FB5] =	sst s10  }
0x38: {  	s10 =	sld [smem:$0x3FB6]  }
0x39: {  	_ = 	snop;
	(pc) =	sbr.ind lr, $3  }
0x3a: {  	_ = 	snop  }
0x3b: {  	_ = 	snop  }
0x3c: {  	p2 =	seq.s32 s10, $0x1;
	s10 =	sld [smem:$0x3FB5]  }
0x3d: {  	_ =	shalt  }
0x3e: {  	_ =	shalt  }
0x3f: {  	_ =	shalt  }
0x40: {  	_ =	shalt  }
0x41: {  	_ =	shalt  }
0x42: {  	_ =	shalt  }
0x43: {  	_ =	shalt  }
0x44: {  	_ =	shalt  }
0x45: {  	_ =	shalt  }
0x46: {  	_ =	shalt  }
0x47: {  	_ =	shalt  }
0x48: {  	_ =	shalt  }
0x49: {  	_ =	shalt  }
0x4a: {  	_ =	shalt  }
0x4b: {  	_ =	shalt  }
0x4c: {  	_ =	shalt  }
0x4d: {  	_ =	shalt  }
0x4e: {  	_ =	shalt  }
0x4f: {  	_ =	shalt  }
0x50: {  	_ =	shalt  }
0x51: {  	_ =	shalt  }
0x52: {  	_ =	shalt  }
0x53: {  	_ =	shalt  }
0x54: {  	_ =	shalt  }
0x55: {  	_ =	shalt  }
0x56: {  	_ =	shalt  }
0x57: {  	_ =	shalt  }
0x58: {  	_ =	shalt  }
0x59: {  	_ =	shalt  }
0x5a: {  	_ =	shalt  }
0x5b: {  	_ =	shalt  }
0x5c: {  	_ =	shalt  }
0x5d: {  	_ =	shalt  }
0x5e: {  	_ =	shalt  }
0x5f: {  	_ =	shalt  }
0x60: {  	_ =	shalt  }
0x61: {  	_ =	shalt  }
0x62: {  	_ =	shalt  }
0x63: {  	_ =	shalt  }
0x64: {  	_ =	shalt  }
0x65: {  	_ =	shalt  }
0x66: {  	_ =	shalt  }
0x67: {  	_ =	shalt  }
0x68: {  	_ =	shalt  }
0x69: {  	_ =	shalt  }
0x6a: {  	_ =	shalt  }
0x6b: {  	_ =	shalt  }
0x6c: {  	_ =	shalt  }
0x6d: {  	_ =	shalt  }
0x6e: {  	_ =	shalt  }
0x6f: {  	_ =	shalt  }
0x70: {  	_ =	shalt  }
0x71: {  	_ =	shalt  }
0x72: {  	_ =	shalt  }
0x73: {  	_ =	shalt  }
0x74: {  	_ =	shalt  }
0x75: {  	_ =	shalt  }
0x76: {  	_ =	shalt  }
0x77: {  	_ =	shalt  }
0x78: {  	_ =	shalt  }
0x79: {  	_ =	shalt  }
0x7a: {  	_ =	shalt  }
0x7b: {  	_ =	shalt  }
0x7c: {  	_ =	shalt  }
0x7d: {  	_ =	shalt  }
0x7e: {  	_ =	shalt  }
0x7f: {  	_ =	shalt  }
0x80: {  	_ =	shalt  }
0x81: {  	_ =	shalt  }
0x82: {  	_ =	shalt  }
0x83: {  	_ =	shalt  }
0x84: {  	_ =	shalt  }
0x85: {  	_ =	shalt  }
0x86: {  	_ =	shalt  }
0x87: {  	_ =	shalt  }
.Lfunc_end0:
.L_simem_size_0:
called_computation.2_lowered:
.L_overlay_start_0:
0x88: {  	s2 =	sld [smem:$0x3FD9]  }
0x89: {  	s3 =	sld [smem:$0x3FFE];
	_ =	sdelay $0x1  }
0x8a: {  	s1 =	srdreg.scid  }
0x8b: {  	s0 =	sand.u32 $0x1, s1  }
0x8c: {  	s17 =	sshll.u32 s0, $0xA;
	s2 =	sadd.s32 s3, s2  }
0x8d: {  	s2 =	sadd.s32 s2, s17  }
0x8e: {  	[smem:$0x3FC1] =	sst s2  }
0x8f: {  	_ = 	snop  }
0x90: {  	s2 =	sld [smem:$0x3FD0];
	(tm) =	ssettm $0x1  }
0x91: {  	s18 =	sld [smem:$0x3FFB];
	_ =	sdelay $0x3  }
0x92: {  	_ =	strace s18  }
0x93: {  	s3 =	sld [smem:$0x3FFC];
	_ =	sdelay $0x3  }
0x94: {  	_ =	strace s3  }
0x95: {  	s3 =	sld [smem:$0x3FFD];
	_ =	sdelay $0x3  }
0x96: {  	_ =	strace s3  }
0x97: {  	_ =	strace $0x8FFFFFFF  }
0x98: {  	s19 =	sld [smem:$0x3FDB];
	_ =	sdelay $0x1  }
0x99: {  	s4 =	simm.s32 $_scs_section_size  }
0x9a: {  	s5 =	simm.s32 $_size__tile_overlayer_lowered;
	s6 =	simm.s32 $_tile_overlayer_lowered  }
0x9b: {  	s22 =	simm.s32 $0x1BFF;
	s21 =	sshll.u32 s6, $0x1;
	s3 =	sadd.s32 s4, s19  }
0x9c: {  	s7 =	simm.s32 $0x0;
	s20 =	sshll.u32 s5, $0x1;
	s5 =	sadd.s32 s21, s3  }
0x9d: {  	[timem:s7], [sflag:s22] =	dma.local [hbm:s5], s20  }
0x9e: {  	_ =	swait.ge [sflag:s22], s20  }
0x9f: {  	s4 =	ssub.s32 $0x0, s20;
	[sflag:s22] =	ssyncset.done $0x0  }
0xa0: {  	[sflag:s22] =	ssyncadd.s32 s4;
	_ =	sdelay $0x1  }
0xa1: {  	s23 =	simm.s32 $0x1B8B  }
0xa2: {  	_ =	swait.ge [sflag:s23], $0x1  }
0xa3: {  	[sflag:s23] =	ssyncset.done $0x0  }
0xa4: {  	s25 =	simm.s32 $0x1B8E;
	s24 =	sld [smem:$0x3FFE];
	[sflag:s23] =	ssyncadd.s32 $0xFFFFFFFF  }
0xa5: {  	s26 =	simm.s32 $execute0_lowered;
	[smem:$0x3FD2] =	sst s25  }
0xa6: {  	s5 =	sshll.u32 s26, $0x1;
	_ =	strace $0x8000004C;
	[dreg:$0x1] =	wrdreg $0xFFFFFFFF  }
0xa7: {  	s28 =	simm.s32 $_size_execute0_lowered;
	s3 =	sadd.s32 s3, s5;
	[dreg:$0x0] =	wrdreg $0x0  }
0xa8: {  	s5 =	sshll.u32 s28, $0x1;
	[dreg:$0x2] =	wrdreg s3  }
0xa9: {  	[dreg:$0x3] =	wrdreg s5  }
0xaa: {  	[dreg:$0x4] =	wrdreg $0xC0  }
0xab: {  	_ =	task [dreg:s7], $0x5FFFF  }
0xac: {  	[dreg:$0x1] =	wrdreg $0xFFFFFFFF  }
0xad: {  	[dreg:$0x0] =	wrdreg $0x60  }
0xae: {  	[dreg:$0x2] =	wrdreg s24  }
0xaf: {  	[dreg:$0x3] =	wrdreg s2  }
0xb0: {  	[dreg:$0x4] =	wrdreg $0x0  }
0xb1: {  	[dreg:$0x5] =	wrdreg $0x9  }
0xb2: {  	_ =	task.clear_ibuf [dreg:s7], $0x6FFFF;
	_ =	strace $0x9000004C  }
0xb3: {  	s29 =	simm.s32 $0x9;
	_ =	strace $0x8000004E  }
0xb4: {  	_ =	swait.ge [sflag:s29], $0x1  }
0xb5: {  	[sflag:s29] =	ssyncadd.s32 $0xFFFFFFFF  }
0xb6: {  	_ =	strace $0x9000004E  }
0xb7: {  	_ =	sfence  }
0xb8: {  	s30 =	sld [smem:$0x0];
	_ =	sdelay $0x2  }
0xb9: {  	s31 =	sshll.u32 s1, $0xD;
	s1 =	sshrl.u32 s1, $0x2  }
0xba: {  	s3 =	sand.u32 $0x4000, s31;
	s1 =	sadd.s32 s1, s30  }
0xbb: {  	s0 =	sor.u32 s3, s0;
	s1 =	sshll.u32 s1, $0x11  }
0xbc: {  	s0 =	sor.u32 s1, s0  }
0xbd: {  	s0 =	sadd.s32 $0x8F2B, s0  }
0xbe: {  	[sflag:s0] =	ssyncadd.remote.s32 $0x1  }
0xbf: {  	_ =	sfence.sel $0xFFFF  }
0xc0: {  	[dreg:$0x0] =	wrdreg $0xFFFFFFFF;
	(pc) =	sbr.abs _section_cstart, $3  }
0xc1: {  	[dreg:$0x1] =	wrdreg $0xFFFFFFFF  }
0xc2: {  	_ =	task.clear_ibuf [dreg:s7], $0x2FFFF;
	_ =	strace $0x9FFFFFFF  }
0xc3: {  	(tm) =	ssettm $0x7FFFFFFF  }
tec
execute0_lowered:
.L_overlay_start_1:
0x0: {  	(tag) =	ssettag $0x1  }
0x1: {  	s0 =	rddreg [dreg:$0x0]  }
0x2: {  	s1 =	srdreg.scid;
	s2 =	rddreg [dreg:$0x1]  }
0x3: {  	s12 =	stileid.u32;
	s3 =	rddreg [dreg:$0x2]  }
0x4: {  	s4 =	simm.s32 $0x0;
	s15 =	simm.s32 $0x9;
	s16 =	simm.s32 $0x14000  }
0x5: {  	s17 =	simm.s32 $0x16800;
	s18 =	simm.s32 $0x16880;
	s19 =	simm.s32 $0x80  }
0x6: {  	s20 =	simm.s32 $0x16A00;
	s28 =	simm.s32 $0x2;
	s29 =	simm.s32 $0x6  }
0x7: {  	s30 =	simm.s32 $0x16980;
	s31 =	simm.s32 $0x4;
	s6 =	smul.u32 $0x280, s12  }
0x8: {  	s21 =	simm.s32 $0x0;
	s1 =	sand.u32 $0x1, s1;
	s7 =	smul.u32 $0x50000, s12  }
0x9: {  	[smem:$0x7FF] =	sst s4;
	s23 =	sshll.u32 s12, $0x6;
	s13 =	smul.u32 $0x500, s12  }
0xa: {  	s5 =	smul.u32 $0x2800, s1;
	_ =	strace $0x8000004D;
	s8 =	ssub.s32 $0x2, s1  }
0xb: {  	s11 =	sshll.u32 s1, $0x4;
	p0 =	seq.s32 s1, $0x1;
	s1 =	smul.u32 $0x5000, s1  }
0xc: {  	s10 =	sshrl.u32 s8, $0x1;
	s7 =	sshrl.u32 s7, $0x2;
	s22 =	sor.u32 s12, s11  }
0xd: {  	s5 =	sadd.s32 s6, s5;
	s10 =	ssub.s32 s8, s10;
	s14 =	sadd.s32 s7, s3  }
0xe: {  	s24 =	smul.u32 $0x500, s22;
	s7 =	sor.u32 $0x1C09, s23;
	s22 =	simm.s32 $0x1AA00  }
0xf: {  	s23 =	simm.s32 $0x1;
	s6 =	sshll.u32 s5, $0x4;
	s5 =	sadd.s32 $0xD600, s0  }
0x10: {  	s26 =	smax.u32 s10, $0x1;
	s14 =	sshrl.u32 s14, $0x3;
	s9 =	sadd.s32 s6, s0  }
0x11: {  	s6 =	sadd.s32 s5, s6;
	s8 =	sadd.s32 s2, s24;
	[dreg:$0x8] =	wrdreg s26  }
0x12: {  	s24 =	simm.s32 $0x5;
	[dreg:$0x4] =	wrdreg s6;
	s6 =	simm.s32 $0x8AE00  }
.Ltmp0:
0x13: {  	[dreg:$0x5] =	wrdreg s8;
	s8 =	sadd.s32 $0x10, s8;
	(pc) =	sbr.rel .LBB2_1-.Ltmp0, $4  }
0x14: {  	s25 =	sadd.s32 $0x8FE00, s9;
	s6 =	simm.s32 @!p0 $0x85E00;
	[dreg:$0x6] =	wrdreg s8  }
0x15: {  	s26 =	simm.s32 $0x3;
	[dreg:$0x7] =	wrdreg s25;
	s0 =	sadd.s32 s6, s0  }
0x16: {  	s25 =	simm.s32 $0x16900;
	s0 =	sadd.s32 s0, s13;
	s13 =	sadd.s32 s13, s1  }
0x17: {  	s1 =	simm.s32 $0x7;
	[dreg:$0x9] =	wrdreg s0;
	s0 =	simm.s32 $0x8  }
.LBB2_4:
0x18: {  	_ =	swait.ge [sflag:s31], $0x4000  }
0x19: {  	[sflag:s31] =	ssyncset.done $0x0  }
0x1a: {  	[sflag:s31] =	ssyncadd.s32 $0xFFFFC000  }
0x1b: {  	[bflag:$0x0] =	sbarrier.arrive $0xFFFF  }
0x1c: {  	s6 =	rddreg [dreg:$0x7]  }
0x1d: {  	[hbm:s6], [sflag:s7] =	dma.local [spmem:s14], $0x2800  }
0x1e: {  	_ =	swait.ge [sflag:s15], $0x2800  }
0x1f: {  	s21 =	sadd.s32 $0x1, s21;
	s12 =	rddreg [dreg:$0x8]  }
0x20: {  	p0 =	sne.s32 s21, s12  }
.Ltmp1:
0x21: {  	_ = 	snop;
	(pc) =	sbr.rel @!p0 .LBB2_5-.Ltmp1, $3  }
0x22: {  	_ =	sdelay $0x1  }
0x23: {  	[sflag:s15] =	ssyncset.done $0x0  }
0x24: {  	[sflag:s15] =	ssyncadd.s32 $0xFFFFD800  }
.LBB2_1:
0x25: {  	s6 =	rddreg [dreg:$0x4]  }
0x26: {  	[spmem:s14], [sflag:s7] =	dma.local [hbm:s6], $0x2800  }
0x27: {  	_ =	swait.ge [sflag:s15], $0x2800  }
0x28: {  	[sflag:s15] =	ssyncset.done $0x0  }
0x29: {  	s9 =	rddreg [dreg:$0x9];
	[sflag:s15] =	ssyncadd.s32 $0xFFFFD800  }
0x2a: {  	[tilespmem:s16], [sflag:$0x9] =	stream.linear.gather [hbm4b:s9+s4], $0x2800, $0x38;
	[tilespmem:$0x1EA00] =	vst v63  }
0x2b: {  	_ =	swait.ge [sflag:s15], $0x2800  }
0x2c: {  	[sflag:s15] =	ssyncset.done $0x0  }
0x2d: {  	[sflag:s15] =	ssyncadd.s32 $0xFFFFD800  }
0x2e: {  	[bflag:$0x0] =	sbarrier.arrive $0xFFFF  }
0x2f: {  	s10 =	rddreg [dreg:$0x5]  }
0x30: {  	[tilespmem:s17], [sflag:$0x5] =	stream.linear.gather [hbm4b:s10+s4], $0x80, $0x38;
	[tilespmem:$0x1EA00] =	vst v63  }
0x31: {  	s11 =	rddreg [dreg:$0x6]  }
0x32: {  	[tilespmem:s18], [sflag:$0x6] =	stream.linear.gather [hbm4b:s11+s4], $0x80, $0x38;
	[tilespmem:$0x1EA00] =	vst v63  }
0x33: {  	_ = 	snop  }
0x34: {  	[tilespmem:s20], [sflag:$0x1] =	stream.indirect.gather [hbm4b:s5+s19], $0x80, s16, s19, $0xb8;
	[tilespmem:$0x1EA00] =	vst v63  }
0x35: {  	s12 =	simm.s32 $0x14080;
	s6 =	simm.s32 $0x50;
	s9 =	simm.s32 $0x14180  }
0x36: {  	[tilespmem:s22], [sflag:$0x2] =	stream.indirect.gather [hbm4b:s5+s19], $0x80, s12, s19, $0xb8;
	[tilespmem:$0x1EA00] =	vst v63  }
.LBB2_2:
0x37: {  	_ =	swait.ge [sflag:s23], $0x4000  }
0x38: {  	[sflag:s23] =	ssyncset.done $0x0  }
0x39: {  	[sflag:s23] =	ssyncadd.s32 $0xFFFFC000  }
0x3a: {  	s10 =	sadd.s32 s6, s13;
	s8 =	sadd.s32 $0xFFFFFFD0, s6;
	_ =	swait.ge [sflag:s24], $0x80  }
0x3b: {  	s11 =	sadd.s32 $0xFFFFFFB0, s10;
	s8 =	sand.u32 $0x60, s8;
	[sflag:s24] =	ssyncset.done $0x0  }
0x3c: {  	s11 =	sand.u32 $0xFFFFF80, s11;
	s8 =	sadd.s32 s2, s8;
	[sflag:s24] =	ssyncadd.s32 $0xFFFFFF80  }
0x3d: {  	[spmem:s3] =	stream.indirect.scatter.add.f32 [tilespmem:s20], [sflag:$0x3], $0x80, s17, s19, $0xb8;
	[tilespmem:$0x1EA00] =	vst v63  }
0x3e: {  	s8 =	sadd.s32 s11, s8  }
0x3f: {  	[tilespmem:s25], [sflag:$0x7] =	stream.linear.gather [hbm4b:s8+s4], $0x80, $0x38;
	[tilespmem:$0x1EA00] =	vst v63  }
0x40: {  	_ =	swait.ge [sflag:s26], $0x4000  }
0x41: {  	[sflag:s26] =	ssyncset.done $0x0  }
0x42: {  	s12 =	sadd.s32 $0xFFFFFF80, s9;
	[sflag:s26] =	ssyncadd.s32 $0xFFFFC000  }
0x43: {  	[tilespmem:s20], [sflag:$0x1] =	stream.indirect.gather [hbm4b:s5+s19], $0x80, s12, s19, $0xb8;
	[tilespmem:$0x1EA00] =	vst v63  }
0x44: {  	_ =	swait.ge [sflag:s28], $0x4000  }
0x45: {  	[sflag:s28] =	ssyncset.done $0x0  }
0x46: {  	[sflag:s28] =	ssyncadd.s32 $0xFFFFC000  }
0x47: {  	s12 =	sadd.s32 $0xFFFFFFE0, s6;
	_ =	swait.ge [sflag:s29], $0x80  }
0x48: {  	s8 =	sand.u32 $0x70, s12;
	[sflag:s29] =	ssyncset.done $0x0  }
0x49: {  	s8 =	sadd.s32 s2, s8;
	[sflag:s29] =	ssyncadd.s32 $0xFFFFFF80  }
0x4a: {  	[spmem:s3] =	stream.indirect.scatter.add.f32 [tilespmem:s22], [sflag:$0x4], $0x80, s18, s19, $0xb8;
	[tilespmem:$0x1EA00] =	vst v63  }
0x4b: {  	s8 =	sadd.s32 s11, s8  }
0x4c: {  	[tilespmem:s30], [sflag:$0x8] =	stream.linear.gather [hbm4b:s8+s4], $0x80, $0x38;
	[tilespmem:$0x1EA00] =	vst v63  }
0x4d: {  	_ =	swait.ge [sflag:s31], $0x4000  }
0x4e: {  	[sflag:s31] =	ssyncset.done $0x0  }
0x4f: {  	[sflag:s31] =	ssyncadd.s32 $0xFFFFC000  }
0x50: {  	[tilespmem:s22], [sflag:$0x2] =	stream.indirect.gather [hbm4b:s5+s19], $0x80, s9, s19, $0xb8;
	[tilespmem:$0x1EA00] =	vst v63  }
0x51: {  	_ =	swait.ge [sflag:s23], $0x4000  }
0x52: {  	[sflag:s23] =	ssyncset.done $0x0  }
0x53: {  	[sflag:s23] =	ssyncadd.s32 $0xFFFFC000  }
0x54: {  	_ =	swait.ge [sflag:s1], $0x80  }
0x55: {  	p0 =	seq.s32 s6, $0x510;
	[sflag:s1] =	ssyncset.done $0x0  }
0x56: {  	s8 =	simm.s32 @p0 $0x3;
	[sflag:s1] =	ssyncadd.s32 $0xFFFFFF80  }
0x57: {  	[spmem:s3] =	stream.indirect.scatter.add.f32 [tilespmem:s20], [sflag:$0x3], $0x80, s25, s19, $0xb8;
	[tilespmem:$0x1EA00] =	vst v63  }
0x58: {  	s11 =	sadd.s32 @!p0 $0xFFFFFFF0, s6;
	_ =	swait.ge @p0 [sflag:s8], $0x4000  }
0x59: {  	s12 =	sadd.s32 @!p0 s13, s11;
	s11 =	sand.u32 @!p0 $0x40, s11;
	[sflag:s8] =	ssyncset.done @p0 $0x0  }
0x5a: {  	s11 =	sadd.s32 @!p0 s2, s11;
	[sflag:s8] =	ssyncadd.s32 @p0 $0xFFFFC000;
	s8 =	sand.u32 @!p0 $0xFFFFF80, s12  }
0x5b: {  	s12 =	simm.s32 @!p0 $0x16800;
	s8 =	sadd.s32 @!p0 s8, s11;
	s11 =	simm.s32 @!p0 $0x0  }
0x5c: {  	[tilespmem:s12], [sflag:$0x5] =	stream.linear.gather @!p0 [hbm4b:s8+s11], $0x80, $0x38;
	[tilespmem:$0x1EA00] =	vst v63  }
0x5d: {  	s8 =	simm.s32 @!p0 $0x3  }
0x5e: {  	_ =	swait.ge @!p0 [sflag:s8], $0x4000  }
0x5f: {  	s11 =	simm.s32 @!p0 $0x80;
	[sflag:s8] =	ssyncset.done @!p0 $0x0  }
0x60: {  	s12 =	simm.s32 @!p0 $0x16A00;
	[sflag:s8] =	ssyncadd.s32 @!p0 $0xFFFFC000;
	s8 =	sadd.s32 @!p0 $0x80, s9  }
0x61: {  	[tilespmem:s12], [sflag:$0x1] =	stream.indirect.gather @!p0 [hbm4b:s5+s11], $0x80, s8, s11, $0xb8;
	[tilespmem:$0x1EA00] =	vst v63  }
0x62: {  	_ =	swait.ge [sflag:s28], $0x4000  }
0x63: {  	[sflag:s28] =	ssyncset.done $0x0  }
.Ltmp2:
0x64: {  	[sflag:s28] =	ssyncadd.s32 $0xFFFFC000;
	(pc) =	sbr.rel @p0 .LBB2_4-.Ltmp2, $4  }
0x65: {  	_ =	swait.ge [sflag:s0], $0x80  }
0x66: {  	[sflag:s0] =	ssyncset.done $0x0  }
0x67: {  	[sflag:s0] =	ssyncadd.s32 $0xFFFFFF80  }
0x68: {  	[spmem:s3] =	stream.indirect.scatter.add.f32 [tilespmem:s22], [sflag:$0x4], $0x80, s30, s19, $0xb8;
	[tilespmem:$0x1EA00] =	vst v63  }
0x69: {  	s8 =	sand.u32 $0x50, s6  }
0x6a: {  	s10 =	sand.u32 $0xFFFFF80, s10;
	s8 =	sadd.s32 s2, s8  }
0x6b: {  	s8 =	sadd.s32 s10, s8  }
0x6c: {  	[tilespmem:s18], [sflag:$0x6] =	stream.linear.gather [hbm4b:s8+s4], $0x80, $0x38;
	[tilespmem:$0x1EA00] =	vst v63  }
.Ltmp3:
0x6d: {  	_ = 	snop;
	(pc) =	sbr.rel .LBB2_2-.Ltmp3, $4  }
0x6e: {  	_ =	swait.ge [sflag:s31], $0x4000  }
0x6f: {  	s12 =	sadd.s32 $0x100, s9;
	[sflag:s31] =	ssyncset.done $0x0  }
0x70: {  	s6 =	sadd.s32 $0x40, s6;
	s9 =	sadd.s32 $0x200, s9;
	[sflag:s31] =	ssyncadd.s32 $0xFFFFC000  }
0x71: {  	[tilespmem:s22], [sflag:$0x2] =	stream.indirect.gather [hbm4b:s5+s19], $0x80, s12, s19, $0xb8;
	[tilespmem:$0x1EA00] =	vst v63  }
.LBB2_5:
0x72: {  	_ =	sfence.sel $0x180000  }
0x73: {  	[bflag:$0x0] =	sbarrier.arrive $0xFFFF  }
0x74: {  	_ =	strace $0x9000004D  }
0x75: {  	s0 =	stileid.u32;
	[bflag:$0x2] =	sbarrier.arrive $0xFFFF  }
0x76: {  	p0 =	sne.s32 s0, $0x0;
	s0 =	rddreg [dreg:$0x3]  }
0x77: {  	s0 =	sadd.s32 @!p0 $0x100000, s0  }
0x78: {  	[sflag:s0] =	ssyncadd.tile.s32 @!p0 $0x1;
	_ =	shalt  }
.Lfunc_end2:
_tile_overlayer_lowered:
.L_overlay_start_2:
0x79: {  	(tag) =	ssettag $0x2  }
0x7a: {  	s0 =	rddreg [dreg:$0x0];
	s2 =	stileid.u32  }
0x7b: {  	s1 =	rddreg [dreg:$0x1];
	p0 =	sne.s32 s2, $0x0  }
0x7c: {  	s3 =	rddreg [dreg:$0x2];
	[bflag:$0x3] =	sbarrier.arrive $0xFFFF;
	s2 =	simm.s32 @!p0 $0x1C09  }
0x7d: {  	[timem:s3], [sflag:s2] =	dma.local @!p0 [hbm:s0], s1  }
0x7e: {  	s0 =	simm.s32 @!p0 $0x9  }
0x7f: {  	_ =	swait.ge @!p0 [sflag:s0], s1  }
0x80: {  	s1 =	ssub.s32 @!p0 $0x0, s1;
	[sflag:s0] =	ssyncset.done @!p0 $0x0  }
0x81: {  	[sflag:s0] =	ssyncadd.s32 @!p0 s1  }
0x82: {  	[bflag:$0x3] =	sbarrier.arrive $0xFFFF  }
0x83: {  	_ =	shalt  }

// kernel: kernel.23.cloned.1.call-start
scs
__scs_entry_jumppad:
0x0: {  	(pc) =	sbr.rel $0x88, $3  }
0x1: {  	(tag) =	ssettag $0x0;
	lr =	simm.s32 $0x1  }
0x2: {  	[smem:$0x3F9A] =	sst lr;
	_ =	strace $0xD0000000  }
0x3: {  	_ = 	snop  }
0x4: {  	_ = 	snop  }
0x5: {  	_ = 	snop  }
0x6: {  	_ = 	snop  }
0x7: {  	_ = 	snop  }
__scs_overlays_trampoline_lowered:
0x8: {  	[smem:$0x3FA9] =	sst s0  }
0x9: {  	[smem:$0x3FAA] =	sst s1  }
0xa: {  	[smem:$0x3FAB] =	sst s2  }
0xb: {  	[smem:$0x3FAC] =	sst s3  }
0xc: {  	[smem:$0x3FAD] =	sst s4  }
0xd: {  	[smem:$0x3FAE] =	sst s5  }
0xe: {  	[smem:$0x3FAF] =	sst s6  }
0xf: {  	[smem:$0x3FB0] =	sst s7  }
0x10: {  	[smem:$0x3FB1] =	sst s8  }
0x11: {  	[smem:$0x3FB2] =	sst s9;
	s0 =	simm.s32 @!p0 $0x0  }
0x12: {  	s1 =	sld [smem:$0x3F98];
	s0 =	simm.s32 @p0 $0x1  }
0x13: {  	[smem:$0x3FB3] =	sst s0;
	s0 =	simm.s32 @!p1 $0x0  }
0x14: {  	s2 =	sld [smem:$0x3F97];
	s0 =	simm.s32 @p1 $0x1  }
0x15: {  	[smem:$0x3FB4] =	sst s0;
	s0 =	simm.s32 @!p2 $0x0  }
0x16: {  	s3 =	sld [smem:$0x3FDB];
	s0 =	simm.s32 @p2 $0x1  }
0x17: {  	s4 =	simm.s32 $0x1BF5;
	[smem:$0x3FB6] =	sst s0  }
0x18: {  	s0 =	sld [smem:$0x3F99];
	_ =	swait.ge [sflag:s4], $0x0  }
0x19: {  	s7 =	sld [smem:$0x3F9A]  }
0x1a: {  	s8 =	sadd.s32 $0xFFFFE003, lr  }
0x1b: {  	s9 =	sadd.s32 $0xFFFFFEF7, lr;
	s5 =	simm.s32 $0xFFFFFFFF;
	p2 =	slt.u32 s8, $0xFFFFF086  }
0x1c: {  	p1 =	slt.u32 s9, $0xF7A;
	s5 =	simm.s32 @!p2 $0x0  }
0x1d: {  	s5 =	simm.s32 @p1 $0x1;
	p0 =	seq.s32 s7, s2  }
0x1e: {  	s7 =	smul.u32 @!p0 $0xF7A, s2;
	p2 =	seq.s32 @!p0 s5, $0x0  }
0x1f: {  	s9 =	smul.u32 $0xF7A, s1;
	s8 =	simm.s32 @!p0 $0x1BF5;
	p2 =	por !p2, p0  }
0x20: {  	[sflag:s8] =	ssyncset.s32 @!p0 $0xFFFFF086;
	s6 =	sadd.s32 @!p0 s3, s7;
	s7 =	simm.s32 @!p0 $0x108  }
0x21: {  	s3 =	sadd.s32 s3, s9;
	s6 =	sadd.s32 @!p0 $0x88, s6;
	s7 =	simm.s32 @p2 $0x1082  }
0x22: {  	[simem:s7], [sflag:s8] =	dma.local @!p0 [hbm:s6], $0xF7A  }
0x23: {  	s9 =	sor.u32 $0xD0000000, s2;
	s6 =	simm.s32 $0x108;
	_ =	swait.ge @!p0 [sflag:s8], $0x0  }
0x24: {  	s3 =	sadd.s32 $0x88, s3;
	s6 =	simm.s32 @!p1 $0x1082;
	[sflag:s4] =	ssyncset.s32 $0xFFFFF086  }
0x25: {  	[simem:s6], [sflag:s4] =	dma.local [hbm:s3], $0xF7A  }
0x26: {  	[smem:$0x3F9A] =	sst s1;
	(tag) =	ssettag s2;
	_ =	strace s9  }
0x27: {  	s1 =	sld [smem:$0x3FAA]  }
0x28: {  	s2 =	sld [smem:$0x3FAB]  }
0x29: {  	s4 =	sld [smem:$0x3FAD]  }
0x2a: {  	p0 =	seq.s32 s5, $0x0;
	s5 =	sld [smem:$0x3FAE]  }
0x2b: {  	s6 =	sld [smem:$0x3FAF]  }
0x2c: {  	s7 =	sld [smem:$0x3FB0]  }
0x2d: {  	s3 =	simm.s32 $0x108;
	s8 =	sld [smem:$0x3FB1]  }
0x2e: {  	s3 =	simm.s32 @!p0 $0x1082;
	s9 =	sld [smem:$0x3FB2]  }
0x2f: {  	lr =	sadd.s32 s0, s3;
	s0 =	sld [smem:$0x3FA9]  }
0x30: {  	s3 =	sld [smem:$0x3FAC]  }
0x31: {  	[smem:$0x3FB5] =	sst s10  }
0x32: {  	s10 =	sld [smem:$0x3FB3];
	_ =	sdelay $0x3  }
0x33: {  	p0 =	seq.s32 s10, $0x1;
	s10 =	sld [smem:$0x3FB5];
	_ =	sdelay $0x3  }
0x34: {  	[smem:$0x3FB5] =	sst s10  }
0x35: {  	s10 =	sld [smem:$0x3FB4];
	_ =	sdelay $0x3  }
0x36: {  	p1 =	seq.s32 s10, $0x1;
	s10 =	sld [smem:$0x3FB5];
	_ =	sdelay $0x3  }
0x37: {  	[smem:$0x3FB5] =	sst s10  }
0x38: {  	s10 =	sld [smem:$0x3FB6]  }
0x39: {  	_ = 	snop;
	(pc) =	sbr.ind lr, $3  }
0x3a: {  	_ = 	snop  }
0x3b: {  	_ = 	snop  }
0x3c: {  	p2 =	seq.s32 s10, $0x1;
	s10 =	sld [smem:$0x3FB5]  }
0x3d: {  	_ =	shalt  }
0x3e: {  	_ =	shalt  }
0x3f: {  	_ =	shalt  }
0x40: {  	_ =	shalt  }
0x41: {  	_ =	shalt  }
0x42: {  	_ =	shalt  }
0x43: {  	_ =	shalt  }
0x44: {  	_ =	shalt  }
0x45: {  	_ =	shalt  }
0x46: {  	_ =	shalt  }
0x47: {  	_ =	shalt  }
0x48: {  	_ =	shalt  }
0x49: {  	_ =	shalt  }
0x4a: {  	_ =	shalt  }
0x4b: {  	_ =	shalt  }
0x4c: {  	_ =	shalt  }
0x4d: {  	_ =	shalt  }
0x4e: {  	_ =	shalt  }
0x4f: {  	_ =	shalt  }
0x50: {  	_ =	shalt  }
0x51: {  	_ =	shalt  }
0x52: {  	_ =	shalt  }
0x53: {  	_ =	shalt  }
0x54: {  	_ =	shalt  }
0x55: {  	_ =	shalt  }
0x56: {  	_ =	shalt  }
0x57: {  	_ =	shalt  }
0x58: {  	_ =	shalt  }
0x59: {  	_ =	shalt  }
0x5a: {  	_ =	shalt  }
0x5b: {  	_ =	shalt  }
0x5c: {  	_ =	shalt  }
0x5d: {  	_ =	shalt  }
0x5e: {  	_ =	shalt  }
0x5f: {  	_ =	shalt  }
0x60: {  	_ =	shalt  }
0x61: {  	_ =	shalt  }
0x62: {  	_ =	shalt  }
0x63: {  	_ =	shalt  }
0x64: {  	_ =	shalt  }
0x65: {  	_ =	shalt  }
0x66: {  	_ =	shalt  }
0x67: {  	_ =	shalt  }
0x68: {  	_ =	shalt  }
0x69: {  	_ =	shalt  }
0x6a: {  	_ =	shalt  }
0x6b: {  	_ =	shalt  }
0x6c: {  	_ =	shalt  }
0x6d: {  	_ =	shalt  }
0x6e: {  	_ =	shalt  }
0x6f: {  	_ =	shalt  }
0x70: {  	_ =	shalt  }
0x71: {  	_ =	shalt  }
0x72: {  	_ =	shalt  }
0x73: {  	_ =	shalt  }
0x74: {  	_ =	shalt  }
0x75: {  	_ =	shalt  }
0x76: {  	_ =	shalt  }
0x77: {  	_ =	shalt  }
0x78: {  	_ =	shalt  }
0x79: {  	_ =	shalt  }
0x7a: {  	_ =	shalt  }
0x7b: {  	_ =	shalt  }
0x7c: {  	_ =	shalt  }
0x7d: {  	_ =	shalt  }
0x7e: {  	_ =	shalt  }
0x7f: {  	_ =	shalt  }
0x80: {  	_ =	shalt  }
0x81: {  	_ =	shalt  }
0x82: {  	_ =	shalt  }
0x83: {  	_ =	shalt  }
0x84: {  	_ =	shalt  }
0x85: {  	_ =	shalt  }
0x86: {  	_ =	shalt  }
0x87: {  	_ =	shalt  }
.Lfunc_end0:
.L_simem_size_0:
called_computation.3_lowered:
.L_overlay_start_0:
0x88: {  	s2 =	sld [smem:$0x3FD9]  }
0x89: {  	s3 =	sld [smem:$0x3FFE];
	_ =	sdelay $0x1  }
0x8a: {  	s1 =	srdreg.scid  }
0x8b: {  	s0 =	sand.u32 $0x1, s1  }
0x8c: {  	s17 =	sshll.u32 s0, $0xA;
	s2 =	sadd.s32 s3, s2  }
0x8d: {  	s2 =	sadd.s32 s2, s17  }
0x8e: {  	[smem:$0x3FC1] =	sst s2  }
0x8f: {  	_ = 	snop  }
0x90: {  	s2 =	sld [smem:$0x3FD0];
	(tm) =	ssettm $0x1  }
0x91: {  	s18 =	sld [smem:$0x3FFB];
	_ =	sdelay $0x3  }
0x92: {  	_ =	strace s18  }
0x93: {  	s3 =	sld [smem:$0x3FFC];
	_ =	sdelay $0x3  }
0x94: {  	_ =	strace s3  }
0x95: {  	s3 =	sld [smem:$0x3FFD];
	_ =	sdelay $0x3  }
0x96: {  	_ =	strace s3  }
0x97: {  	_ =	strace $0x8FFFFFFF  }
0x98: {  	s19 =	sld [smem:$0x3FDB];
	_ =	sdelay $0x1  }
0x99: {  	s4 =	simm.s32 $_scs_section_size  }
0x9a: {  	s5 =	simm.s32 $_size__tile_overlayer_lowered;
	s6 =	simm.s32 $_tile_overlayer_lowered  }
0x9b: {  	s22 =	simm.s32 $0x1BFF;
	s21 =	sshll.u32 s6, $0x1;
	s3 =	sadd.s32 s4, s19  }
0x9c: {  	s7 =	simm.s32 $0x0;
	s20 =	sshll.u32 s5, $0x1;
	s5 =	sadd.s32 s21, s3  }
0x9d: {  	[timem:s7], [sflag:s22] =	dma.local [hbm:s5], s20  }
0x9e: {  	_ =	swait.ge [sflag:s22], s20  }
0x9f: {  	s4 =	ssub.s32 $0x0, s20;
	[sflag:s22] =	ssyncset.done $0x0  }
0xa0: {  	[sflag:s22] =	ssyncadd.s32 s4;
	_ =	sdelay $0x1  }
0xa1: {  	s23 =	simm.s32 $0x1B8B  }
0xa2: {  	_ =	swait.ge [sflag:s23], $0x1  }
0xa3: {  	[sflag:s23] =	ssyncset.done $0x0  }
0xa4: {  	s25 =	simm.s32 $0x1B8E;
	s24 =	sld [smem:$0x3FFE];
	[sflag:s23] =	ssyncadd.s32 $0xFFFFFFFF  }
0xa5: {  	s26 =	simm.s32 $execute0_lowered;
	[smem:$0x3FD2] =	sst s25  }
0xa6: {  	s5 =	sshll.u32 s26, $0x1;
	_ =	strace $0x8000004F;
	[dreg:$0x1] =	wrdreg $0xFFFFFFFF  }
0xa7: {  	s28 =	simm.s32 $_size_execute0_lowered;
	s3 =	sadd.s32 s3, s5;
	[dreg:$0x0] =	wrdreg $0x0  }
0xa8: {  	s5 =	sshll.u32 s28, $0x1;
	[dreg:$0x2] =	wrdreg s3  }
0xa9: {  	[dreg:$0x3] =	wrdreg s5  }
0xaa: {  	[dreg:$0x4] =	wrdreg $0xC0  }
0xab: {  	_ =	task [dreg:s7], $0x5FFFF  }
0xac: {  	[dreg:$0x1] =	wrdreg $0xFFFFFFFF  }
0xad: {  	[dreg:$0x0] =	wrdreg $0x60  }
0xae: {  	[dreg:$0x2] =	wrdreg s24  }
0xaf: {  	[dreg:$0x3] =	wrdreg s2  }
0xb0: {  	[dreg:$0x4] =	wrdreg $0x0  }
0xb1: {  	[dreg:$0x5] =	wrdreg $0x9  }
0xb2: {  	_ =	task.clear_ibuf [dreg:s7], $0x6FFFF;
	_ =	strace $0x9000004F  }
0xb3: {  	s29 =	simm.s32 $0x9;
	_ =	strace $0x80000051  }
0xb4: {  	_ =	swait.ge [sflag:s29], $0x1  }
0xb5: {  	[sflag:s29] =	ssyncadd.s32 $0xFFFFFFFF  }
0xb6: {  	_ =	strace $0x90000051  }
0xb7: {  	_ =	sfence  }
0xb8: {  	s30 =	sld [smem:$0x0];
	_ =	sdelay $0x2  }
0xb9: {  	s31 =	sshll.u32 s1, $0xD;
	s1 =	sshrl.u32 s1, $0x2  }
0xba: {  	s3 =	sand.u32 $0x4000, s31;
	s1 =	sadd.s32 s1, s30  }
0xbb: {  	s0 =	sor.u32 s3, s0;
	s1 =	sshll.u32 s1, $0x11  }
0xbc: {  	s0 =	sor.u32 s1, s0  }
0xbd: {  	s0 =	sadd.s32 $0x8F2B, s0  }
0xbe: {  	[sflag:s0] =	ssyncadd.remote.s32 $0x1  }
0xbf: {  	_ =	sfence.sel $0xFFFF  }
0xc0: {  	[dreg:$0x0] =	wrdreg $0xFFFFFFFF;
	(pc) =	sbr.abs _section_cstart, $3  }
0xc1: {  	[dreg:$0x1] =	wrdreg $0xFFFFFFFF  }
0xc2: {  	_ =	task.clear_ibuf [dreg:s7], $0x2FFFF;
	_ =	strace $0x9FFFFFFF  }
0xc3: {  	(tm) =	ssettm $0x7FFFFFFF  }
tec
execute0_lowered:
.L_overlay_start_1:
0x0: {  	(tag) =	ssettag $0x1  }
0x1: {  	s0 =	rddreg [dreg:$0x0]  }
0x2: {  	s1 =	srdreg.scid;
	s2 =	rddreg [dreg:$0x1]  }
0x3: {  	s12 =	stileid.u32;
	s3 =	rddreg [dreg:$0x2]  }
0x4: {  	s4 =	simm.s32 $0x0;
	s15 =	simm.s32 $0x9;
	s16 =	simm.s32 $0x14000  }
0x5: {  	s17 =	simm.s32 $0x16800;
	s18 =	simm.s32 $0x16880;
	s19 =	simm.s32 $0x80  }
0x6: {  	s20 =	simm.s32 $0x16A00;
	s28 =	simm.s32 $0x2;
	s29 =	simm.s32 $0x6  }
0x7: {  	s30 =	simm.s32 $0x16980;
	s31 =	simm.s32 $0x4;
	s6 =	smul.u32 $0x280, s12  }
0x8: {  	s21 =	simm.s32 $0x0;
	s1 =	sand.u32 $0x1, s1;
	s7 =	smul.u32 $0x50000, s12  }
0x9: {  	[smem:$0x7FF] =	sst s4;
	s23 =	sshll.u32 s12, $0x6;
	s13 =	smul.u32 $0x500, s12  }
0xa: {  	s5 =	smul.u32 $0x2800, s1;
	_ =	strace $0x80000050;
	s8 =	ssub.s32 $0x2, s1  }
0xb: {  	s11 =	sshll.u32 s1, $0x4;
	p0 =	seq.s32 s1, $0x1;
	s1 =	smul.u32 $0x5000, s1  }
0xc: {  	s10 =	sshrl.u32 s8, $0x1;
	s7 =	sshrl.u32 s7, $0x2;
	s22 =	sor.u32 s12, s11  }
0xd: {  	s5 =	sadd.s32 s6, s5;
	s10 =	ssub.s32 s8, s10;
	s14 =	sadd.s32 s7, s3  }
0xe: {  	s24 =	smul.u32 $0x500, s22;
	s7 =	sor.u32 $0x1C09, s23;
	s22 =	simm.s32 $0x1AA00  }
0xf: {  	s23 =	simm.s32 $0x1;
	s6 =	sshll.u32 s5, $0x4;
	s5 =	sadd.s32 $0xD600, s0  }
0x10: {  	s26 =	smax.u32 s10, $0x1;
	s14 =	sshrl.u32 s14, $0x3;
	s9 =	sadd.s32 s6, s0  }
0x11: {  	s6 =	sadd.s32 s5, s6;
	s8 =	sadd.s32 s2, s24;
	[dreg:$0x8] =	wrdreg s26  }
0x12: {  	s24 =	simm.s32 $0x5;
	[dreg:$0x4] =	wrdreg s6;
	s6 =	simm.s32 $0x8AE00  }
.Ltmp0:
0x13: {  	[dreg:$0x5] =	wrdreg s8;
	s8 =	sadd.s32 $0x10, s8;
	(pc) =	sbr.rel .LBB2_1-.Ltmp0, $4  }
0x14: {  	s25 =	sadd.s32 $0x8FE00, s9;
	s6 =	simm.s32 @!p0 $0x85E00;
	[dreg:$0x6] =	wrdreg s8  }
0x15: {  	s26 =	simm.s32 $0x3;
	[dreg:$0x7] =	wrdreg s25;
	s0 =	sadd.s32 s6, s0  }
0x16: {  	s25 =	simm.s32 $0x16900;
	s0 =	sadd.s32 s0, s13;
	s13 =	sadd.s32 s13, s1  }
0x17: {  	s1 =	simm.s32 $0x7;
	[dreg:$0x9] =	wrdreg s0;
	s0 =	simm.s32 $0x8  }
.LBB2_4:
0x18: {  	_ =	swait.ge [sflag:s31], $0x4000  }
0x19: {  	[sflag:s31] =	ssyncset.done $0x0  }
0x1a: {  	[sflag:s31] =	ssyncadd.s32 $0xFFFFC000  }
0x1b: {  	[bflag:$0x0] =	sbarrier.arrive $0xFFFF  }
0x1c: {  	s6 =	rddreg [dreg:$0x7]  }
0x1d: {  	[hbm:s6], [sflag:s7] =	dma.local [spmem:s14], $0x2800  }
0x1e: {  	_ =	swait.ge [sflag:s15], $0x2800  }
0x1f: {  	s21 =	sadd.s32 $0x1, s21;
	s12 =	rddreg [dreg:$0x8]  }
0x20: {  	p0 =	sne.s32 s21, s12  }
.Ltmp1:
0x21: {  	_ = 	snop;
	(pc) =	sbr.rel @!p0 .LBB2_5-.Ltmp1, $3  }
0x22: {  	_ =	sdelay $0x1  }
0x23: {  	[sflag:s15] =	ssyncset.done $0x0  }
0x24: {  	[sflag:s15] =	ssyncadd.s32 $0xFFFFD800  }
.LBB2_1:
0x25: {  	s6 =	rddreg [dreg:$0x4]  }
0x26: {  	[spmem:s14], [sflag:s7] =	dma.local [hbm:s6], $0x2800  }
0x27: {  	_ =	swait.ge [sflag:s15], $0x2800  }
0x28: {  	[sflag:s15] =	ssyncset.done $0x0  }
0x29: {  	s9 =	rddreg [dreg:$0x9];
	[sflag:s15] =	ssyncadd.s32 $0xFFFFD800  }
0x2a: {  	[tilespmem:s16], [sflag:$0x9] =	stream.linear.gather [hbm4b:s9+s4], $0x2800, $0x38;
	[tilespmem:$0x1EA00] =	vst v63  }
0x2b: {  	_ =	swait.ge [sflag:s15], $0x2800  }
0x2c: {  	[sflag:s15] =	ssyncset.done $0x0  }
0x2d: {  	[sflag:s15] =	ssyncadd.s32 $0xFFFFD800  }
0x2e: {  	[bflag:$0x0] =	sbarrier.arrive $0xFFFF  }
0x2f: {  	s10 =	rddreg [dreg:$0x5]  }
0x30: {  	[tilespmem:s17], [sflag:$0x5] =	stream.linear.gather [hbm4b:s10+s4], $0x80, $0x38;
	[tilespmem:$0x1EA00] =	vst v63  }
0x31: {  	s11 =	rddreg [dreg:$0x6]  }
0x32: {  	[tilespmem:s18], [sflag:$0x6] =	stream.linear.gather [hbm4b:s11+s4], $0x80, $0x38;
	[tilespmem:$0x1EA00] =	vst v63  }
0x33: {  	_ = 	snop  }
0x34: {  	[tilespmem:s20], [sflag:$0x1] =	stream.indirect.gather [hbm4b:s5+s19], $0x80, s16, s19, $0xb8;
	[tilespmem:$0x1EA00] =	vst v63  }
0x35: {  	s12 =	simm.s32 $0x14080;
	s6 =	simm.s32 $0x50;
	s9 =	simm.s32 $0x14180  }
0x36: {  	[tilespmem:s22], [sflag:$0x2] =	stream.indirect.gather [hbm4b:s5+s19], $0x80, s12, s19, $0xb8;
	[tilespmem:$0x1EA00] =	vst v63  }
.LBB2_2:
0x37: {  	_ =	swait.ge [sflag:s23], $0x4000  }
0x38: {  	[sflag:s23] =	ssyncset.done $0x0  }
0x39: {  	[sflag:s23] =	ssyncadd.s32 $0xFFFFC000  }
0x3a: {  	s10 =	sadd.s32 s6, s13;
	s8 =	sadd.s32 $0xFFFFFFD0, s6;
	_ =	swait.ge [sflag:s24], $0x80  }
0x3b: {  	s11 =	sadd.s32 $0xFFFFFFB0, s10;
	s8 =	sand.u32 $0x60, s8;
	[sflag:s24] =	ssyncset.done $0x0  }
0x3c: {  	s11 =	sand.u32 $0xFFFFF80, s11;
	s8 =	sadd.s32 s2, s8;
	[sflag:s24] =	ssyncadd.s32 $0xFFFFFF80  }
0x3d: {  	[spmem:s3] =	stream.indirect.scatter.add.f32 [tilespmem:s20], [sflag:$0x3], $0x80, s17, s19, $0xb8;
	[tilespmem:$0x1EA00] =	vst v63  }
0x3e: {  	s8 =	sadd.s32 s11, s8  }
0x3f: {  	[tilespmem:s25], [sflag:$0x7] =	stream.linear.gather [hbm4b:s8+s4], $0x80, $0x38;
	[tilespmem:$0x1EA00] =	vst v63  }
0x40: {  	_ =	swait.ge [sflag:s26], $0x4000  }
0x41: {  	[sflag:s26] =	ssyncset.done $0x0  }
0x42: {  	s12 =	sadd.s32 $0xFFFFFF80, s9;
	[sflag:s26] =	ssyncadd.s32 $0xFFFFC000  }
0x43: {  	[tilespmem:s20], [sflag:$0x1] =	stream.indirect.gather [hbm4b:s5+s19], $0x80, s12, s19, $0xb8;
	[tilespmem:$0x1EA00] =	vst v63  }
0x44: {  	_ =	swait.ge [sflag:s28], $0x4000  }
0x45: {  	[sflag:s28] =	ssyncset.done $0x0  }
0x46: {  	[sflag:s28] =	ssyncadd.s32 $0xFFFFC000  }
0x47: {  	s12 =	sadd.s32 $0xFFFFFFE0, s6;
	_ =	swait.ge [sflag:s29], $0x80  }
0x48: {  	s8 =	sand.u32 $0x70, s12;
	[sflag:s29] =	ssyncset.done $0x0  }
0x49: {  	s8 =	sadd.s32 s2, s8;
	[sflag:s29] =	ssyncadd.s32 $0xFFFFFF80  }
0x4a: {  	[spmem:s3] =	stream.indirect.scatter.add.f32 [tilespmem:s22], [sflag:$0x4], $0x80, s18, s19, $0xb8;
	[tilespmem:$0x1EA00] =	vst v63  }
0x4b: {  	s8 =	sadd.s32 s11, s8  }
0x4c: {  	[tilespmem:s30], [sflag:$0x8] =	stream.linear.gather [hbm4b:s8+s4], $0x80, $0x38;
	[tilespmem:$0x1EA00] =	vst v63  }
0x4d: {  	_ =	swait.ge [sflag:s31], $0x4000  }
0x4e: {  	[sflag:s31] =	ssyncset.done $0x0  }
0x4f: {  	[sflag:s31] =	ssyncadd.s32 $0xFFFFC000  }
0x50: {  	[tilespmem:s22], [sflag:$0x2] =	stream.indirect.gather [hbm4b:s5+s19], $0x80, s9, s19, $0xb8;
	[tilespmem:$0x1EA00] =	vst v63  }
0x51: {  	_ =	swait.ge [sflag:s23], $0x4000  }
0x52: {  	[sflag:s23] =	ssyncset.done $0x0  }
0x53: {  	[sflag:s23] =	ssyncadd.s32 $0xFFFFC000  }
0x54: {  	_ =	swait.ge [sflag:s1], $0x80  }
0x55: {  	p0 =	seq.s32 s6, $0x510;
	[sflag:s1] =	ssyncset.done $0x0  }
0x56: {  	s8 =	simm.s32 @p0 $0x3;
	[sflag:s1] =	ssyncadd.s32 $0xFFFFFF80  }
0x57: {  	[spmem:s3] =	stream.indirect.scatter.add.f32 [tilespmem:s20], [sflag:$0x3], $0x80, s25, s19, $0xb8;
	[tilespmem:$0x1EA00] =	vst v63  }
0x58: {  	s11 =	sadd.s32 @!p0 $0xFFFFFFF0, s6;
	_ =	swait.ge @p0 [sflag:s8], $0x4000  }
0x59: {  	s12 =	sadd.s32 @!p0 s13, s11;
	s11 =	sand.u32 @!p0 $0x40, s11;
	[sflag:s8] =	ssyncset.done @p0 $0x0  }
0x5a: {  	s11 =	sadd.s32 @!p0 s2, s11;
	[sflag:s8] =	ssyncadd.s32 @p0 $0xFFFFC000;
	s8 =	sand.u32 @!p0 $0xFFFFF80, s12  }
0x5b: {  	s12 =	simm.s32 @!p0 $0x16800;
	s8 =	sadd.s32 @!p0 s8, s11;
	s11 =	simm.s32 @!p0 $0x0  }
0x5c: {  	[tilespmem:s12], [sflag:$0x5] =	stream.linear.gather @!p0 [hbm4b:s8+s11], $0x80, $0x38;
	[tilespmem:$0x1EA00] =	vst v63  }
0x5d: {  	s8 =	simm.s32 @!p0 $0x3  }
0x5e: {  	_ =	swait.ge @!p0 [sflag:s8], $0x4000  }
0x5f: {  	s11 =	simm.s32 @!p0 $0x80;
	[sflag:s8] =	ssyncset.done @!p0 $0x0  }
0x60: {  	s12 =	simm.s32 @!p0 $0x16A00;
	[sflag:s8] =	ssyncadd.s32 @!p0 $0xFFFFC000;
	s8 =	sadd.s32 @!p0 $0x80, s9  }
0x61: {  	[tilespmem:s12], [sflag:$0x1] =	stream.indirect.gather @!p0 [hbm4b:s5+s11], $0x80, s8, s11, $0xb8;
	[tilespmem:$0x1EA00] =	vst v63  }
0x62: {  	_ =	swait.ge [sflag:s28], $0x4000  }
0x63: {  	[sflag:s28] =	ssyncset.done $0x0  }
.Ltmp2:
0x64: {  	[sflag:s28] =	ssyncadd.s32 $0xFFFFC000;
	(pc) =	sbr.rel @p0 .LBB2_4-.Ltmp2, $4  }
0x65: {  	_ =	swait.ge [sflag:s0], $0x80  }
0x66: {  	[sflag:s0] =	ssyncset.done $0x0  }
0x67: {  	[sflag:s0] =	ssyncadd.s32 $0xFFFFFF80  }
0x68: {  	[spmem:s3] =	stream.indirect.scatter.add.f32 [tilespmem:s22], [sflag:$0x4], $0x80, s30, s19, $0xb8;
	[tilespmem:$0x1EA00] =	vst v63  }
0x69: {  	s8 =	sand.u32 $0x50, s6  }
0x6a: {  	s10 =	sand.u32 $0xFFFFF80, s10;
	s8 =	sadd.s32 s2, s8  }
0x6b: {  	s8 =	sadd.s32 s10, s8  }
0x6c: {  	[tilespmem:s18], [sflag:$0x6] =	stream.linear.gather [hbm4b:s8+s4], $0x80, $0x38;
	[tilespmem:$0x1EA00] =	vst v63  }
.Ltmp3:
0x6d: {  	_ = 	snop;
	(pc) =	sbr.rel .LBB2_2-.Ltmp3, $4  }
0x6e: {  	_ =	swait.ge [sflag:s31], $0x4000  }
0x6f: {  	s12 =	sadd.s32 $0x100, s9;
	[sflag:s31] =	ssyncset.done $0x0  }
0x70: {  	s6 =	sadd.s32 $0x40, s6;
	s9 =	sadd.s32 $0x200, s9;
	[sflag:s31] =	ssyncadd.s32 $0xFFFFC000  }
0x71: {  	[tilespmem:s22], [sflag:$0x2] =	stream.indirect.gather [hbm4b:s5+s19], $0x80, s12, s19, $0xb8;
	[tilespmem:$0x1EA00] =	vst v63  }
.LBB2_5:
0x72: {  	_ =	sfence.sel $0x180000  }
0x73: {  	[bflag:$0x0] =	sbarrier.arrive $0xFFFF  }
0x74: {  	_ =	strace $0x90000050  }
0x75: {  	s0 =	stileid.u32;
	[bflag:$0x2] =	sbarrier.arrive $0xFFFF  }
0x76: {  	p0 =	sne.s32 s0, $0x0;
	s0 =	rddreg [dreg:$0x3]  }
0x77: {  	s0 =	sadd.s32 @!p0 $0x100000, s0  }
0x78: {  	[sflag:s0] =	ssyncadd.tile.s32 @!p0 $0x1;
	_ =	shalt  }
.Lfunc_end2:
_tile_overlayer_lowered:
.L_overlay_start_2:
0x79: {  	(tag) =	ssettag $0x2  }
0x7a: {  	s0 =	rddreg [dreg:$0x0];
	s2 =	stileid.u32  }
0x7b: {  	s1 =	rddreg [dreg:$0x1];
	p0 =	sne.s32 s2, $0x0  }
0x7c: {  	s3 =	rddreg [dreg:$0x2];
	[bflag:$0x3] =	sbarrier.arrive $0xFFFF;
	s2 =	simm.s32 @!p0 $0x1C09  }
0x7d: {  	[timem:s3], [sflag:s2] =	dma.local @!p0 [hbm:s0], s1  }
0x7e: {  	s0 =	simm.s32 @!p0 $0x9  }
0x7f: {  	_ =	swait.ge @!p0 [sflag:s0], s1  }
0x80: {  	s1 =	ssub.s32 @!p0 $0x0, s1;
	[sflag:s0] =	ssyncset.done @!p0 $0x0  }
0x81: {  	[sflag:s0] =	ssyncadd.s32 @!p0 s1  }
0x82: {  	[bflag:$0x3] =	sbarrier.arrive $0xFFFF  }
0x83: {  	_ =	shalt  }

// kernel: kernel.26.cloned.1.call-start
scs
__scs_entry_jumppad:
0x0: {  	(pc) =	sbr.rel $0x88, $3  }
0x1: {  	(tag) =	ssettag $0x0;
	lr =	simm.s32 $0x1  }
0x2: {  	[smem:$0x3F9A] =	sst lr;
	_ =	strace $0xD0000000  }
0x3: {  	_ = 	snop  }
0x4: {  	_ = 	snop  }
0x5: {  	_ = 	snop  }
0x6: {  	_ = 	snop  }
0x7: {  	_ = 	snop  }
__scs_overlays_trampoline_lowered:
0x8: {  	[smem:$0x3FA9] =	sst s0  }
0x9: {  	[smem:$0x3FAA] =	sst s1  }
0xa: {  	[smem:$0x3FAB] =	sst s2  }
0xb: {  	[smem:$0x3FAC] =	sst s3  }
0xc: {  	[smem:$0x3FAD] =	sst s4  }
0xd: {  	[smem:$0x3FAE] =	sst s5  }
0xe: {  	[smem:$0x3FAF] =	sst s6  }
0xf: {  	[smem:$0x3FB0] =	sst s7  }
0x10: {  	[smem:$0x3FB1] =	sst s8  }
0x11: {  	[smem:$0x3FB2] =	sst s9;
	s0 =	simm.s32 @!p0 $0x0  }
0x12: {  	s1 =	sld [smem:$0x3F98];
	s0 =	simm.s32 @p0 $0x1  }
0x13: {  	[smem:$0x3FB3] =	sst s0;
	s0 =	simm.s32 @!p1 $0x0  }
0x14: {  	s2 =	sld [smem:$0x3F97];
	s0 =	simm.s32 @p1 $0x1  }
0x15: {  	[smem:$0x3FB4] =	sst s0;
	s0 =	simm.s32 @!p2 $0x0  }
0x16: {  	s3 =	sld [smem:$0x3FDB];
	s0 =	simm.s32 @p2 $0x1  }
0x17: {  	s4 =	simm.s32 $0x1BF5;
	[smem:$0x3FB6] =	sst s0  }
0x18: {  	s0 =	sld [smem:$0x3F99];
	_ =	swait.ge [sflag:s4], $0x0  }
0x19: {  	s7 =	sld [smem:$0x3F9A]  }
0x1a: {  	s8 =	sadd.s32 $0xFFFFE003, lr  }
0x1b: {  	s9 =	sadd.s32 $0xFFFFFEF7, lr;
	s5 =	simm.s32 $0xFFFFFFFF;
	p2 =	slt.u32 s8, $0xFFFFF086  }
0x1c: {  	p1 =	slt.u32 s9, $0xF7A;
	s5 =	simm.s32 @!p2 $0x0  }
0x1d: {  	s5 =	simm.s32 @p1 $0x1;
	p0 =	seq.s32 s7, s2  }
0x1e: {  	s7 =	smul.u32 @!p0 $0xF7A, s2;
	p2 =	seq.s32 @!p0 s5, $0x0  }
0x1f: {  	s9 =	smul.u32 $0xF7A, s1;
	s8 =	simm.s32 @!p0 $0x1BF5;
	p2 =	por !p2, p0  }
0x20: {  	[sflag:s8] =	ssyncset.s32 @!p0 $0xFFFFF086;
	s6 =	sadd.s32 @!p0 s3, s7;
	s7 =	simm.s32 @!p0 $0x108  }
0x21: {  	s3 =	sadd.s32 s3, s9;
	s6 =	sadd.s32 @!p0 $0x88, s6;
	s7 =	simm.s32 @p2 $0x1082  }
0x22: {  	[simem:s7], [sflag:s8] =	dma.local @!p0 [hbm:s6], $0xF7A  }
0x23: {  	s9 =	sor.u32 $0xD0000000, s2;
	s6 =	simm.s32 $0x108;
	_ =	swait.ge @!p0 [sflag:s8], $0x0  }
0x24: {  	s3 =	sadd.s32 $0x88, s3;
	s6 =	simm.s32 @!p1 $0x1082;
	[sflag:s4] =	ssyncset.s32 $0xFFFFF086  }
0x25: {  	[simem:s6], [sflag:s4] =	dma.local [hbm:s3], $0xF7A  }
0x26: {  	[smem:$0x3F9A] =	sst s1;
	(tag) =	ssettag s2;
	_ =	strace s9  }
0x27: {  	s1 =	sld [smem:$0x3FAA]  }
0x28: {  	s2 =	sld [smem:$0x3FAB]  }
0x29: {  	s4 =	sld [smem:$0x3FAD]  }
0x2a: {  	p0 =	seq.s32 s5, $0x0;
	s5 =	sld [smem:$0x3FAE]  }
0x2b: {  	s6 =	sld [smem:$0x3FAF]  }
0x2c: {  	s7 =	sld [smem:$0x3FB0]  }
0x2d: {  	s3 =	simm.s32 $0x108;
	s8 =	sld [smem:$0x3FB1]  }
0x2e: {  	s3 =	simm.s32 @!p0 $0x1082;
	s9 =	sld [smem:$0x3FB2]  }
0x2f: {  	lr =	sadd.s32 s0, s3;
	s0 =	sld [smem:$0x3FA9]  }
0x30: {  	s3 =	sld [smem:$0x3FAC]  }
0x31: {  	[smem:$0x3FB5] =	sst s10  }
0x32: {  	s10 =	sld [smem:$0x3FB3];
	_ =	sdelay $0x3  }
0x33: {  	p0 =	seq.s32 s10, $0x1;
	s10 =	sld [smem:$0x3FB5];
	_ =	sdelay $0x3  }
0x34: {  	[smem:$0x3FB5] =	sst s10  }
0x35: {  	s10 =	sld [smem:$0x3FB4];
	_ =	sdelay $0x3  }
0x36: {  	p1 =	seq.s32 s10, $0x1;
	s10 =	sld [smem:$0x3FB5];
	_ =	sdelay $0x3  }
0x37: {  	[smem:$0x3FB5] =	sst s10  }
0x38: {  	s10 =	sld [smem:$0x3FB6]  }
0x39: {  	_ = 	snop;
	(pc) =	sbr.ind lr, $3  }
0x3a: {  	_ = 	snop  }
0x3b: {  	_ = 	snop  }
0x3c: {  	p2 =	seq.s32 s10, $0x1;
	s10 =	sld [smem:$0x3FB5]  }
0x3d: {  	_ =	shalt  }
0x3e: {  	_ =	shalt  }
0x3f: {  	_ =	shalt  }
0x40: {  	_ =	shalt  }
0x41: {  	_ =	shalt  }
0x42: {  	_ =	shalt  }
0x43: {  	_ =	shalt  }
0x44: {  	_ =	shalt  }
0x45: {  	_ =	shalt  }
0x46: {  	_ =	shalt  }
0x47: {  	_ =	shalt  }
0x48: {  	_ =	shalt  }
0x49: {  	_ =	shalt  }
0x4a: {  	_ =	shalt  }
0x4b: {  	_ =	shalt  }
0x4c: {  	_ =	shalt  }
0x4d: {  	_ =	shalt  }
0x4e: {  	_ =	shalt  }
0x4f: {  	_ =	shalt  }
0x50: {  	_ =	shalt  }
0x51: {  	_ =	shalt  }
0x52: {  	_ =	shalt  }
0x53: {  	_ =	shalt  }
0x54: {  	_ =	shalt  }
0x55: {  	_ =	shalt  }
0x56: {  	_ =	shalt  }
0x57: {  	_ =	shalt  }
0x58: {  	_ =	shalt  }
0x59: {  	_ =	shalt  }
0x5a: {  	_ =	shalt  }
0x5b: {  	_ =	shalt  }
0x5c: {  	_ =	shalt  }
0x5d: {  	_ =	shalt  }
0x5e: {  	_ =	shalt  }
0x5f: {  	_ =	shalt  }
0x60: {  	_ =	shalt  }
0x61: {  	_ =	shalt  }
0x62: {  	_ =	shalt  }
0x63: {  	_ =	shalt  }
0x64: {  	_ =	shalt  }
0x65: {  	_ =	shalt  }
0x66: {  	_ =	shalt  }
0x67: {  	_ =	shalt  }
0x68: {  	_ =	shalt  }
0x69: {  	_ =	shalt  }
0x6a: {  	_ =	shalt  }
0x6b: {  	_ =	shalt  }
0x6c: {  	_ =	shalt  }
0x6d: {  	_ =	shalt  }
0x6e: {  	_ =	shalt  }
0x6f: {  	_ =	shalt  }
0x70: {  	_ =	shalt  }
0x71: {  	_ =	shalt  }
0x72: {  	_ =	shalt  }
0x73: {  	_ =	shalt  }
0x74: {  	_ =	shalt  }
0x75: {  	_ =	shalt  }
0x76: {  	_ =	shalt  }
0x77: {  	_ =	shalt  }
0x78: {  	_ =	shalt  }
0x79: {  	_ =	shalt  }
0x7a: {  	_ =	shalt  }
0x7b: {  	_ =	shalt  }
0x7c: {  	_ =	shalt  }
0x7d: {  	_ =	shalt  }
0x7e: {  	_ =	shalt  }
0x7f: {  	_ =	shalt  }
0x80: {  	_ =	shalt  }
0x81: {  	_ =	shalt  }
0x82: {  	_ =	shalt  }
0x83: {  	_ =	shalt  }
0x84: {  	_ =	shalt  }
0x85: {  	_ =	shalt  }
0x86: {  	_ =	shalt  }
0x87: {  	_ =	shalt  }
.Lfunc_end0:
.L_simem_size_0:
called_computation.4_lowered:
.L_overlay_start_0:
0x88: {  	s2 =	sld [smem:$0x3FD9]  }
0x89: {  	s3 =	sld [smem:$0x3FFE];
	_ =	sdelay $0x1  }
0x8a: {  	s1 =	srdreg.scid  }
0x8b: {  	s0 =	sand.u32 $0x1, s1  }
0x8c: {  	s17 =	sshll.u32 s0, $0xA;
	s2 =	sadd.s32 s3, s2  }
0x8d: {  	s2 =	sadd.s32 s2, s17  }
0x8e: {  	[smem:$0x3FC1] =	sst s2  }
0x8f: {  	_ = 	snop  }
0x90: {  	s2 =	sld [smem:$0x3FD0];
	(tm) =	ssettm $0x1  }
0x91: {  	s18 =	sld [smem:$0x3FFB];
	_ =	sdelay $0x3  }
0x92: {  	_ =	strace s18  }
0x93: {  	s3 =	sld [smem:$0x3FFC];
	_ =	sdelay $0x3  }
0x94: {  	_ =	strace s3  }
0x95: {  	s3 =	sld [smem:$0x3FFD];
	_ =	sdelay $0x3  }
0x96: {  	_ =	strace s3  }
0x97: {  	_ =	strace $0x8FFFFFFF  }
0x98: {  	s19 =	sld [smem:$0x3FDB];
	_ =	sdelay $0x1  }
0x99: {  	s4 =	simm.s32 $_scs_section_size  }
0x9a: {  	s5 =	simm.s32 $_size__tile_overlayer_lowered;
	s6 =	simm.s32 $_tile_overlayer_lowered  }
0x9b: {  	s22 =	simm.s32 $0x1BFF;
	s21 =	sshll.u32 s6, $0x1;
	s3 =	sadd.s32 s4, s19  }
0x9c: {  	s7 =	simm.s32 $0x0;
	s20 =	sshll.u32 s5, $0x1;
	s5 =	sadd.s32 s21, s3  }
0x9d: {  	[timem:s7], [sflag:s22] =	dma.local [hbm:s5], s20  }
0x9e: {  	_ =	swait.ge [sflag:s22], s20  }
0x9f: {  	s4 =	ssub.s32 $0x0, s20;
	[sflag:s22] =	ssyncset.done $0x0  }
0xa0: {  	[sflag:s22] =	ssyncadd.s32 s4;
	_ =	sdelay $0x1  }
0xa1: {  	s23 =	simm.s32 $0x1B8B  }
0xa2: {  	_ =	swait.ge [sflag:s23], $0x1  }
0xa3: {  	[sflag:s23] =	ssyncset.done $0x0  }
0xa4: {  	s25 =	simm.s32 $0x1B8E;
	s24 =	sld [smem:$0x3FFE];
	[sflag:s23] =	ssyncadd.s32 $0xFFFFFFFF  }
0xa5: {  	s26 =	simm.s32 $execute0_lowered;
	[smem:$0x3FD2] =	sst s25  }
0xa6: {  	s5 =	sshll.u32 s26, $0x1;
	_ =	strace $0x80000052;
	[dreg:$0x1] =	wrdreg $0xFFFFFFFF  }
0xa7: {  	s28 =	simm.s32 $_size_execute0_lowered;
	s3 =	sadd.s32 s3, s5;
	[dreg:$0x0] =	wrdreg $0x0  }
0xa8: {  	s5 =	sshll.u32 s28, $0x1;
	[dreg:$0x2] =	wrdreg s3  }
0xa9: {  	[dreg:$0x3] =	wrdreg s5  }
0xaa: {  	[dreg:$0x4] =	wrdreg $0xC0  }
0xab: {  	_ =	task [dreg:s7], $0x5FFFF  }
0xac: {  	[dreg:$0x1] =	wrdreg $0xFFFFFFFF  }
0xad: {  	[dreg:$0x0] =	wrdreg $0x60  }
0xae: {  	[dreg:$0x2] =	wrdreg s24  }
0xaf: {  	[dreg:$0x3] =	wrdreg s2  }
0xb0: {  	[dreg:$0x4] =	wrdreg $0x0  }
0xb1: {  	[dreg:$0x5] =	wrdreg $0x9  }
0xb2: {  	_ =	task.clear_ibuf [dreg:s7], $0x6FFFF;
	_ =	strace $0x90000052  }
0xb3: {  	s29 =	simm.s32 $0x9;
	_ =	strace $0x80000054  }
0xb4: {  	_ =	swait.ge [sflag:s29], $0x1  }
0xb5: {  	[sflag:s29] =	ssyncadd.s32 $0xFFFFFFFF  }
0xb6: {  	_ =	strace $0x90000054  }
0xb7: {  	_ =	sfence  }
0xb8: {  	s30 =	sld [smem:$0x0];
	_ =	sdelay $0x2  }
0xb9: {  	s31 =	sshll.u32 s1, $0xD;
	s1 =	sshrl.u32 s1, $0x2  }
0xba: {  	s3 =	sand.u32 $0x4000, s31;
	s1 =	sadd.s32 s1, s30  }
0xbb: {  	s0 =	sor.u32 s3, s0;
	s1 =	sshll.u32 s1, $0x11  }
0xbc: {  	s0 =	sor.u32 s1, s0  }
0xbd: {  	s0 =	sadd.s32 $0x8F2B, s0  }
0xbe: {  	[sflag:s0] =	ssyncadd.remote.s32 $0x1  }
0xbf: {  	_ =	sfence.sel $0xFFFF  }
0xc0: {  	[dreg:$0x0] =	wrdreg $0xFFFFFFFF;
	(pc) =	sbr.abs _section_cstart, $3  }
0xc1: {  	[dreg:$0x1] =	wrdreg $0xFFFFFFFF  }
0xc2: {  	_ =	task.clear_ibuf [dreg:s7], $0x2FFFF;
	_ =	strace $0x9FFFFFFF  }
0xc3: {  	(tm) =	ssettm $0x7FFFFFFF  }
tec
execute0_lowered:
.L_overlay_start_1:
0x0: {  	(tag) =	ssettag $0x1  }
0x1: {  	s0 =	rddreg [dreg:$0x0]  }
0x2: {  	s1 =	srdreg.scid;
	s2 =	rddreg [dreg:$0x1]  }
0x3: {  	s12 =	stileid.u32;
	s3 =	rddreg [dreg:$0x2]  }
0x4: {  	s4 =	simm.s32 $0x0;
	s15 =	simm.s32 $0x9;
	s16 =	simm.s32 $0x14000  }
0x5: {  	s17 =	simm.s32 $0x16800;
	s18 =	simm.s32 $0x16880;
	s19 =	simm.s32 $0x80  }
0x6: {  	s20 =	simm.s32 $0x16A00;
	s28 =	simm.s32 $0x2;
	s29 =	simm.s32 $0x6  }
0x7: {  	s30 =	simm.s32 $0x16980;
	s31 =	simm.s32 $0x4;
	s6 =	smul.u32 $0x280, s12  }
0x8: {  	s21 =	simm.s32 $0x0;
	s1 =	sand.u32 $0x1, s1;
	s7 =	smul.u32 $0x50000, s12  }
0x9: {  	[smem:$0x7FF] =	sst s4;
	s23 =	sshll.u32 s12, $0x6;
	s13 =	smul.u32 $0x500, s12  }
0xa: {  	s5 =	smul.u32 $0x2800, s1;
	_ =	strace $0x80000053;
	s8 =	ssub.s32 $0x2, s1  }
0xb: {  	s11 =	sshll.u32 s1, $0x4;
	p0 =	seq.s32 s1, $0x1;
	s1 =	smul.u32 $0x5000, s1  }
0xc: {  	s10 =	sshrl.u32 s8, $0x1;
	s7 =	sshrl.u32 s7, $0x2;
	s22 =	sor.u32 s12, s11  }
0xd: {  	s5 =	sadd.s32 s6, s5;
	s10 =	ssub.s32 s8, s10;
	s14 =	sadd.s32 s7, s3  }
0xe: {  	s24 =	smul.u32 $0x500, s22;
	s7 =	sor.u32 $0x1C09, s23;
	s22 =	simm.s32 $0x1AA00  }
0xf: {  	s23 =	simm.s32 $0x1;
	s6 =	sshll.u32 s5, $0x4;
	s5 =	sadd.s32 $0xD600, s0  }
0x10: {  	s26 =	smax.u32 s10, $0x1;
	s14 =	sshrl.u32 s14, $0x3;
	s9 =	sadd.s32 s6, s0  }
0x11: {  	s6 =	sadd.s32 s5, s6;
	s8 =	sadd.s32 s2, s24;
	[dreg:$0x8] =	wrdreg s26  }
0x12: {  	s24 =	simm.s32 $0x5;
	[dreg:$0x4] =	wrdreg s6;
	s6 =	simm.s32 $0x8AE00  }
.Ltmp0:
0x13: {  	[dreg:$0x5] =	wrdreg s8;
	s8 =	sadd.s32 $0x10, s8;
	(pc) =	sbr.rel .LBB2_1-.Ltmp0, $4  }
0x14: {  	s25 =	sadd.s32 $0x8FE00, s9;
	s6 =	simm.s32 @!p0 $0x85E00;
	[dreg:$0x6] =	wrdreg s8  }
0x15: {  	s26 =	simm.s32 $0x3;
	[dreg:$0x7] =	wrdreg s25;
	s0 =	sadd.s32 s6, s0  }
0x16: {  	s25 =	simm.s32 $0x16900;
	s0 =	sadd.s32 s0, s13;
	s13 =	sadd.s32 s13, s1  }
0x17: {  	s1 =	simm.s32 $0x7;
	[dreg:$0x9] =	wrdreg s0;
	s0 =	simm.s32 $0x8  }
.LBB2_4:
0x18: {  	_ =	swait.ge [sflag:s31], $0x4000  }
0x19: {  	[sflag:s31] =	ssyncset.done $0x0  }
0x1a: {  	[sflag:s31] =	ssyncadd.s32 $0xFFFFC000  }
0x1b: {  	[bflag:$0x0] =	sbarrier.arrive $0xFFFF  }
0x1c: {  	s6 =	rddreg [dreg:$0x7]  }
0x1d: {  	[hbm:s6], [sflag:s7] =	dma.local [spmem:s14], $0x2800  }
0x1e: {  	_ =	swait.ge [sflag:s15], $0x2800  }
0x1f: {  	s21 =	sadd.s32 $0x1, s21;
	s12 =	rddreg [dreg:$0x8]  }
0x20: {  	p0 =	sne.s32 s21, s12  }
.Ltmp1:
0x21: {  	_ = 	snop;
	(pc) =	sbr.rel @!p0 .LBB2_5-.Ltmp1, $3  }
0x22: {  	_ =	sdelay $0x1  }
0x23: {  	[sflag:s15] =	ssyncset.done $0x0  }
0x24: {  	[sflag:s15] =	ssyncadd.s32 $0xFFFFD800  }
.LBB2_1:
0x25: {  	s6 =	rddreg [dreg:$0x4]  }
0x26: {  	[spmem:s14], [sflag:s7] =	dma.local [hbm:s6], $0x2800  }
0x27: {  	_ =	swait.ge [sflag:s15], $0x2800  }
0x28: {  	[sflag:s15] =	ssyncset.done $0x0  }
0x29: {  	s9 =	rddreg [dreg:$0x9];
	[sflag:s15] =	ssyncadd.s32 $0xFFFFD800  }
0x2a: {  	[tilespmem:s16], [sflag:$0x9] =	stream.linear.gather [hbm4b:s9+s4], $0x2800, $0x38;
	[tilespmem:$0x1EA00] =	vst v63  }
0x2b: {  	_ =	swait.ge [sflag:s15], $0x2800  }
0x2c: {  	[sflag:s15] =	ssyncset.done $0x0  }
0x2d: {  	[sflag:s15] =	ssyncadd.s32 $0xFFFFD800  }
0x2e: {  	[bflag:$0x0] =	sbarrier.arrive $0xFFFF  }
0x2f: {  	s10 =	rddreg [dreg:$0x5]  }
0x30: {  	[tilespmem:s17], [sflag:$0x5] =	stream.linear.gather [hbm4b:s10+s4], $0x80, $0x38;
	[tilespmem:$0x1EA00] =	vst v63  }
0x31: {  	s11 =	rddreg [dreg:$0x6]  }
0x32: {  	[tilespmem:s18], [sflag:$0x6] =	stream.linear.gather [hbm4b:s11+s4], $0x80, $0x38;
	[tilespmem:$0x1EA00] =	vst v63  }
0x33: {  	_ = 	snop  }
0x34: {  	[tilespmem:s20], [sflag:$0x1] =	stream.indirect.gather [hbm4b:s5+s19], $0x80, s16, s19, $0xb8;
	[tilespmem:$0x1EA00] =	vst v63  }
0x35: {  	s12 =	simm.s32 $0x14080;
	s6 =	simm.s32 $0x50;
	s9 =	simm.s32 $0x14180  }
0x36: {  	[tilespmem:s22], [sflag:$0x2] =	stream.indirect.gather [hbm4b:s5+s19], $0x80, s12, s19, $0xb8;
	[tilespmem:$0x1EA00] =	vst v63  }
.LBB2_2:
0x37: {  	_ =	swait.ge [sflag:s23], $0x4000  }
0x38: {  	[sflag:s23] =	ssyncset.done $0x0  }
0x39: {  	[sflag:s23] =	ssyncadd.s32 $0xFFFFC000  }
0x3a: {  	s10 =	sadd.s32 s6, s13;
	s8 =	sadd.s32 $0xFFFFFFD0, s6;
	_ =	swait.ge [sflag:s24], $0x80  }
0x3b: {  	s11 =	sadd.s32 $0xFFFFFFB0, s10;
	s8 =	sand.u32 $0x60, s8;
	[sflag:s24] =	ssyncset.done $0x0  }
0x3c: {  	s11 =	sand.u32 $0xFFFFF80, s11;
	s8 =	sadd.s32 s2, s8;
	[sflag:s24] =	ssyncadd.s32 $0xFFFFFF80  }
0x3d: {  	[spmem:s3] =	stream.indirect.scatter.add.f32 [tilespmem:s20], [sflag:$0x3], $0x80, s17, s19, $0xb8;
	[tilespmem:$0x1EA00] =	vst v63  }
0x3e: {  	s8 =	sadd.s32 s11, s8  }
0x3f: {  	[tilespmem:s25], [sflag:$0x7] =	stream.linear.gather [hbm4b:s8+s4], $0x80, $0x38;
	[tilespmem:$0x1EA00] =	vst v63  }
0x40: {  	_ =	swait.ge [sflag:s26], $0x4000  }
0x41: {  	[sflag:s26] =	ssyncset.done $0x0  }
0x42: {  	s12 =	sadd.s32 $0xFFFFFF80, s9;
	[sflag:s26] =	ssyncadd.s32 $0xFFFFC000  }
0x43: {  	[tilespmem:s20], [sflag:$0x1] =	stream.indirect.gather [hbm4b:s5+s19], $0x80, s12, s19, $0xb8;
	[tilespmem:$0x1EA00] =	vst v63  }
0x44: {  	_ =	swait.ge [sflag:s28], $0x4000  }
0x45: {  	[sflag:s28] =	ssyncset.done $0x0  }
0x46: {  	[sflag:s28] =	ssyncadd.s32 $0xFFFFC000  }
0x47: {  	s12 =	sadd.s32 $0xFFFFFFE0, s6;
	_ =	swait.ge [sflag:s29], $0x80  }
0x48: {  	s8 =	sand.u32 $0x70, s12;
	[sflag:s29] =	ssyncset.done $0x0  }
0x49: {  	s8 =	sadd.s32 s2, s8;
	[sflag:s29] =	ssyncadd.s32 $0xFFFFFF80  }
0x4a: {  	[spmem:s3] =	stream.indirect.scatter.add.f32 [tilespmem:s22], [sflag:$0x4], $0x80, s18, s19, $0xb8;
	[tilespmem:$0x1EA00] =	vst v63  }
0x4b: {  	s8 =	sadd.s32 s11, s8  }
0x4c: {  	[tilespmem:s30], [sflag:$0x8] =	stream.linear.gather [hbm4b:s8+s4], $0x80, $0x38;
	[tilespmem:$0x1EA00] =	vst v63  }
0x4d: {  	_ =	swait.ge [sflag:s31], $0x4000  }
0x4e: {  	[sflag:s31] =	ssyncset.done $0x0  }
0x4f: {  	[sflag:s31] =	ssyncadd.s32 $0xFFFFC000  }
0x50: {  	[tilespmem:s22], [sflag:$0x2] =	stream.indirect.gather [hbm4b:s5+s19], $0x80, s9, s19, $0xb8;
	[tilespmem:$0x1EA00] =	vst v63  }
0x51: {  	_ =	swait.ge [sflag:s23], $0x4000  }
0x52: {  	[sflag:s23] =	ssyncset.done $0x0  }
0x53: {  	[sflag:s23] =	ssyncadd.s32 $0xFFFFC000  }
0x54: {  	_ =	swait.ge [sflag:s1], $0x80  }
0x55: {  	p0 =	seq.s32 s6, $0x510;
	[sflag:s1] =	ssyncset.done $0x0  }
0x56: {  	s8 =	simm.s32 @p0 $0x3;
	[sflag:s1] =	ssyncadd.s32 $0xFFFFFF80  }
0x57: {  	[spmem:s3] =	stream.indirect.scatter.add.f32 [tilespmem:s20], [sflag:$0x3], $0x80, s25, s19, $0xb8;
	[tilespmem:$0x1EA00] =	vst v63  }
0x58: {  	s11 =	sadd.s32 @!p0 $0xFFFFFFF0, s6;
	_ =	swait.ge @p0 [sflag:s8], $0x4000  }
0x59: {  	s12 =	sadd.s32 @!p0 s13, s11;
	s11 =	sand.u32 @!p0 $0x40, s11;
	[sflag:s8] =	ssyncset.done @p0 $0x0  }
0x5a: {  	s11 =	sadd.s32 @!p0 s2, s11;
	[sflag:s8] =	ssyncadd.s32 @p0 $0xFFFFC000;
	s8 =	sand.u32 @!p0 $0xFFFFF80, s12  }
0x5b: {  	s12 =	simm.s32 @!p0 $0x16800;
	s8 =	sadd.s32 @!p0 s8, s11;
	s11 =	simm.s32 @!p0 $0x0  }
0x5c: {  	[tilespmem:s12], [sflag:$0x5] =	stream.linear.gather @!p0 [hbm4b:s8+s11], $0x80, $0x38;
	[tilespmem:$0x1EA00] =	vst v63  }
0x5d: {  	s8 =	simm.s32 @!p0 $0x3  }
0x5e: {  	_ =	swait.ge @!p0 [sflag:s8], $0x4000  }
0x5f: {  	s11 =	simm.s32 @!p0 $0x80;
	[sflag:s8] =	ssyncset.done @!p0 $0x0  }
0x60: {  	s12 =	simm.s32 @!p0 $0x16A00;
	[sflag:s8] =	ssyncadd.s32 @!p0 $0xFFFFC000;
	s8 =	sadd.s32 @!p0 $0x80, s9  }
0x61: {  	[tilespmem:s12], [sflag:$0x1] =	stream.indirect.gather @!p0 [hbm4b:s5+s11], $0x80, s8, s11, $0xb8;
	[tilespmem:$0x1EA00] =	vst v63  }
0x62: {  	_ =	swait.ge [sflag:s28], $0x4000  }
0x63: {  	[sflag:s28] =	ssyncset.done $0x0  }
.Ltmp2:
0x64: {  	[sflag:s28] =	ssyncadd.s32 $0xFFFFC000;
	(pc) =	sbr.rel @p0 .LBB2_4-.Ltmp2, $4  }
0x65: {  	_ =	swait.ge [sflag:s0], $0x80  }
0x66: {  	[sflag:s0] =	ssyncset.done $0x0  }
0x67: {  	[sflag:s0] =	ssyncadd.s32 $0xFFFFFF80  }
0x68: {  	[spmem:s3] =	stream.indirect.scatter.add.f32 [tilespmem:s22], [sflag:$0x4], $0x80, s30, s19, $0xb8;
	[tilespmem:$0x1EA00] =	vst v63  }
0x69: {  	s8 =	sand.u32 $0x50, s6  }
0x6a: {  	s10 =	sand.u32 $0xFFFFF80, s10;
	s8 =	sadd.s32 s2, s8  }
0x6b: {  	s8 =	sadd.s32 s10, s8  }
0x6c: {  	[tilespmem:s18], [sflag:$0x6] =	stream.linear.gather [hbm4b:s8+s4], $0x80, $0x38;
	[tilespmem:$0x1EA00] =	vst v63  }
.Ltmp3:
0x6d: {  	_ = 	snop;
	(pc) =	sbr.rel .LBB2_2-.Ltmp3, $4  }
0x6e: {  	_ =	swait.ge [sflag:s31], $0x4000  }
0x6f: {  	s12 =	sadd.s32 $0x100, s9;
	[sflag:s31] =	ssyncset.done $0x0  }
0x70: {  	s6 =	sadd.s32 $0x40, s6;
	s9 =	sadd.s32 $0x200, s9;
	[sflag:s31] =	ssyncadd.s32 $0xFFFFC000  }
0x71: {  	[tilespmem:s22], [sflag:$0x2] =	stream.indirect.gather [hbm4b:s5+s19], $0x80, s12, s19, $0xb8;
	[tilespmem:$0x1EA00] =	vst v63  }
.LBB2_5:
0x72: {  	_ =	sfence.sel $0x180000  }
0x73: {  	[bflag:$0x0] =	sbarrier.arrive $0xFFFF  }
0x74: {  	_ =	strace $0x90000053  }
0x75: {  	s0 =	stileid.u32;
	[bflag:$0x2] =	sbarrier.arrive $0xFFFF  }
0x76: {  	p0 =	sne.s32 s0, $0x0;
	s0 =	rddreg [dreg:$0x3]  }
0x77: {  	s0 =	sadd.s32 @!p0 $0x100000, s0  }
0x78: {  	[sflag:s0] =	ssyncadd.tile.s32 @!p0 $0x1;
	_ =	shalt  }
.Lfunc_end2:
_tile_overlayer_lowered:
.L_overlay_start_2:
0x79: {  	(tag) =	ssettag $0x2  }
0x7a: {  	s0 =	rddreg [dreg:$0x0];
	s2 =	stileid.u32  }
0x7b: {  	s1 =	rddreg [dreg:$0x1];
	p0 =	sne.s32 s2, $0x0  }
0x7c: {  	s3 =	rddreg [dreg:$0x2];
	[bflag:$0x3] =	sbarrier.arrive $0xFFFF;
	s2 =	simm.s32 @!p0 $0x1C09  }
0x7d: {  	[timem:s3], [sflag:s2] =	dma.local @!p0 [hbm:s0], s1  }
0x7e: {  	s0 =	simm.s32 @!p0 $0x9  }
0x7f: {  	_ =	swait.ge @!p0 [sflag:s0], s1  }
0x80: {  	s1 =	ssub.s32 @!p0 $0x0, s1;
	[sflag:s0] =	ssyncset.done @!p0 $0x0  }
0x81: {  	[sflag:s0] =	ssyncadd.s32 @!p0 s1  }
0x82: {  	[bflag:$0x3] =	sbarrier.arrive $0xFFFF  }
0x83: {  	_ =	shalt  }

// kernel: kernel.29.cloned.1.call-start
scs
__scs_entry_jumppad:
0x0: {  	(pc) =	sbr.rel $0x88, $3  }
0x1: {  	(tag) =	ssettag $0x0;
	lr =	simm.s32 $0x1  }
0x2: {  	[smem:$0x3F9A] =	sst lr;
	_ =	strace $0xD0000000  }
0x3: {  	_ = 	snop  }
0x4: {  	_ = 	snop  }
0x5: {  	_ = 	snop  }
0x6: {  	_ = 	snop  }
0x7: {  	_ = 	snop  }
__scs_overlays_trampoline_lowered:
0x8: {  	[smem:$0x3FA9] =	sst s0  }
0x9: {  	[smem:$0x3FAA] =	sst s1  }
0xa: {  	[smem:$0x3FAB] =	sst s2  }
0xb: {  	[smem:$0x3FAC] =	sst s3  }
0xc: {  	[smem:$0x3FAD] =	sst s4  }
0xd: {  	[smem:$0x3FAE] =	sst s5  }
0xe: {  	[smem:$0x3FAF] =	sst s6  }
0xf: {  	[smem:$0x3FB0] =	sst s7  }
0x10: {  	[smem:$0x3FB1] =	sst s8  }
0x11: {  	[smem:$0x3FB2] =	sst s9;
	s0 =	simm.s32 @!p0 $0x0  }
0x12: {  	s1 =	sld [smem:$0x3F98];
	s0 =	simm.s32 @p0 $0x1  }
0x13: {  	[smem:$0x3FB3] =	sst s0;
	s0 =	simm.s32 @!p1 $0x0  }
0x14: {  	s2 =	sld [smem:$0x3F97];
	s0 =	simm.s32 @p1 $0x1  }
0x15: {  	[smem:$0x3FB4] =	sst s0;
	s0 =	simm.s32 @!p2 $0x0  }
0x16: {  	s3 =	sld [smem:$0x3FDB];
	s0 =	simm.s32 @p2 $0x1  }
0x17: {  	s4 =	simm.s32 $0x1BF5;
	[smem:$0x3FB6] =	sst s0  }
0x18: {  	s0 =	sld [smem:$0x3F99];
	_ =	swait.ge [sflag:s4], $0x0  }
0x19: {  	s7 =	sld [smem:$0x3F9A]  }
0x1a: {  	s8 =	sadd.s32 $0xFFFFE003, lr  }
0x1b: {  	s9 =	sadd.s32 $0xFFFFFEF7, lr;
	s5 =	simm.s32 $0xFFFFFFFF;
	p2 =	slt.u32 s8, $0xFFFFF086  }
0x1c: {  	p1 =	slt.u32 s9, $0xF7A;
	s5 =	simm.s32 @!p2 $0x0  }
0x1d: {  	s5 =	simm.s32 @p1 $0x1;
	p0 =	seq.s32 s7, s2  }
0x1e: {  	s7 =	smul.u32 @!p0 $0xF7A, s2;
	p2 =	seq.s32 @!p0 s5, $0x0  }
0x1f: {  	s9 =	smul.u32 $0xF7A, s1;
	s8 =	simm.s32 @!p0 $0x1BF5;
	p2 =	por !p2, p0  }
0x20: {  	[sflag:s8] =	ssyncset.s32 @!p0 $0xFFFFF086;
	s6 =	sadd.s32 @!p0 s3, s7;
	s7 =	simm.s32 @!p0 $0x108  }
0x21: {  	s3 =	sadd.s32 s3, s9;
	s6 =	sadd.s32 @!p0 $0x88, s6;
	s7 =	simm.s32 @p2 $0x1082  }
0x22: {  	[simem:s7], [sflag:s8] =	dma.local @!p0 [hbm:s6], $0xF7A  }
0x23: {  	s9 =	sor.u32 $0xD0000000, s2;
	s6 =	simm.s32 $0x108;
	_ =	swait.ge @!p0 [sflag:s8], $0x0  }
0x24: {  	s3 =	sadd.s32 $0x88, s3;
	s6 =	simm.s32 @!p1 $0x1082;
	[sflag:s4] =	ssyncset.s32 $0xFFFFF086  }
0x25: {  	[simem:s6], [sflag:s4] =	dma.local [hbm:s3], $0xF7A  }
0x26: {  	[smem:$0x3F9A] =	sst s1;
	(tag) =	ssettag s2;
	_ =	strace s9  }
0x27: {  	s1 =	sld [smem:$0x3FAA]  }
0x28: {  	s2 =	sld [smem:$0x3FAB]  }
0x29: {  	s4 =	sld [smem:$0x3FAD]  }
0x2a: {  	p0 =	seq.s32 s5, $0x0;
	s5 =	sld [smem:$0x3FAE]  }
0x2b: {  	s6 =	sld [smem:$0x3FAF]  }
0x2c: {  	s7 =	sld [smem:$0x3FB0]  }
0x2d: {  	s3 =	simm.s32 $0x108;
	s8 =	sld [smem:$0x3FB1]  }
0x2e: {  	s3 =	simm.s32 @!p0 $0x1082;
	s9 =	sld [smem:$0x3FB2]  }
0x2f: {  	lr =	sadd.s32 s0, s3;
	s0 =	sld [smem:$0x3FA9]  }
0x30: {  	s3 =	sld [smem:$0x3FAC]  }
0x31: {  	[smem:$0x3FB5] =	sst s10  }
0x32: {  	s10 =	sld [smem:$0x3FB3];
	_ =	sdelay $0x3  }
0x33: {  	p0 =	seq.s32 s10, $0x1;
	s10 =	sld [smem:$0x3FB5];
	_ =	sdelay $0x3  }
0x34: {  	[smem:$0x3FB5] =	sst s10  }
0x35: {  	s10 =	sld [smem:$0x3FB4];
	_ =	sdelay $0x3  }
0x36: {  	p1 =	seq.s32 s10, $0x1;
	s10 =	sld [smem:$0x3FB5];
	_ =	sdelay $0x3  }
0x37: {  	[smem:$0x3FB5] =	sst s10  }
0x38: {  	s10 =	sld [smem:$0x3FB6]  }
0x39: {  	_ = 	snop;
	(pc) =	sbr.ind lr, $3  }
0x3a: {  	_ = 	snop  }
0x3b: {  	_ = 	snop  }
0x3c: {  	p2 =	seq.s32 s10, $0x1;
	s10 =	sld [smem:$0x3FB5]  }
0x3d: {  	_ =	shalt  }
0x3e: {  	_ =	shalt  }
0x3f: {  	_ =	shalt  }
0x40: {  	_ =	shalt  }
0x41: {  	_ =	shalt  }
0x42: {  	_ =	shalt  }
0x43: {  	_ =	shalt  }
0x44: {  	_ =	shalt  }
0x45: {  	_ =	shalt  }
0x46: {  	_ =	shalt  }
0x47: {  	_ =	shalt  }
0x48: {  	_ =	shalt  }
0x49: {  	_ =	shalt  }
0x4a: {  	_ =	shalt  }
0x4b: {  	_ =	shalt  }
0x4c: {  	_ =	shalt  }
0x4d: {  	_ =	shalt  }
0x4e: {  	_ =	shalt  }
0x4f: {  	_ =	shalt  }
0x50: {  	_ =	shalt  }
0x51: {  	_ =	shalt  }
0x52: {  	_ =	shalt  }
0x53: {  	_ =	shalt  }
0x54: {  	_ =	shalt  }
0x55: {  	_ =	shalt  }
0x56: {  	_ =	shalt  }
0x57: {  	_ =	shalt  }
0x58: {  	_ =	shalt  }
0x59: {  	_ =	shalt  }
0x5a: {  	_ =	shalt  }
0x5b: {  	_ =	shalt  }
0x5c: {  	_ =	shalt  }
0x5d: {  	_ =	shalt  }
0x5e: {  	_ =	shalt  }
0x5f: {  	_ =	shalt  }
0x60: {  	_ =	shalt  }
0x61: {  	_ =	shalt  }
0x62: {  	_ =	shalt  }
0x63: {  	_ =	shalt  }
0x64: {  	_ =	shalt  }
0x65: {  	_ =	shalt  }
0x66: {  	_ =	shalt  }
0x67: {  	_ =	shalt  }
0x68: {  	_ =	shalt  }
0x69: {  	_ =	shalt  }
0x6a: {  	_ =	shalt  }
0x6b: {  	_ =	shalt  }
0x6c: {  	_ =	shalt  }
0x6d: {  	_ =	shalt  }
0x6e: {  	_ =	shalt  }
0x6f: {  	_ =	shalt  }
0x70: {  	_ =	shalt  }
0x71: {  	_ =	shalt  }
0x72: {  	_ =	shalt  }
0x73: {  	_ =	shalt  }
0x74: {  	_ =	shalt  }
0x75: {  	_ =	shalt  }
0x76: {  	_ =	shalt  }
0x77: {  	_ =	shalt  }
0x78: {  	_ =	shalt  }
0x79: {  	_ =	shalt  }
0x7a: {  	_ =	shalt  }
0x7b: {  	_ =	shalt  }
0x7c: {  	_ =	shalt  }
0x7d: {  	_ =	shalt  }
0x7e: {  	_ =	shalt  }
0x7f: {  	_ =	shalt  }
0x80: {  	_ =	shalt  }
0x81: {  	_ =	shalt  }
0x82: {  	_ =	shalt  }
0x83: {  	_ =	shalt  }
0x84: {  	_ =	shalt  }
0x85: {  	_ =	shalt  }
0x86: {  	_ =	shalt  }
0x87: {  	_ =	shalt  }
.Lfunc_end0:
.L_simem_size_0:
called_computation.5_lowered:
.L_overlay_start_0:
0x88: {  	s2 =	sld [smem:$0x3FD9]  }
0x89: {  	s3 =	sld [smem:$0x3FFE];
	_ =	sdelay $0x1  }
0x8a: {  	s1 =	srdreg.scid  }
0x8b: {  	s0 =	sand.u32 $0x1, s1  }
0x8c: {  	s16 =	sshll.u32 s0, $0xA;
	s2 =	sadd.s32 s3, s2  }
0x8d: {  	s2 =	sadd.s32 s2, s16  }
0x8e: {  	[smem:$0x3FC1] =	sst s2  }
0x8f: {  	_ = 	snop  }
0x90: {  	(tm) =	ssettm $0x1  }
0x91: {  	s17 =	sld [smem:$0x3FFB];
	_ =	sdelay $0x3  }
0x92: {  	_ =	strace s17  }
0x93: {  	s2 =	sld [smem:$0x3FFC];
	_ =	sdelay $0x3  }
0x94: {  	_ =	strace s2  }
0x95: {  	s2 =	sld [smem:$0x3FFD];
	_ =	sdelay $0x3  }
0x96: {  	_ =	strace s2  }
0x97: {  	_ =	strace $0x8FFFFFFF  }
0x98: {  	s18 =	sld [smem:$0x3FDB];
	_ =	sdelay $0x1  }
0x99: {  	s19 =	simm.s32 $_scs_section_size  }
0x9a: {  	s4 =	simm.s32 $_size__tile_overlayer_lowered;
	s5 =	simm.s32 $_tile_overlayer_lowered  }
0x9b: {  	s22 =	simm.s32 $0x1BFF;
	s21 =	sshll.u32 s5, $0x1;
	s2 =	sadd.s32 s19, s18  }
0x9c: {  	s6 =	simm.s32 $0x0;
	s20 =	sshll.u32 s4, $0x1;
	s4 =	sadd.s32 s21, s2  }
0x9d: {  	[timem:s6], [sflag:s22] =	dma.local [hbm:s4], s20  }
0x9e: {  	_ =	swait.ge [sflag:s22], s20  }
0x9f: {  	s3 =	ssub.s32 $0x0, s20;
	[sflag:s22] =	ssyncset.done $0x0  }
0xa0: {  	[sflag:s22] =	ssyncadd.s32 s3;
	_ =	sdelay $0x1  }
0xa1: {  	s23 =	simm.s32 $0x1B8B  }
0xa2: {  	_ =	swait.ge [sflag:s23], $0x1  }
0xa3: {  	[sflag:s23] =	ssyncset.done $0x0  }
0xa4: {  	s25 =	simm.s32 $0x1B8E;
	s24 =	sld [smem:$0x3FFE];
	[sflag:s23] =	ssyncadd.s32 $0xFFFFFFFF  }
0xa5: {  	s26 =	simm.s32 $execute0_lowered;
	[smem:$0x3FD2] =	sst s25  }
0xa6: {  	s4 =	sshll.u32 s26, $0x1;
	_ =	strace $0x80000055;
	[dreg:$0x1] =	wrdreg $0xFFFFFFFF  }
0xa7: {  	s28 =	simm.s32 $_size_execute0_lowered;
	s2 =	sadd.s32 s2, s4;
	[dreg:$0x0] =	wrdreg $0x0  }
0xa8: {  	s4 =	sshll.u32 s28, $0x1;
	[dreg:$0x2] =	wrdreg s2  }
0xa9: {  	[dreg:$0x3] =	wrdreg s4  }
0xaa: {  	[dreg:$0x4] =	wrdreg $0xC0  }
0xab: {  	_ =	task [dreg:s6], $0x5FFFF  }
0xac: {  	[dreg:$0x1] =	wrdreg $0xFFFFFFFF  }
0xad: {  	[dreg:$0x0] =	wrdreg $0x60  }
0xae: {  	[dreg:$0x2] =	wrdreg s24  }
0xaf: {  	[dreg:$0x3] =	wrdreg $0x0  }
0xb0: {  	[dreg:$0x4] =	wrdreg $0x9  }
0xb1: {  	_ =	task.clear_ibuf [dreg:s6], $0x5FFFF;
	_ =	strace $0x90000055  }
0xb2: {  	s29 =	simm.s32 $0x9;
	_ =	strace $0x80000057  }
0xb3: {  	_ =	swait.ge [sflag:s29], $0x1  }
0xb4: {  	[sflag:s29] =	ssyncadd.s32 $0xFFFFFFFF  }
0xb5: {  	_ =	strace $0x90000057  }
0xb6: {  	_ =	sfence  }
0xb7: {  	s30 =	sld [smem:$0x0];
	_ =	sdelay $0x2  }
0xb8: {  	s31 =	sshll.u32 s1, $0xD;
	s1 =	sshrl.u32 s1, $0x2  }
0xb9: {  	s3 =	sand.u32 $0x4000, s31;
	s1 =	sadd.s32 s1, s30  }
0xba: {  	s0 =	sor.u32 s3, s0;
	s1 =	sshll.u32 s1, $0x11  }
0xbb: {  	s0 =	sor.u32 s1, s0  }
0xbc: {  	s0 =	sadd.s32 $0x8F2B, s0  }
0xbd: {  	[sflag:s0] =	ssyncadd.remote.s32 $0x1  }
0xbe: {  	_ =	sfence.sel $0xFFFF  }
0xbf: {  	[dreg:$0x0] =	wrdreg $0xFFFFFFFF;
	(pc) =	sbr.abs _section_cstart, $3  }
0xc0: {  	[dreg:$0x1] =	wrdreg $0xFFFFFFFF  }
0xc1: {  	_ =	task.clear_ibuf [dreg:s6], $0x2FFFF;
	_ =	strace $0x9FFFFFFF  }
0xc2: {  	(tm) =	ssettm $0x7FFFFFFF  }
0xc3: {  	_ =	shalt  }
tec
execute0_lowered:
.L_overlay_start_1:
0x0: {  	(tag) =	ssettag $0x1  }
0x1: {  	s0 =	rddreg [dreg:$0x0];
	s1 =	srdreg.scid  }
0x2: {  	s2 =	rddreg [dreg:$0x1];
	s12 =	stileid.u32;
	s3 =	simm.s32 $0x0  }
0x3: {  	s15 =	simm.s32 $0x9;
	s16 =	simm.s32 $0x14000;
	s17 =	simm.s32 $0x15400  }
0x4: {  	s18 =	simm.s32 $0x15480;
	s19 =	simm.s32 $0x80;
	s20 =	simm.s32 $0x15600  }
0x5: {  	s28 =	simm.s32 $0x2;
	s29 =	simm.s32 $0x6;
	s30 =	simm.s32 $0x15580  }
0x6: {  	s31 =	simm.s32 $0x4;
	s21 =	simm.s32 $0x0;
	s5 =	smul.u32 $0x280, s12  }
0x7: {  	s1 =	sand.u32 $0x1, s1;
	[smem:$0x7FF] =	sst s3;
	s9 =	smul.u32 $0x50000, s12  }
0x8: {  	s6 =	sadd.s32 $0x8600, s0;
	s24 =	sshll.u32 s12, $0x6;
	s4 =	smul.u32 $0x2800, s1  }
0x9: {  	_ =	strace $0x80000056;
	s8 =	ssub.s32 $0x2, s1;
	s10 =	sshll.u32 s1, $0x4  }
0xa: {  	p0 =	seq.s32 s1, $0x1;
	s1 =	simm.s32 $0x62600;
	s11 =	sshrl.u32 s8, $0x1  }
0xb: {  	s10 =	sor.u32 s12, s10;
	s22 =	sshrl.u32 s9, $0x2;
	s9 =	sor.u32 $0x1C09, s24  }
0xc: {  	s1 =	simm.s32 @!p0 $0x5D600;
	s24 =	simm.s32 $0x5;
	s4 =	sadd.s32 s5, s4  }
0xd: {  	s5 =	sadd.s32 $0x67600, s0;
	s11 =	ssub.s32 s8, s11;
	s10 =	smul.u32 $0x280, s10  }
0xe: {  	s14 =	sadd.s32 s22, s2;
	s22 =	simm.s32 $0x19600;
	s7 =	sshll.u32 s4, $0x4  }
0xf: {  	s26 =	smax.u32 s11, $0x1;
	s14 =	sshrl.u32 s14, $0x3;
	s7 =	sadd.s32 s7, s0  }
0x10: {  	s25 =	sadd.s32 s6, s10;
	[dreg:$0x7] =	wrdreg s26;
	s0 =	sadd.s32 s1, s0  }
.Ltmp0:
0x11: {  	s23 =	sadd.s32 $0xD600, s7;
	[dreg:$0x4] =	wrdreg s25;
	(pc) =	sbr.rel .LBB2_1-.Ltmp0, $4  }
0x12: {  	s26 =	simm.s32 $0x3;
	s8 =	sadd.s32 $0x10, s25;
	[dreg:$0x3] =	wrdreg s23  }
0x13: {  	s1 =	simm.s32 $0x8;
	s7 =	sadd.s32 $0xB7600, s7;
	[dreg:$0x5] =	wrdreg s8  }
0x14: {  	s0 =	sadd.s32 s0, s10;
	s25 =	simm.s32 $0x15500;
	[dreg:$0x6] =	wrdreg s7  }
0x15: {  	[dreg:$0x8] =	wrdreg s0;
	s23 =	simm.s32 $0x1;
	s0 =	simm.s32 $0x7  }
.LBB2_4:
0x16: {  	_ =	swait.ge [sflag:s31], $0x4000  }
0x17: {  	[sflag:s31] =	ssyncset.done $0x0  }
0x18: {  	[sflag:s31] =	ssyncadd.s32 $0xFFFFC000  }
0x19: {  	[bflag:$0x0] =	sbarrier.arrive $0xFFFF  }
0x1a: {  	s7 =	rddreg [dreg:$0x6]  }
0x1b: {  	[hbm:s7], [sflag:s9] =	dma.local [spmem:s14], $0x2800  }
0x1c: {  	_ =	swait.ge [sflag:s15], $0x2800  }
0x1d: {  	s21 =	sadd.s32 $0x1, s21;
	s13 =	rddreg [dreg:$0x7]  }
0x1e: {  	p0 =	sne.s32 s21, s13  }
.Ltmp1:
0x1f: {  	_ = 	snop;
	(pc) =	sbr.rel @!p0 .LBB2_5-.Ltmp1, $3  }
0x20: {  	_ =	sdelay $0x1  }
0x21: {  	[sflag:s15] =	ssyncset.done $0x0  }
0x22: {  	[sflag:s15] =	ssyncadd.s32 $0xFFFFD800  }
.LBB2_1:
0x23: {  	s7 =	rddreg [dreg:$0x3]  }
0x24: {  	[spmem:s14], [sflag:s9] =	dma.local [hbm:s7], $0x2800  }
0x25: {  	_ =	swait.ge [sflag:s15], $0x2800  }
0x26: {  	[sflag:s15] =	ssyncset.done $0x0  }
0x27: {  	s10 =	rddreg [dreg:$0x8];
	[sflag:s15] =	ssyncadd.s32 $0xFFFFD800  }
0x28: {  	[tilespmem:s16], [sflag:$0x9] =	stream.linear.gather [hbm4b:s10+s3], $0x1400, $0x38;
	[tilespmem:$0x1D600] =	vst v63  }
0x29: {  	_ =	swait.ge [sflag:s15], $0x1400  }
0x2a: {  	[sflag:s15] =	ssyncset.done $0x0  }
0x2b: {  	[sflag:s15] =	ssyncadd.s32 $0xFFFFEC00  }
0x2c: {  	[bflag:$0x0] =	sbarrier.arrive $0xFFFF  }
0x2d: {  	s11 =	rddreg [dreg:$0x4]  }
0x2e: {  	[tilespmem:s17], [sflag:$0x5] =	stream.linear.gather [hbm4b:s11+s3], $0x80, $0x38;
	[tilespmem:$0x1D600] =	vst v63  }
0x2f: {  	s12 =	rddreg [dreg:$0x5]  }
0x30: {  	[tilespmem:s18], [sflag:$0x6] =	stream.linear.gather [hbm4b:s12+s3], $0x80, $0x38;
	[tilespmem:$0x1D600] =	vst v63  }
0x31: {  	_ = 	snop  }
0x32: {  	[tilespmem:s20], [sflag:$0x1] =	stream.indirect.gather [hbm4b:s5+s19], $0x80, s16, s19, $0xb8;
	[tilespmem:$0x1D600] =	vst v63  }
0x33: {  	s13 =	simm.s32 $0x14080;
	s7 =	simm.s32 $0x50;
	s10 =	simm.s32 $0x14180  }
0x34: {  	[tilespmem:s22], [sflag:$0x2] =	stream.indirect.gather [hbm4b:s5+s19], $0x80, s13, s19, $0xb8;
	[tilespmem:$0x1D600] =	vst v63  }
.LBB2_2:
0x35: {  	_ =	swait.ge [sflag:s23], $0x4000  }
0x36: {  	[sflag:s23] =	ssyncset.done $0x0  }
0x37: {  	[sflag:s23] =	ssyncadd.s32 $0xFFFFC000  }
0x38: {  	s11 =	sadd.s32 s7, s4;
	s8 =	sadd.s32 $0xFFFFFFD0, s7;
	_ =	swait.ge [sflag:s24], $0x80  }
0x39: {  	s12 =	sadd.s32 $0xFFFFFFB0, s11;
	s8 =	sand.u32 $0x60, s8;
	[sflag:s24] =	ssyncset.done $0x0  }
0x3a: {  	s12 =	sand.u32 $0xFFFFF80, s12;
	s8 =	sadd.s32 s6, s8;
	[sflag:s24] =	ssyncadd.s32 $0xFFFFFF80  }
0x3b: {  	[spmem:s2] =	stream.indirect.scatter.add.f32 [tilespmem:s20], [sflag:$0x3], $0x80, s17, s19, $0xb8;
	[tilespmem:$0x1D600] =	vst v63  }
0x3c: {  	s8 =	sadd.s32 s12, s8  }
0x3d: {  	[tilespmem:s25], [sflag:$0x7] =	stream.linear.gather [hbm4b:s8+s3], $0x80, $0x38;
	[tilespmem:$0x1D600] =	vst v63  }
0x3e: {  	_ =	swait.ge [sflag:s26], $0x4000  }
0x3f: {  	[sflag:s26] =	ssyncset.done $0x0  }
0x40: {  	s13 =	sadd.s32 $0xFFFFFF80, s10;
	[sflag:s26] =	ssyncadd.s32 $0xFFFFC000  }
0x41: {  	[tilespmem:s20], [sflag:$0x1] =	stream.indirect.gather [hbm4b:s5+s19], $0x80, s13, s19, $0xb8;
	[tilespmem:$0x1D600] =	vst v63  }
0x42: {  	_ =	swait.ge [sflag:s28], $0x4000  }
0x43: {  	[sflag:s28] =	ssyncset.done $0x0  }
0x44: {  	[sflag:s28] =	ssyncadd.s32 $0xFFFFC000  }
0x45: {  	s13 =	sadd.s32 $0xFFFFFFE0, s7;
	_ =	swait.ge [sflag:s29], $0x80  }
0x46: {  	s8 =	sand.u32 $0x70, s13;
	[sflag:s29] =	ssyncset.done $0x0  }
0x47: {  	s8 =	sadd.s32 s6, s8;
	[sflag:s29] =	ssyncadd.s32 $0xFFFFFF80  }
0x48: {  	[spmem:s2] =	stream.indirect.scatter.add.f32 [tilespmem:s22], [sflag:$0x4], $0x80, s18, s19, $0xb8;
	[tilespmem:$0x1D600] =	vst v63  }
0x49: {  	s8 =	sadd.s32 s12, s8  }
0x4a: {  	[tilespmem:s30], [sflag:$0x8] =	stream.linear.gather [hbm4b:s8+s3], $0x80, $0x38;
	[tilespmem:$0x1D600] =	vst v63  }
0x4b: {  	_ =	swait.ge [sflag:s31], $0x4000  }
0x4c: {  	[sflag:s31] =	ssyncset.done $0x0  }
0x4d: {  	[sflag:s31] =	ssyncadd.s32 $0xFFFFC000  }
0x4e: {  	[tilespmem:s22], [sflag:$0x2] =	stream.indirect.gather [hbm4b:s5+s19], $0x80, s10, s19, $0xb8;
	[tilespmem:$0x1D600] =	vst v63  }
0x4f: {  	_ =	swait.ge [sflag:s23], $0x4000  }
0x50: {  	[sflag:s23] =	ssyncset.done $0x0  }
0x51: {  	[sflag:s23] =	ssyncadd.s32 $0xFFFFC000  }
0x52: {  	_ =	swait.ge [sflag:s0], $0x80  }
0x53: {  	p0 =	seq.s32 s7, $0x290;
	[sflag:s0] =	ssyncset.done $0x0  }
0x54: {  	s8 =	simm.s32 @p0 $0x3;
	[sflag:s0] =	ssyncadd.s32 $0xFFFFFF80  }
0x55: {  	[spmem:s2] =	stream.indirect.scatter.add.f32 [tilespmem:s20], [sflag:$0x3], $0x80, s25, s19, $0xb8;
	[tilespmem:$0x1D600] =	vst v63  }
0x56: {  	s12 =	sadd.s32 @!p0 $0xFFFFFFF0, s7;
	_ =	swait.ge @p0 [sflag:s8], $0x4000  }
0x57: {  	s13 =	sadd.s32 @!p0 s4, s12;
	s12 =	sand.u32 @!p0 $0x40, s12;
	[sflag:s8] =	ssyncset.done @p0 $0x0  }
0x58: {  	s12 =	sadd.s32 @!p0 s6, s12;
	[sflag:s8] =	ssyncadd.s32 @p0 $0xFFFFC000;
	s8 =	sand.u32 @!p0 $0xFFFFF80, s13  }
0x59: {  	s13 =	simm.s32 @!p0 $0x15400;
	s8 =	sadd.s32 @!p0 s8, s12;
	s12 =	simm.s32 @!p0 $0x0  }
0x5a: {  	[tilespmem:s13], [sflag:$0x5] =	stream.linear.gather @!p0 [hbm4b:s8+s12], $0x80, $0x38;
	[tilespmem:$0x1D600] =	vst v63  }
0x5b: {  	s8 =	simm.s32 @!p0 $0x3  }
0x5c: {  	_ =	swait.ge @!p0 [sflag:s8], $0x4000  }
0x5d: {  	s12 =	simm.s32 @!p0 $0x80;
	[sflag:s8] =	ssyncset.done @!p0 $0x0  }
0x5e: {  	s13 =	simm.s32 @!p0 $0x15600;
	[sflag:s8] =	ssyncadd.s32 @!p0 $0xFFFFC000;
	s8 =	sadd.s32 @!p0 $0x80, s10  }
0x5f: {  	[tilespmem:s13], [sflag:$0x1] =	stream.indirect.gather @!p0 [hbm4b:s5+s12], $0x80, s8, s12, $0xb8;
	[tilespmem:$0x1D600] =	vst v63  }
0x60: {  	_ =	swait.ge [sflag:s28], $0x4000  }
0x61: {  	[sflag:s28] =	ssyncset.done $0x0  }
.Ltmp2:
0x62: {  	[sflag:s28] =	ssyncadd.s32 $0xFFFFC000;
	(pc) =	sbr.rel @p0 .LBB2_4-.Ltmp2, $4  }
0x63: {  	_ =	swait.ge [sflag:s1], $0x80  }
0x64: {  	[sflag:s1] =	ssyncset.done $0x0  }
0x65: {  	[sflag:s1] =	ssyncadd.s32 $0xFFFFFF80  }
0x66: {  	[spmem:s2] =	stream.indirect.scatter.add.f32 [tilespmem:s22], [sflag:$0x4], $0x80, s30, s19, $0xb8;
	[tilespmem:$0x1D600] =	vst v63  }
0x67: {  	s8 =	sand.u32 $0x50, s7  }
0x68: {  	s11 =	sand.u32 $0xFFFFF80, s11;
	s8 =	sadd.s32 s6, s8  }
0x69: {  	s8 =	sadd.s32 s11, s8  }
0x6a: {  	[tilespmem:s18], [sflag:$0x6] =	stream.linear.gather [hbm4b:s8+s3], $0x80, $0x38;
	[tilespmem:$0x1D600] =	vst v63  }
.Ltmp3:
0x6b: {  	_ = 	snop;
	(pc) =	sbr.rel .LBB2_2-.Ltmp3, $4  }
0x6c: {  	_ =	swait.ge [sflag:s31], $0x4000  }
0x6d: {  	s13 =	sadd.s32 $0x100, s10;
	[sflag:s31] =	ssyncset.done $0x0  }
0x6e: {  	s7 =	sadd.s32 $0x40, s7;
	s10 =	sadd.s32 $0x200, s10;
	[sflag:s31] =	ssyncadd.s32 $0xFFFFC000  }
0x6f: {  	[tilespmem:s22], [sflag:$0x2] =	stream.indirect.gather [hbm4b:s5+s19], $0x80, s13, s19, $0xb8;
	[tilespmem:$0x1D600] =	vst v63  }
.LBB2_5:
0x70: {  	_ =	sfence.sel $0x180000  }
0x71: {  	[bflag:$0x0] =	sbarrier.arrive $0xFFFF  }
0x72: {  	_ =	strace $0x90000056  }
0x73: {  	s0 =	stileid.u32;
	[bflag:$0x2] =	sbarrier.arrive $0xFFFF  }
0x74: {  	p0 =	sne.s32 s0, $0x0;
	s0 =	rddreg [dreg:$0x2]  }
0x75: {  	s0 =	sadd.s32 @!p0 $0x100000, s0  }
0x76: {  	[sflag:s0] =	ssyncadd.tile.s32 @!p0 $0x1;
	_ =	shalt  }
.Lfunc_end2:
_tile_overlayer_lowered:
.L_overlay_start_2:
0x77: {  	(tag) =	ssettag $0x2  }
0x78: {  	s0 =	rddreg [dreg:$0x0];
	s2 =	stileid.u32  }
0x79: {  	s1 =	rddreg [dreg:$0x1];
	p0 =	sne.s32 s2, $0x0  }
0x7a: {  	s3 =	rddreg [dreg:$0x2];
	[bflag:$0x3] =	sbarrier.arrive $0xFFFF;
	s2 =	simm.s32 @!p0 $0x1C09  }
0x7b: {  	[timem:s3], [sflag:s2] =	dma.local @!p0 [hbm:s0], s1  }
0x7c: {  	s0 =	simm.s32 @!p0 $0x9  }
0x7d: {  	_ =	swait.ge @!p0 [sflag:s0], s1  }
0x7e: {  	s1 =	ssub.s32 @!p0 $0x0, s1;
	[sflag:s0] =	ssyncset.done @!p0 $0x0  }
0x7f: {  	[sflag:s0] =	ssyncadd.s32 @!p0 s1  }
0x80: {  	[bflag:$0x3] =	sbarrier.arrive $0xFFFF  }
0x81: {  	_ =	shalt  }

</sc_bundles>
